<compile_context>
chip_gen: v7x
topology: tpu7x:2x2x1
jax: 0.10.2.dev20260603
libtpu: 0.0.44.dev20260713+nightly
codegen_flags: <defaults>
</compile_context>

<pallas_src>
import jax
import jax.numpy as jnp
from jax import lax
from jax.experimental import pallas as pl
from jax.experimental.pallas import tpu as pltpu
from jax.experimental.pallas import tpu_sc as plsc

B = 16384
MAXLEN = 200
ATT_LEN = 20
D = 32
N_INT = 1000

NC = 2
NS = 16
L = 16
NW = NC * NS
ROWS_W = B // NW
SUB = 64
NSUB = ROWS_W // SUB
GR = 8
SEQP = SUB + L - GR


def _body(iseq_hbm, mseq_hbm, uid_hbm, tip_hbm, tin_hbm, itp_hbm, itn_hbm,
          user_hbm, item_hbm, from_hbm, to_hbm, tw_hbm,
          out_hbm,
          from_v, to_v, tw_v, iseq_v, mseq_v, tip_v, tin_v,
          uid_v, itp_v, itn_v, idxu_v, idxp_v, idxn_v,
          ustage, pstage, nstage, pooled_v, out_v, sem):
  cid = lax.axis_index("c")
  sid = lax.axis_index("s")
  wid = sid * NC + cid

  pltpu.sync_copy(from_hbm, from_v)
  pltpu.sync_copy(to_hbm, to_v)
  pltpu.sync_copy(tw_hbm, tw_v)

  viota = lax.iota(jnp.int32, L)
  zf = jnp.zeros((L,), jnp.float32)

  def do_sub(h, carry):
    base = wid * ROWS_W + h * SUB

    pltpu.sync_copy(iseq_hbm.at[:, pl.ds(base, SUB)], iseq_v.at[:, 0:SUB])
    pltpu.sync_copy(mseq_hbm.at[:, pl.ds(base, SUB)], mseq_v.at[:, 0:SUB])
    pltpu.sync_copy(tip_hbm.at[pl.ds(base, SUB)], tip_v)
    pltpu.sync_copy(tin_hbm.at[pl.ds(base, SUB)], tin_v)
    pltpu.sync_copy(uid_hbm.at[pl.ds(base, SUB)], uid_v)
    pltpu.sync_copy(itp_hbm.at[pl.ds(base, SUB)], itp_v)
    pltpu.sync_copy(itn_hbm.at[pl.ds(base, SUB)], itn_v)

    for j in range(SUB // L):
      sl = pl.ds(j * L, L)
      idxu_v[sl] = lax.shift_right_logical(uid_v[sl], 2)
      idxp_v[sl] = lax.shift_right_logical(itp_v[sl], 2)
      idxn_v[sl] = lax.shift_right_logical(itn_v[sl], 2)

    cps = [
        pltpu.async_copy(user_hbm.at[idxu_v], ustage, sem),
        pltpu.async_copy(item_hbm.at[idxp_v], pstage, sem),
        pltpu.async_copy(item_hbm.at[idxn_v], nstage, sem),
    ]

    def pool_group(g, pcarry):
      accs = [zf] * (2 * GR)
      for c in range(ATT_LEN):
        iidxv = iseq_v[c, pl.ds(g * GR, L)]
        mvalv = mseq_v[c, pl.ds(g * GR, L)]
        wmv = jnp.where(mvalv != 0, tw_v[c, :], zf)
        for l in range(GR):
          s = iidxv[l]
          f0 = from_v[s, pl.ds(0, L)]
          f1 = from_v[s, pl.ds(L, L)]
          wmb = jnp.broadcast_to(wmv[l], (L,))
          accs[2 * l] = accs[2 * l] + wmb * f0
          accs[2 * l + 1] = accs[2 * l + 1] + wmb * f1
      for l in range(GR):
        r = g * GR + l
        pooled_v[r, pl.ds(0, L)] = accs[2 * l]
        pooled_v[r, pl.ds(L, L)] = accs[2 * l + 1]
      return pcarry

    lax.fori_loop(0, SUB // GR, pool_group, 0)

    for cp in cps:
      cp.wait()

    def dot_group(g, dcarry):
      rows = viota + g * L
      sl = pl.ds(g * L, L)
      tipx = tip_v[sl]
      tinx = tin_v[sl]
      o32u = lax.shift_left(jnp.bitwise_and(uid_v[sl], 3), 5)
      o32p = lax.shift_left(jnp.bitwise_and(itp_v[sl], 3), 5)
      o32n = lax.shift_left(jnp.bitwise_and(itn_v[sl], 3), 5)
      sp = zf
      sn = zf
      lp = zf
      ln = zf
      for k in range(D):
        dvec = jnp.bitwise_and(viota + k, D - 1)
        pv = plsc.load_gather(pooled_v, [rows, dvec])
        sp = sp + pv * plsc.load_gather(to_v, [tipx, dvec])
        sn = sn + pv * plsc.load_gather(to_v, [tinx, dvec])
        u = plsc.load_gather(ustage, [rows, o32u + dvec])
        lp = lp + u * plsc.load_gather(pstage, [rows, o32p + dvec])
        ln = ln + u * plsc.load_gather(nstage, [rows, o32n + dvec])
      o0 = 0.5 * lp + 0.5 * sp
      o1 = 0.5 * ln + 0.5 * sn
      plsc.store_scatter(out_v, [rows, jnp.zeros((L,), jnp.int32)], o0)
      plsc.store_scatter(out_v, [rows, jnp.ones((L,), jnp.int32)], o1)
      return dcarry

    lax.fori_loop(0, SUB // L, dot_group, 0)

    pltpu.sync_copy(out_v, out_hbm.at[pl.ds(base, SUB), :])
    return carry

  lax.fori_loop(0, NSUB, do_sub, 0)


BLKR = 896
BPK = BLKR // 4


def _tr_body_factory(R):
  rtile = (R // 128) * 128
  NB = -(-rtile // BLKR)
  slast = rtile - BLKR
  KMAX = -(-NB // 32)
  if KMAX % 2:
    KMAX += 1
  NPAIR = KMAX // 2

  def body(src_hbm, out_hbm, in_a, in_b, out_a, out_b,
           sem_ia, sem_ib, sem_oa, sem_ob):
    cid = lax.axis_index("c")
    sid = lax.axis_index("s")
    wid = sid * NC + cid
    viota = lax.iota(jnp.int32, L)
    dcols = [jnp.bitwise_and(viota + 16 * v, D - 1) for v in range(8)]
    ocols = [lax.shift_right_logical(viota + 16 * v, 5) for v in range(8)]

    def start_of(j):
      blk = jnp.minimum(wid + 32 * j, NB - 1)
      return pl.multiple_of(jnp.minimum(blk * BLKR, slast), 128)

    def issue_in(j, buf, sem):
      r0 = start_of(j)
      for t in range(D // 8):
        pltpu.async_copy(src_hbm.at[pl.ds(8 * t, 8), pl.ds(r0, BLKR)],
                         buf.at[pl.ds(8 * t, 8), 0:BLKR], sem)

    def wait_in(buf, sem):
      for t in range(D // 8):
        pltpu.make_async_copy(src_hbm.at[pl.ds(0, 8), pl.ds(0, BLKR)],
                              buf.at[pl.ds(8 * t, 8), 0:BLKR], sem).wait()

    def compute(j, buf, obuf):
      for half in range(2):
        dvec = viota + 16 * half
        for k in range(L):
          rot = jnp.bitwise_and(viota + k, L - 1)
          prk = lax.shift_right_logical(rot, 2)
          colk = lax.shift_left(jnp.bitwise_and(rot, 3), 5) + dvec

          @plsc.parallel_loop(0, BLKR // L, unroll=4)
          def rq(q):
            ridx = rot + q * L
            pvec = prk + q * 4
            val = plsc.load_gather(buf, [dvec, ridx])
            plsc.store_scatter(obuf, [pvec, colk], val)

    def issue_out(j, obuf, sem):
      p0 = pl.multiple_of(lax.shift_right_logical(start_of(j), 2), 32)
      pltpu.async_copy(obuf, out_hbm.at[pl.ds(p0, BPK), :], sem)

    def wait_out(obuf, sem):
      pltpu.make_async_copy(obuf, out_hbm.at[pl.ds(0, BPK), :], sem).wait()

    issue_in(0, in_a, sem_ia)
    issue_in(1, in_b, sem_ib)

    def pair(k, carry):
      ja = 2 * k
      jb = 2 * k + 1
      wait_in(in_a, sem_ia)

      @pl.when(k > 0)
      def _():
        wait_out(out_a, sem_oa)

      compute(ja, in_a, out_a)
      issue_out(ja, out_a, sem_oa)
      issue_in(jnp.minimum(ja + 2, KMAX - 1), in_a, sem_ia)

      wait_in(in_b, sem_ib)

      @pl.when(k > 0)
      def _():
        wait_out(out_b, sem_ob)

      compute(jb, in_b, out_b)
      issue_out(jb, out_b, sem_ob)
      issue_in(jnp.minimum(jb + 2, KMAX - 1), in_b, sem_ib)
      return carry

    lax.fori_loop(0, NPAIR, pair, 0)
    wait_in(in_a, sem_ia)
    wait_in(in_b, sem_ib)
    wait_out(out_a, sem_oa)
    wait_out(out_b, sem_ob)

  return body


def _transpose_table(srcT, out_packs):
  R = srcT.shape[1]
  mesh = plsc.VectorSubcoreMesh(core_axis_name="c", subcore_axis_name="s")
  f = pl.kernel(
      _tr_body_factory(R),
      out_type=jax.ShapeDtypeStruct((out_packs, 128), jnp.float32),
      mesh=mesh,
      scratch_types=[
          pltpu.VMEM((D, BLKR + 1), jnp.float32),
          pltpu.VMEM((D, BLKR + 1), jnp.float32),
          pltpu.VMEM((BPK, 128), jnp.float32),
          pltpu.VMEM((BPK, 128), jnp.float32),
          pltpu.SemaphoreType.DMA,
          pltpu.SemaphoreType.DMA,
          pltpu.SemaphoreType.DMA,
          pltpu.SemaphoreType.DMA,
      ],
      compiler_params=pltpu.CompilerParams(
          needs_layout_passes=False, use_tc_tiling_on_sc=True),
  )
  return f(srcT)


@jax.jit
def _run(iseq_t, mseq_t, uid, tip, tin, itp, itn,
         user128, item128, from_t, to_t, tw_prep):
  mesh = plsc.VectorSubcoreMesh(core_axis_name="c", subcore_axis_name="s")
  f = pl.kernel(
      _body,
      out_type=jax.ShapeDtypeStruct((B, 2), jnp.float32),
      mesh=mesh,
      scratch_types=[
          pltpu.VMEM((N_INT, D), jnp.float32),
          pltpu.VMEM((N_INT, D), jnp.float32),
          pltpu.VMEM((ATT_LEN, L), jnp.float32),
          pltpu.VMEM((ATT_LEN, SEQP), jnp.int32),
          pltpu.VMEM((ATT_LEN, SEQP), jnp.int32),
          pltpu.VMEM((SUB,), jnp.int32),
          pltpu.VMEM((SUB,), jnp.int32),
          pltpu.VMEM((SUB,), jnp.int32),
          pltpu.VMEM((SUB,), jnp.int32),
          pltpu.VMEM((SUB,), jnp.int32),
          pltpu.VMEM((SUB,), jnp.int32),
          pltpu.VMEM((SUB,), jnp.int32),
          pltpu.VMEM((SUB,), jnp.int32),
          pltpu.VMEM((SUB, 128), jnp.float32),
          pltpu.VMEM((SUB, 128), jnp.float32),
          pltpu.VMEM((SUB, 128), jnp.float32),
          pltpu.VMEM((SUB, D), jnp.float32),
          pltpu.VMEM((SUB, 2), jnp.float32),
          pltpu.SemaphoreType.DMA,
      ],
      compiler_params=pltpu.CompilerParams(
          needs_layout_passes=False, use_tc_tiling_on_sc=False),
  )
  return f(iseq_t, mseq_t, uid, tip, tin, itp, itn,
           user128, item128, from_t, to_t, tw_prep)


def kernel(user_id, item_seq, target_item_pos, target_item_neg,
           intention_seq, target_intention_pos, target_intention_neg,
           user_table, item_table, from_intention_table,
           to_intention_table, timestep_w):
  iseq_t = intention_seq[:, MAXLEN - ATT_LEN:].T
  mseq_t = item_seq[:, MAXLEN - ATT_LEN:].T
  uid = user_id[:, 0]
  tip = target_intention_pos[:, 0]
  tin = target_intention_neg[:, 0]
  itp = target_item_pos[:, 0]
  itn = target_item_neg[:, 0]
  nu = user_table.shape[0]
  ni = item_table.shape[0]
  ut = (nu // 128) * 128
  it = (ni // 128) * 128
  user128 = _transpose_table(user_table.T, nu // 4)
  item128 = _transpose_table(item_table.T, ni // 4)
  user128 = lax.dynamic_update_slice(
      user128, user_table[ut:, :].reshape(-1, 128), (ut // 4, 0))
  item128 = lax.dynamic_update_slice(
      item128, item_table[it:, :].reshape(-1, 128), (it // 4, 0))
  tw_prep = jnp.broadcast_to(timestep_w[::-1][:, None], (ATT_LEN, L))
  return _run(iseq_t, mseq_t, uid, tip, tin, itp, itn,
              user128, item128, from_intention_table,
              to_intention_table, tw_prep)

# --- scband reference (transcript-rebuilt; emitter-appended) ---
"""Pipeline reference for scband-imrec-78383153152473 (READ-ONLY COPY).

The authoritative reference and input builder live on the scoring server;
editing this copy changes nothing except your own understanding.
"""

import jax, jax.numpy as jnp
import numpy as np

B = 16384
MAXLEN = 200
ATT_LEN = 20
D = 32
N_USERS = 100000
N_ITEMS = 1000000
N_INT = 1000
ALPHA = 0.5


def setup_inputs(seed: int = 0) -> dict:
    key = jax.random.key(seed)
    ks = jax.random.split(key, 12)
    user_id = jax.random.randint(ks[0], (B, 1), 0, N_USERS)
    item_seq = jax.random.randint(ks[1], (B, MAXLEN), 0, N_ITEMS)
    target_item_pos = jax.random.randint(ks[2], (B, 1), 0, N_ITEMS)
    target_item_neg = jax.random.randint(ks[3], (B, 1), 0, N_ITEMS)
    intention_seq = jax.random.randint(ks[4], (B, MAXLEN), 0, N_INT)
    target_intention_pos = jax.random.randint(ks[5], (B, 1), 0, N_INT)
    target_intention_neg = jax.random.randint(ks[6], (B, 1), 0, N_INT)
    user_table = jax.random.normal(ks[7], (N_USERS, D), dtype=jnp.float32) * 0.05
    item_table = jax.random.normal(ks[8], (N_ITEMS, D), dtype=jnp.float32) * 0.05
    from_intention_table = jax.random.normal(ks[9], (N_INT, D), dtype=jnp.float32) * 0.05
    to_intention_table = jax.random.normal(ks[10], (N_INT, D), dtype=jnp.float32) * 0.05
    timestep_w = 1.0 + jax.random.normal(ks[11], (ATT_LEN,), dtype=jnp.float32) * 0.05
    return {
        "user_id": user_id,
        "item_seq": item_seq,
        "target_item_pos": target_item_pos,
        "target_item_neg": target_item_neg,
        "intention_seq": intention_seq,
        "target_intention_pos": target_intention_pos,
        "target_intention_neg": target_intention_neg,
        "user_table": user_table,
        "item_table": item_table,
        "from_intention_table": from_intention_table,
        "to_intention_table": to_intention_table,
        "timestep_w": timestep_w,
    }


def reference(user_id, item_seq, target_item_pos, target_item_neg,
              intention_seq, target_intention_pos, target_intention_neg,
              user_table, item_table, from_intention_table,
              to_intention_table, timestep_w):
    # user embedding: squeeze last dim, lookup, re-expand at axis=1 -> [B,1,D]
    user_embed = jnp.take(user_table, user_id[:, 0], axis=0)[:, None, :]

    # mask from item_seq padding (time_threshold == 0 branch)
    mask = jnp.where(item_seq == 0, 0, 1)
    mask = mask[:, -ATT_LEN:][:, ::-1]
    mask = mask.astype(jnp.float32)[:, :, None]  # [B, ATT_LEN, 1]

    seq_len = intention_seq.shape[1]

    def cal_intention_score(target_intention_inputs):
        to_emb = jnp.take(to_intention_table, target_intention_inputs, axis=0)  # [B,1,D]
        from_list = []
        for i in range(ATT_LEN):
            idx = intention_seq[:, seq_len - i - 1:seq_len - i]  # [B,1]
            from_list.append(jnp.take(from_intention_table, idx, axis=0))  # [B,1,D]
        from_int = jnp.stack(from_list, axis=1)  # [B, ATT_LEN, 1, D]
        # TimestepWeight: per-timestep learned scale + mask
        from_int = from_int * timestep_w[None, :, None, None] * mask[:, :, :, None]
        from_int = jnp.sum(from_int, axis=1)  # [B,1,D]
        short_term = jnp.sum(from_int * to_emb, axis=-1, keepdims=True)  # [B,1,1]
        return short_term

    pos_intention_score = cal_intention_score(target_intention_pos)
    neg_intention_score = cal_intention_score(target_intention_neg)

    def cal_score(target_item_inputs, short_term):
        item_emb = jnp.take(item_table, target_item_inputs, axis=0)  # [B,1,D]
        long_term = jnp.sum(user_embed * item_emb, axis=-1, keepdims=True)  # [B,1,1]
        return ALPHA * long_term + (1.0 - ALPHA) * short_term

    pos_score = cal_score(target_item_pos, pos_intention_score)
    neg_score = cal_score(target_item_neg, neg_intention_score)

    outputs = jnp.concatenate(
        [jnp.squeeze(pos_score, axis=-1), jnp.squeeze(neg_score, axis=-1)], axis=-1)
    return outputs  # [B, 2]

if __name__ == "__main__":
    import jax
    _d = setup_inputs()
    print(jax.jit(kernel)(*tuple(_d.values())))

</pallas_src>

<mosaic_0001>
#map = affine_map<(d0, d1) -> (0, 0)>
#map1 = affine_map<(d0, d1) -> (0)>
module attributes {stable_mosaic.version = 14 : i64} {
  func.func @_body(%arg0: i32, %arg1: i32, %arg2: memref<20x16384xi32, #tpu.memory_space<hbm>>, %arg3: memref<20x16384xi32, #tpu.memory_space<hbm>>, %arg4: memref<16384xi32, #tpu.memory_space<hbm>>, %arg5: memref<16384xi32, #tpu.memory_space<hbm>>, %arg6: memref<16384xi32, #tpu.memory_space<hbm>>, %arg7: memref<16384xi32, #tpu.memory_space<hbm>>, %arg8: memref<16384xi32, #tpu.memory_space<hbm>>, %arg9: memref<25000x128xf32, #tpu.memory_space<hbm>>, %arg10: memref<250000x128xf32, #tpu.memory_space<hbm>>, %arg11: memref<1000x32xf32, #tpu.memory_space<hbm>>, %arg12: memref<1000x32xf32, #tpu.memory_space<hbm>>, %arg13: memref<20x16xf32, #tpu.memory_space<hbm>>, %arg14: memref<16384x2xf32, #tpu.memory_space<hbm>>, %arg15: memref<1000x32xf32, #tpu.memory_space<vmem>>, %arg16: memref<1000x32xf32, #tpu.memory_space<vmem>>, %arg17: memref<20x16xf32, #tpu.memory_space<vmem>>, %arg18: memref<20x72xi32, #tpu.memory_space<vmem>>, %arg19: memref<20x72xi32, #tpu.memory_space<vmem>>, %arg20: memref<64xi32, #tpu.memory_space<vmem>>, %arg21: memref<64xi32, #tpu.memory_space<vmem>>, %arg22: memref<64xi32, #tpu.memory_space<vmem>>, %arg23: memref<64xi32, #tpu.memory_space<vmem>>, %arg24: memref<64xi32, #tpu.memory_space<vmem>>, %arg25: memref<64xi32, #tpu.memory_space<vmem>>, %arg26: memref<64xi32, #tpu.memory_space<vmem>>, %arg27: memref<64xi32, #tpu.memory_space<vmem>>, %arg28: memref<64x128xf32, #tpu.memory_space<vmem>>, %arg29: memref<64x128xf32, #tpu.memory_space<vmem>>, %arg30: memref<64x128xf32, #tpu.memory_space<vmem>>, %arg31: memref<64x32xf32, #tpu.memory_space<vmem>>, %arg32: memref<64x2xf32, #tpu.memory_space<vmem>>, %arg33: memref<!tpu.dma_semaphore, #tpu.memory_space<semaphore_mem>>) attributes {dimension_semantics = [#tpu.dimension_semantics<core_parallel>, #tpu.dimension_semantics<subcore_parallel>], iteration_bounds = array<i64: 2, 16>, scalar_prefetch = 0 : i64, scratch_operands = 19 : i64, tpu.core_type = #tpu.core_type<sc_vector_subcore>, window_params = [{transform_indices = #map}, {transform_indices = #map}, {transform_indices = #map1}, {transform_indices = #map1}, {transform_indices = #map1}, {transform_indices = #map1}, {transform_indices = #map1}, {transform_indices = #map}, {transform_indices = #map}, {transform_indices = #map}, {transform_indices = #map}, {transform_indices = #map}, {transform_indices = #map}]} {
    %mul3A = arith.constant 2 : i32
    %mul3A_0 = arith.muli %arg1, %mul3A : i32
    %add3A = arith.addi %mul3A_0, %arg0 : i32
    "tpu.region"() ({
      %run_scoped3A = tpu.sem_alloc : memref<!tpu.dma_semaphore, #tpu.memory_space<semaphore_mem>>
      tpu.enqueue_dma source(%arg11 : memref<1000x32xf32, #tpu.memory_space<hbm>>) target(%arg15 : memref<1000x32xf32, #tpu.memory_space<vmem>>) target_semaphore(%run_scoped3A : memref<!tpu.dma_semaphore, #tpu.memory_space<semaphore_mem>>)
      tpu.wait_dma2 semaphore(%run_scoped3A : memref<!tpu.dma_semaphore, #tpu.memory_space<semaphore_mem>>) src(%arg11 : memref<1000x32xf32, #tpu.memory_space<hbm>>) dst(%arg15 : memref<1000x32xf32, #tpu.memory_space<vmem>>)
      tpu.yield
    }) : () -> ()
    "tpu.region"() ({
      %run_scoped3A = tpu.sem_alloc : memref<!tpu.dma_semaphore, #tpu.memory_space<semaphore_mem>>
      tpu.enqueue_dma source(%arg12 : memref<1000x32xf32, #tpu.memory_space<hbm>>) target(%arg16 : memref<1000x32xf32, #tpu.memory_space<vmem>>) target_semaphore(%run_scoped3A : memref<!tpu.dma_semaphore, #tpu.memory_space<semaphore_mem>>)
      tpu.wait_dma2 semaphore(%run_scoped3A : memref<!tpu.dma_semaphore, #tpu.memory_space<semaphore_mem>>) src(%arg12 : memref<1000x32xf32, #tpu.memory_space<hbm>>) dst(%arg16 : memref<1000x32xf32, #tpu.memory_space<vmem>>)
      tpu.yield
    }) : () -> ()
    "tpu.region"() ({
      %run_scoped3A = tpu.sem_alloc : memref<!tpu.dma_semaphore, #tpu.memory_space<semaphore_mem>>
      tpu.enqueue_dma source(%arg13 : memref<20x16xf32, #tpu.memory_space<hbm>>) target(%arg17 : memref<20x16xf32, #tpu.memory_space<vmem>>) target_semaphore(%run_scoped3A : memref<!tpu.dma_semaphore, #tpu.memory_space<semaphore_mem>>)
      tpu.wait_dma2 semaphore(%run_scoped3A : memref<!tpu.dma_semaphore, #tpu.memory_space<semaphore_mem>>) src(%arg13 : memref<20x16xf32, #tpu.memory_space<hbm>>) dst(%arg17 : memref<20x16xf32, #tpu.memory_space<vmem>>)
      tpu.yield
    }) : () -> ()
    %iota3A = tpu.iota {dimensions = array<i32: 0>} : vector<16xi32>
    %broadcast_in_dim3A = arith.constant 0.000000e+00 : f32
    %broadcast_in_dim3A_1 = vector.broadcast %broadcast_in_dim3A : f32 to vector<16xf32>
    %scan3A = arith.constant 0 : i32
    %scan3A_2 = arith.constant 0 : i32
    %scan3A_3 = arith.constant 8 : i32
    %scan3A_4 = arith.addi %scan3A_2, %scan3A_3 : i32
    %scan3A_5 = arith.constant 1 : i32
    scf.for %scan3A_7 = %scan3A_2 to %scan3A_4 step %scan3A_5  : i32 {
      %mul3A_8 = arith.constant 512 : i32
      %mul3A_9 = arith.muli %add3A, %mul3A_8 : i32
      %mul3A_10 = arith.constant 64 : i32
      %mul3A_11 = arith.muli %scan3A_7, %mul3A_10 : i32
      %add3A_12 = arith.addi %mul3A_9, %mul3A_11 : i32
      "tpu.region"() ({
        %run_scoped3A = tpu.sem_alloc : memref<!tpu.dma_semaphore, #tpu.memory_space<semaphore_mem>>
        %dma_start3A_122 = arith.constant 0 : i32
        %dma_start3A_123 = arith.constant 0 : i32
        %dma_start3A_124 = tpu.memref_slice %arg18[%dma_start3A_122, %dma_start3A_123] : memref<20x72xi32, #tpu.memory_space<vmem>> -> memref<20x64xi32, #tpu.memory_space<vmem>>
        %dma_start3A_125 = arith.constant 0 : i32
        %dma_start3A_126 = tpu.memref_slice %arg2[%dma_start3A_125, %add3A_12] : memref<20x16384xi32, #tpu.memory_space<hbm>> -> memref<20x64xi32, #tpu.memory_space<hbm>>
        %dma_start3A_127 = arith.constant 0 : i32
        %dma_start3A_128 = arith.constant 0 : i32
        %dma_start3A_129 = tpu.memref_slice %arg18[%dma_start3A_127, %dma_start3A_128] : memref<20x72xi32, #tpu.memory_space<vmem>> -> memref<20x64xi32, #tpu.memory_space<vmem>>
        %dma_start3A_130 = arith.constant 0 : i32
        %dma_start3A_131 = tpu.memref_slice %arg2[%dma_start3A_130, %add3A_12] : memref<20x16384xi32, #tpu.memory_space<hbm>> -> memref<20x64xi32, #tpu.memory_space<hbm>>
        tpu.enqueue_dma source(%dma_start3A_131 : memref<20x64xi32, #tpu.memory_space<hbm>>) target(%dma_start3A_129 : memref<20x64xi32, #tpu.memory_space<vmem>>) target_semaphore(%run_scoped3A : memref<!tpu.dma_semaphore, #tpu.memory_space<semaphore_mem>>)
        %dma_wait3A_132 = arith.constant 0 : i32
        %dma_wait3A_133 = arith.constant 0 : i32
        %dma_wait3A_134 = tpu.memref_slice %arg18[%dma_wait3A_132, %dma_wait3A_133] : memref<20x72xi32, #tpu.memory_space<vmem>> -> memref<20x64xi32, #tpu.memory_space<vmem>>
        %dma_wait3A_135 = arith.constant 0 : i32
        %dma_wait3A_136 = tpu.memref_slice %arg2[%dma_wait3A_135, %add3A_12] : memref<20x16384xi32, #tpu.memory_space<hbm>> -> memref<20x64xi32, #tpu.memory_space<hbm>>
        %dma_wait3A_137 = arith.constant 0 : i32
        %dma_wait3A_138 = arith.constant 0 : i32
        %dma_wait3A_139 = tpu.memref_slice %arg18[%dma_wait3A_137, %dma_wait3A_138] : memref<20x72xi32, #tpu.memory_space<vmem>> -> memref<20x64xi32, #tpu.memory_space<vmem>>
        %dma_wait3A_140 = arith.constant 0 : i32
        %dma_wait3A_141 = tpu.memref_slice %arg2[%dma_wait3A_140, %add3A_12] : memref<20x16384xi32, #tpu.memory_space<hbm>> -> memref<20x64xi32, #tpu.memory_space<hbm>>
        tpu.wait_dma2 semaphore(%run_scoped3A : memref<!tpu.dma_semaphore, #tpu.memory_space<semaphore_mem>>) src(%dma_wait3A_141 : memref<20x64xi32, #tpu.memory_space<hbm>>) dst(%dma_wait3A_139 : memref<20x64xi32, #tpu.memory_space<vmem>>)
        tpu.yield
      }) : () -> ()
      "tpu.region"() ({
        %run_scoped3A = tpu.sem_alloc : memref<!tpu.dma_semaphore, #tpu.memory_space<semaphore_mem>>
        %dma_start3A_122 = arith.constant 0 : i32
        %dma_start3A_123 = arith.constant 0 : i32
        %dma_start3A_124 = tpu.memref_slice %arg19[%dma_start3A_122, %dma_start3A_123] : memref<20x72xi32, #tpu.memory_space<vmem>> -> memref<20x64xi32, #tpu.memory_space<vmem>>
        %dma_start3A_125 = arith.constant 0 : i32
        %dma_start3A_126 = tpu.memref_slice %arg3[%dma_start3A_125, %add3A_12] : memref<20x16384xi32, #tpu.memory_space<hbm>> -> memref<20x64xi32, #tpu.memory_space<hbm>>
        %dma_start3A_127 = arith.constant 0 : i32
        %dma_start3A_128 = arith.constant 0 : i32
        %dma_start3A_129 = tpu.memref_slice %arg19[%dma_start3A_127, %dma_start3A_128] : memref<20x72xi32, #tpu.memory_space<vmem>> -> memref<20x64xi32, #tpu.memory_space<vmem>>
        %dma_start3A_130 = arith.constant 0 : i32
        %dma_start3A_131 = tpu.memref_slice %arg3[%dma_start3A_130, %add3A_12] : memref<20x16384xi32, #tpu.memory_space<hbm>> -> memref<20x64xi32, #tpu.memory_space<hbm>>
        tpu.enqueue_dma source(%dma_start3A_131 : memref<20x64xi32, #tpu.memory_space<hbm>>) target(%dma_start3A_129 : memref<20x64xi32, #tpu.memory_space<vmem>>) target_semaphore(%run_scoped3A : memref<!tpu.dma_semaphore, #tpu.memory_space<semaphore_mem>>)
        %dma_wait3A_132 = arith.constant 0 : i32
        %dma_wait3A_133 = arith.constant 0 : i32
        %dma_wait3A_134 = tpu.memref_slice %arg19[%dma_wait3A_132, %dma_wait3A_133] : memref<20x72xi32, #tpu.memory_space<vmem>> -> memref<20x64xi32, #tpu.memory_space<vmem>>
        %dma_wait3A_135 = arith.constant 0 : i32
        %dma_wait3A_136 = tpu.memref_slice %arg3[%dma_wait3A_135, %add3A_12] : memref<20x16384xi32, #tpu.memory_space<hbm>> -> memref<20x64xi32, #tpu.memory_space<hbm>>
        %dma_wait3A_137 = arith.constant 0 : i32
        %dma_wait3A_138 = arith.constant 0 : i32
        %dma_wait3A_139 = tpu.memref_slice %arg19[%dma_wait3A_137, %dma_wait3A_138] : memref<20x72xi32, #tpu.memory_space<vmem>> -> memref<20x64xi32, #tpu.memory_space<vmem>>
        %dma_wait3A_140 = arith.constant 0 : i32
        %dma_wait3A_141 = tpu.memref_slice %arg3[%dma_wait3A_140, %add3A_12] : memref<20x16384xi32, #tpu.memory_space<hbm>> -> memref<20x64xi32, #tpu.memory_space<hbm>>
        tpu.wait_dma2 semaphore(%run_scoped3A : memref<!tpu.dma_semaphore, #tpu.memory_space<semaphore_mem>>) src(%dma_wait3A_141 : memref<20x64xi32, #tpu.memory_space<hbm>>) dst(%dma_wait3A_139 : memref<20x64xi32, #tpu.memory_space<vmem>>)
        tpu.yield
      }) : () -> ()
      "tpu.region"() ({
        %run_scoped3A = tpu.sem_alloc : memref<!tpu.dma_semaphore, #tpu.memory_space<semaphore_mem>>
        %dma_start3A_122 = tpu.memref_slice %arg5[%add3A_12] : memref<16384xi32, #tpu.memory_space<hbm>> -> memref<64xi32, #tpu.memory_space<hbm>>
        %dma_start3A_123 = tpu.memref_slice %arg5[%add3A_12] : memref<16384xi32, #tpu.memory_space<hbm>> -> memref<64xi32, #tpu.memory_space<hbm>>
        tpu.enqueue_dma source(%dma_start3A_123 : memref<64xi32, #tpu.memory_space<hbm>>) target(%arg20 : memref<64xi32, #tpu.memory_space<vmem>>) target_semaphore(%run_scoped3A : memref<!tpu.dma_semaphore, #tpu.memory_space<semaphore_mem>>)
        %dma_wait3A_124 = tpu.memref_slice %arg5[%add3A_12] : memref<16384xi32, #tpu.memory_space<hbm>> -> memref<64xi32, #tpu.memory_space<hbm>>
        %dma_wait3A_125 = tpu.memref_slice %arg5[%add3A_12] : memref<16384xi32, #tpu.memory_space<hbm>> -> memref<64xi32, #tpu.memory_space<hbm>>
        tpu.wait_dma2 semaphore(%run_scoped3A : memref<!tpu.dma_semaphore, #tpu.memory_space<semaphore_mem>>) src(%dma_wait3A_125 : memref<64xi32, #tpu.memory_space<hbm>>) dst(%arg20 : memref<64xi32, #tpu.memory_space<vmem>>)
        tpu.yield
      }) : () -> ()
      "tpu.region"() ({
        %run_scoped3A = tpu.sem_alloc : memref<!tpu.dma_semaphore, #tpu.memory_space<semaphore_mem>>
        %dma_start3A_122 = tpu.memref_slice %arg6[%add3A_12] : memref<16384xi32, #tpu.memory_space<hbm>> -> memref<64xi32, #tpu.memory_space<hbm>>
        %dma_start3A_123 = tpu.memref_slice %arg6[%add3A_12] : memref<16384xi32, #tpu.memory_space<hbm>> -> memref<64xi32, #tpu.memory_space<hbm>>
        tpu.enqueue_dma source(%dma_start3A_123 : memref<64xi32, #tpu.memory_space<hbm>>) target(%arg21 : memref<64xi32, #tpu.memory_space<vmem>>) target_semaphore(%run_scoped3A : memref<!tpu.dma_semaphore, #tpu.memory_space<semaphore_mem>>)
        %dma_wait3A_124 = tpu.memref_slice %arg6[%add3A_12] : memref<16384xi32, #tpu.memory_space<hbm>> -> memref<64xi32, #tpu.memory_space<hbm>>
        %dma_wait3A_125 = tpu.memref_slice %arg6[%add3A_12] : memref<16384xi32, #tpu.memory_space<hbm>> -> memref<64xi32, #tpu.memory_space<hbm>>
        tpu.wait_dma2 semaphore(%run_scoped3A : memref<!tpu.dma_semaphore, #tpu.memory_space<semaphore_mem>>) src(%dma_wait3A_125 : memref<64xi32, #tpu.memory_space<hbm>>) dst(%arg21 : memref<64xi32, #tpu.memory_space<vmem>>)
        tpu.yield
      }) : () -> ()
      "tpu.region"() ({
        %run_scoped3A = tpu.sem_alloc : memref<!tpu.dma_semaphore, #tpu.memory_space<semaphore_mem>>
        %dma_start3A_122 = tpu.memref_slice %arg4[%add3A_12] : memref<16384xi32, #tpu.memory_space<hbm>> -> memref<64xi32, #tpu.memory_space<hbm>>
        %dma_start3A_123 = tpu.memref_slice %arg4[%add3A_12] : memref<16384xi32, #tpu.memory_space<hbm>> -> memref<64xi32, #tpu.memory_space<hbm>>
        tpu.enqueue_dma source(%dma_start3A_123 : memref<64xi32, #tpu.memory_space<hbm>>) target(%arg22 : memref<64xi32, #tpu.memory_space<vmem>>) target_semaphore(%run_scoped3A : memref<!tpu.dma_semaphore, #tpu.memory_space<semaphore_mem>>)
        %dma_wait3A_124 = tpu.memref_slice %arg4[%add3A_12] : memref<16384xi32, #tpu.memory_space<hbm>> -> memref<64xi32, #tpu.memory_space<hbm>>
        %dma_wait3A_125 = tpu.memref_slice %arg4[%add3A_12] : memref<16384xi32, #tpu.memory_space<hbm>> -> memref<64xi32, #tpu.memory_space<hbm>>
        tpu.wait_dma2 semaphore(%run_scoped3A : memref<!tpu.dma_semaphore, #tpu.memory_space<semaphore_mem>>) src(%dma_wait3A_125 : memref<64xi32, #tpu.memory_space<hbm>>) dst(%arg22 : memref<64xi32, #tpu.memory_space<vmem>>)
        tpu.yield
      }) : () -> ()
      "tpu.region"() ({
        %run_scoped3A = tpu.sem_alloc : memref<!tpu.dma_semaphore, #tpu.memory_space<semaphore_mem>>
        %dma_start3A_122 = tpu.memref_slice %arg7[%add3A_12] : memref<16384xi32, #tpu.memory_space<hbm>> -> memref<64xi32, #tpu.memory_space<hbm>>
        %dma_start3A_123 = tpu.memref_slice %arg7[%add3A_12] : memref<16384xi32, #tpu.memory_space<hbm>> -> memref<64xi32, #tpu.memory_space<hbm>>
        tpu.enqueue_dma source(%dma_start3A_123 : memref<64xi32, #tpu.memory_space<hbm>>) target(%arg23 : memref<64xi32, #tpu.memory_space<vmem>>) target_semaphore(%run_scoped3A : memref<!tpu.dma_semaphore, #tpu.memory_space<semaphore_mem>>)
        %dma_wait3A_124 = tpu.memref_slice %arg7[%add3A_12] : memref<16384xi32, #tpu.memory_space<hbm>> -> memref<64xi32, #tpu.memory_space<hbm>>
        %dma_wait3A_125 = tpu.memref_slice %arg7[%add3A_12] : memref<16384xi32, #tpu.memory_space<hbm>> -> memref<64xi32, #tpu.memory_space<hbm>>
        tpu.wait_dma2 semaphore(%run_scoped3A : memref<!tpu.dma_semaphore, #tpu.memory_space<semaphore_mem>>) src(%dma_wait3A_125 : memref<64xi32, #tpu.memory_space<hbm>>) dst(%arg23 : memref<64xi32, #tpu.memory_space<vmem>>)
        tpu.yield
      }) : () -> ()
      "tpu.region"() ({
        %run_scoped3A = tpu.sem_alloc : memref<!tpu.dma_semaphore, #tpu.memory_space<semaphore_mem>>
        %dma_start3A_122 = tpu.memref_slice %arg8[%add3A_12] : memref<16384xi32, #tpu.memory_space<hbm>> -> memref<64xi32, #tpu.memory_space<hbm>>
        %dma_start3A_123 = tpu.memref_slice %arg8[%add3A_12] : memref<16384xi32, #tpu.memory_space<hbm>> -> memref<64xi32, #tpu.memory_space<hbm>>
        tpu.enqueue_dma source(%dma_start3A_123 : memref<64xi32, #tpu.memory_space<hbm>>) target(%arg24 : memref<64xi32, #tpu.memory_space<vmem>>) target_semaphore(%run_scoped3A : memref<!tpu.dma_semaphore, #tpu.memory_space<semaphore_mem>>)
        %dma_wait3A_124 = tpu.memref_slice %arg8[%add3A_12] : memref<16384xi32, #tpu.memory_space<hbm>> -> memref<64xi32, #tpu.memory_space<hbm>>
        %dma_wait3A_125 = tpu.memref_slice %arg8[%add3A_12] : memref<16384xi32, #tpu.memory_space<hbm>> -> memref<64xi32, #tpu.memory_space<hbm>>
        tpu.wait_dma2 semaphore(%run_scoped3A : memref<!tpu.dma_semaphore, #tpu.memory_space<semaphore_mem>>) src(%dma_wait3A_125 : memref<64xi32, #tpu.memory_space<hbm>>) dst(%arg24 : memref<64xi32, #tpu.memory_space<vmem>>)
        tpu.yield
      }) : () -> ()
      %get3A = arith.constant 0 : index
      %get3A_13 = tpu.vector_load %arg22[%get3A] {strides = array<i32>} : memref<64xi32, #tpu.memory_space<vmem>>, vector<16xi32>,
      %shift_right_logical3A = arith.constant 2 : i32
      %shift_right_logical3A_14 = vector.broadcast %shift_right_logical3A : i32 to vector<16xi32>
      %shift_right_logical3A_15 = arith.shrui %get3A_13, %shift_right_logical3A_14 : vector<16xi32>
      %swap3A = arith.constant 0 : index
      %swap3A_16 = tpu.vector_load %arg25[%swap3A] {strides = array<i32>} : memref<64xi32, #tpu.memory_space<vmem>>, vector<16xi32>,
      tpu.vector_store %arg25[%swap3A], %shift_right_logical3A_15 {strides = array<i32>} : memref<64xi32, #tpu.memory_space<vmem>>, vector<16xi32>,
      %get3A_17 = arith.constant 0 : index
      %get3A_18 = tpu.vector_load %arg23[%get3A_17] {strides = array<i32>} : memref<64xi32, #tpu.memory_space<vmem>>, vector<16xi32>,
      %shift_right_logical3A_19 = arith.constant 2 : i32
      %shift_right_logical3A_20 = vector.broadcast %shift_right_logical3A_19 : i32 to vector<16xi32>
      %shift_right_logical3A_21 = arith.shrui %get3A_18, %shift_right_logical3A_20 : vector<16xi32>
      %swap3A_22 = arith.constant 0 : index
      %swap3A_23 = tpu.vector_load %arg26[%swap3A_22] {strides = array<i32>} : memref<64xi32, #tpu.memory_space<vmem>>, vector<16xi32>,
      tpu.vector_store %arg26[%swap3A_22], %shift_right_logical3A_21 {strides = array<i32>} : memref<64xi32, #tpu.memory_space<vmem>>, vector<16xi32>,
      %get3A_24 = arith.constant 0 : index
      %get3A_25 = tpu.vector_load %arg24[%get3A_24] {strides = array<i32>} : memref<64xi32, #tpu.memory_space<vmem>>, vector<16xi32>,
      %shift_right_logical3A_26 = arith.constant 2 : i32
      %shift_right_logical3A_27 = vector.broadcast %shift_right_logical3A_26 : i32 to vector<16xi32>
      %shift_right_logical3A_28 = arith.shrui %get3A_25, %shift_right_logical3A_27 : vector<16xi32>
      %swap3A_29 = arith.constant 0 : index
      %swap3A_30 = tpu.vector_load %arg27[%swap3A_29] {strides = array<i32>} : memref<64xi32, #tpu.memory_space<vmem>>, vector<16xi32>,
      tpu.vector_store %arg27[%swap3A_29], %shift_right_logical3A_28 {strides = array<i32>} : memref<64xi32, #tpu.memory_space<vmem>>, vector<16xi32>,
      %get3A_31 = arith.constant 16 : index
      %get3A_32 = tpu.vector_load %arg22[%get3A_31] {strides = array<i32>} : memref<64xi32, #tpu.memory_space<vmem>>, vector<16xi32>,
      %shift_right_logical3A_33 = arith.constant 2 : i32
      %shift_right_logical3A_34 = vector.broadcast %shift_right_logical3A_33 : i32 to vector<16xi32>
      %shift_right_logical3A_35 = arith.shrui %get3A_32, %shift_right_logical3A_34 : vector<16xi32>
      %swap3A_36 = arith.constant 16 : index
      %swap3A_37 = tpu.vector_load %arg25[%swap3A_36] {strides = array<i32>} : memref<64xi32, #tpu.memory_space<vmem>>, vector<16xi32>,
      tpu.vector_store %arg25[%swap3A_36], %shift_right_logical3A_35 {strides = array<i32>} : memref<64xi32, #tpu.memory_space<vmem>>, vector<16xi32>,
      %get3A_38 = arith.constant 16 : index
      %get3A_39 = tpu.vector_load %arg23[%get3A_38] {strides = array<i32>} : memref<64xi32, #tpu.memory_space<vmem>>, vector<16xi32>,
      %shift_right_logical3A_40 = arith.constant 2 : i32
      %shift_right_logical3A_41 = vector.broadcast %shift_right_logical3A_40 : i32 to vector<16xi32>
      %shift_right_logical3A_42 = arith.shrui %get3A_39, %shift_right_logical3A_41 : vector<16xi32>
      %swap3A_43 = arith.constant 16 : index
      %swap3A_44 = tpu.vector_load %arg26[%swap3A_43] {strides = array<i32>} : memref<64xi32, #tpu.memory_space<vmem>>, vector<16xi32>,
      tpu.vector_store %arg26[%swap3A_43], %shift_right_logical3A_42 {strides = array<i32>} : memref<64xi32, #tpu.memory_space<vmem>>, vector<16xi32>,
      %get3A_45 = arith.constant 16 : index
      %get3A_46 = tpu.vector_load %arg24[%get3A_45] {strides = array<i32>} : memref<64xi32, #tpu.memory_space<vmem>>, vector<16xi32>,
      %shift_right_logical3A_47 = arith.constant 2 : i32
      %shift_right_logical3A_48 = vector.broadcast %shift_right_logical3A_47 : i32 to vector<16xi32>
      %shift_right_logical3A_49 = arith.shrui %get3A_46, %shift_right_logical3A_48 : vector<16xi32>
      %swap3A_50 = arith.constant 16 : index
      %swap3A_51 = tpu.vector_load %arg27[%swap3A_50] {strides = array<i32>} : memref<64xi32, #tpu.memory_space<vmem>>, vector<16xi32>,
      tpu.vector_store %arg27[%swap3A_50], %shift_right_logical3A_49 {strides = array<i32>} : memref<64xi32, #tpu.memory_space<vmem>>, vector<16xi32>,
      %get3A_52 = arith.constant 32 : index
      %get3A_53 = tpu.vector_load %arg22[%get3A_52] {strides = array<i32>} : memref<64xi32, #tpu.memory_space<vmem>>, vector<16xi32>,
      %shift_right_logical3A_54 = arith.constant 2 : i32
      %shift_right_logical3A_55 = vector.broadcast %shift_right_logical3A_54 : i32 to vector<16xi32>
      %shift_right_logical3A_56 = arith.shrui %get3A_53, %shift_right_logical3A_55 : vector<16xi32>
      %swap3A_57 = arith.constant 32 : index
      %swap3A_58 = tpu.vector_load %arg25[%swap3A_57] {strides = array<i32>} : memref<64xi32, #tpu.memory_space<vmem>>, vector<16xi32>,
      tpu.vector_store %arg25[%swap3A_57], %shift_right_logical3A_56 {strides = array<i32>} : memref<64xi32, #tpu.memory_space<vmem>>, vector<16xi32>,
      %get3A_59 = arith.constant 32 : index
      %get3A_60 = tpu.vector_load %arg23[%get3A_59] {strides = array<i32>} : memref<64xi32, #tpu.memory_space<vmem>>, vector<16xi32>,
      %shift_right_logical3A_61 = arith.constant 2 : i32
      %shift_right_logical3A_62 = vector.broadcast %shift_right_logical3A_61 : i32 to vector<16xi32>
      %shift_right_logical3A_63 = arith.shrui %get3A_60, %shift_right_logical3A_62 : vector<16xi32>
      %swap3A_64 = arith.constant 32 : index
      %swap3A_65 = tpu.vector_load %arg26[%swap3A_64] {strides = array<i32>} : memref<64xi32, #tpu.memory_space<vmem>>, vector<16xi32>,
      tpu.vector_store %arg26[%swap3A_64], %shift_right_logical3A_63 {strides = array<i32>} : memref<64xi32, #tpu.memory_space<vmem>>, vector<16xi32>,
      %get3A_66 = arith.constant 32 : index
      %get3A_67 = tpu.vector_load %arg24[%get3A_66] {strides = array<i32>} : memref<64xi32, #tpu.memory_space<vmem>>, vector<16xi32>,
      %shift_right_logical3A_68 = arith.constant 2 : i32
      %shift_right_logical3A_69 = vector.broadcast %shift_right_logical3A_68 : i32 to vector<16xi32>
      %shift_right_logical3A_70 = arith.shrui %get3A_67, %shift_right_logical3A_69 : vector<16xi32>
      %swap3A_71 = arith.constant 32 : index
      %swap3A_72 = tpu.vector_load %arg27[%swap3A_71] {strides = array<i32>} : memref<64xi32, #tpu.memory_space<vmem>>, vector<16xi32>,
      tpu.vector_store %arg27[%swap3A_71], %shift_right_logical3A_70 {strides = array<i32>} : memref<64xi32, #tpu.memory_space<vmem>>, vector<16xi32>,
      %get3A_73 = arith.constant 48 : index
      %get3A_74 = tpu.vector_load %arg22[%get3A_73] {strides = array<i32>} : memref<64xi32, #tpu.memory_space<vmem>>, vector<16xi32>,
      %shift_right_logical3A_75 = arith.constant 2 : i32
      %shift_right_logical3A_76 = vector.broadcast %shift_right_logical3A_75 : i32 to vector<16xi32>
      %shift_right_logical3A_77 = arith.shrui %get3A_74, %shift_right_logical3A_76 : vector<16xi32>
      %swap3A_78 = arith.constant 48 : index
      %swap3A_79 = tpu.vector_load %arg25[%swap3A_78] {strides = array<i32>} : memref<64xi32, #tpu.memory_space<vmem>>, vector<16xi32>,
      tpu.vector_store %arg25[%swap3A_78], %shift_right_logical3A_77 {strides = array<i32>} : memref<64xi32, #tpu.memory_space<vmem>>, vector<16xi32>,
      %get3A_80 = arith.constant 48 : index
      %get3A_81 = tpu.vector_load %arg23[%get3A_80] {strides = array<i32>} : memref<64xi32, #tpu.memory_space<vmem>>, vector<16xi32>,
      %shift_right_logical3A_82 = arith.constant 2 : i32
      %shift_right_logical3A_83 = vector.broadcast %shift_right_logical3A_82 : i32 to vector<16xi32>
      %shift_right_logical3A_84 = arith.shrui %get3A_81, %shift_right_logical3A_83 : vector<16xi32>
      %swap3A_85 = arith.constant 48 : index
      %swap3A_86 = tpu.vector_load %arg26[%swap3A_85] {strides = array<i32>} : memref<64xi32, #tpu.memory_space<vmem>>, vector<16xi32>,
      tpu.vector_store %arg26[%swap3A_85], %shift_right_logical3A_84 {strides = array<i32>} : memref<64xi32, #tpu.memory_space<vmem>>, vector<16xi32>,
      %get3A_87 = arith.constant 48 : index
      %get3A_88 = tpu.vector_load %arg24[%get3A_87] {strides = array<i32>} : memref<64xi32, #tpu.memory_space<vmem>>, vector<16xi32>,
      %shift_right_logical3A_89 = arith.constant 2 : i32
      %shift_right_logical3A_90 = vector.broadcast %shift_right_logical3A_89 : i32 to vector<16xi32>
      %shift_right_logical3A_91 = arith.shrui %get3A_88, %shift_right_logical3A_90 : vector<16xi32>
      %swap3A_92 = arith.constant 48 : index
      %swap3A_93 = tpu.vector_load %arg27[%swap3A_92] {strides = array<i32>} : memref<64xi32, #tpu.memory_space<vmem>>, vector<16xi32>,
      tpu.vector_store %arg27[%swap3A_92], %shift_right_logical3A_91 {strides = array<i32>} : memref<64xi32, #tpu.memory_space<vmem>>, vector<16xi32>,
      %dma_start3A = arith.constant 0 : i32
      %dma_start3A_94 = arith.constant 0 : i32
      %dma_start3A_95 = tpu.memref_slice %arg9[%dma_start3A, %dma_start3A_94] : memref<25000x128xf32, #tpu.memory_space<hbm>> -> memref<25000x128xf32, #tpu.memory_space<hbm>>
      tpu.enqueue_indirect_dma source(%dma_start3A_95 : memref<25000x128xf32, #tpu.memory_space<hbm>>) target(%arg28 : memref<64x128xf32, #tpu.memory_space<vmem>>) offsets(%arg25 : memref<64xi32, #tpu.memory_space<vmem>>) semaphore(%arg33 : memref<!tpu.dma_semaphore, #tpu.memory_space<semaphore_mem>>)
      %dma_start3A_96 = arith.constant 0 : i32
      %dma_start3A_97 = arith.constant 0 : i32
      %dma_start3A_98 = tpu.memref_slice %arg10[%dma_start3A_96, %dma_start3A_97] : memref<250000x128xf32, #tpu.memory_space<hbm>> -> memref<250000x128xf32, #tpu.memory_space<hbm>>
      tpu.enqueue_indirect_dma source(%dma_start3A_98 : memref<250000x128xf32, #tpu.memory_space<hbm>>) target(%arg29 : memref<64x128xf32, #tpu.memory_space<vmem>>) offsets(%arg26 : memref<64xi32, #tpu.memory_space<vmem>>) semaphore(%arg33 : memref<!tpu.dma_semaphore, #tpu.memory_space<semaphore_mem>>)
      %dma_start3A_99 = arith.constant 0 : i32
      %dma_start3A_100 = arith.constant 0 : i32
      %dma_start3A_101 = tpu.memref_slice %arg10[%dma_start3A_99, %dma_start3A_100] : memref<250000x128xf32, #tpu.memory_space<hbm>> -> memref<250000x128xf32, #tpu.memory_space<hbm>>
      tpu.enqueue_indirect_dma source(%dma_start3A_101 : memref<250000x128xf32, #tpu.memory_space<hbm>>) target(%arg30 : memref<64x128xf32, #tpu.memory_space<vmem>>) offsets(%arg27 : memref<64xi32, #tpu.memory_space<vmem>>) semaphore(%arg33 : memref<!tpu.dma_semaphore, #tpu.memory_space<semaphore_mem>>)
      %scan3A_102 = arith.constant 0 : i32
      %scan3A_103 = arith.constant 0 : i32
      %scan3A_104 = arith.constant 8 : i32
      %scan3A_105 = arith.addi %scan3A_103, %scan3A_104 : i32
      %scan3A_106 = arith.constant 1 : i32
      scf.for %scan3A_122 = %scan3A_103 to %scan3A_105 step %scan3A_106  : i32 {
        %mul3A_123 = arith.constant 8 : i32
        %mul3A_124 = arith.muli %scan3A_122, %mul3A_123 : i32
        %get3A_125 = arith.constant 0 : i32
        %get3A_126 = arith.index_cast %get3A_125 : i32 to index
        %get3A_127 = arith.index_cast %mul3A_124 : i32 to index
        %get3A_128 = tpu.vector_load %arg18[%get3A_126, %get3A_127] {strides = array<i32>} : memref<20x72xi32, #tpu.memory_space<vmem>>, vector<16xi32>,
        %mul3A_129 = arith.constant 8 : i32
        %mul3A_130 = arith.muli %scan3A_122, %mul3A_129 : i32
        %get3A_131 = arith.constant 0 : i32
        %get3A_132 = arith.index_cast %get3A_131 : i32 to index
        %get3A_133 = arith.index_cast %mul3A_130 : i32 to index
        %get3A_134 = tpu.vector_load %arg19[%get3A_132, %get3A_133] {strides = array<i32>} : memref<20x72xi32, #tpu.memory_space<vmem>>, vector<16xi32>,
        %ne3A = arith.constant 0 : i32
        %ne3A_135 = vector.broadcast %ne3A : i32 to vector<16xi32>
        %ne3A_136 = arith.cmpi ne, %get3A_134, %ne3A_135 : vector<16xi32>
        %get3A_137 = arith.constant 0 : i32
        %get3A_138 = arith.index_cast %get3A_137 : i32 to index
        %get3A_139 = arith.constant 0 : index
        %get3A_140 = tpu.vector_load %arg17[%get3A_138, %get3A_139] {strides = array<i32>} : memref<20x16xf32, #tpu.memory_space<vmem>>, vector<16xf32>,
        %select_n3A = arith.select %ne3A_136, %get3A_140, %broadcast_in_dim3A_1 : vector<16xi1>, vector<16xf32>
        %slice3A = vector.extract_strided_slice %get3A_128 {offsets = [0], sizes = [1], strides = [1]} : vector<16xi32> to vector<1xi32>
        %squeeze3A = vector.extract %slice3A[0] : i32 from vector<1xi32>
        %get3A_141 = arith.index_cast %squeeze3A : i32 to index
        %get3A_142 = arith.constant 0 : index
        %get3A_143 = tpu.vector_load %arg15[%get3A_141, %get3A_142] {strides = array<i32>} : memref<1000x32xf32, #tpu.memory_space<vmem>>, vector<16xf32>,
        %get3A_144 = arith.index_cast %squeeze3A : i32 to index
        %get3A_145 = arith.constant 16 : index
        %get3A_146 = tpu.vector_load %arg15[%get3A_144, %get3A_145] {strides = array<i32>} : memref<1000x32xf32, #tpu.memory_space<vmem>>, vector<16xf32>,
        %slice3A_147 = vector.extract_strided_slice %select_n3A {offsets = [0], sizes = [1], strides = [1]} : vector<16xf32> to vector<1xf32>
        %squeeze3A_148 = vector.extract %slice3A_147[0] : f32 from vector<1xf32>
        %broadcast_in_dim3A_149 = vector.broadcast %squeeze3A_148 : f32 to vector<16xf32>
        %mul3A_150 = arith.mulf %broadcast_in_dim3A_149, %get3A_143 : vector<16xf32>
        %add3A_151 = arith.addf %broadcast_in_dim3A_1, %mul3A_150 : vector<16xf32>
        %mul3A_152 = arith.mulf %broadcast_in_dim3A_149, %get3A_146 : vector<16xf32>
        %add3A_153 = arith.addf %broadcast_in_dim3A_1, %mul3A_152 : vector<16xf32>
        %slice3A_154 = vector.extract_strided_slice %get3A_128 {offsets = [1], sizes = [1], strides = [1]} : vector<16xi32> to vector<1xi32>
        %squeeze3A_155 = vector.extract %slice3A_154[0] : i32 from vector<1xi32>
        %get3A_156 = arith.index_cast %squeeze3A_155 : i32 to index
        %get3A_157 = arith.constant 0 : index
        %get3A_158 = tpu.vector_load %arg15[%get3A_156, %get3A_157] {strides = array<i32>} : memref<1000x32xf32, #tpu.memory_space<vmem>>, vector<16xf32>,
        %get3A_159 = arith.index_cast %squeeze3A_155 : i32 to index
        %get3A_160 = arith.constant 16 : index
        %get3A_161 = tpu.vector_load %arg15[%get3A_159, %get3A_160] {strides = array<i32>} : memref<1000x32xf32, #tpu.memory_space<vmem>>, vector<16xf32>,
        %slice3A_162 = vector.extract_strided_slice %select_n3A {offsets = [1], sizes = [1], strides = [1]} : vector<16xf32> to vector<1xf32>
        %squeeze3A_163 = vector.extract %slice3A_162[0] : f32 from vector<1xf32>
        %broadcast_in_dim3A_164 = vector.broadcast %squeeze3A_163 : f32 to vector<16xf32>
        %mul3A_165 = arith.mulf %broadcast_in_dim3A_164, %get3A_158 : vector<16xf32>
        %add3A_166 = arith.addf %broadcast_in_dim3A_1, %mul3A_165 : vector<16xf32>
        %mul3A_167 = arith.mulf %broadcast_in_dim3A_164, %get3A_161 : vector<16xf32>
        %add3A_168 = arith.addf %broadcast_in_dim3A_1, %mul3A_167 : vector<16xf32>
        %slice3A_169 = vector.extract_strided_slice %get3A_128 {offsets = [2], sizes = [1], strides = [1]} : vector<16xi32> to vector<1xi32>
        %squeeze3A_170 = vector.extract %slice3A_169[0] : i32 from vector<1xi32>
        %get3A_171 = arith.index_cast %squeeze3A_170 : i32 to index
        %get3A_172 = arith.constant 0 : index
        %get3A_173 = tpu.vector_load %arg15[%get3A_171, %get3A_172] {strides = array<i32>} : memref<1000x32xf32, #tpu.memory_space<vmem>>, vector<16xf32>,
        %get3A_174 = arith.index_cast %squeeze3A_170 : i32 to index
        %get3A_175 = arith.constant 16 : index
        %get3A_176 = tpu.vector_load %arg15[%get3A_174, %get3A_175] {strides = array<i32>} : memref<1000x32xf32, #tpu.memory_space<vmem>>, vector<16xf32>,
        %slice3A_177 = vector.extract_strided_slice %select_n3A {offsets = [2], sizes = [1], strides = [1]} : vector<16xf32> to vector<1xf32>
        %squeeze3A_178 = vector.extract %slice3A_177[0] : f32 from vector<1xf32>
        %broadcast_in_dim3A_179 = vector.broadcast %squeeze3A_178 : f32 to vector<16xf32>
        %mul3A_180 = arith.mulf %broadcast_in_dim3A_179, %get3A_173 : vector<16xf32>
        %add3A_181 = arith.addf %broadcast_in_dim3A_1, %mul3A_180 : vector<16xf32>
        %mul3A_182 = arith.mulf %broadcast_in_dim3A_179, %get3A_176 : vector<16xf32>
        %add3A_183 = arith.addf %broadcast_in_dim3A_1, %mul3A_182 : vector<16xf32>
        %slice3A_184 = vector.extract_strided_slice %get3A_128 {offsets = [3], sizes = [1], strides = [1]} : vector<16xi32> to vector<1xi32>
        %squeeze3A_185 = vector.extract %slice3A_184[0] : i32 from vector<1xi32>
        %get3A_186 = arith.index_cast %squeeze3A_185 : i32 to index
        %get3A_187 = arith.constant 0 : index
        %get3A_188 = tpu.vector_load %arg15[%get3A_186, %get3A_187] {strides = array<i32>} : memref<1000x32xf32, #tpu.memory_space<vmem>>, vector<16xf32>,
        %get3A_189 = arith.index_cast %squeeze3A_185 : i32 to index
        %get3A_190 = arith.constant 16 : index
        %get3A_191 = tpu.vector_load %arg15[%get3A_189, %get3A_190] {strides = array<i32>} : memref<1000x32xf32, #tpu.memory_space<vmem>>, vector<16xf32>,
        %slice3A_192 = vector.extract_strided_slice %select_n3A {offsets = [3], sizes = [1], strides = [1]} : vector<16xf32> to vector<1xf32>
        %squeeze3A_193 = vector.extract %slice3A_192[0] : f32 from vector<1xf32>
        %broadcast_in_dim3A_194 = vector.broadcast %squeeze3A_193 : f32 to vector<16xf32>
        %mul3A_195 = arith.mulf %broadcast_in_dim3A_194, %get3A_188 : vector<16xf32>
        %add3A_196 = arith.addf %broadcast_in_dim3A_1, %mul3A_195 : vector<16xf32>
        %mul3A_197 = arith.mulf %broadcast_in_dim3A_194, %get3A_191 : vector<16xf32>
        %add3A_198 = arith.addf %broadcast_in_dim3A_1, %mul3A_197 : vector<16xf32>
        %slice3A_199 = vector.extract_strided_slice %get3A_128 {offsets = [4], sizes = [1], strides = [1]} : vector<16xi32> to vector<1xi32>
        %squeeze3A_200 = vector.extract %slice3A_199[0] : i32 from vector<1xi32>
        %get3A_201 = arith.index_cast %squeeze3A_200 : i32 to index
        %get3A_202 = arith.constant 0 : index
        %get3A_203 = tpu.vector_load %arg15[%get3A_201, %get3A_202] {strides = array<i32>} : memref<1000x32xf32, #tpu.memory_space<vmem>>, vector<16xf32>,
        %get3A_204 = arith.index_cast %squeeze3A_200 : i32 to index
        %get3A_205 = arith.constant 16 : index
        %get3A_206 = tpu.vector_load %arg15[%get3A_204, %get3A_205] {strides = array<i32>} : memref<1000x32xf32, #tpu.memory_space<vmem>>, vector<16xf32>,
        %slice3A_207 = vector.extract_strided_slice %select_n3A {offsets = [4], sizes = [1], strides = [1]} : vector<16xf32> to vector<1xf32>
        %squeeze3A_208 = vector.extract %slice3A_207[0] : f32 from vector<1xf32>
        %broadcast_in_dim3A_209 = vector.broadcast %squeeze3A_208 : f32 to vector<16xf32>
        %mul3A_210 = arith.mulf %broadcast_in_dim3A_209, %get3A_203 : vector<16xf32>
        %add3A_211 = arith.addf %broadcast_in_dim3A_1, %mul3A_210 : vector<16xf32>
        %mul3A_212 = arith.mulf %broadcast_in_dim3A_209, %get3A_206 : vector<16xf32>
        %add3A_213 = arith.addf %broadcast_in_dim3A_1, %mul3A_212 : vector<16xf32>
        %slice3A_214 = vector.extract_strided_slice %get3A_128 {offsets = [5], sizes = [1], strides = [1]} : vector<16xi32> to vector<1xi32>
        %squeeze3A_215 = vector.extract %slice3A_214[0] : i32 from vector<1xi32>
        %get3A_216 = arith.index_cast %squeeze3A_215 : i32 to index
        %get3A_217 = arith.constant 0 : index
        %get3A_218 = tpu.vector_load %arg15[%get3A_216, %get3A_217] {strides = array<i32>} : memref<1000x32xf32, #tpu.memory_space<vmem>>, vector<16xf32>,
        %get3A_219 = arith.index_cast %squeeze3A_215 : i32 to index
        %get3A_220 = arith.constant 16 : index
        %get3A_221 = tpu.vector_load %arg15[%get3A_219, %get3A_220] {strides = array<i32>} : memref<1000x32xf32, #tpu.memory_space<vmem>>, vector<16xf32>,
        %slice3A_222 = vector.extract_strided_slice %select_n3A {offsets = [5], sizes = [1], strides = [1]} : vector<16xf32> to vector<1xf32>
        %squeeze3A_223 = vector.extract %slice3A_222[0] : f32 from vector<1xf32>
        %broadcast_in_dim3A_224 = vector.broadcast %squeeze3A_223 : f32 to vector<16xf32>
        %mul3A_225 = arith.mulf %broadcast_in_dim3A_224, %get3A_218 : vector<16xf32>
        %add3A_226 = arith.addf %broadcast_in_dim3A_1, %mul3A_225 : vector<16xf32>
        %mul3A_227 = arith.mulf %broadcast_in_dim3A_224, %get3A_221 : vector<16xf32>
        %add3A_228 = arith.addf %broadcast_in_dim3A_1, %mul3A_227 : vector<16xf32>
        %slice3A_229 = vector.extract_strided_slice %get3A_128 {offsets = [6], sizes = [1], strides = [1]} : vector<16xi32> to vector<1xi32>
        %squeeze3A_230 = vector.extract %slice3A_229[0] : i32 from vector<1xi32>
        %get3A_231 = arith.index_cast %squeeze3A_230 : i32 to index
        %get3A_232 = arith.constant 0 : index
        %get3A_233 = tpu.vector_load %arg15[%get3A_231, %get3A_232] {strides = array<i32>} : memref<1000x32xf32, #tpu.memory_space<vmem>>, vector<16xf32>,
        %get3A_234 = arith.index_cast %squeeze3A_230 : i32 to index
        %get3A_235 = arith.constant 16 : index
        %get3A_236 = tpu.vector_load %arg15[%get3A_234, %get3A_235] {strides = array<i32>} : memref<1000x32xf32, #tpu.memory_space<vmem>>, vector<16xf32>,
        %slice3A_237 = vector.extract_strided_slice %select_n3A {offsets = [6], sizes = [1], strides = [1]} : vector<16xf32> to vector<1xf32>
        %squeeze3A_238 = vector.extract %slice3A_237[0] : f32 from vector<1xf32>
        %broadcast_in_dim3A_239 = vector.broadcast %squeeze3A_238 : f32 to vector<16xf32>
        %mul3A_240 = arith.mulf %broadcast_in_dim3A_239, %get3A_233 : vector<16xf32>
        %add3A_241 = arith.addf %broadcast_in_dim3A_1, %mul3A_240 : vector<16xf32>
        %mul3A_242 = arith.mulf %broadcast_in_dim3A_239, %get3A_236 : vector<16xf32>
        %add3A_243 = arith.addf %broadcast_in_dim3A_1, %mul3A_242 : vector<16xf32>
        %slice3A_244 = vector.extract_strided_slice %get3A_128 {offsets = [7], sizes = [1], strides = [1]} : vector<16xi32> to vector<1xi32>
        %squeeze3A_245 = vector.extract %slice3A_244[0] : i32 from vector<1xi32>
        %get3A_246 = arith.index_cast %squeeze3A_245 : i32 to index
        %get3A_247 = arith.constant 0 : index
        %get3A_248 = tpu.vector_load %arg15[%get3A_246, %get3A_247] {strides = array<i32>} : memref<1000x32xf32, #tpu.memory_space<vmem>>, vector<16xf32>,
        %get3A_249 = arith.index_cast %squeeze3A_245 : i32 to index
        %get3A_250 = arith.constant 16 : index
        %get3A_251 = tpu.vector_load %arg15[%get3A_249, %get3A_250] {strides = array<i32>} : memref<1000x32xf32, #tpu.memory_space<vmem>>, vector<16xf32>,
        %slice3A_252 = vector.extract_strided_slice %select_n3A {offsets = [7], sizes = [1], strides = [1]} : vector<16xf32> to vector<1xf32>
        %squeeze3A_253 = vector.extract %slice3A_252[0] : f32 from vector<1xf32>
        %broadcast_in_dim3A_254 = vector.broadcast %squeeze3A_253 : f32 to vector<16xf32>
        %mul3A_255 = arith.mulf %broadcast_in_dim3A_254, %get3A_248 : vector<16xf32>
        %add3A_256 = arith.addf %broadcast_in_dim3A_1, %mul3A_255 : vector<16xf32>
        %mul3A_257 = arith.mulf %broadcast_in_dim3A_254, %get3A_251 : vector<16xf32>
        %add3A_258 = arith.addf %broadcast_in_dim3A_1, %mul3A_257 : vector<16xf32>
        %mul3A_259 = arith.constant 8 : i32
        %mul3A_260 = arith.muli %scan3A_122, %mul3A_259 : i32
        %get3A_261 = arith.constant 1 : i32
        %get3A_262 = arith.index_cast %get3A_261 : i32 to index
        %get3A_263 = arith.index_cast %mul3A_260 : i32 to index
        %get3A_264 = tpu.vector_load %arg18[%get3A_262, %get3A_263] {strides = array<i32>} : memref<20x72xi32, #tpu.memory_space<vmem>>, vector<16xi32>,
        %mul3A_265 = arith.constant 8 : i32
        %mul3A_266 = arith.muli %scan3A_122, %mul3A_265 : i32
        %get3A_267 = arith.constant 1 : i32
        %get3A_268 = arith.index_cast %get3A_267 : i32 to index
        %get3A_269 = arith.index_cast %mul3A_266 : i32 to index
        %get3A_270 = tpu.vector_load %arg19[%get3A_268, %get3A_269] {strides = array<i32>} : memref<20x72xi32, #tpu.memory_space<vmem>>, vector<16xi32>,
        %ne3A_271 = arith.constant 0 : i32
        %ne3A_272 = vector.broadcast %ne3A_271 : i32 to vector<16xi32>
        %ne3A_273 = arith.cmpi ne, %get3A_270, %ne3A_272 : vector<16xi32>
        %get3A_274 = arith.constant 1 : i32
        %get3A_275 = arith.index_cast %get3A_274 : i32 to index
        %get3A_276 = arith.constant 0 : index
        %get3A_277 = tpu.vector_load %arg17[%get3A_275, %get3A_276] {strides = array<i32>} : memref<20x16xf32, #tpu.memory_space<vmem>>, vector<16xf32>,
        %select_n3A_278 = arith.select %ne3A_273, %get3A_277, %broadcast_in_dim3A_1 : vector<16xi1>, vector<16xf32>
        %slice3A_279 = vector.extract_strided_slice %get3A_264 {offsets = [0], sizes = [1], strides = [1]} : vector<16xi32> to vector<1xi32>
        %squeeze3A_280 = vector.extract %slice3A_279[0] : i32 from vector<1xi32>
        %get3A_281 = arith.index_cast %squeeze3A_280 : i32 to index
        %get3A_282 = arith.constant 0 : index
        %get3A_283 = tpu.vector_load %arg15[%get3A_281, %get3A_282] {strides = array<i32>} : memref<1000x32xf32, #tpu.memory_space<vmem>>, vector<16xf32>,
        %get3A_284 = arith.index_cast %squeeze3A_280 : i32 to index
        %get3A_285 = arith.constant 16 : index
        %get3A_286 = tpu.vector_load %arg15[%get3A_284, %get3A_285] {strides = array<i32>} : memref<1000x32xf32, #tpu.memory_space<vmem>>, vector<16xf32>,
        %slice3A_287 = vector.extract_strided_slice %select_n3A_278 {offsets = [0], sizes = [1], strides = [1]} : vector<16xf32> to vector<1xf32>
        %squeeze3A_288 = vector.extract %slice3A_287[0] : f32 from vector<1xf32>
        %broadcast_in_dim3A_289 = vector.broadcast %squeeze3A_288 : f32 to vector<16xf32>
        %mul3A_290 = arith.mulf %broadcast_in_dim3A_289, %get3A_283 : vector<16xf32>
        %add3A_291 = arith.addf %add3A_151, %mul3A_290 : vector<16xf32>
        %mul3A_292 = arith.mulf %broadcast_in_dim3A_289, %get3A_286 : vector<16xf32>
        %add3A_293 = arith.addf %add3A_153, %mul3A_292 : vector<16xf32>
        %slice3A_294 = vector.extract_strided_slice %get3A_264 {offsets = [1], sizes = [1], strides = [1]} : vector<16xi32> to vector<1xi32>
        %squeeze3A_295 = vector.extract %slice3A_294[0] : i32 from vector<1xi32>
        %get3A_296 = arith.index_cast %squeeze3A_295 : i32 to index
        %get3A_297 = arith.constant 0 : index
        %get3A_298 = tpu.vector_load %arg15[%get3A_296, %get3A_297] {strides = array<i32>} : memref<1000x32xf32, #tpu.memory_space<vmem>>, vector<16xf32>,
        %get3A_299 = arith.index_cast %squeeze3A_295 : i32 to index
        %get3A_300 = arith.constant 16 : index
        %get3A_301 = tpu.vector_load %arg15[%get3A_299, %get3A_300] {strides = array<i32>} : memref<1000x32xf32, #tpu.memory_space<vmem>>, vector<16xf32>,
        %slice3A_302 = vector.extract_strided_slice %select_n3A_278 {offsets = [1], sizes = [1], strides = [1]} : vector<16xf32> to vector<1xf32>
        %squeeze3A_303 = vector.extract %slice3A_302[0] : f32 from vector<1xf32>
        %broadcast_in_dim3A_304 = vector.broadcast %squeeze3A_303 : f32 to vector<16xf32>
        %mul3A_305 = arith.mulf %broadcast_in_dim3A_304, %get3A_298 : vector<16xf32>
        %add3A_306 = arith.addf %add3A_166, %mul3A_305 : vector<16xf32>
        %mul3A_307 = arith.mulf %broadcast_in_dim3A_304, %get3A_301 : vector<16xf32>
        %add3A_308 = arith.addf %add3A_168, %mul3A_307 : vector<16xf32>
        %slice3A_309 = vector.extract_strided_slice %get3A_264 {offsets = [2], sizes = [1], strides = [1]} : vector<16xi32> to vector<1xi32>
        %squeeze3A_310 = vector.extract %slice3A_309[0] : i32 from vector<1xi32>
        %get3A_311 = arith.index_cast %squeeze3A_310 : i32 to index
        %get3A_312 = arith.constant 0 : index
        %get3A_313 = tpu.vector_load %arg15[%get3A_311, %get3A_312] {strides = array<i32>} : memref<1000x32xf32, #tpu.memory_space<vmem>>, vector<16xf32>,
        %get3A_314 = arith.index_cast %squeeze3A_310 : i32 to index
        %get3A_315 = arith.constant 16 : index
        %get3A_316 = tpu.vector_load %arg15[%get3A_314, %get3A_315] {strides = array<i32>} : memref<1000x32xf32, #tpu.memory_space<vmem>>, vector<16xf32>,
        %slice3A_317 = vector.extract_strided_slice %select_n3A_278 {offsets = [2], sizes = [1], strides = [1]} : vector<16xf32> to vector<1xf32>
        %squeeze3A_318 = vector.extract %slice3A_317[0] : f32 from vector<1xf32>
        %broadcast_in_dim3A_319 = vector.broadcast %squeeze3A_318 : f32 to vector<16xf32>
        %mul3A_320 = arith.mulf %broadcast_in_dim3A_319, %get3A_313 : vector<16xf32>
        %add3A_321 = arith.addf %add3A_181, %mul3A_320 : vector<16xf32>
        %mul3A_322 = arith.mulf %broadcast_in_dim3A_319, %get3A_316 : vector<16xf32>
        %add3A_323 = arith.addf %add3A_183, %mul3A_322 : vector<16xf32>
        %slice3A_324 = vector.extract_strided_slice %get3A_264 {offsets = [3], sizes = [1], strides = [1]} : vector<16xi32> to vector<1xi32>
        %squeeze3A_325 = vector.extract %slice3A_324[0] : i32 from vector<1xi32>
        %get3A_326 = arith.index_cast %squeeze3A_325 : i32 to index
        %get3A_327 = arith.constant 0 : index
        %get3A_328 = tpu.vector_load %arg15[%get3A_326, %get3A_327] {strides = array<i32>} : memref<1000x32xf32, #tpu.memory_space<vmem>>, vector<16xf32>,
        %get3A_329 = arith.index_cast %squeeze3A_325 : i32 to index
        %get3A_330 = arith.constant 16 : index
        %get3A_331 = tpu.vector_load %arg15[%get3A_329, %get3A_330] {strides = array<i32>} : memref<1000x32xf32, #tpu.memory_space<vmem>>, vector<16xf32>,
        %slice3A_332 = vector.extract_strided_slice %select_n3A_278 {offsets = [3], sizes = [1], strides = [1]} : vector<16xf32> to vector<1xf32>
        %squeeze3A_333 = vector.extract %slice3A_332[0] : f32 from vector<1xf32>
        %broadcast_in_dim3A_334 = vector.broadcast %squeeze3A_333 : f32 to vector<16xf32>
        %mul3A_335 = arith.mulf %broadcast_in_dim3A_334, %get3A_328 : vector<16xf32>
        %add3A_336 = arith.addf %add3A_196, %mul3A_335 : vector<16xf32>
        %mul3A_337 = arith.mulf %broadcast_in_dim3A_334, %get3A_331 : vector<16xf32>
        %add3A_338 = arith.addf %add3A_198, %mul3A_337 : vector<16xf32>
        %slice3A_339 = vector.extract_strided_slice %get3A_264 {offsets = [4], sizes = [1], strides = [1]} : vector<16xi32> to vector<1xi32>
        %squeeze3A_340 = vector.extract %slice3A_339[0] : i32 from vector<1xi32>
        %get3A_341 = arith.index_cast %squeeze3A_340 : i32 to index
        %get3A_342 = arith.constant 0 : index
        %get3A_343 = tpu.vector_load %arg15[%get3A_341, %get3A_342] {strides = array<i32>} : memref<1000x32xf32, #tpu.memory_space<vmem>>, vector<16xf32>,
        %get3A_344 = arith.index_cast %squeeze3A_340 : i32 to index
        %get3A_345 = arith.constant 16 : index
        %get3A_346 = tpu.vector_load %arg15[%get3A_344, %get3A_345] {strides = array<i32>} : memref<1000x32xf32, #tpu.memory_space<vmem>>, vector<16xf32>,
        %slice3A_347 = vector.extract_strided_slice %select_n3A_278 {offsets = [4], sizes = [1], strides = [1]} : vector<16xf32> to vector<1xf32>
        %squeeze3A_348 = vector.extract %slice3A_347[0] : f32 from vector<1xf32>
        %broadcast_in_dim3A_349 = vector.broadcast %squeeze3A_348 : f32 to vector<16xf32>
        %mul3A_350 = arith.mulf %broadcast_in_dim3A_349, %get3A_343 : vector<16xf32>
        %add3A_351 = arith.addf %add3A_211, %mul3A_350 : vector<16xf32>
        %mul3A_352 = arith.mulf %broadcast_in_dim3A_349, %get3A_346 : vector<16xf32>
        %add3A_353 = arith.addf %add3A_213, %mul3A_352 : vector<16xf32>
        %slice3A_354 = vector.extract_strided_slice %get3A_264 {offsets = [5], sizes = [1], strides = [1]} : vector<16xi32> to vector<1xi32>
        %squeeze3A_355 = vector.extract %slice3A_354[0] : i32 from vector<1xi32>
        %get3A_356 = arith.index_cast %squeeze3A_355 : i32 to index
        %get3A_357 = arith.constant 0 : index
        %get3A_358 = tpu.vector_load %arg15[%get3A_356, %get3A_357] {strides = array<i32>} : memref<1000x32xf32, #tpu.memory_space<vmem>>, vector<16xf32>,
        %get3A_359 = arith.index_cast %squeeze3A_355 : i32 to index
        %get3A_360 = arith.constant 16 : index
        %get3A_361 = tpu.vector_load %arg15[%get3A_359, %get3A_360] {strides = array<i32>} : memref<1000x32xf32, #tpu.memory_space<vmem>>, vector<16xf32>,
        %slice3A_362 = vector.extract_strided_slice %select_n3A_278 {offsets = [5], sizes = [1], strides = [1]} : vector<16xf32> to vector<1xf32>
        %squeeze3A_363 = vector.extract %slice3A_362[0] : f32 from vector<1xf32>
        %broadcast_in_dim3A_364 = vector.broadcast %squeeze3A_363 : f32 to vector<16xf32>
        %mul3A_365 = arith.mulf %broadcast_in_dim3A_364, %get3A_358 : vector<16xf32>
        %add3A_366 = arith.addf %add3A_226, %mul3A_365 : vector<16xf32>
        %mul3A_367 = arith.mulf %broadcast_in_dim3A_364, %get3A_361 : vector<16xf32>
        %add3A_368 = arith.addf %add3A_228, %mul3A_367 : vector<16xf32>
        %slice3A_369 = vector.extract_strided_slice %get3A_264 {offsets = [6], sizes = [1], strides = [1]} : vector<16xi32> to vector<1xi32>
        %squeeze3A_370 = vector.extract %slice3A_369[0] : i32 from vector<1xi32>
        %get3A_371 = arith.index_cast %squeeze3A_370 : i32 to index
        %get3A_372 = arith.constant 0 : index
        %get3A_373 = tpu.vector_load %arg15[%get3A_371, %get3A_372] {strides = array<i32>} : memref<1000x32xf32, #tpu.memory_space<vmem>>, vector<16xf32>,
        %get3A_374 = arith.index_cast %squeeze3A_370 : i32 to index
        %get3A_375 = arith.constant 16 : index
        %get3A_376 = tpu.vector_load %arg15[%get3A_374, %get3A_375] {strides = array<i32>} : memref<1000x32xf32, #tpu.memory_space<vmem>>, vector<16xf32>,
        %slice3A_377 = vector.extract_strided_slice %select_n3A_278 {offsets = [6], sizes = [1], strides = [1]} : vector<16xf32> to vector<1xf32>
        %squeeze3A_378 = vector.extract %slice3A_377[0] : f32 from vector<1xf32>
        %broadcast_in_dim3A_379 = vector.broadcast %squeeze3A_378 : f32 to vector<16xf32>
        %mul3A_380 = arith.mulf %broadcast_in_dim3A_379, %get3A_373 : vector<16xf32>
        %add3A_381 = arith.addf %add3A_241, %mul3A_380 : vector<16xf32>
        %mul3A_382 = arith.mulf %broadcast_in_dim3A_379, %get3A_376 : vector<16xf32>
        %add3A_383 = arith.addf %add3A_243, %mul3A_382 : vector<16xf32>
        %slice3A_384 = vector.extract_strided_slice %get3A_264 {offsets = [7], sizes = [1], strides = [1]} : vector<16xi32> to vector<1xi32>
        %squeeze3A_385 = vector.extract %slice3A_384[0] : i32 from vector<1xi32>
        %get3A_386 = arith.index_cast %squeeze3A_385 : i32 to index
        %get3A_387 = arith.constant 0 : index
        %get3A_388 = tpu.vector_load %arg15[%get3A_386, %get3A_387] {strides = array<i32>} : memref<1000x32xf32, #tpu.memory_space<vmem>>, vector<16xf32>,
        %get3A_389 = arith.index_cast %squeeze3A_385 : i32 to index
        %get3A_390 = arith.constant 16 : index
        %get3A_391 = tpu.vector_load %arg15[%get3A_389, %get3A_390] {strides = array<i32>} : memref<1000x32xf32, #tpu.memory_space<vmem>>, vector<16xf32>,
        %slice3A_392 = vector.extract_strided_slice %select_n3A_278 {offsets = [7], sizes = [1], strides = [1]} : vector<16xf32> to vector<1xf32>
        %squeeze3A_393 = vector.extract %slice3A_392[0] : f32 from vector<1xf32>
        %broadcast_in_dim3A_394 = vector.broadcast %squeeze3A_393 : f32 to vector<16xf32>
        %mul3A_395 = arith.mulf %broadcast_in_dim3A_394, %get3A_388 : vector<16xf32>
        %add3A_396 = arith.addf %add3A_256, %mul3A_395 : vector<16xf32>
        %mul3A_397 = arith.mulf %broadcast_in_dim3A_394, %get3A_391 : vector<16xf32>
        %add3A_398 = arith.addf %add3A_258, %mul3A_397 : vector<16xf32>
        %mul3A_399 = arith.constant 8 : i32
        %mul3A_400 = arith.muli %scan3A_122, %mul3A_399 : i32
        %get3A_401 = arith.constant 2 : i32
        %get3A_402 = arith.index_cast %get3A_401 : i32 to index
        %get3A_403 = arith.index_cast %mul3A_400 : i32 to index
        %get3A_404 = tpu.vector_load %arg18[%get3A_402, %get3A_403] {strides = array<i32>} : memref<20x72xi32, #tpu.memory_space<vmem>>, vector<16xi32>,
        %mul3A_405 = arith.constant 8 : i32
        %mul3A_406 = arith.muli %scan3A_122, %mul3A_405 : i32
        %get3A_407 = arith.constant 2 : i32
        %get3A_408 = arith.index_cast %get3A_407 : i32 to index
        %get3A_409 = arith.index_cast %mul3A_406 : i32 to index
        %get3A_410 = tpu.vector_load %arg19[%get3A_408, %get3A_409] {strides = array<i32>} : memref<20x72xi32, #tpu.memory_space<vmem>>, vector<16xi32>,
        %ne3A_411 = arith.constant 0 : i32
        %ne3A_412 = vector.broadcast %ne3A_411 : i32 to vector<16xi32>
        %ne3A_413 = arith.cmpi ne, %get3A_410, %ne3A_412 : vector<16xi32>
        %get3A_414 = arith.constant 2 : i32
        %get3A_415 = arith.index_cast %get3A_414 : i32 to index
        %get3A_416 = arith.constant 0 : index
        %get3A_417 = tpu.vector_load %arg17[%get3A_415, %get3A_416] {strides = array<i32>} : memref<20x16xf32, #tpu.memory_space<vmem>>, vector<16xf32>,
        %select_n3A_418 = arith.select %ne3A_413, %get3A_417, %broadcast_in_dim3A_1 : vector<16xi1>, vector<16xf32>
        %slice3A_419 = vector.extract_strided_slice %get3A_404 {offsets = [0], sizes = [1], strides = [1]} : vector<16xi32> to vector<1xi32>
        %squeeze3A_420 = vector.extract %slice3A_419[0] : i32 from vector<1xi32>
        %get3A_421 = arith.index_cast %squeeze3A_420 : i32 to index
        %get3A_422 = arith.constant 0 : index
        %get3A_423 = tpu.vector_load %arg15[%get3A_421, %get3A_422] {strides = array<i32>} : memref<1000x32xf32, #tpu.memory_space<vmem>>, vector<16xf32>,
        %get3A_424 = arith.index_cast %squeeze3A_420 : i32 to index
        %get3A_425 = arith.constant 16 : index
        %get3A_426 = tpu.vector_load %arg15[%get3A_424, %get3A_425] {strides = array<i32>} : memref<1000x32xf32, #tpu.memory_space<vmem>>, vector<16xf32>,
        %slice3A_427 = vector.extract_strided_slice %select_n3A_418 {offsets = [0], sizes = [1], strides = [1]} : vector<16xf32> to vector<1xf32>
        %squeeze3A_428 = vector.extract %slice3A_427[0] : f32 from vector<1xf32>
        %broadcast_in_dim3A_429 = vector.broadcast %squeeze3A_428 : f32 to vector<16xf32>
        %mul3A_430 = arith.mulf %broadcast_in_dim3A_429, %get3A_423 : vector<16xf32>
        %add3A_431 = arith.addf %add3A_291, %mul3A_430 : vector<16xf32>
        %mul3A_432 = arith.mulf %broadcast_in_dim3A_429, %get3A_426 : vector<16xf32>
        %add3A_433 = arith.addf %add3A_293, %mul3A_432 : vector<16xf32>
        %slice3A_434 = vector.extract_strided_slice %get3A_404 {offsets = [1], sizes = [1], strides = [1]} : vector<16xi32> to vector<1xi32>
        %squeeze3A_435 = vector.extract %slice3A_434[0] : i32 from vector<1xi32>
        %get3A_436 = arith.index_cast %squeeze3A_435 : i32 to index
        %get3A_437 = arith.constant 0 : index
        %get3A_438 = tpu.vector_load %arg15[%get3A_436, %get3A_437] {strides = array<i32>} : memref<1000x32xf32, #tpu.memory_space<vmem>>, vector<16xf32>,
        %get3A_439 = arith.index_cast %squeeze3A_435 : i32 to index
        %get3A_440 = arith.constant 16 : index
        %get3A_441 = tpu.vector_load %arg15[%get3A_439, %get3A_440] {strides = array<i32>} : memref<1000x32xf32, #tpu.memory_space<vmem>>, vector<16xf32>,
        %slice3A_442 = vector.extract_strided_slice %select_n3A_418 {offsets = [1], sizes = [1], strides = [1]} : vector<16xf32> to vector<1xf32>
        %squeeze3A_443 = vector.extract %slice3A_442[0] : f32 from vector<1xf32>
        %broadcast_in_dim3A_444 = vector.broadcast %squeeze3A_443 : f32 to vector<16xf32>
        %mul3A_445 = arith.mulf %broadcast_in_dim3A_444, %get3A_438 : vector<16xf32>
        %add3A_446 = arith.addf %add3A_306, %mul3A_445 : vector<16xf32>
        %mul3A_447 = arith.mulf %broadcast_in_dim3A_444, %get3A_441 : vector<16xf32>
        %add3A_448 = arith.addf %add3A_308, %mul3A_447 : vector<16xf32>
        %slice3A_449 = vector.extract_strided_slice %get3A_404 {offsets = [2], sizes = [1], strides = [1]} : vector<16xi32> to vector<1xi32>
        %squeeze3A_450 = vector.extract %slice3A_449[0] : i32 from vector<1xi32>
        %get3A_451 = arith.index_cast %squeeze3A_450 : i32 to index
        %get3A_452 = arith.constant 0 : index
        %get3A_453 = tpu.vector_load %arg15[%get3A_451, %get3A_452] {strides = array<i32>} : memref<1000x32xf32, #tpu.memory_space<vmem>>, vector<16xf32>,
        %get3A_454 = arith.index_cast %squeeze3A_450 : i32 to index
        %get3A_455 = arith.constant 16 : index
        %get3A_456 = tpu.vector_load %arg15[%get3A_454, %get3A_455] {strides = array<i32>} : memref<1000x32xf32, #tpu.memory_space<vmem>>, vector<16xf32>,
        %slice3A_457 = vector.extract_strided_slice %select_n3A_418 {offsets = [2], sizes = [1], strides = [1]} : vector<16xf32> to vector<1xf32>
        %squeeze3A_458 = vector.extract %slice3A_457[0] : f32 from vector<1xf32>
        %broadcast_in_dim3A_459 = vector.broadcast %squeeze3A_458 : f32 to vector<16xf32>
        %mul3A_460 = arith.mulf %broadcast_in_dim3A_459, %get3A_453 : vector<16xf32>
        %add3A_461 = arith.addf %add3A_321, %mul3A_460 : vector<16xf32>
        %mul3A_462 = arith.mulf %broadcast_in_dim3A_459, %get3A_456 : vector<16xf32>
        %add3A_463 = arith.addf %add3A_323, %mul3A_462 : vector<16xf32>
        %slice3A_464 = vector.extract_strided_slice %get3A_404 {offsets = [3], sizes = [1], strides = [1]} : vector<16xi32> to vector<1xi32>
        %squeeze3A_465 = vector.extract %slice3A_464[0] : i32 from vector<1xi32>
        %get3A_466 = arith.index_cast %squeeze3A_465 : i32 to index
        %get3A_467 = arith.constant 0 : index
        %get3A_468 = tpu.vector_load %arg15[%get3A_466, %get3A_467] {strides = array<i32>} : memref<1000x32xf32, #tpu.memory_space<vmem>>, vector<16xf32>,
        %get3A_469 = arith.index_cast %squeeze3A_465 : i32 to index
        %get3A_470 = arith.constant 16 : index
        %get3A_471 = tpu.vector_load %arg15[%get3A_469, %get3A_470] {strides = array<i32>} : memref<1000x32xf32, #tpu.memory_space<vmem>>, vector<16xf32>,
        %slice3A_472 = vector.extract_strided_slice %select_n3A_418 {offsets = [3], sizes = [1], strides = [1]} : vector<16xf32> to vector<1xf32>
        %squeeze3A_473 = vector.extract %slice3A_472[0] : f32 from vector<1xf32>
        %broadcast_in_dim3A_474 = vector.broadcast %squeeze3A_473 : f32 to vector<16xf32>
        %mul3A_475 = arith.mulf %broadcast_in_dim3A_474, %get3A_468 : vector<16xf32>
        %add3A_476 = arith.addf %add3A_336, %mul3A_475 : vector<16xf32>
        %mul3A_477 = arith.mulf %broadcast_in_dim3A_474, %get3A_471 : vector<16xf32>
        %add3A_478 = arith.addf %add3A_338, %mul3A_477 : vector<16xf32>
        %slice3A_479 = vector.extract_strided_slice %get3A_404 {offsets = [4], sizes = [1], strides = [1]} : vector<16xi32> to vector<1xi32>
        %squeeze3A_480 = vector.extract %slice3A_479[0] : i32 from vector<1xi32>
        %get3A_481 = arith.index_cast %squeeze3A_480 : i32 to index
        %get3A_482 = arith.constant 0 : index
        %get3A_483 = tpu.vector_load %arg15[%get3A_481, %get3A_482] {strides = array<i32>} : memref<1000x32xf32, #tpu.memory_space<vmem>>, vector<16xf32>,
        %get3A_484 = arith.index_cast %squeeze3A_480 : i32 to index
        %get3A_485 = arith.constant 16 : index
        %get3A_486 = tpu.vector_load %arg15[%get3A_484, %get3A_485] {strides = array<i32>} : memref<1000x32xf32, #tpu.memory_space<vmem>>, vector<16xf32>,
        %slice3A_487 = vector.extract_strided_slice %select_n3A_418 {offsets = [4], sizes = [1], strides = [1]} : vector<16xf32> to vector<1xf32>
        %squeeze3A_488 = vector.extract %slice3A_487[0] : f32 from vector<1xf32>
        %broadcast_in_dim3A_489 = vector.broadcast %squeeze3A_488 : f32 to vector<16xf32>
        %mul3A_490 = arith.mulf %broadcast_in_dim3A_489, %get3A_483 : vector<16xf32>
        %add3A_491 = arith.addf %add3A_351, %mul3A_490 : vector<16xf32>
        %mul3A_492 = arith.mulf %broadcast_in_dim3A_489, %get3A_486 : vector<16xf32>
        %add3A_493 = arith.addf %add3A_353, %mul3A_492 : vector<16xf32>
        %slice3A_494 = vector.extract_strided_slice %get3A_404 {offsets = [5], sizes = [1], strides = [1]} : vector<16xi32> to vector<1xi32>
        %squeeze3A_495 = vector.extract %slice3A_494[0] : i32 from vector<1xi32>
        %get3A_496 = arith.index_cast %squeeze3A_495 : i32 to index
        %get3A_497 = arith.constant 0 : index
        %get3A_498 = tpu.vector_load %arg15[%get3A_496, %get3A_497] {strides = array<i32>} : memref<1000x32xf32, #tpu.memory_space<vmem>>, vector<16xf32>,
        %get3A_499 = arith.index_cast %squeeze3A_495 : i32 to index
        %get3A_500 = arith.constant 16 : index
        %get3A_501 = tpu.vector_load %arg15[%get3A_499, %get3A_500] {strides = array<i32>} : memref<1000x32xf32, #tpu.memory_space<vmem>>, vector<16xf32>,
        %slice3A_502 = vector.extract_strided_slice %select_n3A_418 {offsets = [5], sizes = [1], strides = [1]} : vector<16xf32> to vector<1xf32>
        %squeeze3A_503 = vector.extract %slice3A_502[0] : f32 from vector<1xf32>
        %broadcast_in_dim3A_504 = vector.broadcast %squeeze3A_503 : f32 to vector<16xf32>
        %mul3A_505 = arith.mulf %broadcast_in_dim3A_504, %get3A_498 : vector<16xf32>
        %add3A_506 = arith.addf %add3A_366, %mul3A_505 : vector<16xf32>
        %mul3A_507 = arith.mulf %broadcast_in_dim3A_504, %get3A_501 : vector<16xf32>
        %add3A_508 = arith.addf %add3A_368, %mul3A_507 : vector<16xf32>
        %slice3A_509 = vector.extract_strided_slice %get3A_404 {offsets = [6], sizes = [1], strides = [1]} : vector<16xi32> to vector<1xi32>
        %squeeze3A_510 = vector.extract %slice3A_509[0] : i32 from vector<1xi32>
        %get3A_511 = arith.index_cast %squeeze3A_510 : i32 to index
        %get3A_512 = arith.constant 0 : index
        %get3A_513 = tpu.vector_load %arg15[%get3A_511, %get3A_512] {strides = array<i32>} : memref<1000x32xf32, #tpu.memory_space<vmem>>, vector<16xf32>,
        %get3A_514 = arith.index_cast %squeeze3A_510 : i32 to index
        %get3A_515 = arith.constant 16 : index
        %get3A_516 = tpu.vector_load %arg15[%get3A_514, %get3A_515] {strides = array<i32>} : memref<1000x32xf32, #tpu.memory_space<vmem>>, vector<16xf32>,
        %slice3A_517 = vector.extract_strided_slice %select_n3A_418 {offsets = [6], sizes = [1], strides = [1]} : vector<16xf32> to vector<1xf32>
        %squeeze3A_518 = vector.extract %slice3A_517[0] : f32 from vector<1xf32>
        %broadcast_in_dim3A_519 = vector.broadcast %squeeze3A_518 : f32 to vector<16xf32>
        %mul3A_520 = arith.mulf %broadcast_in_dim3A_519, %get3A_513 : vector<16xf32>
        %add3A_521 = arith.addf %add3A_381, %mul3A_520 : vector<16xf32>
        %mul3A_522 = arith.mulf %broadcast_in_dim3A_519, %get3A_516 : vector<16xf32>
        %add3A_523 = arith.addf %add3A_383, %mul3A_522 : vector<16xf32>
        %slice3A_524 = vector.extract_strided_slice %get3A_404 {offsets = [7], sizes = [1], strides = [1]} : vector<16xi32> to vector<1xi32>
        %squeeze3A_525 = vector.extract %slice3A_524[0] : i32 from vector<1xi32>
        %get3A_526 = arith.index_cast %squeeze3A_525 : i32 to index
        %get3A_527 = arith.constant 0 : index
        %get3A_528 = tpu.vector_load %arg15[%get3A_526, %get3A_527] {strides = array<i32>} : memref<1000x32xf32, #tpu.memory_space<vmem>>, vector<16xf32>,
        %get3A_529 = arith.index_cast %squeeze3A_525 : i32 to index
        %get3A_530 = arith.constant 16 : index
        %get3A_531 = tpu.vector_load %arg15[%get3A_529, %get3A_530] {strides = array<i32>} : memref<1000x32xf32, #tpu.memory_space<vmem>>, vector<16xf32>,
        %slice3A_532 = vector.extract_strided_slice %select_n3A_418 {offsets = [7], sizes = [1], strides = [1]} : vector<16xf32> to vector<1xf32>
        %squeeze3A_533 = vector.extract %slice3A_532[0] : f32 from vector<1xf32>
        %broadcast_in_dim3A_534 = vector.broadcast %squeeze3A_533 : f32 to vector<16xf32>
        %mul3A_535 = arith.mulf %broadcast_in_dim3A_534, %get3A_528 : vector<16xf32>
        %add3A_536 = arith.addf %add3A_396, %mul3A_535 : vector<16xf32>
        %mul3A_537 = arith.mulf %broadcast_in_dim3A_534, %get3A_531 : vector<16xf32>
        %add3A_538 = arith.addf %add3A_398, %mul3A_537 : vector<16xf32>
        %mul3A_539 = arith.constant 8 : i32
        %mul3A_540 = arith.muli %scan3A_122, %mul3A_539 : i32
        %get3A_541 = arith.constant 3 : i32
        %get3A_542 = arith.index_cast %get3A_541 : i32 to index
        %get3A_543 = arith.index_cast %mul3A_540 : i32 to index
        %get3A_544 = tpu.vector_load %arg18[%get3A_542, %get3A_543] {strides = array<i32>} : memref<20x72xi32, #tpu.memory_space<vmem>>, vector<16xi32>,
        %mul3A_545 = arith.constant 8 : i32
        %mul3A_546 = arith.muli %scan3A_122, %mul3A_545 : i32
        %get3A_547 = arith.constant 3 : i32
        %get3A_548 = arith.index_cast %get3A_547 : i32 to index
        %get3A_549 = arith.index_cast %mul3A_546 : i32 to index
        %get3A_550 = tpu.vector_load %arg19[%get3A_548, %get3A_549] {strides = array<i32>} : memref<20x72xi32, #tpu.memory_space<vmem>>, vector<16xi32>,
        %ne3A_551 = arith.constant 0 : i32
        %ne3A_552 = vector.broadcast %ne3A_551 : i32 to vector<16xi32>
        %ne3A_553 = arith.cmpi ne, %get3A_550, %ne3A_552 : vector<16xi32>
        %get3A_554 = arith.constant 3 : i32
        %get3A_555 = arith.index_cast %get3A_554 : i32 to index
        %get3A_556 = arith.constant 0 : index
        %get3A_557 = tpu.vector_load %arg17[%get3A_555, %get3A_556] {strides = array<i32>} : memref<20x16xf32, #tpu.memory_space<vmem>>, vector<16xf32>,
        %select_n3A_558 = arith.select %ne3A_553, %get3A_557, %broadcast_in_dim3A_1 : vector<16xi1>, vector<16xf32>
        %slice3A_559 = vector.extract_strided_slice %get3A_544 {offsets = [0], sizes = [1], strides = [1]} : vector<16xi32> to vector<1xi32>
        %squeeze3A_560 = vector.extract %slice3A_559[0] : i32 from vector<1xi32>
        %get3A_561 = arith.index_cast %squeeze3A_560 : i32 to index
        %get3A_562 = arith.constant 0 : index
        %get3A_563 = tpu.vector_load %arg15[%get3A_561, %get3A_562] {strides = array<i32>} : memref<1000x32xf32, #tpu.memory_space<vmem>>, vector<16xf32>,
        %get3A_564 = arith.index_cast %squeeze3A_560 : i32 to index
        %get3A_565 = arith.constant 16 : index
        %get3A_566 = tpu.vector_load %arg15[%get3A_564, %get3A_565] {strides = array<i32>} : memref<1000x32xf32, #tpu.memory_space<vmem>>, vector<16xf32>,
        %slice3A_567 = vector.extract_strided_slice %select_n3A_558 {offsets = [0], sizes = [1], strides = [1]} : vector<16xf32> to vector<1xf32>
        %squeeze3A_568 = vector.extract %slice3A_567[0] : f32 from vector<1xf32>
        %broadcast_in_dim3A_569 = vector.broadcast %squeeze3A_568 : f32 to vector<16xf32>
        %mul3A_570 = arith.mulf %broadcast_in_dim3A_569, %get3A_563 : vector<16xf32>
        %add3A_571 = arith.addf %add3A_431, %mul3A_570 : vector<16xf32>
        %mul3A_572 = arith.mulf %broadcast_in_dim3A_569, %get3A_566 : vector<16xf32>
        %add3A_573 = arith.addf %add3A_433, %mul3A_572 : vector<16xf32>
        %slice3A_574 = vector.extract_strided_slice %get3A_544 {offsets = [1], sizes = [1], strides = [1]} : vector<16xi32> to vector<1xi32>
        %squeeze3A_575 = vector.extract %slice3A_574[0] : i32 from vector<1xi32>
        %get3A_576 = arith.index_cast %squeeze3A_575 : i32 to index
        %get3A_577 = arith.constant 0 : index
        %get3A_578 = tpu.vector_load %arg15[%get3A_576, %get3A_577] {strides = array<i32>} : memref<1000x32xf32, #tpu.memory_space<vmem>>, vector<16xf32>,
        %get3A_579 = arith.index_cast %squeeze3A_575 : i32 to index
        %get3A_580 = arith.constant 16 : index
        %get3A_581 = tpu.vector_load %arg15[%get3A_579, %get3A_580] {strides = array<i32>} : memref<1000x32xf32, #tpu.memory_space<vmem>>, vector<16xf32>,
        %slice3A_582 = vector.extract_strided_slice %select_n3A_558 {offsets = [1], sizes = [1], strides = [1]} : vector<16xf32> to vector<1xf32>
        %squeeze3A_583 = vector.extract %slice3A_582[0] : f32 from vector<1xf32>
        %broadcast_in_dim3A_584 = vector.broadcast %squeeze3A_583 : f32 to vector<16xf32>
        %mul3A_585 = arith.mulf %broadcast_in_dim3A_584, %get3A_578 : vector<16xf32>
        %add3A_586 = arith.addf %add3A_446, %mul3A_585 : vector<16xf32>
        %mul3A_587 = arith.mulf %broadcast_in_dim3A_584, %get3A_581 : vector<16xf32>
        %add3A_588 = arith.addf %add3A_448, %mul3A_587 : vector<16xf32>
        %slice3A_589 = vector.extract_strided_slice %get3A_544 {offsets = [2], sizes = [1], strides = [1]} : vector<16xi32> to vector<1xi32>
        %squeeze3A_590 = vector.extract %slice3A_589[0] : i32 from vector<1xi32>
        %get3A_591 = arith.index_cast %squeeze3A_590 : i32 to index
        %get3A_592 = arith.constant 0 : index
        %get3A_593 = tpu.vector_load %arg15[%get3A_591, %get3A_592] {strides = array<i32>} : memref<1000x32xf32, #tpu.memory_space<vmem>>, vector<16xf32>,
        %get3A_594 = arith.index_cast %squeeze3A_590 : i32 to index
        %get3A_595 = arith.constant 16 : index
        %get3A_596 = tpu.vector_load %arg15[%get3A_594, %get3A_595] {strides = array<i32>} : memref<1000x32xf32, #tpu.memory_space<vmem>>, vector<16xf32>,
        %slice3A_597 = vector.extract_strided_slice %select_n3A_558 {offsets = [2], sizes = [1], strides = [1]} : vector<16xf32> to vector<1xf32>
        %squeeze3A_598 = vector.extract %slice3A_597[0] : f32 from vector<1xf32>
        %broadcast_in_dim3A_599 = vector.broadcast %squeeze3A_598 : f32 to vector<16xf32>
        %mul3A_600 = arith.mulf %broadcast_in_dim3A_599, %get3A_593 : vector<16xf32>
        %add3A_601 = arith.addf %add3A_461, %mul3A_600 : vector<16xf32>
        %mul3A_602 = arith.mulf %broadcast_in_dim3A_599, %get3A_596 : vector<16xf32>
        %add3A_603 = arith.addf %add3A_463, %mul3A_602 : vector<16xf32>
        %slice3A_604 = vector.extract_strided_slice %get3A_544 {offsets = [3], sizes = [1], strides = [1]} : vector<16xi32> to vector<1xi32>
        %squeeze3A_605 = vector.extract %slice3A_604[0] : i32 from vector<1xi32>
        %get3A_606 = arith.index_cast %squeeze3A_605 : i32 to index
        %get3A_607 = arith.constant 0 : index
        %get3A_608 = tpu.vector_load %arg15[%get3A_606, %get3A_607] {strides = array<i32>} : memref<1000x32xf32, #tpu.memory_space<vmem>>, vector<16xf32>,
        %get3A_609 = arith.index_cast %squeeze3A_605 : i32 to index
        %get3A_610 = arith.constant 16 : index
        %get3A_611 = tpu.vector_load %arg15[%get3A_609, %get3A_610] {strides = array<i32>} : memref<1000x32xf32, #tpu.memory_space<vmem>>, vector<16xf32>,
        %slice3A_612 = vector.extract_strided_slice %select_n3A_558 {offsets = [3], sizes = [1], strides = [1]} : vector<16xf32> to vector<1xf32>
        %squeeze3A_613 = vector.extract %slice3A_612[0] : f32 from vector<1xf32>
        %broadcast_in_dim3A_614 = vector.broadcast %squeeze3A_613 : f32 to vector<16xf32>
        %mul3A_615 = arith.mulf %broadcast_in_dim3A_614, %get3A_608 : vector<16xf32>
        %add3A_616 = arith.addf %add3A_476, %mul3A_615 : vector<16xf32>
        %mul3A_617 = arith.mulf %broadcast_in_dim3A_614, %get3A_611 : vector<16xf32>
        %add3A_618 = arith.addf %add3A_478, %mul3A_617 : vector<16xf32>
        %slice3A_619 = vector.extract_strided_slice %get3A_544 {offsets = [4], sizes = [1], strides = [1]} : vector<16xi32> to vector<1xi32>
        %squeeze3A_620 = vector.extract %slice3A_619[0] : i32 from vector<1xi32>
        %get3A_621 = arith.index_cast %squeeze3A_620 : i32 to index
        %get3A_622 = arith.constant 0 : index
        %get3A_623 = tpu.vector_load %arg15[%get3A_621, %get3A_622] {strides = array<i32>} : memref<1000x32xf32, #tpu.memory_space<vmem>>, vector<16xf32>,
        %get3A_624 = arith.index_cast %squeeze3A_620 : i32 to index
        %get3A_625 = arith.constant 16 : index
        %get3A_626 = tpu.vector_load %arg15[%get3A_624, %get3A_625] {strides = array<i32>} : memref<1000x32xf32, #tpu.memory_space<vmem>>, vector<16xf32>,
        %slice3A_627 = vector.extract_strided_slice %select_n3A_558 {offsets = [4], sizes = [1], strides = [1]} : vector<16xf32> to vector<1xf32>
        %squeeze3A_628 = vector.extract %slice3A_627[0] : f32 from vector<1xf32>
        %broadcast_in_dim3A_629 = vector.broadcast %squeeze3A_628 : f32 to vector<16xf32>
        %mul3A_630 = arith.mulf %broadcast_in_dim3A_629, %get3A_623 : vector<16xf32>
        %add3A_631 = arith.addf %add3A_491, %mul3A_630 : vector<16xf32>
        %mul3A_632 = arith.mulf %broadcast_in_dim3A_629, %get3A_626 : vector<16xf32>
        %add3A_633 = arith.addf %add3A_493, %mul3A_632 : vector<16xf32>
        %slice3A_634 = vector.extract_strided_slice %get3A_544 {offsets = [5], sizes = [1], strides = [1]} : vector<16xi32> to vector<1xi32>
        %squeeze3A_635 = vector.extract %slice3A_634[0] : i32 from vector<1xi32>
        %get3A_636 = arith.index_cast %squeeze3A_635 : i32 to index
        %get3A_637 = arith.constant 0 : index
        %get3A_638 = tpu.vector_load %arg15[%get3A_636, %get3A_637] {strides = array<i32>} : memref<1000x32xf32, #tpu.memory_space<vmem>>, vector<16xf32>,
        %get3A_639 = arith.index_cast %squeeze3A_635 : i32 to index
        %get3A_640 = arith.constant 16 : index
        %get3A_641 = tpu.vector_load %arg15[%get3A_639, %get3A_640] {strides = array<i32>} : memref<1000x32xf32, #tpu.memory_space<vmem>>, vector<16xf32>,
        %slice3A_642 = vector.extract_strided_slice %select_n3A_558 {offsets = [5], sizes = [1], strides = [1]} : vector<16xf32> to vector<1xf32>
        %squeeze3A_643 = vector.extract %slice3A_642[0] : f32 from vector<1xf32>
        %broadcast_in_dim3A_644 = vector.broadcast %squeeze3A_643 : f32 to vector<16xf32>
        %mul3A_645 = arith.mulf %broadcast_in_dim3A_644, %get3A_638 : vector<16xf32>
        %add3A_646 = arith.addf %add3A_506, %mul3A_645 : vector<16xf32>
        %mul3A_647 = arith.mulf %broadcast_in_dim3A_644, %get3A_641 : vector<16xf32>
        %add3A_648 = arith.addf %add3A_508, %mul3A_647 : vector<16xf32>
        %slice3A_649 = vector.extract_strided_slice %get3A_544 {offsets = [6], sizes = [1], strides = [1]} : vector<16xi32> to vector<1xi32>
        %squeeze3A_650 = vector.extract %slice3A_649[0] : i32 from vector<1xi32>
        %get3A_651 = arith.index_cast %squeeze3A_650 : i32 to index
        %get3A_652 = arith.constant 0 : index
        %get3A_653 = tpu.vector_load %arg15[%get3A_651, %get3A_652] {strides = array<i32>} : memref<1000x32xf32, #tpu.memory_space<vmem>>, vector<16xf32>,
        %get3A_654 = arith.index_cast %squeeze3A_650 : i32 to index
        %get3A_655 = arith.constant 16 : index
        %get3A_656 = tpu.vector_load %arg15[%get3A_654, %get3A_655] {strides = array<i32>} : memref<1000x32xf32, #tpu.memory_space<vmem>>, vector<16xf32>,
        %slice3A_657 = vector.extract_strided_slice %select_n3A_558 {offsets = [6], sizes = [1], strides = [1]} : vector<16xf32> to vector<1xf32>
        %squeeze3A_658 = vector.extract %slice3A_657[0] : f32 from vector<1xf32>
        %broadcast_in_dim3A_659 = vector.broadcast %squeeze3A_658 : f32 to vector<16xf32>
        %mul3A_660 = arith.mulf %broadcast_in_dim3A_659, %get3A_653 : vector<16xf32>
        %add3A_661 = arith.addf %add3A_521, %mul3A_660 : vector<16xf32>
        %mul3A_662 = arith.mulf %broadcast_in_dim3A_659, %get3A_656 : vector<16xf32>
        %add3A_663 = arith.addf %add3A_523, %mul3A_662 : vector<16xf32>
        %slice3A_664 = vector.extract_strided_slice %get3A_544 {offsets = [7], sizes = [1], strides = [1]} : vector<16xi32> to vector<1xi32>
        %squeeze3A_665 = vector.extract %slice3A_664[0] : i32 from vector<1xi32>
        %get3A_666 = arith.index_cast %squeeze3A_665 : i32 to index
        %get3A_667 = arith.constant 0 : index
        %get3A_668 = tpu.vector_load %arg15[%get3A_666, %get3A_667] {strides = array<i32>} : memref<1000x32xf32, #tpu.memory_space<vmem>>, vector<16xf32>,
        %get3A_669 = arith.index_cast %squeeze3A_665 : i32 to index
        %get3A_670 = arith.constant 16 : index
        %get3A_671 = tpu.vector_load %arg15[%get3A_669, %get3A_670] {strides = array<i32>} : memref<1000x32xf32, #tpu.memory_space<vmem>>, vector<16xf32>,
        %slice3A_672 = vector.extract_strided_slice %select_n3A_558 {offsets = [7], sizes = [1], strides = [1]} : vector<16xf32> to vector<1xf32>
        %squeeze3A_673 = vector.extract %slice3A_672[0] : f32 from vector<1xf32>
        %broadcast_in_dim3A_674 = vector.broadcast %squeeze3A_673 : f32 to vector<16xf32>
        %mul3A_675 = arith.mulf %broadcast_in_dim3A_674, %get3A_668 : vector<16xf32>
        %add3A_676 = arith.addf %add3A_536, %mul3A_675 : vector<16xf32>
        %mul3A_677 = arith.mulf %broadcast_in_dim3A_674, %get3A_671 : vector<16xf32>
        %add3A_678 = arith.addf %add3A_538, %mul3A_677 : vector<16xf32>
        %mul3A_679 = arith.constant 8 : i32
        %mul3A_680 = arith.muli %scan3A_122, %mul3A_679 : i32
        %get3A_681 = arith.constant 4 : i32
        %get3A_682 = arith.index_cast %get3A_681 : i32 to index
        %get3A_683 = arith.index_cast %mul3A_680 : i32 to index
        %get3A_684 = tpu.vector_load %arg18[%get3A_682, %get3A_683] {strides = array<i32>} : memref<20x72xi32, #tpu.memory_space<vmem>>, vector<16xi32>,
        %mul3A_685 = arith.constant 8 : i32
        %mul3A_686 = arith.muli %scan3A_122, %mul3A_685 : i32
        %get3A_687 = arith.constant 4 : i32
        %get3A_688 = arith.index_cast %get3A_687 : i32 to index
        %get3A_689 = arith.index_cast %mul3A_686 : i32 to index
        %get3A_690 = tpu.vector_load %arg19[%get3A_688, %get3A_689] {strides = array<i32>} : memref<20x72xi32, #tpu.memory_space<vmem>>, vector<16xi32>,
        %ne3A_691 = arith.constant 0 : i32
        %ne3A_692 = vector.broadcast %ne3A_691 : i32 to vector<16xi32>
        %ne3A_693 = arith.cmpi ne, %get3A_690, %ne3A_692 : vector<16xi32>
        %get3A_694 = arith.constant 4 : i32
        %get3A_695 = arith.index_cast %get3A_694 : i32 to index
        %get3A_696 = arith.constant 0 : index
        %get3A_697 = tpu.vector_load %arg17[%get3A_695, %get3A_696] {strides = array<i32>} : memref<20x16xf32, #tpu.memory_space<vmem>>, vector<16xf32>,
        %select_n3A_698 = arith.select %ne3A_693, %get3A_697, %broadcast_in_dim3A_1 : vector<16xi1>, vector<16xf32>
        %slice3A_699 = vector.extract_strided_slice %get3A_684 {offsets = [0], sizes = [1], strides = [1]} : vector<16xi32> to vector<1xi32>
        %squeeze3A_700 = vector.extract %slice3A_699[0] : i32 from vector<1xi32>
        %get3A_701 = arith.index_cast %squeeze3A_700 : i32 to index
        %get3A_702 = arith.constant 0 : index
        %get3A_703 = tpu.vector_load %arg15[%get3A_701, %get3A_702] {strides = array<i32>} : memref<1000x32xf32, #tpu.memory_space<vmem>>, vector<16xf32>,
        %get3A_704 = arith.index_cast %squeeze3A_700 : i32 to index
        %get3A_705 = arith.constant 16 : index
        %get3A_706 = tpu.vector_load %arg15[%get3A_704, %get3A_705] {strides = array<i32>} : memref<1000x32xf32, #tpu.memory_space<vmem>>, vector<16xf32>,
        %slice3A_707 = vector.extract_strided_slice %select_n3A_698 {offsets = [0], sizes = [1], strides = [1]} : vector<16xf32> to vector<1xf32>
        %squeeze3A_708 = vector.extract %slice3A_707[0] : f32 from vector<1xf32>
        %broadcast_in_dim3A_709 = vector.broadcast %squeeze3A_708 : f32 to vector<16xf32>
        %mul3A_710 = arith.mulf %broadcast_in_dim3A_709, %get3A_703 : vector<16xf32>
        %add3A_711 = arith.addf %add3A_571, %mul3A_710 : vector<16xf32>
        %mul3A_712 = arith.mulf %broadcast_in_dim3A_709, %get3A_706 : vector<16xf32>
        %add3A_713 = arith.addf %add3A_573, %mul3A_712 : vector<16xf32>
        %slice3A_714 = vector.extract_strided_slice %get3A_684 {offsets = [1], sizes = [1], strides = [1]} : vector<16xi32> to vector<1xi32>
        %squeeze3A_715 = vector.extract %slice3A_714[0] : i32 from vector<1xi32>
        %get3A_716 = arith.index_cast %squeeze3A_715 : i32 to index
        %get3A_717 = arith.constant 0 : index
        %get3A_718 = tpu.vector_load %arg15[%get3A_716, %get3A_717] {strides = array<i32>} : memref<1000x32xf32, #tpu.memory_space<vmem>>, vector<16xf32>,
        %get3A_719 = arith.index_cast %squeeze3A_715 : i32 to index
        %get3A_720 = arith.constant 16 : index
        %get3A_721 = tpu.vector_load %arg15[%get3A_719, %get3A_720] {strides = array<i32>} : memref<1000x32xf32, #tpu.memory_space<vmem>>, vector<16xf32>,
        %slice3A_722 = vector.extract_strided_slice %select_n3A_698 {offsets = [1], sizes = [1], strides = [1]} : vector<16xf32> to vector<1xf32>
        %squeeze3A_723 = vector.extract %slice3A_722[0] : f32 from vector<1xf32>
        %broadcast_in_dim3A_724 = vector.broadcast %squeeze3A_723 : f32 to vector<16xf32>
        %mul3A_725 = arith.mulf %broadcast_in_dim3A_724, %get3A_718 : vector<16xf32>
        %add3A_726 = arith.addf %add3A_586, %mul3A_725 : vector<16xf32>
        %mul3A_727 = arith.mulf %broadcast_in_dim3A_724, %get3A_721 : vector<16xf32>
        %add3A_728 = arith.addf %add3A_588, %mul3A_727 : vector<16xf32>
        %slice3A_729 = vector.extract_strided_slice %get3A_684 {offsets = [2], sizes = [1], strides = [1]} : vector<16xi32> to vector<1xi32>
        %squeeze3A_730 = vector.extract %slice3A_729[0] : i32 from vector<1xi32>
        %get3A_731 = arith.index_cast %squeeze3A_730 : i32 to index
        %get3A_732 = arith.constant 0 : index
        %get3A_733 = tpu.vector_load %arg15[%get3A_731, %get3A_732] {strides = array<i32>} : memref<1000x32xf32, #tpu.memory_space<vmem>>, vector<16xf32>,
        %get3A_734 = arith.index_cast %squeeze3A_730 : i32 to index
        %get3A_735 = arith.constant 16 : index
        %get3A_736 = tpu.vector_load %arg15[%get3A_734, %get3A_735] {strides = array<i32>} : memref<1000x32xf32, #tpu.memory_space<vmem>>, vector<16xf32>,
        %slice3A_737 = vector.extract_strided_slice %select_n3A_698 {offsets = [2], sizes = [1], strides = [1]} : vector<16xf32> to vector<1xf32>
        %squeeze3A_738 = vector.extract %slice3A_737[0] : f32 from vector<1xf32>
        %broadcast_in_dim3A_739 = vector.broadcast %squeeze3A_738 : f32 to vector<16xf32>
        %mul3A_740 = arith.mulf %broadcast_in_dim3A_739, %get3A_733 : vector<16xf32>
        %add3A_741 = arith.addf %add3A_601, %mul3A_740 : vector<16xf32>
        %mul3A_742 = arith.mulf %broadcast_in_dim3A_739, %get3A_736 : vector<16xf32>
        %add3A_743 = arith.addf %add3A_603, %mul3A_742 : vector<16xf32>
        %slice3A_744 = vector.extract_strided_slice %get3A_684 {offsets = [3], sizes = [1], strides = [1]} : vector<16xi32> to vector<1xi32>
        %squeeze3A_745 = vector.extract %slice3A_744[0] : i32 from vector<1xi32>
        %get3A_746 = arith.index_cast %squeeze3A_745 : i32 to index
        %get3A_747 = arith.constant 0 : index
        %get3A_748 = tpu.vector_load %arg15[%get3A_746, %get3A_747] {strides = array<i32>} : memref<1000x32xf32, #tpu.memory_space<vmem>>, vector<16xf32>,
        %get3A_749 = arith.index_cast %squeeze3A_745 : i32 to index
        %get3A_750 = arith.constant 16 : index
        %get3A_751 = tpu.vector_load %arg15[%get3A_749, %get3A_750] {strides = array<i32>} : memref<1000x32xf32, #tpu.memory_space<vmem>>, vector<16xf32>,
        %slice3A_752 = vector.extract_strided_slice %select_n3A_698 {offsets = [3], sizes = [1], strides = [1]} : vector<16xf32> to vector<1xf32>
        %squeeze3A_753 = vector.extract %slice3A_752[0] : f32 from vector<1xf32>
        %broadcast_in_dim3A_754 = vector.broadcast %squeeze3A_753 : f32 to vector<16xf32>
        %mul3A_755 = arith.mulf %broadcast_in_dim3A_754, %get3A_748 : vector<16xf32>
        %add3A_756 = arith.addf %add3A_616, %mul3A_755 : vector<16xf32>
        %mul3A_757 = arith.mulf %broadcast_in_dim3A_754, %get3A_751 : vector<16xf32>
        %add3A_758 = arith.addf %add3A_618, %mul3A_757 : vector<16xf32>
        %slice3A_759 = vector.extract_strided_slice %get3A_684 {offsets = [4], sizes = [1], strides = [1]} : vector<16xi32> to vector<1xi32>
        %squeeze3A_760 = vector.extract %slice3A_759[0] : i32 from vector<1xi32>
        %get3A_761 = arith.index_cast %squeeze3A_760 : i32 to index
        %get3A_762 = arith.constant 0 : index
        %get3A_763 = tpu.vector_load %arg15[%get3A_761, %get3A_762] {strides = array<i32>} : memref<1000x32xf32, #tpu.memory_space<vmem>>, vector<16xf32>,
        %get3A_764 = arith.index_cast %squeeze3A_760 : i32 to index
        %get3A_765 = arith.constant 16 : index
        %get3A_766 = tpu.vector_load %arg15[%get3A_764, %get3A_765] {strides = array<i32>} : memref<1000x32xf32, #tpu.memory_space<vmem>>, vector<16xf32>,
        %slice3A_767 = vector.extract_strided_slice %select_n3A_698 {offsets = [4], sizes = [1], strides = [1]} : vector<16xf32> to vector<1xf32>
        %squeeze3A_768 = vector.extract %slice3A_767[0] : f32 from vector<1xf32>
        %broadcast_in_dim3A_769 = vector.broadcast %squeeze3A_768 : f32 to vector<16xf32>
        %mul3A_770 = arith.mulf %broadcast_in_dim3A_769, %get3A_763 : vector<16xf32>
        %add3A_771 = arith.addf %add3A_631, %mul3A_770 : vector<16xf32>
        %mul3A_772 = arith.mulf %broadcast_in_dim3A_769, %get3A_766 : vector<16xf32>
        %add3A_773 = arith.addf %add3A_633, %mul3A_772 : vector<16xf32>
        %slice3A_774 = vector.extract_strided_slice %get3A_684 {offsets = [5], sizes = [1], strides = [1]} : vector<16xi32> to vector<1xi32>
        %squeeze3A_775 = vector.extract %slice3A_774[0] : i32 from vector<1xi32>
        %get3A_776 = arith.index_cast %squeeze3A_775 : i32 to index
        %get3A_777 = arith.constant 0 : index
        %get3A_778 = tpu.vector_load %arg15[%get3A_776, %get3A_777] {strides = array<i32>} : memref<1000x32xf32, #tpu.memory_space<vmem>>, vector<16xf32>,
        %get3A_779 = arith.index_cast %squeeze3A_775 : i32 to index
        %get3A_780 = arith.constant 16 : index
        %get3A_781 = tpu.vector_load %arg15[%get3A_779, %get3A_780] {strides = array<i32>} : memref<1000x32xf32, #tpu.memory_space<vmem>>, vector<16xf32>,
        %slice3A_782 = vector.extract_strided_slice %select_n3A_698 {offsets = [5], sizes = [1], strides = [1]} : vector<16xf32> to vector<1xf32>
        %squeeze3A_783 = vector.extract %slice3A_782[0] : f32 from vector<1xf32>
        %broadcast_in_dim3A_784 = vector.broadcast %squeeze3A_783 : f32 to vector<16xf32>
        %mul3A_785 = arith.mulf %broadcast_in_dim3A_784, %get3A_778 : vector<16xf32>
        %add3A_786 = arith.addf %add3A_646, %mul3A_785 : vector<16xf32>
        %mul3A_787 = arith.mulf %broadcast_in_dim3A_784, %get3A_781 : vector<16xf32>
        %add3A_788 = arith.addf %add3A_648, %mul3A_787 : vector<16xf32>
        %slice3A_789 = vector.extract_strided_slice %get3A_684 {offsets = [6], sizes = [1], strides = [1]} : vector<16xi32> to vector<1xi32>
        %squeeze3A_790 = vector.extract %slice3A_789[0] : i32 from vector<1xi32>
        %get3A_791 = arith.index_cast %squeeze3A_790 : i32 to index
        %get3A_792 = arith.constant 0 : index
        %get3A_793 = tpu.vector_load %arg15[%get3A_791, %get3A_792] {strides = array<i32>} : memref<1000x32xf32, #tpu.memory_space<vmem>>, vector<16xf32>,
        %get3A_794 = arith.index_cast %squeeze3A_790 : i32 to index
        %get3A_795 = arith.constant 16 : index
        %get3A_796 = tpu.vector_load %arg15[%get3A_794, %get3A_795] {strides = array<i32>} : memref<1000x32xf32, #tpu.memory_space<vmem>>, vector<16xf32>,
        %slice3A_797 = vector.extract_strided_slice %select_n3A_698 {offsets = [6], sizes = [1], strides = [1]} : vector<16xf32> to vector<1xf32>
        %squeeze3A_798 = vector.extract %slice3A_797[0] : f32 from vector<1xf32>
        %broadcast_in_dim3A_799 = vector.broadcast %squeeze3A_798 : f32 to vector<16xf32>
        %mul3A_800 = arith.mulf %broadcast_in_dim3A_799, %get3A_793 : vector<16xf32>
        %add3A_801 = arith.addf %add3A_661, %mul3A_800 : vector<16xf32>
        %mul3A_802 = arith.mulf %broadcast_in_dim3A_799, %get3A_796 : vector<16xf32>
        %add3A_803 = arith.addf %add3A_663, %mul3A_802 : vector<16xf32>
        %slice3A_804 = vector.extract_strided_slice %get3A_684 {offsets = [7], sizes = [1], strides = [1]} : vector<16xi32> to vector<1xi32>
        %squeeze3A_805 = vector.extract %slice3A_804[0] : i32 from vector<1xi32>
        %get3A_806 = arith.index_cast %squeeze3A_805 : i32 to index
        %get3A_807 = arith.constant 0 : index
        %get3A_808 = tpu.vector_load %arg15[%get3A_806, %get3A_807] {strides = array<i32>} : memref<1000x32xf32, #tpu.memory_space<vmem>>, vector<16xf32>,
        %get3A_809 = arith.index_cast %squeeze3A_805 : i32 to index
        %get3A_810 = arith.constant 16 : index
        %get3A_811 = tpu.vector_load %arg15[%get3A_809, %get3A_810] {strides = array<i32>} : memref<1000x32xf32, #tpu.memory_space<vmem>>, vector<16xf32>,
        %slice3A_812 = vector.extract_strided_slice %select_n3A_698 {offsets = [7], sizes = [1], strides = [1]} : vector<16xf32> to vector<1xf32>
        %squeeze3A_813 = vector.extract %slice3A_812[0] : f32 from vector<1xf32>
        %broadcast_in_dim3A_814 = vector.broadcast %squeeze3A_813 : f32 to vector<16xf32>
        %mul3A_815 = arith.mulf %broadcast_in_dim3A_814, %get3A_808 : vector<16xf32>
        %add3A_816 = arith.addf %add3A_676, %mul3A_815 : vector<16xf32>
        %mul3A_817 = arith.mulf %broadcast_in_dim3A_814, %get3A_811 : vector<16xf32>
        %add3A_818 = arith.addf %add3A_678, %mul3A_817 : vector<16xf32>
        %mul3A_819 = arith.constant 8 : i32
        %mul3A_820 = arith.muli %scan3A_122, %mul3A_819 : i32
        %get3A_821 = arith.constant 5 : i32
        %get3A_822 = arith.index_cast %get3A_821 : i32 to index
        %get3A_823 = arith.index_cast %mul3A_820 : i32 to index
        %get3A_824 = tpu.vector_load %arg18[%get3A_822, %get3A_823] {strides = array<i32>} : memref<20x72xi32, #tpu.memory_space<vmem>>, vector<16xi32>,
        %mul3A_825 = arith.constant 8 : i32
        %mul3A_826 = arith.muli %scan3A_122, %mul3A_825 : i32
        %get3A_827 = arith.constant 5 : i32
        %get3A_828 = arith.index_cast %get3A_827 : i32 to index
        %get3A_829 = arith.index_cast %mul3A_826 : i32 to index
        %get3A_830 = tpu.vector_load %arg19[%get3A_828, %get3A_829] {strides = array<i32>} : memref<20x72xi32, #tpu.memory_space<vmem>>, vector<16xi32>,
        %ne3A_831 = arith.constant 0 : i32
        %ne3A_832 = vector.broadcast %ne3A_831 : i32 to vector<16xi32>
        %ne3A_833 = arith.cmpi ne, %get3A_830, %ne3A_832 : vector<16xi32>
        %get3A_834 = arith.constant 5 : i32
        %get3A_835 = arith.index_cast %get3A_834 : i32 to index
        %get3A_836 = arith.constant 0 : index
        %get3A_837 = tpu.vector_load %arg17[%get3A_835, %get3A_836] {strides = array<i32>} : memref<20x16xf32, #tpu.memory_space<vmem>>, vector<16xf32>,
        %select_n3A_838 = arith.select %ne3A_833, %get3A_837, %broadcast_in_dim3A_1 : vector<16xi1>, vector<16xf32>
        %slice3A_839 = vector.extract_strided_slice %get3A_824 {offsets = [0], sizes = [1], strides = [1]} : vector<16xi32> to vector<1xi32>
        %squeeze3A_840 = vector.extract %slice3A_839[0] : i32 from vector<1xi32>
        %get3A_841 = arith.index_cast %squeeze3A_840 : i32 to index
        %get3A_842 = arith.constant 0 : index
        %get3A_843 = tpu.vector_load %arg15[%get3A_841, %get3A_842] {strides = array<i32>} : memref<1000x32xf32, #tpu.memory_space<vmem>>, vector<16xf32>,
        %get3A_844 = arith.index_cast %squeeze3A_840 : i32 to index
        %get3A_845 = arith.constant 16 : index
        %get3A_846 = tpu.vector_load %arg15[%get3A_844, %get3A_845] {strides = array<i32>} : memref<1000x32xf32, #tpu.memory_space<vmem>>, vector<16xf32>,
        %slice3A_847 = vector.extract_strided_slice %select_n3A_838 {offsets = [0], sizes = [1], strides = [1]} : vector<16xf32> to vector<1xf32>
        %squeeze3A_848 = vector.extract %slice3A_847[0] : f32 from vector<1xf32>
        %broadcast_in_dim3A_849 = vector.broadcast %squeeze3A_848 : f32 to vector<16xf32>
        %mul3A_850 = arith.mulf %broadcast_in_dim3A_849, %get3A_843 : vector<16xf32>
        %add3A_851 = arith.addf %add3A_711, %mul3A_850 : vector<16xf32>
        %mul3A_852 = arith.mulf %broadcast_in_dim3A_849, %get3A_846 : vector<16xf32>
        %add3A_853 = arith.addf %add3A_713, %mul3A_852 : vector<16xf32>
        %slice3A_854 = vector.extract_strided_slice %get3A_824 {offsets = [1], sizes = [1], strides = [1]} : vector<16xi32> to vector<1xi32>
        %squeeze3A_855 = vector.extract %slice3A_854[0] : i32 from vector<1xi32>
        %get3A_856 = arith.index_cast %squeeze3A_855 : i32 to index
        %get3A_857 = arith.constant 0 : index
        %get3A_858 = tpu.vector_load %arg15[%get3A_856, %get3A_857] {strides = array<i32>} : memref<1000x32xf32, #tpu.memory_space<vmem>>, vector<16xf32>,
        %get3A_859 = arith.index_cast %squeeze3A_855 : i32 to index
        %get3A_860 = arith.constant 16 : index
        %get3A_861 = tpu.vector_load %arg15[%get3A_859, %get3A_860] {strides = array<i32>} : memref<1000x32xf32, #tpu.memory_space<vmem>>, vector<16xf32>,
        %slice3A_862 = vector.extract_strided_slice %select_n3A_838 {offsets = [1], sizes = [1], strides = [1]} : vector<16xf32> to vector<1xf32>
        %squeeze3A_863 = vector.extract %slice3A_862[0] : f32 from vector<1xf32>
        %broadcast_in_dim3A_864 = vector.broadcast %squeeze3A_863 : f32 to vector<16xf32>
        %mul3A_865 = arith.mulf %broadcast_in_dim3A_864, %get3A_858 : vector<16xf32>
        %add3A_866 = arith.addf %add3A_726, %mul3A_865 : vector<16xf32>
        %mul3A_867 = arith.mulf %broadcast_in_dim3A_864, %get3A_861 : vector<16xf32>
        %add3A_868 = arith.addf %add3A_728, %mul3A_867 : vector<16xf32>
        %slice3A_869 = vector.extract_strided_slice %get3A_824 {offsets = [2], sizes = [1], strides = [1]} : vector<16xi32> to vector<1xi32>
        %squeeze3A_870 = vector.extract %slice3A_869[0] : i32 from vector<1xi32>
        %get3A_871 = arith.index_cast %squeeze3A_870 : i32 to index
        %get3A_872 = arith.constant 0 : index
        %get3A_873 = tpu.vector_load %arg15[%get3A_871, %get3A_872] {strides = array<i32>} : memref<1000x32xf32, #tpu.memory_space<vmem>>, vector<16xf32>,
        %get3A_874 = arith.index_cast %squeeze3A_870 : i32 to index
        %get3A_875 = arith.constant 16 : index
        %get3A_876 = tpu.vector_load %arg15[%get3A_874, %get3A_875] {strides = array<i32>} : memref<1000x32xf32, #tpu.memory_space<vmem>>, vector<16xf32>,
        %slice3A_877 = vector.extract_strided_slice %select_n3A_838 {offsets = [2], sizes = [1], strides = [1]} : vector<16xf32> to vector<1xf32>
        %squeeze3A_878 = vector.extract %slice3A_877[0] : f32 from vector<1xf32>
        %broadcast_in_dim3A_879 = vector.broadcast %squeeze3A_878 : f32 to vector<16xf32>
        %mul3A_880 = arith.mulf %broadcast_in_dim3A_879, %get3A_873 : vector<16xf32>
        %add3A_881 = arith.addf %add3A_741, %mul3A_880 : vector<16xf32>
        %mul3A_882 = arith.mulf %broadcast_in_dim3A_879, %get3A_876 : vector<16xf32>
        %add3A_883 = arith.addf %add3A_743, %mul3A_882 : vector<16xf32>
        %slice3A_884 = vector.extract_strided_slice %get3A_824 {offsets = [3], sizes = [1], strides = [1]} : vector<16xi32> to vector<1xi32>
        %squeeze3A_885 = vector.extract %slice3A_884[0] : i32 from vector<1xi32>
        %get3A_886 = arith.index_cast %squeeze3A_885 : i32 to index
        %get3A_887 = arith.constant 0 : index
        %get3A_888 = tpu.vector_load %arg15[%get3A_886, %get3A_887] {strides = array<i32>} : memref<1000x32xf32, #tpu.memory_space<vmem>>, vector<16xf32>,
        %get3A_889 = arith.index_cast %squeeze3A_885 : i32 to index
        %get3A_890 = arith.constant 16 : index
        %get3A_891 = tpu.vector_load %arg15[%get3A_889, %get3A_890] {strides = array<i32>} : memref<1000x32xf32, #tpu.memory_space<vmem>>, vector<16xf32>,
        %slice3A_892 = vector.extract_strided_slice %select_n3A_838 {offsets = [3], sizes = [1], strides = [1]} : vector<16xf32> to vector<1xf32>
        %squeeze3A_893 = vector.extract %slice3A_892[0] : f32 from vector<1xf32>
        %broadcast_in_dim3A_894 = vector.broadcast %squeeze3A_893 : f32 to vector<16xf32>
        %mul3A_895 = arith.mulf %broadcast_in_dim3A_894, %get3A_888 : vector<16xf32>
        %add3A_896 = arith.addf %add3A_756, %mul3A_895 : vector<16xf32>
        %mul3A_897 = arith.mulf %broadcast_in_dim3A_894, %get3A_891 : vector<16xf32>
        %add3A_898 = arith.addf %add3A_758, %mul3A_897 : vector<16xf32>
        %slice3A_899 = vector.extract_strided_slice %get3A_824 {offsets = [4], sizes = [1], strides = [1]} : vector<16xi32> to vector<1xi32>
        %squeeze3A_900 = vector.extract %slice3A_899[0] : i32 from vector<1xi32>
        %get3A_901 = arith.index_cast %squeeze3A_900 : i32 to index
        %get3A_902 = arith.constant 0 : index
        %get3A_903 = tpu.vector_load %arg15[%get3A_901, %get3A_902] {strides = array<i32>} : memref<1000x32xf32, #tpu.memory_space<vmem>>, vector<16xf32>,
        %get3A_904 = arith.index_cast %squeeze3A_900 : i32 to index
        %get3A_905 = arith.constant 16 : index
        %get3A_906 = tpu.vector_load %arg15[%get3A_904, %get3A_905] {strides = array<i32>} : memref<1000x32xf32, #tpu.memory_space<vmem>>, vector<16xf32>,
        %slice3A_907 = vector.extract_strided_slice %select_n3A_838 {offsets = [4], sizes = [1], strides = [1]} : vector<16xf32> to vector<1xf32>
        %squeeze3A_908 = vector.extract %slice3A_907[0] : f32 from vector<1xf32>
        %broadcast_in_dim3A_909 = vector.broadcast %squeeze3A_908 : f32 to vector<16xf32>
        %mul3A_910 = arith.mulf %broadcast_in_dim3A_909, %get3A_903 : vector<16xf32>
        %add3A_911 = arith.addf %add3A_771, %mul3A_910 : vector<16xf32>
        %mul3A_912 = arith.mulf %broadcast_in_dim3A_909, %get3A_906 : vector<16xf32>
        %add3A_913 = arith.addf %add3A_773, %mul3A_912 : vector<16xf32>
        %slice3A_914 = vector.extract_strided_slice %get3A_824 {offsets = [5], sizes = [1], strides = [1]} : vector<16xi32> to vector<1xi32>
        %squeeze3A_915 = vector.extract %slice3A_914[0] : i32 from vector<1xi32>
        %get3A_916 = arith.index_cast %squeeze3A_915 : i32 to index
        %get3A_917 = arith.constant 0 : index
        %get3A_918 = tpu.vector_load %arg15[%get3A_916, %get3A_917] {strides = array<i32>} : memref<1000x32xf32, #tpu.memory_space<vmem>>, vector<16xf32>,
        %get3A_919 = arith.index_cast %squeeze3A_915 : i32 to index
        %get3A_920 = arith.constant 16 : index
        %get3A_921 = tpu.vector_load %arg15[%get3A_919, %get3A_920] {strides = array<i32>} : memref<1000x32xf32, #tpu.memory_space<vmem>>, vector<16xf32>,
        %slice3A_922 = vector.extract_strided_slice %select_n3A_838 {offsets = [5], sizes = [1], strides = [1]} : vector<16xf32> to vector<1xf32>
        %squeeze3A_923 = vector.extract %slice3A_922[0] : f32 from vector<1xf32>
        %broadcast_in_dim3A_924 = vector.broadcast %squeeze3A_923 : f32 to vector<16xf32>
        %mul3A_925 = arith.mulf %broadcast_in_dim3A_924, %get3A_918 : vector<16xf32>
        %add3A_926 = arith.addf %add3A_786, %mul3A_925 : vector<16xf32>
        %mul3A_927 = arith.mulf %broadcast_in_dim3A_924, %get3A_921 : vector<16xf32>
        %add3A_928 = arith.addf %add3A_788, %mul3A_927 : vector<16xf32>
        %slice3A_929 = vector.extract_strided_slice %get3A_824 {offsets = [6], sizes = [1], strides = [1]} : vector<16xi32> to vector<1xi32>
        %squeeze3A_930 = vector.extract %slice3A_929[0] : i32 from vector<1xi32>
        %get3A_931 = arith.index_cast %squeeze3A_930 : i32 to index
        %get3A_932 = arith.constant 0 : index
        %get3A_933 = tpu.vector_load %arg15[%get3A_931, %get3A_932] {strides = array<i32>} : memref<1000x32xf32, #tpu.memory_space<vmem>>, vector<16xf32>,
        %get3A_934 = arith.index_cast %squeeze3A_930 : i32 to index
        %get3A_935 = arith.constant 16 : index
        %get3A_936 = tpu.vector_load %arg15[%get3A_934, %get3A_935] {strides = array<i32>} : memref<1000x32xf32, #tpu.memory_space<vmem>>, vector<16xf32>,
        %slice3A_937 = vector.extract_strided_slice %select_n3A_838 {offsets = [6], sizes = [1], strides = [1]} : vector<16xf32> to vector<1xf32>
        %squeeze3A_938 = vector.extract %slice3A_937[0] : f32 from vector<1xf32>
        %broadcast_in_dim3A_939 = vector.broadcast %squeeze3A_938 : f32 to vector<16xf32>
        %mul3A_940 = arith.mulf %broadcast_in_dim3A_939, %get3A_933 : vector<16xf32>
        %add3A_941 = arith.addf %add3A_801, %mul3A_940 : vector<16xf32>
        %mul3A_942 = arith.mulf %broadcast_in_dim3A_939, %get3A_936 : vector<16xf32>
        %add3A_943 = arith.addf %add3A_803, %mul3A_942 : vector<16xf32>
        %slice3A_944 = vector.extract_strided_slice %get3A_824 {offsets = [7], sizes = [1], strides = [1]} : vector<16xi32> to vector<1xi32>
        %squeeze3A_945 = vector.extract %slice3A_944[0] : i32 from vector<1xi32>
        %get3A_946 = arith.index_cast %squeeze3A_945 : i32 to index
        %get3A_947 = arith.constant 0 : index
        %get3A_948 = tpu.vector_load %arg15[%get3A_946, %get3A_947] {strides = array<i32>} : memref<1000x32xf32, #tpu.memory_space<vmem>>, vector<16xf32>,
        %get3A_949 = arith.index_cast %squeeze3A_945 : i32 to index
        %get3A_950 = arith.constant 16 : index
        %get3A_951 = tpu.vector_load %arg15[%get3A_949, %get3A_950] {strides = array<i32>} : memref<1000x32xf32, #tpu.memory_space<vmem>>, vector<16xf32>,
        %slice3A_952 = vector.extract_strided_slice %select_n3A_838 {offsets = [7], sizes = [1], strides = [1]} : vector<16xf32> to vector<1xf32>
        %squeeze3A_953 = vector.extract %slice3A_952[0] : f32 from vector<1xf32>
        %broadcast_in_dim3A_954 = vector.broadcast %squeeze3A_953 : f32 to vector<16xf32>
        %mul3A_955 = arith.mulf %broadcast_in_dim3A_954, %get3A_948 : vector<16xf32>
        %add3A_956 = arith.addf %add3A_816, %mul3A_955 : vector<16xf32>
        %mul3A_957 = arith.mulf %broadcast_in_dim3A_954, %get3A_951 : vector<16xf32>
        %add3A_958 = arith.addf %add3A_818, %mul3A_957 : vector<16xf32>
        %mul3A_959 = arith.constant 8 : i32
        %mul3A_960 = arith.muli %scan3A_122, %mul3A_959 : i32
        %get3A_961 = arith.constant 6 : i32
        %get3A_962 = arith.index_cast %get3A_961 : i32 to index
        %get3A_963 = arith.index_cast %mul3A_960 : i32 to index
        %get3A_964 = tpu.vector_load %arg18[%get3A_962, %get3A_963] {strides = array<i32>} : memref<20x72xi32, #tpu.memory_space<vmem>>, vector<16xi32>,
        %mul3A_965 = arith.constant 8 : i32
        %mul3A_966 = arith.muli %scan3A_122, %mul3A_965 : i32
        %get3A_967 = arith.constant 6 : i32
        %get3A_968 = arith.index_cast %get3A_967 : i32 to index
        %get3A_969 = arith.index_cast %mul3A_966 : i32 to index
        %get3A_970 = tpu.vector_load %arg19[%get3A_968, %get3A_969] {strides = array<i32>} : memref<20x72xi32, #tpu.memory_space<vmem>>, vector<16xi32>,
        %ne3A_971 = arith.constant 0 : i32
        %ne3A_972 = vector.broadcast %ne3A_971 : i32 to vector<16xi32>
        %ne3A_973 = arith.cmpi ne, %get3A_970, %ne3A_972 : vector<16xi32>
        %get3A_974 = arith.constant 6 : i32
        %get3A_975 = arith.index_cast %get3A_974 : i32 to index
        %get3A_976 = arith.constant 0 : index
        %get3A_977 = tpu.vector_load %arg17[%get3A_975, %get3A_976] {strides = array<i32>} : memref<20x16xf32, #tpu.memory_space<vmem>>, vector<16xf32>,
        %select_n3A_978 = arith.select %ne3A_973, %get3A_977, %broadcast_in_dim3A_1 : vector<16xi1>, vector<16xf32>
        %slice3A_979 = vector.extract_strided_slice %get3A_964 {offsets = [0], sizes = [1], strides = [1]} : vector<16xi32> to vector<1xi32>
        %squeeze3A_980 = vector.extract %slice3A_979[0] : i32 from vector<1xi32>
        %get3A_981 = arith.index_cast %squeeze3A_980 : i32 to index
        %get3A_982 = arith.constant 0 : index
        %get3A_983 = tpu.vector_load %arg15[%get3A_981, %get3A_982] {strides = array<i32>} : memref<1000x32xf32, #tpu.memory_space<vmem>>, vector<16xf32>,
        %get3A_984 = arith.index_cast %squeeze3A_980 : i32 to index
        %get3A_985 = arith.constant 16 : index
        %get3A_986 = tpu.vector_load %arg15[%get3A_984, %get3A_985] {strides = array<i32>} : memref<1000x32xf32, #tpu.memory_space<vmem>>, vector<16xf32>,
        %slice3A_987 = vector.extract_strided_slice %select_n3A_978 {offsets = [0], sizes = [1], strides = [1]} : vector<16xf32> to vector<1xf32>
        %squeeze3A_988 = vector.extract %slice3A_987[0] : f32 from vector<1xf32>
        %broadcast_in_dim3A_989 = vector.broadcast %squeeze3A_988 : f32 to vector<16xf32>
        %mul3A_990 = arith.mulf %broadcast_in_dim3A_989, %get3A_983 : vector<16xf32>
        %add3A_991 = arith.addf %add3A_851, %mul3A_990 : vector<16xf32>
        %mul3A_992 = arith.mulf %broadcast_in_dim3A_989, %get3A_986 : vector<16xf32>
        %add3A_993 = arith.addf %add3A_853, %mul3A_992 : vector<16xf32>
        %slice3A_994 = vector.extract_strided_slice %get3A_964 {offsets = [1], sizes = [1], strides = [1]} : vector<16xi32> to vector<1xi32>
        %squeeze3A_995 = vector.extract %slice3A_994[0] : i32 from vector<1xi32>
        %get3A_996 = arith.index_cast %squeeze3A_995 : i32 to index
        %get3A_997 = arith.constant 0 : index
        %get3A_998 = tpu.vector_load %arg15[%get3A_996, %get3A_997] {strides = array<i32>} : memref<1000x32xf32, #tpu.memory_space<vmem>>, vector<16xf32>,
        %get3A_999 = arith.index_cast %squeeze3A_995 : i32 to index
        %get3A_1000 = arith.constant 16 : index
        %get3A_1001 = tpu.vector_load %arg15[%get3A_999, %get3A_1000] {strides = array<i32>} : memref<1000x32xf32, #tpu.memory_space<vmem>>, vector<16xf32>,
        %slice3A_1002 = vector.extract_strided_slice %select_n3A_978 {offsets = [1], sizes = [1], strides = [1]} : vector<16xf32> to vector<1xf32>
        %squeeze3A_1003 = vector.extract %slice3A_1002[0] : f32 from vector<1xf32>
        %broadcast_in_dim3A_1004 = vector.broadcast %squeeze3A_1003 : f32 to vector<16xf32>
        %mul3A_1005 = arith.mulf %broadcast_in_dim3A_1004, %get3A_998 : vector<16xf32>
        %add3A_1006 = arith.addf %add3A_866, %mul3A_1005 : vector<16xf32>
        %mul3A_1007 = arith.mulf %broadcast_in_dim3A_1004, %get3A_1001 : vector<16xf32>
        %add3A_1008 = arith.addf %add3A_868, %mul3A_1007 : vector<16xf32>
        %slice3A_1009 = vector.extract_strided_slice %get3A_964 {offsets = [2], sizes = [1], strides = [1]} : vector<16xi32> to vector<1xi32>
        %squeeze3A_1010 = vector.extract %slice3A_1009[0] : i32 from vector<1xi32>
        %get3A_1011 = arith.index_cast %squeeze3A_1010 : i32 to index
        %get3A_1012 = arith.constant 0 : index
        %get3A_1013 = tpu.vector_load %arg15[%get3A_1011, %get3A_1012] {strides = array<i32>} : memref<1000x32xf32, #tpu.memory_space<vmem>>, vector<16xf32>,
        %get3A_1014 = arith.index_cast %squeeze3A_1010 : i32 to index
        %get3A_1015 = arith.constant 16 : index
        %get3A_1016 = tpu.vector_load %arg15[%get3A_1014, %get3A_1015] {strides = array<i32>} : memref<1000x32xf32, #tpu.memory_space<vmem>>, vector<16xf32>,
        %slice3A_1017 = vector.extract_strided_slice %select_n3A_978 {offsets = [2], sizes = [1], strides = [1]} : vector<16xf32> to vector<1xf32>
        %squeeze3A_1018 = vector.extract %slice3A_1017[0] : f32 from vector<1xf32>
        %broadcast_in_dim3A_1019 = vector.broadcast %squeeze3A_1018 : f32 to vector<16xf32>
        %mul3A_1020 = arith.mulf %broadcast_in_dim3A_1019, %get3A_1013 : vector<16xf32>
        %add3A_1021 = arith.addf %add3A_881, %mul3A_1020 : vector<16xf32>
        %mul3A_1022 = arith.mulf %broadcast_in_dim3A_1019, %get3A_1016 : vector<16xf32>
        %add3A_1023 = arith.addf %add3A_883, %mul3A_1022 : vector<16xf32>
        %slice3A_1024 = vector.extract_strided_slice %get3A_964 {offsets = [3], sizes = [1], strides = [1]} : vector<16xi32> to vector<1xi32>
        %squeeze3A_1025 = vector.extract %slice3A_1024[0] : i32 from vector<1xi32>
        %get3A_1026 = arith.index_cast %squeeze3A_1025 : i32 to index
        %get3A_1027 = arith.constant 0 : index
        %get3A_1028 = tpu.vector_load %arg15[%get3A_1026, %get3A_1027] {strides = array<i32>} : memref<1000x32xf32, #tpu.memory_space<vmem>>, vector<16xf32>,
        %get3A_1029 = arith.index_cast %squeeze3A_1025 : i32 to index
        %get3A_1030 = arith.constant 16 : index
        %get3A_1031 = tpu.vector_load %arg15[%get3A_1029, %get3A_1030] {strides = array<i32>} : memref<1000x32xf32, #tpu.memory_space<vmem>>, vector<16xf32>,
        %slice3A_1032 = vector.extract_strided_slice %select_n3A_978 {offsets = [3], sizes = [1], strides = [1]} : vector<16xf32> to vector<1xf32>
        %squeeze3A_1033 = vector.extract %slice3A_1032[0] : f32 from vector<1xf32>
        %broadcast_in_dim3A_1034 = vector.broadcast %squeeze3A_1033 : f32 to vector<16xf32>
        %mul3A_1035 = arith.mulf %broadcast_in_dim3A_1034, %get3A_1028 : vector<16xf32>
        %add3A_1036 = arith.addf %add3A_896, %mul3A_1035 : vector<16xf32>
        %mul3A_1037 = arith.mulf %broadcast_in_dim3A_1034, %get3A_1031 : vector<16xf32>
        %add3A_1038 = arith.addf %add3A_898, %mul3A_1037 : vector<16xf32>
        %slice3A_1039 = vector.extract_strided_slice %get3A_964 {offsets = [4], sizes = [1], strides = [1]} : vector<16xi32> to vector<1xi32>
        %squeeze3A_1040 = vector.extract %slice3A_1039[0] : i32 from vector<1xi32>
        %get3A_1041 = arith.index_cast %squeeze3A_1040 : i32 to index
        %get3A_1042 = arith.constant 0 : index
        %get3A_1043 = tpu.vector_load %arg15[%get3A_1041, %get3A_1042] {strides = array<i32>} : memref<1000x32xf32, #tpu.memory_space<vmem>>, vector<16xf32>,
        %get3A_1044 = arith.index_cast %squeeze3A_1040 : i32 to index
        %get3A_1045 = arith.constant 16 : index
        %get3A_1046 = tpu.vector_load %arg15[%get3A_1044, %get3A_1045] {strides = array<i32>} : memref<1000x32xf32, #tpu.memory_space<vmem>>, vector<16xf32>,
        %slice3A_1047 = vector.extract_strided_slice %select_n3A_978 {offsets = [4], sizes = [1], strides = [1]} : vector<16xf32> to vector<1xf32>
        %squeeze3A_1048 = vector.extract %slice3A_1047[0] : f32 from vector<1xf32>
        %broadcast_in_dim3A_1049 = vector.broadcast %squeeze3A_1048 : f32 to vector<16xf32>
        %mul3A_1050 = arith.mulf %broadcast_in_dim3A_1049, %get3A_1043 : vector<16xf32>
        %add3A_1051 = arith.addf %add3A_911, %mul3A_1050 : vector<16xf32>
        %mul3A_1052 = arith.mulf %broadcast_in_dim3A_1049, %get3A_1046 : vector<16xf32>
        %add3A_1053 = arith.addf %add3A_913, %mul3A_1052 : vector<16xf32>
        %slice3A_1054 = vector.extract_strided_slice %get3A_964 {offsets = [5], sizes = [1], strides = [1]} : vector<16xi32> to vector<1xi32>
        %squeeze3A_1055 = vector.extract %slice3A_1054[0] : i32 from vector<1xi32>
        %get3A_1056 = arith.index_cast %squeeze3A_1055 : i32 to index
        %get3A_1057 = arith.constant 0 : index
        %get3A_1058 = tpu.vector_load %arg15[%get3A_1056, %get3A_1057] {strides = array<i32>} : memref<1000x32xf32, #tpu.memory_space<vmem>>, vector<16xf32>,
        %get3A_1059 = arith.index_cast %squeeze3A_1055 : i32 to index
        %get3A_1060 = arith.constant 16 : index
        %get3A_1061 = tpu.vector_load %arg15[%get3A_1059, %get3A_1060] {strides = array<i32>} : memref<1000x32xf32, #tpu.memory_space<vmem>>, vector<16xf32>,
        %slice3A_1062 = vector.extract_strided_slice %select_n3A_978 {offsets = [5], sizes = [1], strides = [1]} : vector<16xf32> to vector<1xf32>
        %squeeze3A_1063 = vector.extract %slice3A_1062[0] : f32 from vector<1xf32>
        %broadcast_in_dim3A_1064 = vector.broadcast %squeeze3A_1063 : f32 to vector<16xf32>
        %mul3A_1065 = arith.mulf %broadcast_in_dim3A_1064, %get3A_1058 : vector<16xf32>
        %add3A_1066 = arith.addf %add3A_926, %mul3A_1065 : vector<16xf32>
        %mul3A_1067 = arith.mulf %broadcast_in_dim3A_1064, %get3A_1061 : vector<16xf32>
        %add3A_1068 = arith.addf %add3A_928, %mul3A_1067 : vector<16xf32>
        %slice3A_1069 = vector.extract_strided_slice %get3A_964 {offsets = [6], sizes = [1], strides = [1]} : vector<16xi32> to vector<1xi32>
        %squeeze3A_1070 = vector.extract %slice3A_1069[0] : i32 from vector<1xi32>
        %get3A_1071 = arith.index_cast %squeeze3A_1070 : i32 to index
        %get3A_1072 = arith.constant 0 : index
        %get3A_1073 = tpu.vector_load %arg15[%get3A_1071, %get3A_1072] {strides = array<i32>} : memref<1000x32xf32, #tpu.memory_space<vmem>>, vector<16xf32>,
        %get3A_1074 = arith.index_cast %squeeze3A_1070 : i32 to index
        %get3A_1075 = arith.constant 16 : index
        %get3A_1076 = tpu.vector_load %arg15[%get3A_1074, %get3A_1075] {strides = array<i32>} : memref<1000x32xf32, #tpu.memory_space<vmem>>, vector<16xf32>,
        %slice3A_1077 = vector.extract_strided_slice %select_n3A_978 {offsets = [6], sizes = [1], strides = [1]} : vector<16xf32> to vector<1xf32>
        %squeeze3A_1078 = vector.extract %slice3A_1077[0] : f32 from vector<1xf32>
        %broadcast_in_dim3A_1079 = vector.broadcast %squeeze3A_1078 : f32 to vector<16xf32>
        %mul3A_1080 = arith.mulf %broadcast_in_dim3A_1079, %get3A_1073 : vector<16xf32>
        %add3A_1081 = arith.addf %add3A_941, %mul3A_1080 : vector<16xf32>
        %mul3A_1082 = arith.mulf %broadcast_in_dim3A_1079, %get3A_1076 : vector<16xf32>
        %add3A_1083 = arith.addf %add3A_943, %mul3A_1082 : vector<16xf32>
        %slice3A_1084 = vector.extract_strided_slice %get3A_964 {offsets = [7], sizes = [1], strides = [1]} : vector<16xi32> to vector<1xi32>
        %squeeze3A_1085 = vector.extract %slice3A_1084[0] : i32 from vector<1xi32>
        %get3A_1086 = arith.index_cast %squeeze3A_1085 : i32 to index
        %get3A_1087 = arith.constant 0 : index
        %get3A_1088 = tpu.vector_load %arg15[%get3A_1086, %get3A_1087] {strides = array<i32>} : memref<1000x32xf32, #tpu.memory_space<vmem>>, vector<16xf32>,
        %get3A_1089 = arith.index_cast %squeeze3A_1085 : i32 to index
        %get3A_1090 = arith.constant 16 : index
        %get3A_1091 = tpu.vector_load %arg15[%get3A_1089, %get3A_1090] {strides = array<i32>} : memref<1000x32xf32, #tpu.memory_space<vmem>>, vector<16xf32>,
        %slice3A_1092 = vector.extract_strided_slice %select_n3A_978 {offsets = [7], sizes = [1], strides = [1]} : vector<16xf32> to vector<1xf32>
        %squeeze3A_1093 = vector.extract %slice3A_1092[0] : f32 from vector<1xf32>
        %broadcast_in_dim3A_1094 = vector.broadcast %squeeze3A_1093 : f32 to vector<16xf32>
        %mul3A_1095 = arith.mulf %broadcast_in_dim3A_1094, %get3A_1088 : vector<16xf32>
        %add3A_1096 = arith.addf %add3A_956, %mul3A_1095 : vector<16xf32>
        %mul3A_1097 = arith.mulf %broadcast_in_dim3A_1094, %get3A_1091 : vector<16xf32>
        %add3A_1098 = arith.addf %add3A_958, %mul3A_1097 : vector<16xf32>
        %mul3A_1099 = arith.constant 8 : i32
        %mul3A_1100 = arith.muli %scan3A_122, %mul3A_1099 : i32
        %get3A_1101 = arith.constant 7 : i32
        %get3A_1102 = arith.index_cast %get3A_1101 : i32 to index
        %get3A_1103 = arith.index_cast %mul3A_1100 : i32 to index
        %get3A_1104 = tpu.vector_load %arg18[%get3A_1102, %get3A_1103] {strides = array<i32>} : memref<20x72xi32, #tpu.memory_space<vmem>>, vector<16xi32>,
        %mul3A_1105 = arith.constant 8 : i32
        %mul3A_1106 = arith.muli %scan3A_122, %mul3A_1105 : i32
        %get3A_1107 = arith.constant 7 : i32
        %get3A_1108 = arith.index_cast %get3A_1107 : i32 to index
        %get3A_1109 = arith.index_cast %mul3A_1106 : i32 to index
        %get3A_1110 = tpu.vector_load %arg19[%get3A_1108, %get3A_1109] {strides = array<i32>} : memref<20x72xi32, #tpu.memory_space<vmem>>, vector<16xi32>,
        %ne3A_1111 = arith.constant 0 : i32
        %ne3A_1112 = vector.broadcast %ne3A_1111 : i32 to vector<16xi32>
        %ne3A_1113 = arith.cmpi ne, %get3A_1110, %ne3A_1112 : vector<16xi32>
        %get3A_1114 = arith.constant 7 : i32
        %get3A_1115 = arith.index_cast %get3A_1114 : i32 to index
        %get3A_1116 = arith.constant 0 : index
        %get3A_1117 = tpu.vector_load %arg17[%get3A_1115, %get3A_1116] {strides = array<i32>} : memref<20x16xf32, #tpu.memory_space<vmem>>, vector<16xf32>,
        %select_n3A_1118 = arith.select %ne3A_1113, %get3A_1117, %broadcast_in_dim3A_1 : vector<16xi1>, vector<16xf32>
        %slice3A_1119 = vector.extract_strided_slice %get3A_1104 {offsets = [0], sizes = [1], strides = [1]} : vector<16xi32> to vector<1xi32>
        %squeeze3A_1120 = vector.extract %slice3A_1119[0] : i32 from vector<1xi32>
        %get3A_1121 = arith.index_cast %squeeze3A_1120 : i32 to index
        %get3A_1122 = arith.constant 0 : index
        %get3A_1123 = tpu.vector_load %arg15[%get3A_1121, %get3A_1122] {strides = array<i32>} : memref<1000x32xf32, #tpu.memory_space<vmem>>, vector<16xf32>,
        %get3A_1124 = arith.index_cast %squeeze3A_1120 : i32 to index
        %get3A_1125 = arith.constant 16 : index
        %get3A_1126 = tpu.vector_load %arg15[%get3A_1124, %get3A_1125] {strides = array<i32>} : memref<1000x32xf32, #tpu.memory_space<vmem>>, vector<16xf32>,
        %slice3A_1127 = vector.extract_strided_slice %select_n3A_1118 {offsets = [0], sizes = [1], strides = [1]} : vector<16xf32> to vector<1xf32>
        %squeeze3A_1128 = vector.extract %slice3A_1127[0] : f32 from vector<1xf32>
        %broadcast_in_dim3A_1129 = vector.broadcast %squeeze3A_1128 : f32 to vector<16xf32>
        %mul3A_1130 = arith.mulf %broadcast_in_dim3A_1129, %get3A_1123 : vector<16xf32>
        %add3A_1131 = arith.addf %add3A_991, %mul3A_1130 : vector<16xf32>
        %mul3A_1132 = arith.mulf %broadcast_in_dim3A_1129, %get3A_1126 : vector<16xf32>
        %add3A_1133 = arith.addf %add3A_993, %mul3A_1132 : vector<16xf32>
        %slice3A_1134 = vector.extract_strided_slice %get3A_1104 {offsets = [1], sizes = [1], strides = [1]} : vector<16xi32> to vector<1xi32>
        %squeeze3A_1135 = vector.extract %slice3A_1134[0] : i32 from vector<1xi32>
        %get3A_1136 = arith.index_cast %squeeze3A_1135 : i32 to index
        %get3A_1137 = arith.constant 0 : index
        %get3A_1138 = tpu.vector_load %arg15[%get3A_1136, %get3A_1137] {strides = array<i32>} : memref<1000x32xf32, #tpu.memory_space<vmem>>, vector<16xf32>,
        %get3A_1139 = arith.index_cast %squeeze3A_1135 : i32 to index
        %get3A_1140 = arith.constant 16 : index
        %get3A_1141 = tpu.vector_load %arg15[%get3A_1139, %get3A_1140] {strides = array<i32>} : memref<1000x32xf32, #tpu.memory_space<vmem>>, vector<16xf32>,
        %slice3A_1142 = vector.extract_strided_slice %select_n3A_1118 {offsets = [1], sizes = [1], strides = [1]} : vector<16xf32> to vector<1xf32>
        %squeeze3A_1143 = vector.extract %slice3A_1142[0] : f32 from vector<1xf32>
        %broadcast_in_dim3A_1144 = vector.broadcast %squeeze3A_1143 : f32 to vector<16xf32>
        %mul3A_1145 = arith.mulf %broadcast_in_dim3A_1144, %get3A_1138 : vector<16xf32>
        %add3A_1146 = arith.addf %add3A_1006, %mul3A_1145 : vector<16xf32>
        %mul3A_1147 = arith.mulf %broadcast_in_dim3A_1144, %get3A_1141 : vector<16xf32>
        %add3A_1148 = arith.addf %add3A_1008, %mul3A_1147 : vector<16xf32>
        %slice3A_1149 = vector.extract_strided_slice %get3A_1104 {offsets = [2], sizes = [1], strides = [1]} : vector<16xi32> to vector<1xi32>
        %squeeze3A_1150 = vector.extract %slice3A_1149[0] : i32 from vector<1xi32>
        %get3A_1151 = arith.index_cast %squeeze3A_1150 : i32 to index
        %get3A_1152 = arith.constant 0 : index
        %get3A_1153 = tpu.vector_load %arg15[%get3A_1151, %get3A_1152] {strides = array<i32>} : memref<1000x32xf32, #tpu.memory_space<vmem>>, vector<16xf32>,
        %get3A_1154 = arith.index_cast %squeeze3A_1150 : i32 to index
        %get3A_1155 = arith.constant 16 : index
        %get3A_1156 = tpu.vector_load %arg15[%get3A_1154, %get3A_1155] {strides = array<i32>} : memref<1000x32xf32, #tpu.memory_space<vmem>>, vector<16xf32>,
        %slice3A_1157 = vector.extract_strided_slice %select_n3A_1118 {offsets = [2], sizes = [1], strides = [1]} : vector<16xf32> to vector<1xf32>
        %squeeze3A_1158 = vector.extract %slice3A_1157[0] : f32 from vector<1xf32>
        %broadcast_in_dim3A_1159 = vector.broadcast %squeeze3A_1158 : f32 to vector<16xf32>
        %mul3A_1160 = arith.mulf %broadcast_in_dim3A_1159, %get3A_1153 : vector<16xf32>
        %add3A_1161 = arith.addf %add3A_1021, %mul3A_1160 : vector<16xf32>
        %mul3A_1162 = arith.mulf %broadcast_in_dim3A_1159, %get3A_1156 : vector<16xf32>
        %add3A_1163 = arith.addf %add3A_1023, %mul3A_1162 : vector<16xf32>
        %slice3A_1164 = vector.extract_strided_slice %get3A_1104 {offsets = [3], sizes = [1], strides = [1]} : vector<16xi32> to vector<1xi32>
        %squeeze3A_1165 = vector.extract %slice3A_1164[0] : i32 from vector<1xi32>
        %get3A_1166 = arith.index_cast %squeeze3A_1165 : i32 to index
        %get3A_1167 = arith.constant 0 : index
        %get3A_1168 = tpu.vector_load %arg15[%get3A_1166, %get3A_1167] {strides = array<i32>} : memref<1000x32xf32, #tpu.memory_space<vmem>>, vector<16xf32>,
        %get3A_1169 = arith.index_cast %squeeze3A_1165 : i32 to index
        %get3A_1170 = arith.constant 16 : index
        %get3A_1171 = tpu.vector_load %arg15[%get3A_1169, %get3A_1170] {strides = array<i32>} : memref<1000x32xf32, #tpu.memory_space<vmem>>, vector<16xf32>,
        %slice3A_1172 = vector.extract_strided_slice %select_n3A_1118 {offsets = [3], sizes = [1], strides = [1]} : vector<16xf32> to vector<1xf32>
        %squeeze3A_1173 = vector.extract %slice3A_1172[0] : f32 from vector<1xf32>
        %broadcast_in_dim3A_1174 = vector.broadcast %squeeze3A_1173 : f32 to vector<16xf32>
        %mul3A_1175 = arith.mulf %broadcast_in_dim3A_1174, %get3A_1168 : vector<16xf32>
        %add3A_1176 = arith.addf %add3A_1036, %mul3A_1175 : vector<16xf32>
        %mul3A_1177 = arith.mulf %broadcast_in_dim3A_1174, %get3A_1171 : vector<16xf32>
        %add3A_1178 = arith.addf %add3A_1038, %mul3A_1177 : vector<16xf32>
        %slice3A_1179 = vector.extract_strided_slice %get3A_1104 {offsets = [4], sizes = [1], strides = [1]} : vector<16xi32> to vector<1xi32>
        %squeeze3A_1180 = vector.extract %slice3A_1179[0] : i32 from vector<1xi32>
        %get3A_1181 = arith.index_cast %squeeze3A_1180 : i32 to index
        %get3A_1182 = arith.constant 0 : index
        %get3A_1183 = tpu.vector_load %arg15[%get3A_1181, %get3A_1182] {strides = array<i32>} : memref<1000x32xf32, #tpu.memory_space<vmem>>, vector<16xf32>,
        %get3A_1184 = arith.index_cast %squeeze3A_1180 : i32 to index
        %get3A_1185 = arith.constant 16 : index
        %get3A_1186 = tpu.vector_load %arg15[%get3A_1184, %get3A_1185] {strides = array<i32>} : memref<1000x32xf32, #tpu.memory_space<vmem>>, vector<16xf32>,
        %slice3A_1187 = vector.extract_strided_slice %select_n3A_1118 {offsets = [4], sizes = [1], strides = [1]} : vector<16xf32> to vector<1xf32>
        %squeeze3A_1188 = vector.extract %slice3A_1187[0] : f32 from vector<1xf32>
        %broadcast_in_dim3A_1189 = vector.broadcast %squeeze3A_1188 : f32 to vector<16xf32>
        %mul3A_1190 = arith.mulf %broadcast_in_dim3A_1189, %get3A_1183 : vector<16xf32>
        %add3A_1191 = arith.addf %add3A_1051, %mul3A_1190 : vector<16xf32>
        %mul3A_1192 = arith.mulf %broadcast_in_dim3A_1189, %get3A_1186 : vector<16xf32>
        %add3A_1193 = arith.addf %add3A_1053, %mul3A_1192 : vector<16xf32>
        %slice3A_1194 = vector.extract_strided_slice %get3A_1104 {offsets = [5], sizes = [1], strides = [1]} : vector<16xi32> to vector<1xi32>
        %squeeze3A_1195 = vector.extract %slice3A_1194[0] : i32 from vector<1xi32>
        %get3A_1196 = arith.index_cast %squeeze3A_1195 : i32 to index
        %get3A_1197 = arith.constant 0 : index
        %get3A_1198 = tpu.vector_load %arg15[%get3A_1196, %get3A_1197] {strides = array<i32>} : memref<1000x32xf32, #tpu.memory_space<vmem>>, vector<16xf32>,
        %get3A_1199 = arith.index_cast %squeeze3A_1195 : i32 to index
        %get3A_1200 = arith.constant 16 : index
        %get3A_1201 = tpu.vector_load %arg15[%get3A_1199, %get3A_1200] {strides = array<i32>} : memref<1000x32xf32, #tpu.memory_space<vmem>>, vector<16xf32>,
        %slice3A_1202 = vector.extract_strided_slice %select_n3A_1118 {offsets = [5], sizes = [1], strides = [1]} : vector<16xf32> to vector<1xf32>
        %squeeze3A_1203 = vector.extract %slice3A_1202[0] : f32 from vector<1xf32>
        %broadcast_in_dim3A_1204 = vector.broadcast %squeeze3A_1203 : f32 to vector<16xf32>
        %mul3A_1205 = arith.mulf %broadcast_in_dim3A_1204, %get3A_1198 : vector<16xf32>
        %add3A_1206 = arith.addf %add3A_1066, %mul3A_1205 : vector<16xf32>
        %mul3A_1207 = arith.mulf %broadcast_in_dim3A_1204, %get3A_1201 : vector<16xf32>
        %add3A_1208 = arith.addf %add3A_1068, %mul3A_1207 : vector<16xf32>
        %slice3A_1209 = vector.extract_strided_slice %get3A_1104 {offsets = [6], sizes = [1], strides = [1]} : vector<16xi32> to vector<1xi32>
        %squeeze3A_1210 = vector.extract %slice3A_1209[0] : i32 from vector<1xi32>
        %get3A_1211 = arith.index_cast %squeeze3A_1210 : i32 to index
        %get3A_1212 = arith.constant 0 : index
        %get3A_1213 = tpu.vector_load %arg15[%get3A_1211, %get3A_1212] {strides = array<i32>} : memref<1000x32xf32, #tpu.memory_space<vmem>>, vector<16xf32>,
        %get3A_1214 = arith.index_cast %squeeze3A_1210 : i32 to index
        %get3A_1215 = arith.constant 16 : index
        %get3A_1216 = tpu.vector_load %arg15[%get3A_1214, %get3A_1215] {strides = array<i32>} : memref<1000x32xf32, #tpu.memory_space<vmem>>, vector<16xf32>,
        %slice3A_1217 = vector.extract_strided_slice %select_n3A_1118 {offsets = [6], sizes = [1], strides = [1]} : vector<16xf32> to vector<1xf32>
        %squeeze3A_1218 = vector.extract %slice3A_1217[0] : f32 from vector<1xf32>
        %broadcast_in_dim3A_1219 = vector.broadcast %squeeze3A_1218 : f32 to vector<16xf32>
        %mul3A_1220 = arith.mulf %broadcast_in_dim3A_1219, %get3A_1213 : vector<16xf32>
        %add3A_1221 = arith.addf %add3A_1081, %mul3A_1220 : vector<16xf32>
        %mul3A_1222 = arith.mulf %broadcast_in_dim3A_1219, %get3A_1216 : vector<16xf32>
        %add3A_1223 = arith.addf %add3A_1083, %mul3A_1222 : vector<16xf32>
        %slice3A_1224 = vector.extract_strided_slice %get3A_1104 {offsets = [7], sizes = [1], strides = [1]} : vector<16xi32> to vector<1xi32>
        %squeeze3A_1225 = vector.extract %slice3A_1224[0] : i32 from vector<1xi32>
        %get3A_1226 = arith.index_cast %squeeze3A_1225 : i32 to index
        %get3A_1227 = arith.constant 0 : index
        %get3A_1228 = tpu.vector_load %arg15[%get3A_1226, %get3A_1227] {strides = array<i32>} : memref<1000x32xf32, #tpu.memory_space<vmem>>, vector<16xf32>,
        %get3A_1229 = arith.index_cast %squeeze3A_1225 : i32 to index
        %get3A_1230 = arith.constant 16 : index
        %get3A_1231 = tpu.vector_load %arg15[%get3A_1229, %get3A_1230] {strides = array<i32>} : memref<1000x32xf32, #tpu.memory_space<vmem>>, vector<16xf32>,
        %slice3A_1232 = vector.extract_strided_slice %select_n3A_1118 {offsets = [7], sizes = [1], strides = [1]} : vector<16xf32> to vector<1xf32>
        %squeeze3A_1233 = vector.extract %slice3A_1232[0] : f32 from vector<1xf32>
        %broadcast_in_dim3A_1234 = vector.broadcast %squeeze3A_1233 : f32 to vector<16xf32>
        %mul3A_1235 = arith.mulf %broadcast_in_dim3A_1234, %get3A_1228 : vector<16xf32>
        %add3A_1236 = arith.addf %add3A_1096, %mul3A_1235 : vector<16xf32>
        %mul3A_1237 = arith.mulf %broadcast_in_dim3A_1234, %get3A_1231 : vector<16xf32>
        %add3A_1238 = arith.addf %add3A_1098, %mul3A_1237 : vector<16xf32>
        %mul3A_1239 = arith.constant 8 : i32
        %mul3A_1240 = arith.muli %scan3A_122, %mul3A_1239 : i32
        %get3A_1241 = arith.constant 8 : i32
        %get3A_1242 = arith.index_cast %get3A_1241 : i32 to index
        %get3A_1243 = arith.index_cast %mul3A_1240 : i32 to index
        %get3A_1244 = tpu.vector_load %arg18[%get3A_1242, %get3A_1243] {strides = array<i32>} : memref<20x72xi32, #tpu.memory_space<vmem>>, vector<16xi32>,
        %mul3A_1245 = arith.constant 8 : i32
        %mul3A_1246 = arith.muli %scan3A_122, %mul3A_1245 : i32
        %get3A_1247 = arith.constant 8 : i32
        %get3A_1248 = arith.index_cast %get3A_1247 : i32 to index
        %get3A_1249 = arith.index_cast %mul3A_1246 : i32 to index
        %get3A_1250 = tpu.vector_load %arg19[%get3A_1248, %get3A_1249] {strides = array<i32>} : memref<20x72xi32, #tpu.memory_space<vmem>>, vector<16xi32>,
        %ne3A_1251 = arith.constant 0 : i32
        %ne3A_1252 = vector.broadcast %ne3A_1251 : i32 to vector<16xi32>
        %ne3A_1253 = arith.cmpi ne, %get3A_1250, %ne3A_1252 : vector<16xi32>
        %get3A_1254 = arith.constant 8 : i32
        %get3A_1255 = arith.index_cast %get3A_1254 : i32 to index
        %get3A_1256 = arith.constant 0 : index
        %get3A_1257 = tpu.vector_load %arg17[%get3A_1255, %get3A_1256] {strides = array<i32>} : memref<20x16xf32, #tpu.memory_space<vmem>>, vector<16xf32>,
        %select_n3A_1258 = arith.select %ne3A_1253, %get3A_1257, %broadcast_in_dim3A_1 : vector<16xi1>, vector<16xf32>
        %slice3A_1259 = vector.extract_strided_slice %get3A_1244 {offsets = [0], sizes = [1], strides = [1]} : vector<16xi32> to vector<1xi32>
        %squeeze3A_1260 = vector.extract %slice3A_1259[0] : i32 from vector<1xi32>
        %get3A_1261 = arith.index_cast %squeeze3A_1260 : i32 to index
        %get3A_1262 = arith.constant 0 : index
        %get3A_1263 = tpu.vector_load %arg15[%get3A_1261, %get3A_1262] {strides = array<i32>} : memref<1000x32xf32, #tpu.memory_space<vmem>>, vector<16xf32>,
        %get3A_1264 = arith.index_cast %squeeze3A_1260 : i32 to index
        %get3A_1265 = arith.constant 16 : index
        %get3A_1266 = tpu.vector_load %arg15[%get3A_1264, %get3A_1265] {strides = array<i32>} : memref<1000x32xf32, #tpu.memory_space<vmem>>, vector<16xf32>,
        %slice3A_1267 = vector.extract_strided_slice %select_n3A_1258 {offsets = [0], sizes = [1], strides = [1]} : vector<16xf32> to vector<1xf32>
        %squeeze3A_1268 = vector.extract %slice3A_1267[0] : f32 from vector<1xf32>
        %broadcast_in_dim3A_1269 = vector.broadcast %squeeze3A_1268 : f32 to vector<16xf32>
        %mul3A_1270 = arith.mulf %broadcast_in_dim3A_1269, %get3A_1263 : vector<16xf32>
        %add3A_1271 = arith.addf %add3A_1131, %mul3A_1270 : vector<16xf32>
        %mul3A_1272 = arith.mulf %broadcast_in_dim3A_1269, %get3A_1266 : vector<16xf32>
        %add3A_1273 = arith.addf %add3A_1133, %mul3A_1272 : vector<16xf32>
        %slice3A_1274 = vector.extract_strided_slice %get3A_1244 {offsets = [1], sizes = [1], strides = [1]} : vector<16xi32> to vector<1xi32>
        %squeeze3A_1275 = vector.extract %slice3A_1274[0] : i32 from vector<1xi32>
        %get3A_1276 = arith.index_cast %squeeze3A_1275 : i32 to index
        %get3A_1277 = arith.constant 0 : index
        %get3A_1278 = tpu.vector_load %arg15[%get3A_1276, %get3A_1277] {strides = array<i32>} : memref<1000x32xf32, #tpu.memory_space<vmem>>, vector<16xf32>,
        %get3A_1279 = arith.index_cast %squeeze3A_1275 : i32 to index
        %get3A_1280 = arith.constant 16 : index
        %get3A_1281 = tpu.vector_load %arg15[%get3A_1279, %get3A_1280] {strides = array<i32>} : memref<1000x32xf32, #tpu.memory_space<vmem>>, vector<16xf32>,
        %slice3A_1282 = vector.extract_strided_slice %select_n3A_1258 {offsets = [1], sizes = [1], strides = [1]} : vector<16xf32> to vector<1xf32>
        %squeeze3A_1283 = vector.extract %slice3A_1282[0] : f32 from vector<1xf32>
        %broadcast_in_dim3A_1284 = vector.broadcast %squeeze3A_1283 : f32 to vector<16xf32>
        %mul3A_1285 = arith.mulf %broadcast_in_dim3A_1284, %get3A_1278 : vector<16xf32>
        %add3A_1286 = arith.addf %add3A_1146, %mul3A_1285 : vector<16xf32>
        %mul3A_1287 = arith.mulf %broadcast_in_dim3A_1284, %get3A_1281 : vector<16xf32>
        %add3A_1288 = arith.addf %add3A_1148, %mul3A_1287 : vector<16xf32>
        %slice3A_1289 = vector.extract_strided_slice %get3A_1244 {offsets = [2], sizes = [1], strides = [1]} : vector<16xi32> to vector<1xi32>
        %squeeze3A_1290 = vector.extract %slice3A_1289[0] : i32 from vector<1xi32>
        %get3A_1291 = arith.index_cast %squeeze3A_1290 : i32 to index
        %get3A_1292 = arith.constant 0 : index
        %get3A_1293 = tpu.vector_load %arg15[%get3A_1291, %get3A_1292] {strides = array<i32>} : memref<1000x32xf32, #tpu.memory_space<vmem>>, vector<16xf32>,
        %get3A_1294 = arith.index_cast %squeeze3A_1290 : i32 to index
        %get3A_1295 = arith.constant 16 : index
        %get3A_1296 = tpu.vector_load %arg15[%get3A_1294, %get3A_1295] {strides = array<i32>} : memref<1000x32xf32, #tpu.memory_space<vmem>>, vector<16xf32>,
        %slice3A_1297 = vector.extract_strided_slice %select_n3A_1258 {offsets = [2], sizes = [1], strides = [1]} : vector<16xf32> to vector<1xf32>
        %squeeze3A_1298 = vector.extract %slice3A_1297[0] : f32 from vector<1xf32>
        %broadcast_in_dim3A_1299 = vector.broadcast %squeeze3A_1298 : f32 to vector<16xf32>
        %mul3A_1300 = arith.mulf %broadcast_in_dim3A_1299, %get3A_1293 : vector<16xf32>
        %add3A_1301 = arith.addf %add3A_1161, %mul3A_1300 : vector<16xf32>
        %mul3A_1302 = arith.mulf %broadcast_in_dim3A_1299, %get3A_1296 : vector<16xf32>
        %add3A_1303 = arith.addf %add3A_1163, %mul3A_1302 : vector<16xf32>
        %slice3A_1304 = vector.extract_strided_slice %get3A_1244 {offsets = [3], sizes = [1], strides = [1]} : vector<16xi32> to vector<1xi32>
        %squeeze3A_1305 = vector.extract %slice3A_1304[0] : i32 from vector<1xi32>
        %get3A_1306 = arith.index_cast %squeeze3A_1305 : i32 to index
        %get3A_1307 = arith.constant 0 : index
        %get3A_1308 = tpu.vector_load %arg15[%get3A_1306, %get3A_1307] {strides = array<i32>} : memref<1000x32xf32, #tpu.memory_space<vmem>>, vector<16xf32>,
        %get3A_1309 = arith.index_cast %squeeze3A_1305 : i32 to index
        %get3A_1310 = arith.constant 16 : index
        %get3A_1311 = tpu.vector_load %arg15[%get3A_1309, %get3A_1310] {strides = array<i32>} : memref<1000x32xf32, #tpu.memory_space<vmem>>, vector<16xf32>,
        %slice3A_1312 = vector.extract_strided_slice %select_n3A_1258 {offsets = [3], sizes = [1], strides = [1]} : vector<16xf32> to vector<1xf32>
        %squeeze3A_1313 = vector.extract %slice3A_1312[0] : f32 from vector<1xf32>
        %broadcast_in_dim3A_1314 = vector.broadcast %squeeze3A_1313 : f32 to vector<16xf32>
        %mul3A_1315 = arith.mulf %broadcast_in_dim3A_1314, %get3A_1308 : vector<16xf32>
        %add3A_1316 = arith.addf %add3A_1176, %mul3A_1315 : vector<16xf32>
        %mul3A_1317 = arith.mulf %broadcast_in_dim3A_1314, %get3A_1311 : vector<16xf32>
        %add3A_1318 = arith.addf %add3A_1178, %mul3A_1317 : vector<16xf32>
        %slice3A_1319 = vector.extract_strided_slice %get3A_1244 {offsets = [4], sizes = [1], strides = [1]} : vector<16xi32> to vector<1xi32>
        %squeeze3A_1320 = vector.extract %slice3A_1319[0] : i32 from vector<1xi32>
        %get3A_1321 = arith.index_cast %squeeze3A_1320 : i32 to index
        %get3A_1322 = arith.constant 0 : index
        %get3A_1323 = tpu.vector_load %arg15[%get3A_1321, %get3A_1322] {strides = array<i32>} : memref<1000x32xf32, #tpu.memory_space<vmem>>, vector<16xf32>,
        %get3A_1324 = arith.index_cast %squeeze3A_1320 : i32 to index
        %get3A_1325 = arith.constant 16 : index
        %get3A_1326 = tpu.vector_load %arg15[%get3A_1324, %get3A_1325] {strides = array<i32>} : memref<1000x32xf32, #tpu.memory_space<vmem>>, vector<16xf32>,
        %slice3A_1327 = vector.extract_strided_slice %select_n3A_1258 {offsets = [4], sizes = [1], strides = [1]} : vector<16xf32> to vector<1xf32>
        %squeeze3A_1328 = vector.extract %slice3A_1327[0] : f32 from vector<1xf32>
        %broadcast_in_dim3A_1329 = vector.broadcast %squeeze3A_1328 : f32 to vector<16xf32>
        %mul3A_1330 = arith.mulf %broadcast_in_dim3A_1329, %get3A_1323 : vector<16xf32>
        %add3A_1331 = arith.addf %add3A_1191, %mul3A_1330 : vector<16xf32>
        %mul3A_1332 = arith.mulf %broadcast_in_dim3A_1329, %get3A_1326 : vector<16xf32>
        %add3A_1333 = arith.addf %add3A_1193, %mul3A_1332 : vector<16xf32>
        %slice3A_1334 = vector.extract_strided_slice %get3A_1244 {offsets = [5], sizes = [1], strides = [1]} : vector<16xi32> to vector<1xi32>
        %squeeze3A_1335 = vector.extract %slice3A_1334[0] : i32 from vector<1xi32>
        %get3A_1336 = arith.index_cast %squeeze3A_1335 : i32 to index
        %get3A_1337 = arith.constant 0 : index
        %get3A_1338 = tpu.vector_load %arg15[%get3A_1336, %get3A_1337] {strides = array<i32>} : memref<1000x32xf32, #tpu.memory_space<vmem>>, vector<16xf32>,
        %get3A_1339 = arith.index_cast %squeeze3A_1335 : i32 to index
        %get3A_1340 = arith.constant 16 : index
        %get3A_1341 = tpu.vector_load %arg15[%get3A_1339, %get3A_1340] {strides = array<i32>} : memref<1000x32xf32, #tpu.memory_space<vmem>>, vector<16xf32>,
        %slice3A_1342 = vector.extract_strided_slice %select_n3A_1258 {offsets = [5], sizes = [1], strides = [1]} : vector<16xf32> to vector<1xf32>
        %squeeze3A_1343 = vector.extract %slice3A_1342[0] : f32 from vector<1xf32>
        %broadcast_in_dim3A_1344 = vector.broadcast %squeeze3A_1343 : f32 to vector<16xf32>
        %mul3A_1345 = arith.mulf %broadcast_in_dim3A_1344, %get3A_1338 : vector<16xf32>
        %add3A_1346 = arith.addf %add3A_1206, %mul3A_1345 : vector<16xf32>
        %mul3A_1347 = arith.mulf %broadcast_in_dim3A_1344, %get3A_1341 : vector<16xf32>
        %add3A_1348 = arith.addf %add3A_1208, %mul3A_1347 : vector<16xf32>
        %slice3A_1349 = vector.extract_strided_slice %get3A_1244 {offsets = [6], sizes = [1], strides = [1]} : vector<16xi32> to vector<1xi32>
        %squeeze3A_1350 = vector.extract %slice3A_1349[0] : i32 from vector<1xi32>
        %get3A_1351 = arith.index_cast %squeeze3A_1350 : i32 to index
        %get3A_1352 = arith.constant 0 : index
        %get3A_1353 = tpu.vector_load %arg15[%get3A_1351, %get3A_1352] {strides = array<i32>} : memref<1000x32xf32, #tpu.memory_space<vmem>>, vector<16xf32>,
        %get3A_1354 = arith.index_cast %squeeze3A_1350 : i32 to index
        %get3A_1355 = arith.constant 16 : index
        %get3A_1356 = tpu.vector_load %arg15[%get3A_1354, %get3A_1355] {strides = array<i32>} : memref<1000x32xf32, #tpu.memory_space<vmem>>, vector<16xf32>,
        %slice3A_1357 = vector.extract_strided_slice %select_n3A_1258 {offsets = [6], sizes = [1], strides = [1]} : vector<16xf32> to vector<1xf32>
        %squeeze3A_1358 = vector.extract %slice3A_1357[0] : f32 from vector<1xf32>
        %broadcast_in_dim3A_1359 = vector.broadcast %squeeze3A_1358 : f32 to vector<16xf32>
        %mul3A_1360 = arith.mulf %broadcast_in_dim3A_1359, %get3A_1353 : vector<16xf32>
        %add3A_1361 = arith.addf %add3A_1221, %mul3A_1360 : vector<16xf32>
        %mul3A_1362 = arith.mulf %broadcast_in_dim3A_1359, %get3A_1356 : vector<16xf32>
        %add3A_1363 = arith.addf %add3A_1223, %mul3A_1362 : vector<16xf32>
        %slice3A_1364 = vector.extract_strided_slice %get3A_1244 {offsets = [7], sizes = [1], strides = [1]} : vector<16xi32> to vector<1xi32>
        %squeeze3A_1365 = vector.extract %slice3A_1364[0] : i32 from vector<1xi32>
        %get3A_1366 = arith.index_cast %squeeze3A_1365 : i32 to index
        %get3A_1367 = arith.constant 0 : index
        %get3A_1368 = tpu.vector_load %arg15[%get3A_1366, %get3A_1367] {strides = array<i32>} : memref<1000x32xf32, #tpu.memory_space<vmem>>, vector<16xf32>,
        %get3A_1369 = arith.index_cast %squeeze3A_1365 : i32 to index
        %get3A_1370 = arith.constant 16 : index
        %get3A_1371 = tpu.vector_load %arg15[%get3A_1369, %get3A_1370] {strides = array<i32>} : memref<1000x32xf32, #tpu.memory_space<vmem>>, vector<16xf32>,
        %slice3A_1372 = vector.extract_strided_slice %select_n3A_1258 {offsets = [7], sizes = [1], strides = [1]} : vector<16xf32> to vector<1xf32>
        %squeeze3A_1373 = vector.extract %slice3A_1372[0] : f32 from vector<1xf32>
        %broadcast_in_dim3A_1374 = vector.broadcast %squeeze3A_1373 : f32 to vector<16xf32>
        %mul3A_1375 = arith.mulf %broadcast_in_dim3A_1374, %get3A_1368 : vector<16xf32>
        %add3A_1376 = arith.addf %add3A_1236, %mul3A_1375 : vector<16xf32>
        %mul3A_1377 = arith.mulf %broadcast_in_dim3A_1374, %get3A_1371 : vector<16xf32>
        %add3A_1378 = arith.addf %add3A_1238, %mul3A_1377 : vector<16xf32>
        %mul3A_1379 = arith.constant 8 : i32
        %mul3A_1380 = arith.muli %scan3A_122, %mul3A_1379 : i32
        %get3A_1381 = arith.constant 9 : i32
        %get3A_1382 = arith.index_cast %get3A_1381 : i32 to index
        %get3A_1383 = arith.index_cast %mul3A_1380 : i32 to index
        %get3A_1384 = tpu.vector_load %arg18[%get3A_1382, %get3A_1383] {strides = array<i32>} : memref<20x72xi32, #tpu.memory_space<vmem>>, vector<16xi32>,
        %mul3A_1385 = arith.constant 8 : i32
        %mul3A_1386 = arith.muli %scan3A_122, %mul3A_1385 : i32
        %get3A_1387 = arith.constant 9 : i32
        %get3A_1388 = arith.index_cast %get3A_1387 : i32 to index
        %get3A_1389 = arith.index_cast %mul3A_1386 : i32 to index
        %get3A_1390 = tpu.vector_load %arg19[%get3A_1388, %get3A_1389] {strides = array<i32>} : memref<20x72xi32, #tpu.memory_space<vmem>>, vector<16xi32>,
        %ne3A_1391 = arith.constant 0 : i32
        %ne3A_1392 = vector.broadcast %ne3A_1391 : i32 to vector<16xi32>
        %ne3A_1393 = arith.cmpi ne, %get3A_1390, %ne3A_1392 : vector<16xi32>
        %get3A_1394 = arith.constant 9 : i32
        %get3A_1395 = arith.index_cast %get3A_1394 : i32 to index
        %get3A_1396 = arith.constant 0 : index
        %get3A_1397 = tpu.vector_load %arg17[%get3A_1395, %get3A_1396] {strides = array<i32>} : memref<20x16xf32, #tpu.memory_space<vmem>>, vector<16xf32>,
        %select_n3A_1398 = arith.select %ne3A_1393, %get3A_1397, %broadcast_in_dim3A_1 : vector<16xi1>, vector<16xf32>
        %slice3A_1399 = vector.extract_strided_slice %get3A_1384 {offsets = [0], sizes = [1], strides = [1]} : vector<16xi32> to vector<1xi32>
        %squeeze3A_1400 = vector.extract %slice3A_1399[0] : i32 from vector<1xi32>
        %get3A_1401 = arith.index_cast %squeeze3A_1400 : i32 to index
        %get3A_1402 = arith.constant 0 : index
        %get3A_1403 = tpu.vector_load %arg15[%get3A_1401, %get3A_1402] {strides = array<i32>} : memref<1000x32xf32, #tpu.memory_space<vmem>>, vector<16xf32>,
        %get3A_1404 = arith.index_cast %squeeze3A_1400 : i32 to index
        %get3A_1405 = arith.constant 16 : index
        %get3A_1406 = tpu.vector_load %arg15[%get3A_1404, %get3A_1405] {strides = array<i32>} : memref<1000x32xf32, #tpu.memory_space<vmem>>, vector<16xf32>,
        %slice3A_1407 = vector.extract_strided_slice %select_n3A_1398 {offsets = [0], sizes = [1], strides = [1]} : vector<16xf32> to vector<1xf32>
        %squeeze3A_1408 = vector.extract %slice3A_1407[0] : f32 from vector<1xf32>
        %broadcast_in_dim3A_1409 = vector.broadcast %squeeze3A_1408 : f32 to vector<16xf32>
        %mul3A_1410 = arith.mulf %broadcast_in_dim3A_1409, %get3A_1403 : vector<16xf32>
        %add3A_1411 = arith.addf %add3A_1271, %mul3A_1410 : vector<16xf32>
        %mul3A_1412 = arith.mulf %broadcast_in_dim3A_1409, %get3A_1406 : vector<16xf32>
        %add3A_1413 = arith.addf %add3A_1273, %mul3A_1412 : vector<16xf32>
        %slice3A_1414 = vector.extract_strided_slice %get3A_1384 {offsets = [1], sizes = [1], strides = [1]} : vector<16xi32> to vector<1xi32>
        %squeeze3A_1415 = vector.extract %slice3A_1414[0] : i32 from vector<1xi32>
        %get3A_1416 = arith.index_cast %squeeze3A_1415 : i32 to index
        %get3A_1417 = arith.constant 0 : index
        %get3A_1418 = tpu.vector_load %arg15[%get3A_1416, %get3A_1417] {strides = array<i32>} : memref<1000x32xf32, #tpu.memory_space<vmem>>, vector<16xf32>,
        %get3A_1419 = arith.index_cast %squeeze3A_1415 : i32 to index
        %get3A_1420 = arith.constant 16 : index
        %get3A_1421 = tpu.vector_load %arg15[%get3A_1419, %get3A_1420] {strides = array<i32>} : memref<1000x32xf32, #tpu.memory_space<vmem>>, vector<16xf32>,
        %slice3A_1422 = vector.extract_strided_slice %select_n3A_1398 {offsets = [1], sizes = [1], strides = [1]} : vector<16xf32> to vector<1xf32>
        %squeeze3A_1423 = vector.extract %slice3A_1422[0] : f32 from vector<1xf32>
        %broadcast_in_dim3A_1424 = vector.broadcast %squeeze3A_1423 : f32 to vector<16xf32>
        %mul3A_1425 = arith.mulf %broadcast_in_dim3A_1424, %get3A_1418 : vector<16xf32>
        %add3A_1426 = arith.addf %add3A_1286, %mul3A_1425 : vector<16xf32>
        %mul3A_1427 = arith.mulf %broadcast_in_dim3A_1424, %get3A_1421 : vector<16xf32>
        %add3A_1428 = arith.addf %add3A_1288, %mul3A_1427 : vector<16xf32>
        %slice3A_1429 = vector.extract_strided_slice %get3A_1384 {offsets = [2], sizes = [1], strides = [1]} : vector<16xi32> to vector<1xi32>
        %squeeze3A_1430 = vector.extract %slice3A_1429[0] : i32 from vector<1xi32>
        %get3A_1431 = arith.index_cast %squeeze3A_1430 : i32 to index
        %get3A_1432 = arith.constant 0 : index
        %get3A_1433 = tpu.vector_load %arg15[%get3A_1431, %get3A_1432] {strides = array<i32>} : memref<1000x32xf32, #tpu.memory_space<vmem>>, vector<16xf32>,
        %get3A_1434 = arith.index_cast %squeeze3A_1430 : i32 to index
        %get3A_1435 = arith.constant 16 : index
        %get3A_1436 = tpu.vector_load %arg15[%get3A_1434, %get3A_1435] {strides = array<i32>} : memref<1000x32xf32, #tpu.memory_space<vmem>>, vector<16xf32>,
        %slice3A_1437 = vector.extract_strided_slice %select_n3A_1398 {offsets = [2], sizes = [1], strides = [1]} : vector<16xf32> to vector<1xf32>
        %squeeze3A_1438 = vector.extract %slice3A_1437[0] : f32 from vector<1xf32>
        %broadcast_in_dim3A_1439 = vector.broadcast %squeeze3A_1438 : f32 to vector<16xf32>
        %mul3A_1440 = arith.mulf %broadcast_in_dim3A_1439, %get3A_1433 : vector<16xf32>
        %add3A_1441 = arith.addf %add3A_1301, %mul3A_1440 : vector<16xf32>
        %mul3A_1442 = arith.mulf %broadcast_in_dim3A_1439, %get3A_1436 : vector<16xf32>
        %add3A_1443 = arith.addf %add3A_1303, %mul3A_1442 : vector<16xf32>
        %slice3A_1444 = vector.extract_strided_slice %get3A_1384 {offsets = [3], sizes = [1], strides = [1]} : vector<16xi32> to vector<1xi32>
        %squeeze3A_1445 = vector.extract %slice3A_1444[0] : i32 from vector<1xi32>
        %get3A_1446 = arith.index_cast %squeeze3A_1445 : i32 to index
        %get3A_1447 = arith.constant 0 : index
        %get3A_1448 = tpu.vector_load %arg15[%get3A_1446, %get3A_1447] {strides = array<i32>} : memref<1000x32xf32, #tpu.memory_space<vmem>>, vector<16xf32>,
        %get3A_1449 = arith.index_cast %squeeze3A_1445 : i32 to index
        %get3A_1450 = arith.constant 16 : index
        %get3A_1451 = tpu.vector_load %arg15[%get3A_1449, %get3A_1450] {strides = array<i32>} : memref<1000x32xf32, #tpu.memory_space<vmem>>, vector<16xf32>,
        %slice3A_1452 = vector.extract_strided_slice %select_n3A_1398 {offsets = [3], sizes = [1], strides = [1]} : vector<16xf32> to vector<1xf32>
        %squeeze3A_1453 = vector.extract %slice3A_1452[0] : f32 from vector<1xf32>
        %broadcast_in_dim3A_1454 = vector.broadcast %squeeze3A_1453 : f32 to vector<16xf32>
        %mul3A_1455 = arith.mulf %broadcast_in_dim3A_1454, %get3A_1448 : vector<16xf32>
        %add3A_1456 = arith.addf %add3A_1316, %mul3A_1455 : vector<16xf32>
        %mul3A_1457 = arith.mulf %broadcast_in_dim3A_1454, %get3A_1451 : vector<16xf32>
        %add3A_1458 = arith.addf %add3A_1318, %mul3A_1457 : vector<16xf32>
        %slice3A_1459 = vector.extract_strided_slice %get3A_1384 {offsets = [4], sizes = [1], strides = [1]} : vector<16xi32> to vector<1xi32>
        %squeeze3A_1460 = vector.extract %slice3A_1459[0] : i32 from vector<1xi32>
        %get3A_1461 = arith.index_cast %squeeze3A_1460 : i32 to index
        %get3A_1462 = arith.constant 0 : index
        %get3A_1463 = tpu.vector_load %arg15[%get3A_1461, %get3A_1462] {strides = array<i32>} : memref<1000x32xf32, #tpu.memory_space<vmem>>, vector<16xf32>,
        %get3A_1464 = arith.index_cast %squeeze3A_1460 : i32 to index
        %get3A_1465 = arith.constant 16 : index
        %get3A_1466 = tpu.vector_load %arg15[%get3A_1464, %get3A_1465] {strides = array<i32>} : memref<1000x32xf32, #tpu.memory_space<vmem>>, vector<16xf32>,
        %slice3A_1467 = vector.extract_strided_slice %select_n3A_1398 {offsets = [4], sizes = [1], strides = [1]} : vector<16xf32> to vector<1xf32>
        %squeeze3A_1468 = vector.extract %slice3A_1467[0] : f32 from vector<1xf32>
        %broadcast_in_dim3A_1469 = vector.broadcast %squeeze3A_1468 : f32 to vector<16xf32>
        %mul3A_1470 = arith.mulf %broadcast_in_dim3A_1469, %get3A_1463 : vector<16xf32>
        %add3A_1471 = arith.addf %add3A_1331, %mul3A_1470 : vector<16xf32>
        %mul3A_1472 = arith.mulf %broadcast_in_dim3A_1469, %get3A_1466 : vector<16xf32>
        %add3A_1473 = arith.addf %add3A_1333, %mul3A_1472 : vector<16xf32>
        %slice3A_1474 = vector.extract_strided_slice %get3A_1384 {offsets = [5], sizes = [1], strides = [1]} : vector<16xi32> to vector<1xi32>
        %squeeze3A_1475 = vector.extract %slice3A_1474[0] : i32 from vector<1xi32>
        %get3A_1476 = arith.index_cast %squeeze3A_1475 : i32 to index
        %get3A_1477 = arith.constant 0 : index
        %get3A_1478 = tpu.vector_load %arg15[%get3A_1476, %get3A_1477] {strides = array<i32>} : memref<1000x32xf32, #tpu.memory_space<vmem>>, vector<16xf32>,
        %get3A_1479 = arith.index_cast %squeeze3A_1475 : i32 to index
        %get3A_1480 = arith.constant 16 : index
        %get3A_1481 = tpu.vector_load %arg15[%get3A_1479, %get3A_1480] {strides = array<i32>} : memref<1000x32xf32, #tpu.memory_space<vmem>>, vector<16xf32>,
        %slice3A_1482 = vector.extract_strided_slice %select_n3A_1398 {offsets = [5], sizes = [1], strides = [1]} : vector<16xf32> to vector<1xf32>
        %squeeze3A_1483 = vector.extract %slice3A_1482[0] : f32 from vector<1xf32>
        %broadcast_in_dim3A_1484 = vector.broadcast %squeeze3A_1483 : f32 to vector<16xf32>
        %mul3A_1485 = arith.mulf %broadcast_in_dim3A_1484, %get3A_1478 : vector<16xf32>
        %add3A_1486 = arith.addf %add3A_1346, %mul3A_1485 : vector<16xf32>
        %mul3A_1487 = arith.mulf %broadcast_in_dim3A_1484, %get3A_1481 : vector<16xf32>
        %add3A_1488 = arith.addf %add3A_1348, %mul3A_1487 : vector<16xf32>
        %slice3A_1489 = vector.extract_strided_slice %get3A_1384 {offsets = [6], sizes = [1], strides = [1]} : vector<16xi32> to vector<1xi32>
        %squeeze3A_1490 = vector.extract %slice3A_1489[0] : i32 from vector<1xi32>
        %get3A_1491 = arith.index_cast %squeeze3A_1490 : i32 to index
        %get3A_1492 = arith.constant 0 : index
        %get3A_1493 = tpu.vector_load %arg15[%get3A_1491, %get3A_1492] {strides = array<i32>} : memref<1000x32xf32, #tpu.memory_space<vmem>>, vector<16xf32>,
        %get3A_1494 = arith.index_cast %squeeze3A_1490 : i32 to index
        %get3A_1495 = arith.constant 16 : index
        %get3A_1496 = tpu.vector_load %arg15[%get3A_1494, %get3A_1495] {strides = array<i32>} : memref<1000x32xf32, #tpu.memory_space<vmem>>, vector<16xf32>,
        %slice3A_1497 = vector.extract_strided_slice %select_n3A_1398 {offsets = [6], sizes = [1], strides = [1]} : vector<16xf32> to vector<1xf32>
        %squeeze3A_1498 = vector.extract %slice3A_1497[0] : f32 from vector<1xf32>
        %broadcast_in_dim3A_1499 = vector.broadcast %squeeze3A_1498 : f32 to vector<16xf32>
        %mul3A_1500 = arith.mulf %broadcast_in_dim3A_1499, %get3A_1493 : vector<16xf32>
        %add3A_1501 = arith.addf %add3A_1361, %mul3A_1500 : vector<16xf32>
        %mul3A_1502 = arith.mulf %broadcast_in_dim3A_1499, %get3A_1496 : vector<16xf32>
        %add3A_1503 = arith.addf %add3A_1363, %mul3A_1502 : vector<16xf32>
        %slice3A_1504 = vector.extract_strided_slice %get3A_1384 {offsets = [7], sizes = [1], strides = [1]} : vector<16xi32> to vector<1xi32>
        %squeeze3A_1505 = vector.extract %slice3A_1504[0] : i32 from vector<1xi32>
        %get3A_1506 = arith.index_cast %squeeze3A_1505 : i32 to index
        %get3A_1507 = arith.constant 0 : index
        %get3A_1508 = tpu.vector_load %arg15[%get3A_1506, %get3A_1507] {strides = array<i32>} : memref<1000x32xf32, #tpu.memory_space<vmem>>, vector<16xf32>,
        %get3A_1509 = arith.index_cast %squeeze3A_1505 : i32 to index
        %get3A_1510 = arith.constant 16 : index
        %get3A_1511 = tpu.vector_load %arg15[%get3A_1509, %get3A_1510] {strides = array<i32>} : memref<1000x32xf32, #tpu.memory_space<vmem>>, vector<16xf32>,
        %slice3A_1512 = vector.extract_strided_slice %select_n3A_1398 {offsets = [7], sizes = [1], strides = [1]} : vector<16xf32> to vector<1xf32>
        %squeeze3A_1513 = vector.extract %slice3A_1512[0] : f32 from vector<1xf32>
        %broadcast_in_dim3A_1514 = vector.broadcast %squeeze3A_1513 : f32 to vector<16xf32>
        %mul3A_1515 = arith.mulf %broadcast_in_dim3A_1514, %get3A_1508 : vector<16xf32>
        %add3A_1516 = arith.addf %add3A_1376, %mul3A_1515 : vector<16xf32>
        %mul3A_1517 = arith.mulf %broadcast_in_dim3A_1514, %get3A_1511 : vector<16xf32>
        %add3A_1518 = arith.addf %add3A_1378, %mul3A_1517 : vector<16xf32>
        %mul3A_1519 = arith.constant 8 : i32
        %mul3A_1520 = arith.muli %scan3A_122, %mul3A_1519 : i32
        %get3A_1521 = arith.constant 10 : i32
        %get3A_1522 = arith.index_cast %get3A_1521 : i32 to index
        %get3A_1523 = arith.index_cast %mul3A_1520 : i32 to index
        %get3A_1524 = tpu.vector_load %arg18[%get3A_1522, %get3A_1523] {strides = array<i32>} : memref<20x72xi32, #tpu.memory_space<vmem>>, vector<16xi32>,
        %mul3A_1525 = arith.constant 8 : i32
        %mul3A_1526 = arith.muli %scan3A_122, %mul3A_1525 : i32
        %get3A_1527 = arith.constant 10 : i32
        %get3A_1528 = arith.index_cast %get3A_1527 : i32 to index
        %get3A_1529 = arith.index_cast %mul3A_1526 : i32 to index
        %get3A_1530 = tpu.vector_load %arg19[%get3A_1528, %get3A_1529] {strides = array<i32>} : memref<20x72xi32, #tpu.memory_space<vmem>>, vector<16xi32>,
        %ne3A_1531 = arith.constant 0 : i32
        %ne3A_1532 = vector.broadcast %ne3A_1531 : i32 to vector<16xi32>
        %ne3A_1533 = arith.cmpi ne, %get3A_1530, %ne3A_1532 : vector<16xi32>
        %get3A_1534 = arith.constant 10 : i32
        %get3A_1535 = arith.index_cast %get3A_1534 : i32 to index
        %get3A_1536 = arith.constant 0 : index
        %get3A_1537 = tpu.vector_load %arg17[%get3A_1535, %get3A_1536] {strides = array<i32>} : memref<20x16xf32, #tpu.memory_space<vmem>>, vector<16xf32>,
        %select_n3A_1538 = arith.select %ne3A_1533, %get3A_1537, %broadcast_in_dim3A_1 : vector<16xi1>, vector<16xf32>
        %slice3A_1539 = vector.extract_strided_slice %get3A_1524 {offsets = [0], sizes = [1], strides = [1]} : vector<16xi32> to vector<1xi32>
        %squeeze3A_1540 = vector.extract %slice3A_1539[0] : i32 from vector<1xi32>
        %get3A_1541 = arith.index_cast %squeeze3A_1540 : i32 to index
        %get3A_1542 = arith.constant 0 : index
        %get3A_1543 = tpu.vector_load %arg15[%get3A_1541, %get3A_1542] {strides = array<i32>} : memref<1000x32xf32, #tpu.memory_space<vmem>>, vector<16xf32>,
        %get3A_1544 = arith.index_cast %squeeze3A_1540 : i32 to index
        %get3A_1545 = arith.constant 16 : index
        %get3A_1546 = tpu.vector_load %arg15[%get3A_1544, %get3A_1545] {strides = array<i32>} : memref<1000x32xf32, #tpu.memory_space<vmem>>, vector<16xf32>,
        %slice3A_1547 = vector.extract_strided_slice %select_n3A_1538 {offsets = [0], sizes = [1], strides = [1]} : vector<16xf32> to vector<1xf32>
        %squeeze3A_1548 = vector.extract %slice3A_1547[0] : f32 from vector<1xf32>
        %broadcast_in_dim3A_1549 = vector.broadcast %squeeze3A_1548 : f32 to vector<16xf32>
        %mul3A_1550 = arith.mulf %broadcast_in_dim3A_1549, %get3A_1543 : vector<16xf32>
        %add3A_1551 = arith.addf %add3A_1411, %mul3A_1550 : vector<16xf32>
        %mul3A_1552 = arith.mulf %broadcast_in_dim3A_1549, %get3A_1546 : vector<16xf32>
        %add3A_1553 = arith.addf %add3A_1413, %mul3A_1552 : vector<16xf32>
        %slice3A_1554 = vector.extract_strided_slice %get3A_1524 {offsets = [1], sizes = [1], strides = [1]} : vector<16xi32> to vector<1xi32>
        %squeeze3A_1555 = vector.extract %slice3A_1554[0] : i32 from vector<1xi32>
        %get3A_1556 = arith.index_cast %squeeze3A_1555 : i32 to index
        %get3A_1557 = arith.constant 0 : index
        %get3A_1558 = tpu.vector_load %arg15[%get3A_1556, %get3A_1557] {strides = array<i32>} : memref<1000x32xf32, #tpu.memory_space<vmem>>, vector<16xf32>,
        %get3A_1559 = arith.index_cast %squeeze3A_1555 : i32 to index
        %get3A_1560 = arith.constant 16 : index
        %get3A_1561 = tpu.vector_load %arg15[%get3A_1559, %get3A_1560] {strides = array<i32>} : memref<1000x32xf32, #tpu.memory_space<vmem>>, vector<16xf32>,
        %slice3A_1562 = vector.extract_strided_slice %select_n3A_1538 {offsets = [1], sizes = [1], strides = [1]} : vector<16xf32> to vector<1xf32>
        %squeeze3A_1563 = vector.extract %slice3A_1562[0] : f32 from vector<1xf32>
        %broadcast_in_dim3A_1564 = vector.broadcast %squeeze3A_1563 : f32 to vector<16xf32>
        %mul3A_1565 = arith.mulf %broadcast_in_dim3A_1564, %get3A_1558 : vector<16xf32>
        %add3A_1566 = arith.addf %add3A_1426, %mul3A_1565 : vector<16xf32>
        %mul3A_1567 = arith.mulf %broadcast_in_dim3A_1564, %get3A_1561 : vector<16xf32>
        %add3A_1568 = arith.addf %add3A_1428, %mul3A_1567 : vector<16xf32>
        %slice3A_1569 = vector.extract_strided_slice %get3A_1524 {offsets = [2], sizes = [1], strides = [1]} : vector<16xi32> to vector<1xi32>
        %squeeze3A_1570 = vector.extract %slice3A_1569[0] : i32 from vector<1xi32>
        %get3A_1571 = arith.index_cast %squeeze3A_1570 : i32 to index
        %get3A_1572 = arith.constant 0 : index
        %get3A_1573 = tpu.vector_load %arg15[%get3A_1571, %get3A_1572] {strides = array<i32>} : memref<1000x32xf32, #tpu.memory_space<vmem>>, vector<16xf32>,
        %get3A_1574 = arith.index_cast %squeeze3A_1570 : i32 to index
        %get3A_1575 = arith.constant 16 : index
        %get3A_1576 = tpu.vector_load %arg15[%get3A_1574, %get3A_1575] {strides = array<i32>} : memref<1000x32xf32, #tpu.memory_space<vmem>>, vector<16xf32>,
        %slice3A_1577 = vector.extract_strided_slice %select_n3A_1538 {offsets = [2], sizes = [1], strides = [1]} : vector<16xf32> to vector<1xf32>
        %squeeze3A_1578 = vector.extract %slice3A_1577[0] : f32 from vector<1xf32>
        %broadcast_in_dim3A_1579 = vector.broadcast %squeeze3A_1578 : f32 to vector<16xf32>
        %mul3A_1580 = arith.mulf %broadcast_in_dim3A_1579, %get3A_1573 : vector<16xf32>
        %add3A_1581 = arith.addf %add3A_1441, %mul3A_1580 : vector<16xf32>
        %mul3A_1582 = arith.mulf %broadcast_in_dim3A_1579, %get3A_1576 : vector<16xf32>
        %add3A_1583 = arith.addf %add3A_1443, %mul3A_1582 : vector<16xf32>
        %slice3A_1584 = vector.extract_strided_slice %get3A_1524 {offsets = [3], sizes = [1], strides = [1]} : vector<16xi32> to vector<1xi32>
        %squeeze3A_1585 = vector.extract %slice3A_1584[0] : i32 from vector<1xi32>
        %get3A_1586 = arith.index_cast %squeeze3A_1585 : i32 to index
        %get3A_1587 = arith.constant 0 : index
        %get3A_1588 = tpu.vector_load %arg15[%get3A_1586, %get3A_1587] {strides = array<i32>} : memref<1000x32xf32, #tpu.memory_space<vmem>>, vector<16xf32>,
        %get3A_1589 = arith.index_cast %squeeze3A_1585 : i32 to index
        %get3A_1590 = arith.constant 16 : index
        %get3A_1591 = tpu.vector_load %arg15[%get3A_1589, %get3A_1590] {strides = array<i32>} : memref<1000x32xf32, #tpu.memory_space<vmem>>, vector<16xf32>,
        %slice3A_1592 = vector.extract_strided_slice %select_n3A_1538 {offsets = [3], sizes = [1], strides = [1]} : vector<16xf32> to vector<1xf32>
        %squeeze3A_1593 = vector.extract %slice3A_1592[0] : f32 from vector<1xf32>
        %broadcast_in_dim3A_1594 = vector.broadcast %squeeze3A_1593 : f32 to vector<16xf32>
        %mul3A_1595 = arith.mulf %broadcast_in_dim3A_1594, %get3A_1588 : vector<16xf32>
        %add3A_1596 = arith.addf %add3A_1456, %mul3A_1595 : vector<16xf32>
        %mul3A_1597 = arith.mulf %broadcast_in_dim3A_1594, %get3A_1591 : vector<16xf32>
        %add3A_1598 = arith.addf %add3A_1458, %mul3A_1597 : vector<16xf32>
        %slice3A_1599 = vector.extract_strided_slice %get3A_1524 {offsets = [4], sizes = [1], strides = [1]} : vector<16xi32> to vector<1xi32>
        %squeeze3A_1600 = vector.extract %slice3A_1599[0] : i32 from vector<1xi32>
        %get3A_1601 = arith.index_cast %squeeze3A_1600 : i32 to index
        %get3A_1602 = arith.constant 0 : index
        %get3A_1603 = tpu.vector_load %arg15[%get3A_1601, %get3A_1602] {strides = array<i32>} : memref<1000x32xf32, #tpu.memory_space<vmem>>, vector<16xf32>,
        %get3A_1604 = arith.index_cast %squeeze3A_1600 : i32 to index
        %get3A_1605 = arith.constant 16 : index
        %get3A_1606 = tpu.vector_load %arg15[%get3A_1604, %get3A_1605] {strides = array<i32>} : memref<1000x32xf32, #tpu.memory_space<vmem>>, vector<16xf32>,
        %slice3A_1607 = vector.extract_strided_slice %select_n3A_1538 {offsets = [4], sizes = [1], strides = [1]} : vector<16xf32> to vector<1xf32>
        %squeeze3A_1608 = vector.extract %slice3A_1607[0] : f32 from vector<1xf32>
        %broadcast_in_dim3A_1609 = vector.broadcast %squeeze3A_1608 : f32 to vector<16xf32>
        %mul3A_1610 = arith.mulf %broadcast_in_dim3A_1609, %get3A_1603 : vector<16xf32>
        %add3A_1611 = arith.addf %add3A_1471, %mul3A_1610 : vector<16xf32>
        %mul3A_1612 = arith.mulf %broadcast_in_dim3A_1609, %get3A_1606 : vector<16xf32>
        %add3A_1613 = arith.addf %add3A_1473, %mul3A_1612 : vector<16xf32>
        %slice3A_1614 = vector.extract_strided_slice %get3A_1524 {offsets = [5], sizes = [1], strides = [1]} : vector<16xi32> to vector<1xi32>
        %squeeze3A_1615 = vector.extract %slice3A_1614[0] : i32 from vector<1xi32>
        %get3A_1616 = arith.index_cast %squeeze3A_1615 : i32 to index
        %get3A_1617 = arith.constant 0 : index
        %get3A_1618 = tpu.vector_load %arg15[%get3A_1616, %get3A_1617] {strides = array<i32>} : memref<1000x32xf32, #tpu.memory_space<vmem>>, vector<16xf32>,
        %get3A_1619 = arith.index_cast %squeeze3A_1615 : i32 to index
        %get3A_1620 = arith.constant 16 : index
        %get3A_1621 = tpu.vector_load %arg15[%get3A_1619, %get3A_1620] {strides = array<i32>} : memref<1000x32xf32, #tpu.memory_space<vmem>>, vector<16xf32>,
        %slice3A_1622 = vector.extract_strided_slice %select_n3A_1538 {offsets = [5], sizes = [1], strides = [1]} : vector<16xf32> to vector<1xf32>
        %squeeze3A_1623 = vector.extract %slice3A_1622[0] : f32 from vector<1xf32>
        %broadcast_in_dim3A_1624 = vector.broadcast %squeeze3A_1623 : f32 to vector<16xf32>
        %mul3A_1625 = arith.mulf %broadcast_in_dim3A_1624, %get3A_1618 : vector<16xf32>
        %add3A_1626 = arith.addf %add3A_1486, %mul3A_1625 : vector<16xf32>
        %mul3A_1627 = arith.mulf %broadcast_in_dim3A_1624, %get3A_1621 : vector<16xf32>
        %add3A_1628 = arith.addf %add3A_1488, %mul3A_1627 : vector<16xf32>
        %slice3A_1629 = vector.extract_strided_slice %get3A_1524 {offsets = [6], sizes = [1], strides = [1]} : vector<16xi32> to vector<1xi32>
        %squeeze3A_1630 = vector.extract %slice3A_1629[0] : i32 from vector<1xi32>
        %get3A_1631 = arith.index_cast %squeeze3A_1630 : i32 to index
        %get3A_1632 = arith.constant 0 : index
        %get3A_1633 = tpu.vector_load %arg15[%get3A_1631, %get3A_1632] {strides = array<i32>} : memref<1000x32xf32, #tpu.memory_space<vmem>>, vector<16xf32>,
        %get3A_1634 = arith.index_cast %squeeze3A_1630 : i32 to index
        %get3A_1635 = arith.constant 16 : index
        %get3A_1636 = tpu.vector_load %arg15[%get3A_1634, %get3A_1635] {strides = array<i32>} : memref<1000x32xf32, #tpu.memory_space<vmem>>, vector<16xf32>,
        %slice3A_1637 = vector.extract_strided_slice %select_n3A_1538 {offsets = [6], sizes = [1], strides = [1]} : vector<16xf32> to vector<1xf32>
        %squeeze3A_1638 = vector.extract %slice3A_1637[0] : f32 from vector<1xf32>
        %broadcast_in_dim3A_1639 = vector.broadcast %squeeze3A_1638 : f32 to vector<16xf32>
        %mul3A_1640 = arith.mulf %broadcast_in_dim3A_1639, %get3A_1633 : vector<16xf32>
        %add3A_1641 = arith.addf %add3A_1501, %mul3A_1640 : vector<16xf32>
        %mul3A_1642 = arith.mulf %broadcast_in_dim3A_1639, %get3A_1636 : vector<16xf32>
        %add3A_1643 = arith.addf %add3A_1503, %mul3A_1642 : vector<16xf32>
        %slice3A_1644 = vector.extract_strided_slice %get3A_1524 {offsets = [7], sizes = [1], strides = [1]} : vector<16xi32> to vector<1xi32>
        %squeeze3A_1645 = vector.extract %slice3A_1644[0] : i32 from vector<1xi32>
        %get3A_1646 = arith.index_cast %squeeze3A_1645 : i32 to index
        %get3A_1647 = arith.constant 0 : index
        %get3A_1648 = tpu.vector_load %arg15[%get3A_1646, %get3A_1647] {strides = array<i32>} : memref<1000x32xf32, #tpu.memory_space<vmem>>, vector<16xf32>,
        %get3A_1649 = arith.index_cast %squeeze3A_1645 : i32 to index
        %get3A_1650 = arith.constant 16 : index
        %get3A_1651 = tpu.vector_load %arg15[%get3A_1649, %get3A_1650] {strides = array<i32>} : memref<1000x32xf32, #tpu.memory_space<vmem>>, vector<16xf32>,
        %slice3A_1652 = vector.extract_strided_slice %select_n3A_1538 {offsets = [7], sizes = [1], strides = [1]} : vector<16xf32> to vector<1xf32>
        %squeeze3A_1653 = vector.extract %slice3A_1652[0] : f32 from vector<1xf32>
        %broadcast_in_dim3A_1654 = vector.broadcast %squeeze3A_1653 : f32 to vector<16xf32>
        %mul3A_1655 = arith.mulf %broadcast_in_dim3A_1654, %get3A_1648 : vector<16xf32>
        %add3A_1656 = arith.addf %add3A_1516, %mul3A_1655 : vector<16xf32>
        %mul3A_1657 = arith.mulf %broadcast_in_dim3A_1654, %get3A_1651 : vector<16xf32>
        %add3A_1658 = arith.addf %add3A_1518, %mul3A_1657 : vector<16xf32>
        %mul3A_1659 = arith.constant 8 : i32
        %mul3A_1660 = arith.muli %scan3A_122, %mul3A_1659 : i32
        %get3A_1661 = arith.constant 11 : i32
        %get3A_1662 = arith.index_cast %get3A_1661 : i32 to index
        %get3A_1663 = arith.index_cast %mul3A_1660 : i32 to index
        %get3A_1664 = tpu.vector_load %arg18[%get3A_1662, %get3A_1663] {strides = array<i32>} : memref<20x72xi32, #tpu.memory_space<vmem>>, vector<16xi32>,
        %mul3A_1665 = arith.constant 8 : i32
        %mul3A_1666 = arith.muli %scan3A_122, %mul3A_1665 : i32
        %get3A_1667 = arith.constant 11 : i32
        %get3A_1668 = arith.index_cast %get3A_1667 : i32 to index
        %get3A_1669 = arith.index_cast %mul3A_1666 : i32 to index
        %get3A_1670 = tpu.vector_load %arg19[%get3A_1668, %get3A_1669] {strides = array<i32>} : memref<20x72xi32, #tpu.memory_space<vmem>>, vector<16xi32>,
        %ne3A_1671 = arith.constant 0 : i32
        %ne3A_1672 = vector.broadcast %ne3A_1671 : i32 to vector<16xi32>
        %ne3A_1673 = arith.cmpi ne, %get3A_1670, %ne3A_1672 : vector<16xi32>
        %get3A_1674 = arith.constant 11 : i32
        %get3A_1675 = arith.index_cast %get3A_1674 : i32 to index
        %get3A_1676 = arith.constant 0 : index
        %get3A_1677 = tpu.vector_load %arg17[%get3A_1675, %get3A_1676] {strides = array<i32>} : memref<20x16xf32, #tpu.memory_space<vmem>>, vector<16xf32>,
        %select_n3A_1678 = arith.select %ne3A_1673, %get3A_1677, %broadcast_in_dim3A_1 : vector<16xi1>, vector<16xf32>
        %slice3A_1679 = vector.extract_strided_slice %get3A_1664 {offsets = [0], sizes = [1], strides = [1]} : vector<16xi32> to vector<1xi32>
        %squeeze3A_1680 = vector.extract %slice3A_1679[0] : i32 from vector<1xi32>
        %get3A_1681 = arith.index_cast %squeeze3A_1680 : i32 to index
        %get3A_1682 = arith.constant 0 : index
        %get3A_1683 = tpu.vector_load %arg15[%get3A_1681, %get3A_1682] {strides = array<i32>} : memref<1000x32xf32, #tpu.memory_space<vmem>>, vector<16xf32>,
        %get3A_1684 = arith.index_cast %squeeze3A_1680 : i32 to index
        %get3A_1685 = arith.constant 16 : index
        %get3A_1686 = tpu.vector_load %arg15[%get3A_1684, %get3A_1685] {strides = array<i32>} : memref<1000x32xf32, #tpu.memory_space<vmem>>, vector<16xf32>,
        %slice3A_1687 = vector.extract_strided_slice %select_n3A_1678 {offsets = [0], sizes = [1], strides = [1]} : vector<16xf32> to vector<1xf32>
        %squeeze3A_1688 = vector.extract %slice3A_1687[0] : f32 from vector<1xf32>
        %broadcast_in_dim3A_1689 = vector.broadcast %squeeze3A_1688 : f32 to vector<16xf32>
        %mul3A_1690 = arith.mulf %broadcast_in_dim3A_1689, %get3A_1683 : vector<16xf32>
        %add3A_1691 = arith.addf %add3A_1551, %mul3A_1690 : vector<16xf32>
        %mul3A_1692 = arith.mulf %broadcast_in_dim3A_1689, %get3A_1686 : vector<16xf32>
        %add3A_1693 = arith.addf %add3A_1553, %mul3A_1692 : vector<16xf32>
        %slice3A_1694 = vector.extract_strided_slice %get3A_1664 {offsets = [1], sizes = [1], strides = [1]} : vector<16xi32> to vector<1xi32>
        %squeeze3A_1695 = vector.extract %slice3A_1694[0] : i32 from vector<1xi32>
        %get3A_1696 = arith.index_cast %squeeze3A_1695 : i32 to index
        %get3A_1697 = arith.constant 0 : index
        %get3A_1698 = tpu.vector_load %arg15[%get3A_1696, %get3A_1697] {strides = array<i32>} : memref<1000x32xf32, #tpu.memory_space<vmem>>, vector<16xf32>,
        %get3A_1699 = arith.index_cast %squeeze3A_1695 : i32 to index
        %get3A_1700 = arith.constant 16 : index
        %get3A_1701 = tpu.vector_load %arg15[%get3A_1699, %get3A_1700] {strides = array<i32>} : memref<1000x32xf32, #tpu.memory_space<vmem>>, vector<16xf32>,
        %slice3A_1702 = vector.extract_strided_slice %select_n3A_1678 {offsets = [1], sizes = [1], strides = [1]} : vector<16xf32> to vector<1xf32>
        %squeeze3A_1703 = vector.extract %slice3A_1702[0] : f32 from vector<1xf32>
        %broadcast_in_dim3A_1704 = vector.broadcast %squeeze3A_1703 : f32 to vector<16xf32>
        %mul3A_1705 = arith.mulf %broadcast_in_dim3A_1704, %get3A_1698 : vector<16xf32>
        %add3A_1706 = arith.addf %add3A_1566, %mul3A_1705 : vector<16xf32>
        %mul3A_1707 = arith.mulf %broadcast_in_dim3A_1704, %get3A_1701 : vector<16xf32>
        %add3A_1708 = arith.addf %add3A_1568, %mul3A_1707 : vector<16xf32>
        %slice3A_1709 = vector.extract_strided_slice %get3A_1664 {offsets = [2], sizes = [1], strides = [1]} : vector<16xi32> to vector<1xi32>
        %squeeze3A_1710 = vector.extract %slice3A_1709[0] : i32 from vector<1xi32>
        %get3A_1711 = arith.index_cast %squeeze3A_1710 : i32 to index
        %get3A_1712 = arith.constant 0 : index
        %get3A_1713 = tpu.vector_load %arg15[%get3A_1711, %get3A_1712] {strides = array<i32>} : memref<1000x32xf32, #tpu.memory_space<vmem>>, vector<16xf32>,
        %get3A_1714 = arith.index_cast %squeeze3A_1710 : i32 to index
        %get3A_1715 = arith.constant 16 : index
        %get3A_1716 = tpu.vector_load %arg15[%get3A_1714, %get3A_1715] {strides = array<i32>} : memref<1000x32xf32, #tpu.memory_space<vmem>>, vector<16xf32>,
        %slice3A_1717 = vector.extract_strided_slice %select_n3A_1678 {offsets = [2], sizes = [1], strides = [1]} : vector<16xf32> to vector<1xf32>
        %squeeze3A_1718 = vector.extract %slice3A_1717[0] : f32 from vector<1xf32>
        %broadcast_in_dim3A_1719 = vector.broadcast %squeeze3A_1718 : f32 to vector<16xf32>
        %mul3A_1720 = arith.mulf %broadcast_in_dim3A_1719, %get3A_1713 : vector<16xf32>
        %add3A_1721 = arith.addf %add3A_1581, %mul3A_1720 : vector<16xf32>
        %mul3A_1722 = arith.mulf %broadcast_in_dim3A_1719, %get3A_1716 : vector<16xf32>
        %add3A_1723 = arith.addf %add3A_1583, %mul3A_1722 : vector<16xf32>
        %slice3A_1724 = vector.extract_strided_slice %get3A_1664 {offsets = [3], sizes = [1], strides = [1]} : vector<16xi32> to vector<1xi32>
        %squeeze3A_1725 = vector.extract %slice3A_1724[0] : i32 from vector<1xi32>
        %get3A_1726 = arith.index_cast %squeeze3A_1725 : i32 to index
        %get3A_1727 = arith.constant 0 : index
        %get3A_1728 = tpu.vector_load %arg15[%get3A_1726, %get3A_1727] {strides = array<i32>} : memref<1000x32xf32, #tpu.memory_space<vmem>>, vector<16xf32>,
        %get3A_1729 = arith.index_cast %squeeze3A_1725 : i32 to index
        %get3A_1730 = arith.constant 16 : index
        %get3A_1731 = tpu.vector_load %arg15[%get3A_1729, %get3A_1730] {strides = array<i32>} : memref<1000x32xf32, #tpu.memory_space<vmem>>, vector<16xf32>,
        %slice3A_1732 = vector.extract_strided_slice %select_n3A_1678 {offsets = [3], sizes = [1], strides = [1]} : vector<16xf32> to vector<1xf32>
        %squeeze3A_1733 = vector.extract %slice3A_1732[0] : f32 from vector<1xf32>
        %broadcast_in_dim3A_1734 = vector.broadcast %squeeze3A_1733 : f32 to vector<16xf32>
        %mul3A_1735 = arith.mulf %broadcast_in_dim3A_1734, %get3A_1728 : vector<16xf32>
        %add3A_1736 = arith.addf %add3A_1596, %mul3A_1735 : vector<16xf32>
        %mul3A_1737 = arith.mulf %broadcast_in_dim3A_1734, %get3A_1731 : vector<16xf32>
        %add3A_1738 = arith.addf %add3A_1598, %mul3A_1737 : vector<16xf32>
        %slice3A_1739 = vector.extract_strided_slice %get3A_1664 {offsets = [4], sizes = [1], strides = [1]} : vector<16xi32> to vector<1xi32>
        %squeeze3A_1740 = vector.extract %slice3A_1739[0] : i32 from vector<1xi32>
        %get3A_1741 = arith.index_cast %squeeze3A_1740 : i32 to index
        %get3A_1742 = arith.constant 0 : index
        %get3A_1743 = tpu.vector_load %arg15[%get3A_1741, %get3A_1742] {strides = array<i32>} : memref<1000x32xf32, #tpu.memory_space<vmem>>, vector<16xf32>,
        %get3A_1744 = arith.index_cast %squeeze3A_1740 : i32 to index
        %get3A_1745 = arith.constant 16 : index
        %get3A_1746 = tpu.vector_load %arg15[%get3A_1744, %get3A_1745] {strides = array<i32>} : memref<1000x32xf32, #tpu.memory_space<vmem>>, vector<16xf32>,
        %slice3A_1747 = vector.extract_strided_slice %select_n3A_1678 {offsets = [4], sizes = [1], strides = [1]} : vector<16xf32> to vector<1xf32>
        %squeeze3A_1748 = vector.extract %slice3A_1747[0] : f32 from vector<1xf32>
        %broadcast_in_dim3A_1749 = vector.broadcast %squeeze3A_1748 : f32 to vector<16xf32>
        %mul3A_1750 = arith.mulf %broadcast_in_dim3A_1749, %get3A_1743 : vector<16xf32>
        %add3A_1751 = arith.addf %add3A_1611, %mul3A_1750 : vector<16xf32>
        %mul3A_1752 = arith.mulf %broadcast_in_dim3A_1749, %get3A_1746 : vector<16xf32>
        %add3A_1753 = arith.addf %add3A_1613, %mul3A_1752 : vector<16xf32>
        %slice3A_1754 = vector.extract_strided_slice %get3A_1664 {offsets = [5], sizes = [1], strides = [1]} : vector<16xi32> to vector<1xi32>
        %squeeze3A_1755 = vector.extract %slice3A_1754[0] : i32 from vector<1xi32>
        %get3A_1756 = arith.index_cast %squeeze3A_1755 : i32 to index
        %get3A_1757 = arith.constant 0 : index
        %get3A_1758 = tpu.vector_load %arg15[%get3A_1756, %get3A_1757] {strides = array<i32>} : memref<1000x32xf32, #tpu.memory_space<vmem>>, vector<16xf32>,
        %get3A_1759 = arith.index_cast %squeeze3A_1755 : i32 to index
        %get3A_1760 = arith.constant 16 : index
        %get3A_1761 = tpu.vector_load %arg15[%get3A_1759, %get3A_1760] {strides = array<i32>} : memref<1000x32xf32, #tpu.memory_space<vmem>>, vector<16xf32>,
        %slice3A_1762 = vector.extract_strided_slice %select_n3A_1678 {offsets = [5], sizes = [1], strides = [1]} : vector<16xf32> to vector<1xf32>
        %squeeze3A_1763 = vector.extract %slice3A_1762[0] : f32 from vector<1xf32>
        %broadcast_in_dim3A_1764 = vector.broadcast %squeeze3A_1763 : f32 to vector<16xf32>
        %mul3A_1765 = arith.mulf %broadcast_in_dim3A_1764, %get3A_1758 : vector<16xf32>
        %add3A_1766 = arith.addf %add3A_1626, %mul3A_1765 : vector<16xf32>
        %mul3A_1767 = arith.mulf %broadcast_in_dim3A_1764, %get3A_1761 : vector<16xf32>
        %add3A_1768 = arith.addf %add3A_1628, %mul3A_1767 : vector<16xf32>
        %slice3A_1769 = vector.extract_strided_slice %get3A_1664 {offsets = [6], sizes = [1], strides = [1]} : vector<16xi32> to vector<1xi32>
        %squeeze3A_1770 = vector.extract %slice3A_1769[0] : i32 from vector<1xi32>
        %get3A_1771 = arith.index_cast %squeeze3A_1770 : i32 to index
        %get3A_1772 = arith.constant 0 : index
        %get3A_1773 = tpu.vector_load %arg15[%get3A_1771, %get3A_1772] {strides = array<i32>} : memref<1000x32xf32, #tpu.memory_space<vmem>>, vector<16xf32>,
        %get3A_1774 = arith.index_cast %squeeze3A_1770 : i32 to index
        %get3A_1775 = arith.constant 16 : index
        %get3A_1776 = tpu.vector_load %arg15[%get3A_1774, %get3A_1775] {strides = array<i32>} : memref<1000x32xf32, #tpu.memory_space<vmem>>, vector<16xf32>,
        %slice3A_1777 = vector.extract_strided_slice %select_n3A_1678 {offsets = [6], sizes = [1], strides = [1]} : vector<16xf32> to vector<1xf32>
        %squeeze3A_1778 = vector.extract %slice3A_1777[0] : f32 from vector<1xf32>
        %broadcast_in_dim3A_1779 = vector.broadcast %squeeze3A_1778 : f32 to vector<16xf32>
        %mul3A_1780 = arith.mulf %broadcast_in_dim3A_1779, %get3A_1773 : vector<16xf32>
        %add3A_1781 = arith.addf %add3A_1641, %mul3A_1780 : vector<16xf32>
        %mul3A_1782 = arith.mulf %broadcast_in_dim3A_1779, %get3A_1776 : vector<16xf32>
        %add3A_1783 = arith.addf %add3A_1643, %mul3A_1782 : vector<16xf32>
        %slice3A_1784 = vector.extract_strided_slice %get3A_1664 {offsets = [7], sizes = [1], strides = [1]} : vector<16xi32> to vector<1xi32>
        %squeeze3A_1785 = vector.extract %slice3A_1784[0] : i32 from vector<1xi32>
        %get3A_1786 = arith.index_cast %squeeze3A_1785 : i32 to index
        %get3A_1787 = arith.constant 0 : index
        %get3A_1788 = tpu.vector_load %arg15[%get3A_1786, %get3A_1787] {strides = array<i32>} : memref<1000x32xf32, #tpu.memory_space<vmem>>, vector<16xf32>,
        %get3A_1789 = arith.index_cast %squeeze3A_1785 : i32 to index
        %get3A_1790 = arith.constant 16 : index
        %get3A_1791 = tpu.vector_load %arg15[%get3A_1789, %get3A_1790] {strides = array<i32>} : memref<1000x32xf32, #tpu.memory_space<vmem>>, vector<16xf32>,
        %slice3A_1792 = vector.extract_strided_slice %select_n3A_1678 {offsets = [7], sizes = [1], strides = [1]} : vector<16xf32> to vector<1xf32>
        %squeeze3A_1793 = vector.extract %slice3A_1792[0] : f32 from vector<1xf32>
        %broadcast_in_dim3A_1794 = vector.broadcast %squeeze3A_1793 : f32 to vector<16xf32>
        %mul3A_1795 = arith.mulf %broadcast_in_dim3A_1794, %get3A_1788 : vector<16xf32>
        %add3A_1796 = arith.addf %add3A_1656, %mul3A_1795 : vector<16xf32>
        %mul3A_1797 = arith.mulf %broadcast_in_dim3A_1794, %get3A_1791 : vector<16xf32>
        %add3A_1798 = arith.addf %add3A_1658, %mul3A_1797 : vector<16xf32>
        %mul3A_1799 = arith.constant 8 : i32
        %mul3A_1800 = arith.muli %scan3A_122, %mul3A_1799 : i32
        %get3A_1801 = arith.constant 12 : i32
        %get3A_1802 = arith.index_cast %get3A_1801 : i32 to index
        %get3A_1803 = arith.index_cast %mul3A_1800 : i32 to index
        %get3A_1804 = tpu.vector_load %arg18[%get3A_1802, %get3A_1803] {strides = array<i32>} : memref<20x72xi32, #tpu.memory_space<vmem>>, vector<16xi32>,
        %mul3A_1805 = arith.constant 8 : i32
        %mul3A_1806 = arith.muli %scan3A_122, %mul3A_1805 : i32
        %get3A_1807 = arith.constant 12 : i32
        %get3A_1808 = arith.index_cast %get3A_1807 : i32 to index
        %get3A_1809 = arith.index_cast %mul3A_1806 : i32 to index
        %get3A_1810 = tpu.vector_load %arg19[%get3A_1808, %get3A_1809] {strides = array<i32>} : memref<20x72xi32, #tpu.memory_space<vmem>>, vector<16xi32>,
        %ne3A_1811 = arith.constant 0 : i32
        %ne3A_1812 = vector.broadcast %ne3A_1811 : i32 to vector<16xi32>
        %ne3A_1813 = arith.cmpi ne, %get3A_1810, %ne3A_1812 : vector<16xi32>
        %get3A_1814 = arith.constant 12 : i32
        %get3A_1815 = arith.index_cast %get3A_1814 : i32 to index
        %get3A_1816 = arith.constant 0 : index
        %get3A_1817 = tpu.vector_load %arg17[%get3A_1815, %get3A_1816] {strides = array<i32>} : memref<20x16xf32, #tpu.memory_space<vmem>>, vector<16xf32>,
        %select_n3A_1818 = arith.select %ne3A_1813, %get3A_1817, %broadcast_in_dim3A_1 : vector<16xi1>, vector<16xf32>
        %slice3A_1819 = vector.extract_strided_slice %get3A_1804 {offsets = [0], sizes = [1], strides = [1]} : vector<16xi32> to vector<1xi32>
        %squeeze3A_1820 = vector.extract %slice3A_1819[0] : i32 from vector<1xi32>
        %get3A_1821 = arith.index_cast %squeeze3A_1820 : i32 to index
        %get3A_1822 = arith.constant 0 : index
        %get3A_1823 = tpu.vector_load %arg15[%get3A_1821, %get3A_1822] {strides = array<i32>} : memref<1000x32xf32, #tpu.memory_space<vmem>>, vector<16xf32>,
        %get3A_1824 = arith.index_cast %squeeze3A_1820 : i32 to index
        %get3A_1825 = arith.constant 16 : index
        %get3A_1826 = tpu.vector_load %arg15[%get3A_1824, %get3A_1825] {strides = array<i32>} : memref<1000x32xf32, #tpu.memory_space<vmem>>, vector<16xf32>,
        %slice3A_1827 = vector.extract_strided_slice %select_n3A_1818 {offsets = [0], sizes = [1], strides = [1]} : vector<16xf32> to vector<1xf32>
        %squeeze3A_1828 = vector.extract %slice3A_1827[0] : f32 from vector<1xf32>
        %broadcast_in_dim3A_1829 = vector.broadcast %squeeze3A_1828 : f32 to vector<16xf32>
        %mul3A_1830 = arith.mulf %broadcast_in_dim3A_1829, %get3A_1823 : vector<16xf32>
        %add3A_1831 = arith.addf %add3A_1691, %mul3A_1830 : vector<16xf32>
        %mul3A_1832 = arith.mulf %broadcast_in_dim3A_1829, %get3A_1826 : vector<16xf32>
        %add3A_1833 = arith.addf %add3A_1693, %mul3A_1832 : vector<16xf32>
        %slice3A_1834 = vector.extract_strided_slice %get3A_1804 {offsets = [1], sizes = [1], strides = [1]} : vector<16xi32> to vector<1xi32>
        %squeeze3A_1835 = vector.extract %slice3A_1834[0] : i32 from vector<1xi32>
        %get3A_1836 = arith.index_cast %squeeze3A_1835 : i32 to index
        %get3A_1837 = arith.constant 0 : index
        %get3A_1838 = tpu.vector_load %arg15[%get3A_1836, %get3A_1837] {strides = array<i32>} : memref<1000x32xf32, #tpu.memory_space<vmem>>, vector<16xf32>,
        %get3A_1839 = arith.index_cast %squeeze3A_1835 : i32 to index
        %get3A_1840 = arith.constant 16 : index
        %get3A_1841 = tpu.vector_load %arg15[%get3A_1839, %get3A_1840] {strides = array<i32>} : memref<1000x32xf32, #tpu.memory_space<vmem>>, vector<16xf32>,
        %slice3A_1842 = vector.extract_strided_slice %select_n3A_1818 {offsets = [1], sizes = [1], strides = [1]} : vector<16xf32> to vector<1xf32>
        %squeeze3A_1843 = vector.extract %slice3A_1842[0] : f32 from vector<1xf32>
        %broadcast_in_dim3A_1844 = vector.broadcast %squeeze3A_1843 : f32 to vector<16xf32>
        %mul3A_1845 = arith.mulf %broadcast_in_dim3A_1844, %get3A_1838 : vector<16xf32>
        %add3A_1846 = arith.addf %add3A_1706, %mul3A_1845 : vector<16xf32>
        %mul3A_1847 = arith.mulf %broadcast_in_dim3A_1844, %get3A_1841 : vector<16xf32>
        %add3A_1848 = arith.addf %add3A_1708, %mul3A_1847 : vector<16xf32>
        %slice3A_1849 = vector.extract_strided_slice %get3A_1804 {offsets = [2], sizes = [1], strides = [1]} : vector<16xi32> to vector<1xi32>
        %squeeze3A_1850 = vector.extract %slice3A_1849[0] : i32 from vector<1xi32>
        %get3A_1851 = arith.index_cast %squeeze3A_1850 : i32 to index
        %get3A_1852 = arith.constant 0 : index
        %get3A_1853 = tpu.vector_load %arg15[%get3A_1851, %get3A_1852] {strides = array<i32>} : memref<1000x32xf32, #tpu.memory_space<vmem>>, vector<16xf32>,
        %get3A_1854 = arith.index_cast %squeeze3A_1850 : i32 to index
        %get3A_1855 = arith.constant 16 : index
        %get3A_1856 = tpu.vector_load %arg15[%get3A_1854, %get3A_1855] {strides = array<i32>} : memref<1000x32xf32, #tpu.memory_space<vmem>>, vector<16xf32>,
        %slice3A_1857 = vector.extract_strided_slice %select_n3A_1818 {offsets = [2], sizes = [1], strides = [1]} : vector<16xf32> to vector<1xf32>
        %squeeze3A_1858 = vector.extract %slice3A_1857[0] : f32 from vector<1xf32>
        %broadcast_in_dim3A_1859 = vector.broadcast %squeeze3A_1858 : f32 to vector<16xf32>
        %mul3A_1860 = arith.mulf %broadcast_in_dim3A_1859, %get3A_1853 : vector<16xf32>
        %add3A_1861 = arith.addf %add3A_1721, %mul3A_1860 : vector<16xf32>
        %mul3A_1862 = arith.mulf %broadcast_in_dim3A_1859, %get3A_1856 : vector<16xf32>
        %add3A_1863 = arith.addf %add3A_1723, %mul3A_1862 : vector<16xf32>
        %slice3A_1864 = vector.extract_strided_slice %get3A_1804 {offsets = [3], sizes = [1], strides = [1]} : vector<16xi32> to vector<1xi32>
        %squeeze3A_1865 = vector.extract %slice3A_1864[0] : i32 from vector<1xi32>
        %get3A_1866 = arith.index_cast %squeeze3A_1865 : i32 to index
        %get3A_1867 = arith.constant 0 : index
        %get3A_1868 = tpu.vector_load %arg15[%get3A_1866, %get3A_1867] {strides = array<i32>} : memref<1000x32xf32, #tpu.memory_space<vmem>>, vector<16xf32>,
        %get3A_1869 = arith.index_cast %squeeze3A_1865 : i32 to index
        %get3A_1870 = arith.constant 16 : index
        %get3A_1871 = tpu.vector_load %arg15[%get3A_1869, %get3A_1870] {strides = array<i32>} : memref<1000x32xf32, #tpu.memory_space<vmem>>, vector<16xf32>,
        %slice3A_1872 = vector.extract_strided_slice %select_n3A_1818 {offsets = [3], sizes = [1], strides = [1]} : vector<16xf32> to vector<1xf32>
        %squeeze3A_1873 = vector.extract %slice3A_1872[0] : f32 from vector<1xf32>
        %broadcast_in_dim3A_1874 = vector.broadcast %squeeze3A_1873 : f32 to vector<16xf32>
        %mul3A_1875 = arith.mulf %broadcast_in_dim3A_1874, %get3A_1868 : vector<16xf32>
        %add3A_1876 = arith.addf %add3A_1736, %mul3A_1875 : vector<16xf32>
        %mul3A_1877 = arith.mulf %broadcast_in_dim3A_1874, %get3A_1871 : vector<16xf32>
        %add3A_1878 = arith.addf %add3A_1738, %mul3A_1877 : vector<16xf32>
        %slice3A_1879 = vector.extract_strided_slice %get3A_1804 {offsets = [4], sizes = [1], strides = [1]} : vector<16xi32> to vector<1xi32>
        %squeeze3A_1880 = vector.extract %slice3A_1879[0] : i32 from vector<1xi32>
        %get3A_1881 = arith.index_cast %squeeze3A_1880 : i32 to index
        %get3A_1882 = arith.constant 0 : index
        %get3A_1883 = tpu.vector_load %arg15[%get3A_1881, %get3A_1882] {strides = array<i32>} : memref<1000x32xf32, #tpu.memory_space<vmem>>, vector<16xf32>,
        %get3A_1884 = arith.index_cast %squeeze3A_1880 : i32 to index
        %get3A_1885 = arith.constant 16 : index
        %get3A_1886 = tpu.vector_load %arg15[%get3A_1884, %get3A_1885] {strides = array<i32>} : memref<1000x32xf32, #tpu.memory_space<vmem>>, vector<16xf32>,
        %slice3A_1887 = vector.extract_strided_slice %select_n3A_1818 {offsets = [4], sizes = [1], strides = [1]} : vector<16xf32> to vector<1xf32>
        %squeeze3A_1888 = vector.extract %slice3A_1887[0] : f32 from vector<1xf32>
        %broadcast_in_dim3A_1889 = vector.broadcast %squeeze3A_1888 : f32 to vector<16xf32>
        %mul3A_1890 = arith.mulf %broadcast_in_dim3A_1889, %get3A_1883 : vector<16xf32>
        %add3A_1891 = arith.addf %add3A_1751, %mul3A_1890 : vector<16xf32>
        %mul3A_1892 = arith.mulf %broadcast_in_dim3A_1889, %get3A_1886 : vector<16xf32>
        %add3A_1893 = arith.addf %add3A_1753, %mul3A_1892 : vector<16xf32>
        %slice3A_1894 = vector.extract_strided_slice %get3A_1804 {offsets = [5], sizes = [1], strides = [1]} : vector<16xi32> to vector<1xi32>
        %squeeze3A_1895 = vector.extract %slice3A_1894[0] : i32 from vector<1xi32>
        %get3A_1896 = arith.index_cast %squeeze3A_1895 : i32 to index
        %get3A_1897 = arith.constant 0 : index
        %get3A_1898 = tpu.vector_load %arg15[%get3A_1896, %get3A_1897] {strides = array<i32>} : memref<1000x32xf32, #tpu.memory_space<vmem>>, vector<16xf32>,
        %get3A_1899 = arith.index_cast %squeeze3A_1895 : i32 to index
        %get3A_1900 = arith.constant 16 : index
        %get3A_1901 = tpu.vector_load %arg15[%get3A_1899, %get3A_1900] {strides = array<i32>} : memref<1000x32xf32, #tpu.memory_space<vmem>>, vector<16xf32>,
        %slice3A_1902 = vector.extract_strided_slice %select_n3A_1818 {offsets = [5], sizes = [1], strides = [1]} : vector<16xf32> to vector<1xf32>
        %squeeze3A_1903 = vector.extract %slice3A_1902[0] : f32 from vector<1xf32>
        %broadcast_in_dim3A_1904 = vector.broadcast %squeeze3A_1903 : f32 to vector<16xf32>
        %mul3A_1905 = arith.mulf %broadcast_in_dim3A_1904, %get3A_1898 : vector<16xf32>
        %add3A_1906 = arith.addf %add3A_1766, %mul3A_1905 : vector<16xf32>
        %mul3A_1907 = arith.mulf %broadcast_in_dim3A_1904, %get3A_1901 : vector<16xf32>
        %add3A_1908 = arith.addf %add3A_1768, %mul3A_1907 : vector<16xf32>
        %slice3A_1909 = vector.extract_strided_slice %get3A_1804 {offsets = [6], sizes = [1], strides = [1]} : vector<16xi32> to vector<1xi32>
        %squeeze3A_1910 = vector.extract %slice3A_1909[0] : i32 from vector<1xi32>
        %get3A_1911 = arith.index_cast %squeeze3A_1910 : i32 to index
        %get3A_1912 = arith.constant 0 : index
        %get3A_1913 = tpu.vector_load %arg15[%get3A_1911, %get3A_1912] {strides = array<i32>} : memref<1000x32xf32, #tpu.memory_space<vmem>>, vector<16xf32>,
        %get3A_1914 = arith.index_cast %squeeze3A_1910 : i32 to index
        %get3A_1915 = arith.constant 16 : index
        %get3A_1916 = tpu.vector_load %arg15[%get3A_1914, %get3A_1915] {strides = array<i32>} : memref<1000x32xf32, #tpu.memory_space<vmem>>, vector<16xf32>,
        %slice3A_1917 = vector.extract_strided_slice %select_n3A_1818 {offsets = [6], sizes = [1], strides = [1]} : vector<16xf32> to vector<1xf32>
        %squeeze3A_1918 = vector.extract %slice3A_1917[0] : f32 from vector<1xf32>
        %broadcast_in_dim3A_1919 = vector.broadcast %squeeze3A_1918 : f32 to vector<16xf32>
        %mul3A_1920 = arith.mulf %broadcast_in_dim3A_1919, %get3A_1913 : vector<16xf32>
        %add3A_1921 = arith.addf %add3A_1781, %mul3A_1920 : vector<16xf32>
        %mul3A_1922 = arith.mulf %broadcast_in_dim3A_1919, %get3A_1916 : vector<16xf32>
        %add3A_1923 = arith.addf %add3A_1783, %mul3A_1922 : vector<16xf32>
        %slice3A_1924 = vector.extract_strided_slice %get3A_1804 {offsets = [7], sizes = [1], strides = [1]} : vector<16xi32> to vector<1xi32>
        %squeeze3A_1925 = vector.extract %slice3A_1924[0] : i32 from vector<1xi32>
        %get3A_1926 = arith.index_cast %squeeze3A_1925 : i32 to index
        %get3A_1927 = arith.constant 0 : index
        %get3A_1928 = tpu.vector_load %arg15[%get3A_1926, %get3A_1927] {strides = array<i32>} : memref<1000x32xf32, #tpu.memory_space<vmem>>, vector<16xf32>,
        %get3A_1929 = arith.index_cast %squeeze3A_1925 : i32 to index
        %get3A_1930 = arith.constant 16 : index
        %get3A_1931 = tpu.vector_load %arg15[%get3A_1929, %get3A_1930] {strides = array<i32>} : memref<1000x32xf32, #tpu.memory_space<vmem>>, vector<16xf32>,
        %slice3A_1932 = vector.extract_strided_slice %select_n3A_1818 {offsets = [7], sizes = [1], strides = [1]} : vector<16xf32> to vector<1xf32>
        %squeeze3A_1933 = vector.extract %slice3A_1932[0] : f32 from vector<1xf32>
        %broadcast_in_dim3A_1934 = vector.broadcast %squeeze3A_1933 : f32 to vector<16xf32>
        %mul3A_1935 = arith.mulf %broadcast_in_dim3A_1934, %get3A_1928 : vector<16xf32>
        %add3A_1936 = arith.addf %add3A_1796, %mul3A_1935 : vector<16xf32>
        %mul3A_1937 = arith.mulf %broadcast_in_dim3A_1934, %get3A_1931 : vector<16xf32>
        %add3A_1938 = arith.addf %add3A_1798, %mul3A_1937 : vector<16xf32>
        %mul3A_1939 = arith.constant 8 : i32
        %mul3A_1940 = arith.muli %scan3A_122, %mul3A_1939 : i32
        %get3A_1941 = arith.constant 13 : i32
        %get3A_1942 = arith.index_cast %get3A_1941 : i32 to index
        %get3A_1943 = arith.index_cast %mul3A_1940 : i32 to index
        %get3A_1944 = tpu.vector_load %arg18[%get3A_1942, %get3A_1943] {strides = array<i32>} : memref<20x72xi32, #tpu.memory_space<vmem>>, vector<16xi32>,
        %mul3A_1945 = arith.constant 8 : i32
        %mul3A_1946 = arith.muli %scan3A_122, %mul3A_1945 : i32
        %get3A_1947 = arith.constant 13 : i32
        %get3A_1948 = arith.index_cast %get3A_1947 : i32 to index
        %get3A_1949 = arith.index_cast %mul3A_1946 : i32 to index
        %get3A_1950 = tpu.vector_load %arg19[%get3A_1948, %get3A_1949] {strides = array<i32>} : memref<20x72xi32, #tpu.memory_space<vmem>>, vector<16xi32>,
        %ne3A_1951 = arith.constant 0 : i32
        %ne3A_1952 = vector.broadcast %ne3A_1951 : i32 to vector<16xi32>
        %ne3A_1953 = arith.cmpi ne, %get3A_1950, %ne3A_1952 : vector<16xi32>
        %get3A_1954 = arith.constant 13 : i32
        %get3A_1955 = arith.index_cast %get3A_1954 : i32 to index
        %get3A_1956 = arith.constant 0 : index
        %get3A_1957 = tpu.vector_load %arg17[%get3A_1955, %get3A_1956] {strides = array<i32>} : memref<20x16xf32, #tpu.memory_space<vmem>>, vector<16xf32>,
        %select_n3A_1958 = arith.select %ne3A_1953, %get3A_1957, %broadcast_in_dim3A_1 : vector<16xi1>, vector<16xf32>
        %slice3A_1959 = vector.extract_strided_slice %get3A_1944 {offsets = [0], sizes = [1], strides = [1]} : vector<16xi32> to vector<1xi32>
        %squeeze3A_1960 = vector.extract %slice3A_1959[0] : i32 from vector<1xi32>
        %get3A_1961 = arith.index_cast %squeeze3A_1960 : i32 to index
        %get3A_1962 = arith.constant 0 : index
        %get3A_1963 = tpu.vector_load %arg15[%get3A_1961, %get3A_1962] {strides = array<i32>} : memref<1000x32xf32, #tpu.memory_space<vmem>>, vector<16xf32>,
        %get3A_1964 = arith.index_cast %squeeze3A_1960 : i32 to index
        %get3A_1965 = arith.constant 16 : index
        %get3A_1966 = tpu.vector_load %arg15[%get3A_1964, %get3A_1965] {strides = array<i32>} : memref<1000x32xf32, #tpu.memory_space<vmem>>, vector<16xf32>,
        %slice3A_1967 = vector.extract_strided_slice %select_n3A_1958 {offsets = [0], sizes = [1], strides = [1]} : vector<16xf32> to vector<1xf32>
        %squeeze3A_1968 = vector.extract %slice3A_1967[0] : f32 from vector<1xf32>
        %broadcast_in_dim3A_1969 = vector.broadcast %squeeze3A_1968 : f32 to vector<16xf32>
        %mul3A_1970 = arith.mulf %broadcast_in_dim3A_1969, %get3A_1963 : vector<16xf32>
        %add3A_1971 = arith.addf %add3A_1831, %mul3A_1970 : vector<16xf32>
        %mul3A_1972 = arith.mulf %broadcast_in_dim3A_1969, %get3A_1966 : vector<16xf32>
        %add3A_1973 = arith.addf %add3A_1833, %mul3A_1972 : vector<16xf32>
        %slice3A_1974 = vector.extract_strided_slice %get3A_1944 {offsets = [1], sizes = [1], strides = [1]} : vector<16xi32> to vector<1xi32>
        %squeeze3A_1975 = vector.extract %slice3A_1974[0] : i32 from vector<1xi32>
        %get3A_1976 = arith.index_cast %squeeze3A_1975 : i32 to index
        %get3A_1977 = arith.constant 0 : index
        %get3A_1978 = tpu.vector_load %arg15[%get3A_1976, %get3A_1977] {strides = array<i32>} : memref<1000x32xf32, #tpu.memory_space<vmem>>, vector<16xf32>,
        %get3A_1979 = arith.index_cast %squeeze3A_1975 : i32 to index
        %get3A_1980 = arith.constant 16 : index
        %get3A_1981 = tpu.vector_load %arg15[%get3A_1979, %get3A_1980] {strides = array<i32>} : memref<1000x32xf32, #tpu.memory_space<vmem>>, vector<16xf32>,
        %slice3A_1982 = vector.extract_strided_slice %select_n3A_1958 {offsets = [1], sizes = [1], strides = [1]} : vector<16xf32> to vector<1xf32>
        %squeeze3A_1983 = vector.extract %slice3A_1982[0] : f32 from vector<1xf32>
        %broadcast_in_dim3A_1984 = vector.broadcast %squeeze3A_1983 : f32 to vector<16xf32>
        %mul3A_1985 = arith.mulf %broadcast_in_dim3A_1984, %get3A_1978 : vector<16xf32>
        %add3A_1986 = arith.addf %add3A_1846, %mul3A_1985 : vector<16xf32>
        %mul3A_1987 = arith.mulf %broadcast_in_dim3A_1984, %get3A_1981 : vector<16xf32>
        %add3A_1988 = arith.addf %add3A_1848, %mul3A_1987 : vector<16xf32>
        %slice3A_1989 = vector.extract_strided_slice %get3A_1944 {offsets = [2], sizes = [1], strides = [1]} : vector<16xi32> to vector<1xi32>
        %squeeze3A_1990 = vector.extract %slice3A_1989[0] : i32 from vector<1xi32>
        %get3A_1991 = arith.index_cast %squeeze3A_1990 : i32 to index
        %get3A_1992 = arith.constant 0 : index
        %get3A_1993 = tpu.vector_load %arg15[%get3A_1991, %get3A_1992] {strides = array<i32>} : memref<1000x32xf32, #tpu.memory_space<vmem>>, vector<16xf32>,
        %get3A_1994 = arith.index_cast %squeeze3A_1990 : i32 to index
        %get3A_1995 = arith.constant 16 : index
        %get3A_1996 = tpu.vector_load %arg15[%get3A_1994, %get3A_1995] {strides = array<i32>} : memref<1000x32xf32, #tpu.memory_space<vmem>>, vector<16xf32>,
        %slice3A_1997 = vector.extract_strided_slice %select_n3A_1958 {offsets = [2], sizes = [1], strides = [1]} : vector<16xf32> to vector<1xf32>
        %squeeze3A_1998 = vector.extract %slice3A_1997[0] : f32 from vector<1xf32>
        %broadcast_in_dim3A_1999 = vector.broadcast %squeeze3A_1998 : f32 to vector<16xf32>
        %mul3A_2000 = arith.mulf %broadcast_in_dim3A_1999, %get3A_1993 : vector<16xf32>
        %add3A_2001 = arith.addf %add3A_1861, %mul3A_2000 : vector<16xf32>
        %mul3A_2002 = arith.mulf %broadcast_in_dim3A_1999, %get3A_1996 : vector<16xf32>
        %add3A_2003 = arith.addf %add3A_1863, %mul3A_2002 : vector<16xf32>
        %slice3A_2004 = vector.extract_strided_slice %get3A_1944 {offsets = [3], sizes = [1], strides = [1]} : vector<16xi32> to vector<1xi32>
        %squeeze3A_2005 = vector.extract %slice3A_2004[0] : i32 from vector<1xi32>
        %get3A_2006 = arith.index_cast %squeeze3A_2005 : i32 to index
        %get3A_2007 = arith.constant 0 : index
        %get3A_2008 = tpu.vector_load %arg15[%get3A_2006, %get3A_2007] {strides = array<i32>} : memref<1000x32xf32, #tpu.memory_space<vmem>>, vector<16xf32>,
        %get3A_2009 = arith.index_cast %squeeze3A_2005 : i32 to index
        %get3A_2010 = arith.constant 16 : index
        %get3A_2011 = tpu.vector_load %arg15[%get3A_2009, %get3A_2010] {strides = array<i32>} : memref<1000x32xf32, #tpu.memory_space<vmem>>, vector<16xf32>,
        %slice3A_2012 = vector.extract_strided_slice %select_n3A_1958 {offsets = [3], sizes = [1], strides = [1]} : vector<16xf32> to vector<1xf32>
        %squeeze3A_2013 = vector.extract %slice3A_2012[0] : f32 from vector<1xf32>
        %broadcast_in_dim3A_2014 = vector.broadcast %squeeze3A_2013 : f32 to vector<16xf32>
        %mul3A_2015 = arith.mulf %broadcast_in_dim3A_2014, %get3A_2008 : vector<16xf32>
        %add3A_2016 = arith.addf %add3A_1876, %mul3A_2015 : vector<16xf32>
        %mul3A_2017 = arith.mulf %broadcast_in_dim3A_2014, %get3A_2011 : vector<16xf32>
        %add3A_2018 = arith.addf %add3A_1878, %mul3A_2017 : vector<16xf32>
        %slice3A_2019 = vector.extract_strided_slice %get3A_1944 {offsets = [4], sizes = [1], strides = [1]} : vector<16xi32> to vector<1xi32>
        %squeeze3A_2020 = vector.extract %slice3A_2019[0] : i32 from vector<1xi32>
        %get3A_2021 = arith.index_cast %squeeze3A_2020 : i32 to index
        %get3A_2022 = arith.constant 0 : index
        %get3A_2023 = tpu.vector_load %arg15[%get3A_2021, %get3A_2022] {strides = array<i32>} : memref<1000x32xf32, #tpu.memory_space<vmem>>, vector<16xf32>,
        %get3A_2024 = arith.index_cast %squeeze3A_2020 : i32 to index
        %get3A_2025 = arith.constant 16 : index
        %get3A_2026 = tpu.vector_load %arg15[%get3A_2024, %get3A_2025] {strides = array<i32>} : memref<1000x32xf32, #tpu.memory_space<vmem>>, vector<16xf32>,
        %slice3A_2027 = vector.extract_strided_slice %select_n3A_1958 {offsets = [4], sizes = [1], strides = [1]} : vector<16xf32> to vector<1xf32>
        %squeeze3A_2028 = vector.extract %slice3A_2027[0] : f32 from vector<1xf32>
        %broadcast_in_dim3A_2029 = vector.broadcast %squeeze3A_2028 : f32 to vector<16xf32>
        %mul3A_2030 = arith.mulf %broadcast_in_dim3A_2029, %get3A_2023 : vector<16xf32>
        %add3A_2031 = arith.addf %add3A_1891, %mul3A_2030 : vector<16xf32>
        %mul3A_2032 = arith.mulf %broadcast_in_dim3A_2029, %get3A_2026 : vector<16xf32>
        %add3A_2033 = arith.addf %add3A_1893, %mul3A_2032 : vector<16xf32>
        %slice3A_2034 = vector.extract_strided_slice %get3A_1944 {offsets = [5], sizes = [1], strides = [1]} : vector<16xi32> to vector<1xi32>
        %squeeze3A_2035 = vector.extract %slice3A_2034[0] : i32 from vector<1xi32>
        %get3A_2036 = arith.index_cast %squeeze3A_2035 : i32 to index
        %get3A_2037 = arith.constant 0 : index
        %get3A_2038 = tpu.vector_load %arg15[%get3A_2036, %get3A_2037] {strides = array<i32>} : memref<1000x32xf32, #tpu.memory_space<vmem>>, vector<16xf32>,
        %get3A_2039 = arith.index_cast %squeeze3A_2035 : i32 to index
        %get3A_2040 = arith.constant 16 : index
        %get3A_2041 = tpu.vector_load %arg15[%get3A_2039, %get3A_2040] {strides = array<i32>} : memref<1000x32xf32, #tpu.memory_space<vmem>>, vector<16xf32>,
        %slice3A_2042 = vector.extract_strided_slice %select_n3A_1958 {offsets = [5], sizes = [1], strides = [1]} : vector<16xf32> to vector<1xf32>
        %squeeze3A_2043 = vector.extract %slice3A_2042[0] : f32 from vector<1xf32>
        %broadcast_in_dim3A_2044 = vector.broadcast %squeeze3A_2043 : f32 to vector<16xf32>
        %mul3A_2045 = arith.mulf %broadcast_in_dim3A_2044, %get3A_2038 : vector<16xf32>
        %add3A_2046 = arith.addf %add3A_1906, %mul3A_2045 : vector<16xf32>
        %mul3A_2047 = arith.mulf %broadcast_in_dim3A_2044, %get3A_2041 : vector<16xf32>
        %add3A_2048 = arith.addf %add3A_1908, %mul3A_2047 : vector<16xf32>
        %slice3A_2049 = vector.extract_strided_slice %get3A_1944 {offsets = [6], sizes = [1], strides = [1]} : vector<16xi32> to vector<1xi32>
        %squeeze3A_2050 = vector.extract %slice3A_2049[0] : i32 from vector<1xi32>
        %get3A_2051 = arith.index_cast %squeeze3A_2050 : i32 to index
        %get3A_2052 = arith.constant 0 : index
        %get3A_2053 = tpu.vector_load %arg15[%get3A_2051, %get3A_2052] {strides = array<i32>} : memref<1000x32xf32, #tpu.memory_space<vmem>>, vector<16xf32>,
        %get3A_2054 = arith.index_cast %squeeze3A_2050 : i32 to index
        %get3A_2055 = arith.constant 16 : index
        %get3A_2056 = tpu.vector_load %arg15[%get3A_2054, %get3A_2055] {strides = array<i32>} : memref<1000x32xf32, #tpu.memory_space<vmem>>, vector<16xf32>,
        %slice3A_2057 = vector.extract_strided_slice %select_n3A_1958 {offsets = [6], sizes = [1], strides = [1]} : vector<16xf32> to vector<1xf32>
        %squeeze3A_2058 = vector.extract %slice3A_2057[0] : f32 from vector<1xf32>
        %broadcast_in_dim3A_2059 = vector.broadcast %squeeze3A_2058 : f32 to vector<16xf32>
        %mul3A_2060 = arith.mulf %broadcast_in_dim3A_2059, %get3A_2053 : vector<16xf32>
        %add3A_2061 = arith.addf %add3A_1921, %mul3A_2060 : vector<16xf32>
        %mul3A_2062 = arith.mulf %broadcast_in_dim3A_2059, %get3A_2056 : vector<16xf32>
        %add3A_2063 = arith.addf %add3A_1923, %mul3A_2062 : vector<16xf32>
        %slice3A_2064 = vector.extract_strided_slice %get3A_1944 {offsets = [7], sizes = [1], strides = [1]} : vector<16xi32> to vector<1xi32>
        %squeeze3A_2065 = vector.extract %slice3A_2064[0] : i32 from vector<1xi32>
        %get3A_2066 = arith.index_cast %squeeze3A_2065 : i32 to index
        %get3A_2067 = arith.constant 0 : index
        %get3A_2068 = tpu.vector_load %arg15[%get3A_2066, %get3A_2067] {strides = array<i32>} : memref<1000x32xf32, #tpu.memory_space<vmem>>, vector<16xf32>,
        %get3A_2069 = arith.index_cast %squeeze3A_2065 : i32 to index
        %get3A_2070 = arith.constant 16 : index
        %get3A_2071 = tpu.vector_load %arg15[%get3A_2069, %get3A_2070] {strides = array<i32>} : memref<1000x32xf32, #tpu.memory_space<vmem>>, vector<16xf32>,
        %slice3A_2072 = vector.extract_strided_slice %select_n3A_1958 {offsets = [7], sizes = [1], strides = [1]} : vector<16xf32> to vector<1xf32>
        %squeeze3A_2073 = vector.extract %slice3A_2072[0] : f32 from vector<1xf32>
        %broadcast_in_dim3A_2074 = vector.broadcast %squeeze3A_2073 : f32 to vector<16xf32>
        %mul3A_2075 = arith.mulf %broadcast_in_dim3A_2074, %get3A_2068 : vector<16xf32>
        %add3A_2076 = arith.addf %add3A_1936, %mul3A_2075 : vector<16xf32>
        %mul3A_2077 = arith.mulf %broadcast_in_dim3A_2074, %get3A_2071 : vector<16xf32>
        %add3A_2078 = arith.addf %add3A_1938, %mul3A_2077 : vector<16xf32>
        %mul3A_2079 = arith.constant 8 : i32
        %mul3A_2080 = arith.muli %scan3A_122, %mul3A_2079 : i32
        %get3A_2081 = arith.constant 14 : i32
        %get3A_2082 = arith.index_cast %get3A_2081 : i32 to index
        %get3A_2083 = arith.index_cast %mul3A_2080 : i32 to index
        %get3A_2084 = tpu.vector_load %arg18[%get3A_2082, %get3A_2083] {strides = array<i32>} : memref<20x72xi32, #tpu.memory_space<vmem>>, vector<16xi32>,
        %mul3A_2085 = arith.constant 8 : i32
        %mul3A_2086 = arith.muli %scan3A_122, %mul3A_2085 : i32
        %get3A_2087 = arith.constant 14 : i32
        %get3A_2088 = arith.index_cast %get3A_2087 : i32 to index
        %get3A_2089 = arith.index_cast %mul3A_2086 : i32 to index
        %get3A_2090 = tpu.vector_load %arg19[%get3A_2088, %get3A_2089] {strides = array<i32>} : memref<20x72xi32, #tpu.memory_space<vmem>>, vector<16xi32>,
        %ne3A_2091 = arith.constant 0 : i32
        %ne3A_2092 = vector.broadcast %ne3A_2091 : i32 to vector<16xi32>
        %ne3A_2093 = arith.cmpi ne, %get3A_2090, %ne3A_2092 : vector<16xi32>
        %get3A_2094 = arith.constant 14 : i32
        %get3A_2095 = arith.index_cast %get3A_2094 : i32 to index
        %get3A_2096 = arith.constant 0 : index
        %get3A_2097 = tpu.vector_load %arg17[%get3A_2095, %get3A_2096] {strides = array<i32>} : memref<20x16xf32, #tpu.memory_space<vmem>>, vector<16xf32>,
        %select_n3A_2098 = arith.select %ne3A_2093, %get3A_2097, %broadcast_in_dim3A_1 : vector<16xi1>, vector<16xf32>
        %slice3A_2099 = vector.extract_strided_slice %get3A_2084 {offsets = [0], sizes = [1], strides = [1]} : vector<16xi32> to vector<1xi32>
        %squeeze3A_2100 = vector.extract %slice3A_2099[0] : i32 from vector<1xi32>
        %get3A_2101 = arith.index_cast %squeeze3A_2100 : i32 to index
        %get3A_2102 = arith.constant 0 : index
        %get3A_2103 = tpu.vector_load %arg15[%get3A_2101, %get3A_2102] {strides = array<i32>} : memref<1000x32xf32, #tpu.memory_space<vmem>>, vector<16xf32>,
        %get3A_2104 = arith.index_cast %squeeze3A_2100 : i32 to index
        %get3A_2105 = arith.constant 16 : index
        %get3A_2106 = tpu.vector_load %arg15[%get3A_2104, %get3A_2105] {strides = array<i32>} : memref<1000x32xf32, #tpu.memory_space<vmem>>, vector<16xf32>,
        %slice3A_2107 = vector.extract_strided_slice %select_n3A_2098 {offsets = [0], sizes = [1], strides = [1]} : vector<16xf32> to vector<1xf32>
        %squeeze3A_2108 = vector.extract %slice3A_2107[0] : f32 from vector<1xf32>
        %broadcast_in_dim3A_2109 = vector.broadcast %squeeze3A_2108 : f32 to vector<16xf32>
        %mul3A_2110 = arith.mulf %broadcast_in_dim3A_2109, %get3A_2103 : vector<16xf32>
        %add3A_2111 = arith.addf %add3A_1971, %mul3A_2110 : vector<16xf32>
        %mul3A_2112 = arith.mulf %broadcast_in_dim3A_2109, %get3A_2106 : vector<16xf32>
        %add3A_2113 = arith.addf %add3A_1973, %mul3A_2112 : vector<16xf32>
        %slice3A_2114 = vector.extract_strided_slice %get3A_2084 {offsets = [1], sizes = [1], strides = [1]} : vector<16xi32> to vector<1xi32>
        %squeeze3A_2115 = vector.extract %slice3A_2114[0] : i32 from vector<1xi32>
        %get3A_2116 = arith.index_cast %squeeze3A_2115 : i32 to index
        %get3A_2117 = arith.constant 0 : index
        %get3A_2118 = tpu.vector_load %arg15[%get3A_2116, %get3A_2117] {strides = array<i32>} : memref<1000x32xf32, #tpu.memory_space<vmem>>, vector<16xf32>,
        %get3A_2119 = arith.index_cast %squeeze3A_2115 : i32 to index
        %get3A_2120 = arith.constant 16 : index
        %get3A_2121 = tpu.vector_load %arg15[%get3A_2119, %get3A_2120] {strides = array<i32>} : memref<1000x32xf32, #tpu.memory_space<vmem>>, vector<16xf32>,
        %slice3A_2122 = vector.extract_strided_slice %select_n3A_2098 {offsets = [1], sizes = [1], strides = [1]} : vector<16xf32> to vector<1xf32>
        %squeeze3A_2123 = vector.extract %slice3A_2122[0] : f32 from vector<1xf32>
        %broadcast_in_dim3A_2124 = vector.broadcast %squeeze3A_2123 : f32 to vector<16xf32>
        %mul3A_2125 = arith.mulf %broadcast_in_dim3A_2124, %get3A_2118 : vector<16xf32>
        %add3A_2126 = arith.addf %add3A_1986, %mul3A_2125 : vector<16xf32>
        %mul3A_2127 = arith.mulf %broadcast_in_dim3A_2124, %get3A_2121 : vector<16xf32>
        %add3A_2128 = arith.addf %add3A_1988, %mul3A_2127 : vector<16xf32>
        %slice3A_2129 = vector.extract_strided_slice %get3A_2084 {offsets = [2], sizes = [1], strides = [1]} : vector<16xi32> to vector<1xi32>
        %squeeze3A_2130 = vector.extract %slice3A_2129[0] : i32 from vector<1xi32>
        %get3A_2131 = arith.index_cast %squeeze3A_2130 : i32 to index
        %get3A_2132 = arith.constant 0 : index
        %get3A_2133 = tpu.vector_load %arg15[%get3A_2131, %get3A_2132] {strides = array<i32>} : memref<1000x32xf32, #tpu.memory_space<vmem>>, vector<16xf32>,
        %get3A_2134 = arith.index_cast %squeeze3A_2130 : i32 to index
        %get3A_2135 = arith.constant 16 : index
        %get3A_2136 = tpu.vector_load %arg15[%get3A_2134, %get3A_2135] {strides = array<i32>} : memref<1000x32xf32, #tpu.memory_space<vmem>>, vector<16xf32>,
        %slice3A_2137 = vector.extract_strided_slice %select_n3A_2098 {offsets = [2], sizes = [1], strides = [1]} : vector<16xf32> to vector<1xf32>
        %squeeze3A_2138 = vector.extract %slice3A_2137[0] : f32 from vector<1xf32>
        %broadcast_in_dim3A_2139 = vector.broadcast %squeeze3A_2138 : f32 to vector<16xf32>
        %mul3A_2140 = arith.mulf %broadcast_in_dim3A_2139, %get3A_2133 : vector<16xf32>
        %add3A_2141 = arith.addf %add3A_2001, %mul3A_2140 : vector<16xf32>
        %mul3A_2142 = arith.mulf %broadcast_in_dim3A_2139, %get3A_2136 : vector<16xf32>
        %add3A_2143 = arith.addf %add3A_2003, %mul3A_2142 : vector<16xf32>
        %slice3A_2144 = vector.extract_strided_slice %get3A_2084 {offsets = [3], sizes = [1], strides = [1]} : vector<16xi32> to vector<1xi32>
        %squeeze3A_2145 = vector.extract %slice3A_2144[0] : i32 from vector<1xi32>
        %get3A_2146 = arith.index_cast %squeeze3A_2145 : i32 to index
        %get3A_2147 = arith.constant 0 : index
        %get3A_2148 = tpu.vector_load %arg15[%get3A_2146, %get3A_2147] {strides = array<i32>} : memref<1000x32xf32, #tpu.memory_space<vmem>>, vector<16xf32>,
        %get3A_2149 = arith.index_cast %squeeze3A_2145 : i32 to index
        %get3A_2150 = arith.constant 16 : index
        %get3A_2151 = tpu.vector_load %arg15[%get3A_2149, %get3A_2150] {strides = array<i32>} : memref<1000x32xf32, #tpu.memory_space<vmem>>, vector<16xf32>,
        %slice3A_2152 = vector.extract_strided_slice %select_n3A_2098 {offsets = [3], sizes = [1], strides = [1]} : vector<16xf32> to vector<1xf32>
        %squeeze3A_2153 = vector.extract %slice3A_2152[0] : f32 from vector<1xf32>
        %broadcast_in_dim3A_2154 = vector.broadcast %squeeze3A_2153 : f32 to vector<16xf32>
        %mul3A_2155 = arith.mulf %broadcast_in_dim3A_2154, %get3A_2148 : vector<16xf32>
        %add3A_2156 = arith.addf %add3A_2016, %mul3A_2155 : vector<16xf32>
        %mul3A_2157 = arith.mulf %broadcast_in_dim3A_2154, %get3A_2151 : vector<16xf32>
        %add3A_2158 = arith.addf %add3A_2018, %mul3A_2157 : vector<16xf32>
        %slice3A_2159 = vector.extract_strided_slice %get3A_2084 {offsets = [4], sizes = [1], strides = [1]} : vector<16xi32> to vector<1xi32>
        %squeeze3A_2160 = vector.extract %slice3A_2159[0] : i32 from vector<1xi32>
        %get3A_2161 = arith.index_cast %squeeze3A_2160 : i32 to index
        %get3A_2162 = arith.constant 0 : index
        %get3A_2163 = tpu.vector_load %arg15[%get3A_2161, %get3A_2162] {strides = array<i32>} : memref<1000x32xf32, #tpu.memory_space<vmem>>, vector<16xf32>,
        %get3A_2164 = arith.index_cast %squeeze3A_2160 : i32 to index
        %get3A_2165 = arith.constant 16 : index
        %get3A_2166 = tpu.vector_load %arg15[%get3A_2164, %get3A_2165] {strides = array<i32>} : memref<1000x32xf32, #tpu.memory_space<vmem>>, vector<16xf32>,
        %slice3A_2167 = vector.extract_strided_slice %select_n3A_2098 {offsets = [4], sizes = [1], strides = [1]} : vector<16xf32> to vector<1xf32>
        %squeeze3A_2168 = vector.extract %slice3A_2167[0] : f32 from vector<1xf32>
        %broadcast_in_dim3A_2169 = vector.broadcast %squeeze3A_2168 : f32 to vector<16xf32>
        %mul3A_2170 = arith.mulf %broadcast_in_dim3A_2169, %get3A_2163 : vector<16xf32>
        %add3A_2171 = arith.addf %add3A_2031, %mul3A_2170 : vector<16xf32>
        %mul3A_2172 = arith.mulf %broadcast_in_dim3A_2169, %get3A_2166 : vector<16xf32>
        %add3A_2173 = arith.addf %add3A_2033, %mul3A_2172 : vector<16xf32>
        %slice3A_2174 = vector.extract_strided_slice %get3A_2084 {offsets = [5], sizes = [1], strides = [1]} : vector<16xi32> to vector<1xi32>
        %squeeze3A_2175 = vector.extract %slice3A_2174[0] : i32 from vector<1xi32>
        %get3A_2176 = arith.index_cast %squeeze3A_2175 : i32 to index
        %get3A_2177 = arith.constant 0 : index
        %get3A_2178 = tpu.vector_load %arg15[%get3A_2176, %get3A_2177] {strides = array<i32>} : memref<1000x32xf32, #tpu.memory_space<vmem>>, vector<16xf32>,
        %get3A_2179 = arith.index_cast %squeeze3A_2175 : i32 to index
        %get3A_2180 = arith.constant 16 : index
        %get3A_2181 = tpu.vector_load %arg15[%get3A_2179, %get3A_2180] {strides = array<i32>} : memref<1000x32xf32, #tpu.memory_space<vmem>>, vector<16xf32>,
        %slice3A_2182 = vector.extract_strided_slice %select_n3A_2098 {offsets = [5], sizes = [1], strides = [1]} : vector<16xf32> to vector<1xf32>
        %squeeze3A_2183 = vector.extract %slice3A_2182[0] : f32 from vector<1xf32>
        %broadcast_in_dim3A_2184 = vector.broadcast %squeeze3A_2183 : f32 to vector<16xf32>
        %mul3A_2185 = arith.mulf %broadcast_in_dim3A_2184, %get3A_2178 : vector<16xf32>
        %add3A_2186 = arith.addf %add3A_2046, %mul3A_2185 : vector<16xf32>
        %mul3A_2187 = arith.mulf %broadcast_in_dim3A_2184, %get3A_2181 : vector<16xf32>
        %add3A_2188 = arith.addf %add3A_2048, %mul3A_2187 : vector<16xf32>
        %slice3A_2189 = vector.extract_strided_slice %get3A_2084 {offsets = [6], sizes = [1], strides = [1]} : vector<16xi32> to vector<1xi32>
        %squeeze3A_2190 = vector.extract %slice3A_2189[0] : i32 from vector<1xi32>
        %get3A_2191 = arith.index_cast %squeeze3A_2190 : i32 to index
        %get3A_2192 = arith.constant 0 : index
        %get3A_2193 = tpu.vector_load %arg15[%get3A_2191, %get3A_2192] {strides = array<i32>} : memref<1000x32xf32, #tpu.memory_space<vmem>>, vector<16xf32>,
        %get3A_2194 = arith.index_cast %squeeze3A_2190 : i32 to index
        %get3A_2195 = arith.constant 16 : index
        %get3A_2196 = tpu.vector_load %arg15[%get3A_2194, %get3A_2195] {strides = array<i32>} : memref<1000x32xf32, #tpu.memory_space<vmem>>, vector<16xf32>,
        %slice3A_2197 = vector.extract_strided_slice %select_n3A_2098 {offsets = [6], sizes = [1], strides = [1]} : vector<16xf32> to vector<1xf32>
        %squeeze3A_2198 = vector.extract %slice3A_2197[0] : f32 from vector<1xf32>
        %broadcast_in_dim3A_2199 = vector.broadcast %squeeze3A_2198 : f32 to vector<16xf32>
        %mul3A_2200 = arith.mulf %broadcast_in_dim3A_2199, %get3A_2193 : vector<16xf32>
        %add3A_2201 = arith.addf %add3A_2061, %mul3A_2200 : vector<16xf32>
        %mul3A_2202 = arith.mulf %broadcast_in_dim3A_2199, %get3A_2196 : vector<16xf32>
        %add3A_2203 = arith.addf %add3A_2063, %mul3A_2202 : vector<16xf32>
        %slice3A_2204 = vector.extract_strided_slice %get3A_2084 {offsets = [7], sizes = [1], strides = [1]} : vector<16xi32> to vector<1xi32>
        %squeeze3A_2205 = vector.extract %slice3A_2204[0] : i32 from vector<1xi32>
        %get3A_2206 = arith.index_cast %squeeze3A_2205 : i32 to index
        %get3A_2207 = arith.constant 0 : index
        %get3A_2208 = tpu.vector_load %arg15[%get3A_2206, %get3A_2207] {strides = array<i32>} : memref<1000x32xf32, #tpu.memory_space<vmem>>, vector<16xf32>,
        %get3A_2209 = arith.index_cast %squeeze3A_2205 : i32 to index
        %get3A_2210 = arith.constant 16 : index
        %get3A_2211 = tpu.vector_load %arg15[%get3A_2209, %get3A_2210] {strides = array<i32>} : memref<1000x32xf32, #tpu.memory_space<vmem>>, vector<16xf32>,
        %slice3A_2212 = vector.extract_strided_slice %select_n3A_2098 {offsets = [7], sizes = [1], strides = [1]} : vector<16xf32> to vector<1xf32>
        %squeeze3A_2213 = vector.extract %slice3A_2212[0] : f32 from vector<1xf32>
        %broadcast_in_dim3A_2214 = vector.broadcast %squeeze3A_2213 : f32 to vector<16xf32>
        %mul3A_2215 = arith.mulf %broadcast_in_dim3A_2214, %get3A_2208 : vector<16xf32>
        %add3A_2216 = arith.addf %add3A_2076, %mul3A_2215 : vector<16xf32>
        %mul3A_2217 = arith.mulf %broadcast_in_dim3A_2214, %get3A_2211 : vector<16xf32>
        %add3A_2218 = arith.addf %add3A_2078, %mul3A_2217 : vector<16xf32>
        %mul3A_2219 = arith.constant 8 : i32
        %mul3A_2220 = arith.muli %scan3A_122, %mul3A_2219 : i32
        %get3A_2221 = arith.constant 15 : i32
        %get3A_2222 = arith.index_cast %get3A_2221 : i32 to index
        %get3A_2223 = arith.index_cast %mul3A_2220 : i32 to index
        %get3A_2224 = tpu.vector_load %arg18[%get3A_2222, %get3A_2223] {strides = array<i32>} : memref<20x72xi32, #tpu.memory_space<vmem>>, vector<16xi32>,
        %mul3A_2225 = arith.constant 8 : i32
        %mul3A_2226 = arith.muli %scan3A_122, %mul3A_2225 : i32
        %get3A_2227 = arith.constant 15 : i32
        %get3A_2228 = arith.index_cast %get3A_2227 : i32 to index
        %get3A_2229 = arith.index_cast %mul3A_2226 : i32 to index
        %get3A_2230 = tpu.vector_load %arg19[%get3A_2228, %get3A_2229] {strides = array<i32>} : memref<20x72xi32, #tpu.memory_space<vmem>>, vector<16xi32>,
        %ne3A_2231 = arith.constant 0 : i32
        %ne3A_2232 = vector.broadcast %ne3A_2231 : i32 to vector<16xi32>
        %ne3A_2233 = arith.cmpi ne, %get3A_2230, %ne3A_2232 : vector<16xi32>
        %get3A_2234 = arith.constant 15 : i32
        %get3A_2235 = arith.index_cast %get3A_2234 : i32 to index
        %get3A_2236 = arith.constant 0 : index
        %get3A_2237 = tpu.vector_load %arg17[%get3A_2235, %get3A_2236] {strides = array<i32>} : memref<20x16xf32, #tpu.memory_space<vmem>>, vector<16xf32>,
        %select_n3A_2238 = arith.select %ne3A_2233, %get3A_2237, %broadcast_in_dim3A_1 : vector<16xi1>, vector<16xf32>
        %slice3A_2239 = vector.extract_strided_slice %get3A_2224 {offsets = [0], sizes = [1], strides = [1]} : vector<16xi32> to vector<1xi32>
        %squeeze3A_2240 = vector.extract %slice3A_2239[0] : i32 from vector<1xi32>
        %get3A_2241 = arith.index_cast %squeeze3A_2240 : i32 to index
        %get3A_2242 = arith.constant 0 : index
        %get3A_2243 = tpu.vector_load %arg15[%get3A_2241, %get3A_2242] {strides = array<i32>} : memref<1000x32xf32, #tpu.memory_space<vmem>>, vector<16xf32>,
        %get3A_2244 = arith.index_cast %squeeze3A_2240 : i32 to index
        %get3A_2245 = arith.constant 16 : index
        %get3A_2246 = tpu.vector_load %arg15[%get3A_2244, %get3A_2245] {strides = array<i32>} : memref<1000x32xf32, #tpu.memory_space<vmem>>, vector<16xf32>,
        %slice3A_2247 = vector.extract_strided_slice %select_n3A_2238 {offsets = [0], sizes = [1], strides = [1]} : vector<16xf32> to vector<1xf32>
        %squeeze3A_2248 = vector.extract %slice3A_2247[0] : f32 from vector<1xf32>
        %broadcast_in_dim3A_2249 = vector.broadcast %squeeze3A_2248 : f32 to vector<16xf32>
        %mul3A_2250 = arith.mulf %broadcast_in_dim3A_2249, %get3A_2243 : vector<16xf32>
        %add3A_2251 = arith.addf %add3A_2111, %mul3A_2250 : vector<16xf32>
        %mul3A_2252 = arith.mulf %broadcast_in_dim3A_2249, %get3A_2246 : vector<16xf32>
        %add3A_2253 = arith.addf %add3A_2113, %mul3A_2252 : vector<16xf32>
        %slice3A_2254 = vector.extract_strided_slice %get3A_2224 {offsets = [1], sizes = [1], strides = [1]} : vector<16xi32> to vector<1xi32>
        %squeeze3A_2255 = vector.extract %slice3A_2254[0] : i32 from vector<1xi32>
        %get3A_2256 = arith.index_cast %squeeze3A_2255 : i32 to index
        %get3A_2257 = arith.constant 0 : index
        %get3A_2258 = tpu.vector_load %arg15[%get3A_2256, %get3A_2257] {strides = array<i32>} : memref<1000x32xf32, #tpu.memory_space<vmem>>, vector<16xf32>,
        %get3A_2259 = arith.index_cast %squeeze3A_2255 : i32 to index
        %get3A_2260 = arith.constant 16 : index
        %get3A_2261 = tpu.vector_load %arg15[%get3A_2259, %get3A_2260] {strides = array<i32>} : memref<1000x32xf32, #tpu.memory_space<vmem>>, vector<16xf32>,
        %slice3A_2262 = vector.extract_strided_slice %select_n3A_2238 {offsets = [1], sizes = [1], strides = [1]} : vector<16xf32> to vector<1xf32>
        %squeeze3A_2263 = vector.extract %slice3A_2262[0] : f32 from vector<1xf32>
        %broadcast_in_dim3A_2264 = vector.broadcast %squeeze3A_2263 : f32 to vector<16xf32>
        %mul3A_2265 = arith.mulf %broadcast_in_dim3A_2264, %get3A_2258 : vector<16xf32>
        %add3A_2266 = arith.addf %add3A_2126, %mul3A_2265 : vector<16xf32>
        %mul3A_2267 = arith.mulf %broadcast_in_dim3A_2264, %get3A_2261 : vector<16xf32>
        %add3A_2268 = arith.addf %add3A_2128, %mul3A_2267 : vector<16xf32>
        %slice3A_2269 = vector.extract_strided_slice %get3A_2224 {offsets = [2], sizes = [1], strides = [1]} : vector<16xi32> to vector<1xi32>
        %squeeze3A_2270 = vector.extract %slice3A_2269[0] : i32 from vector<1xi32>
        %get3A_2271 = arith.index_cast %squeeze3A_2270 : i32 to index
        %get3A_2272 = arith.constant 0 : index
        %get3A_2273 = tpu.vector_load %arg15[%get3A_2271, %get3A_2272] {strides = array<i32>} : memref<1000x32xf32, #tpu.memory_space<vmem>>, vector<16xf32>,
        %get3A_2274 = arith.index_cast %squeeze3A_2270 : i32 to index
        %get3A_2275 = arith.constant 16 : index
        %get3A_2276 = tpu.vector_load %arg15[%get3A_2274, %get3A_2275] {strides = array<i32>} : memref<1000x32xf32, #tpu.memory_space<vmem>>, vector<16xf32>,
        %slice3A_2277 = vector.extract_strided_slice %select_n3A_2238 {offsets = [2], sizes = [1], strides = [1]} : vector<16xf32> to vector<1xf32>
        %squeeze3A_2278 = vector.extract %slice3A_2277[0] : f32 from vector<1xf32>
        %broadcast_in_dim3A_2279 = vector.broadcast %squeeze3A_2278 : f32 to vector<16xf32>
        %mul3A_2280 = arith.mulf %broadcast_in_dim3A_2279, %get3A_2273 : vector<16xf32>
        %add3A_2281 = arith.addf %add3A_2141, %mul3A_2280 : vector<16xf32>
        %mul3A_2282 = arith.mulf %broadcast_in_dim3A_2279, %get3A_2276 : vector<16xf32>
        %add3A_2283 = arith.addf %add3A_2143, %mul3A_2282 : vector<16xf32>
        %slice3A_2284 = vector.extract_strided_slice %get3A_2224 {offsets = [3], sizes = [1], strides = [1]} : vector<16xi32> to vector<1xi32>
        %squeeze3A_2285 = vector.extract %slice3A_2284[0] : i32 from vector<1xi32>
        %get3A_2286 = arith.index_cast %squeeze3A_2285 : i32 to index
        %get3A_2287 = arith.constant 0 : index
        %get3A_2288 = tpu.vector_load %arg15[%get3A_2286, %get3A_2287] {strides = array<i32>} : memref<1000x32xf32, #tpu.memory_space<vmem>>, vector<16xf32>,
        %get3A_2289 = arith.index_cast %squeeze3A_2285 : i32 to index
        %get3A_2290 = arith.constant 16 : index
        %get3A_2291 = tpu.vector_load %arg15[%get3A_2289, %get3A_2290] {strides = array<i32>} : memref<1000x32xf32, #tpu.memory_space<vmem>>, vector<16xf32>,
        %slice3A_2292 = vector.extract_strided_slice %select_n3A_2238 {offsets = [3], sizes = [1], strides = [1]} : vector<16xf32> to vector<1xf32>
        %squeeze3A_2293 = vector.extract %slice3A_2292[0] : f32 from vector<1xf32>
        %broadcast_in_dim3A_2294 = vector.broadcast %squeeze3A_2293 : f32 to vector<16xf32>
        %mul3A_2295 = arith.mulf %broadcast_in_dim3A_2294, %get3A_2288 : vector<16xf32>
        %add3A_2296 = arith.addf %add3A_2156, %mul3A_2295 : vector<16xf32>
        %mul3A_2297 = arith.mulf %broadcast_in_dim3A_2294, %get3A_2291 : vector<16xf32>
        %add3A_2298 = arith.addf %add3A_2158, %mul3A_2297 : vector<16xf32>
        %slice3A_2299 = vector.extract_strided_slice %get3A_2224 {offsets = [4], sizes = [1], strides = [1]} : vector<16xi32> to vector<1xi32>
        %squeeze3A_2300 = vector.extract %slice3A_2299[0] : i32 from vector<1xi32>
        %get3A_2301 = arith.index_cast %squeeze3A_2300 : i32 to index
        %get3A_2302 = arith.constant 0 : index
        %get3A_2303 = tpu.vector_load %arg15[%get3A_2301, %get3A_2302] {strides = array<i32>} : memref<1000x32xf32, #tpu.memory_space<vmem>>, vector<16xf32>,
        %get3A_2304 = arith.index_cast %squeeze3A_2300 : i32 to index
        %get3A_2305 = arith.constant 16 : index
        %get3A_2306 = tpu.vector_load %arg15[%get3A_2304, %get3A_2305] {strides = array<i32>} : memref<1000x32xf32, #tpu.memory_space<vmem>>, vector<16xf32>,
        %slice3A_2307 = vector.extract_strided_slice %select_n3A_2238 {offsets = [4], sizes = [1], strides = [1]} : vector<16xf32> to vector<1xf32>
        %squeeze3A_2308 = vector.extract %slice3A_2307[0] : f32 from vector<1xf32>
        %broadcast_in_dim3A_2309 = vector.broadcast %squeeze3A_2308 : f32 to vector<16xf32>
        %mul3A_2310 = arith.mulf %broadcast_in_dim3A_2309, %get3A_2303 : vector<16xf32>
        %add3A_2311 = arith.addf %add3A_2171, %mul3A_2310 : vector<16xf32>
        %mul3A_2312 = arith.mulf %broadcast_in_dim3A_2309, %get3A_2306 : vector<16xf32>
        %add3A_2313 = arith.addf %add3A_2173, %mul3A_2312 : vector<16xf32>
        %slice3A_2314 = vector.extract_strided_slice %get3A_2224 {offsets = [5], sizes = [1], strides = [1]} : vector<16xi32> to vector<1xi32>
        %squeeze3A_2315 = vector.extract %slice3A_2314[0] : i32 from vector<1xi32>
        %get3A_2316 = arith.index_cast %squeeze3A_2315 : i32 to index
        %get3A_2317 = arith.constant 0 : index
        %get3A_2318 = tpu.vector_load %arg15[%get3A_2316, %get3A_2317] {strides = array<i32>} : memref<1000x32xf32, #tpu.memory_space<vmem>>, vector<16xf32>,
        %get3A_2319 = arith.index_cast %squeeze3A_2315 : i32 to index
        %get3A_2320 = arith.constant 16 : index
        %get3A_2321 = tpu.vector_load %arg15[%get3A_2319, %get3A_2320] {strides = array<i32>} : memref<1000x32xf32, #tpu.memory_space<vmem>>, vector<16xf32>,
        %slice3A_2322 = vector.extract_strided_slice %select_n3A_2238 {offsets = [5], sizes = [1], strides = [1]} : vector<16xf32> to vector<1xf32>
        %squeeze3A_2323 = vector.extract %slice3A_2322[0] : f32 from vector<1xf32>
        %broadcast_in_dim3A_2324 = vector.broadcast %squeeze3A_2323 : f32 to vector<16xf32>
        %mul3A_2325 = arith.mulf %broadcast_in_dim3A_2324, %get3A_2318 : vector<16xf32>
        %add3A_2326 = arith.addf %add3A_2186, %mul3A_2325 : vector<16xf32>
        %mul3A_2327 = arith.mulf %broadcast_in_dim3A_2324, %get3A_2321 : vector<16xf32>
        %add3A_2328 = arith.addf %add3A_2188, %mul3A_2327 : vector<16xf32>
        %slice3A_2329 = vector.extract_strided_slice %get3A_2224 {offsets = [6], sizes = [1], strides = [1]} : vector<16xi32> to vector<1xi32>
        %squeeze3A_2330 = vector.extract %slice3A_2329[0] : i32 from vector<1xi32>
        %get3A_2331 = arith.index_cast %squeeze3A_2330 : i32 to index
        %get3A_2332 = arith.constant 0 : index
        %get3A_2333 = tpu.vector_load %arg15[%get3A_2331, %get3A_2332] {strides = array<i32>} : memref<1000x32xf32, #tpu.memory_space<vmem>>, vector<16xf32>,
        %get3A_2334 = arith.index_cast %squeeze3A_2330 : i32 to index
        %get3A_2335 = arith.constant 16 : index
        %get3A_2336 = tpu.vector_load %arg15[%get3A_2334, %get3A_2335] {strides = array<i32>} : memref<1000x32xf32, #tpu.memory_space<vmem>>, vector<16xf32>,
        %slice3A_2337 = vector.extract_strided_slice %select_n3A_2238 {offsets = [6], sizes = [1], strides = [1]} : vector<16xf32> to vector<1xf32>
        %squeeze3A_2338 = vector.extract %slice3A_2337[0] : f32 from vector<1xf32>
        %broadcast_in_dim3A_2339 = vector.broadcast %squeeze3A_2338 : f32 to vector<16xf32>
        %mul3A_2340 = arith.mulf %broadcast_in_dim3A_2339, %get3A_2333 : vector<16xf32>
        %add3A_2341 = arith.addf %add3A_2201, %mul3A_2340 : vector<16xf32>
        %mul3A_2342 = arith.mulf %broadcast_in_dim3A_2339, %get3A_2336 : vector<16xf32>
        %add3A_2343 = arith.addf %add3A_2203, %mul3A_2342 : vector<16xf32>
        %slice3A_2344 = vector.extract_strided_slice %get3A_2224 {offsets = [7], sizes = [1], strides = [1]} : vector<16xi32> to vector<1xi32>
        %squeeze3A_2345 = vector.extract %slice3A_2344[0] : i32 from vector<1xi32>
        %get3A_2346 = arith.index_cast %squeeze3A_2345 : i32 to index
        %get3A_2347 = arith.constant 0 : index
        %get3A_2348 = tpu.vector_load %arg15[%get3A_2346, %get3A_2347] {strides = array<i32>} : memref<1000x32xf32, #tpu.memory_space<vmem>>, vector<16xf32>,
        %get3A_2349 = arith.index_cast %squeeze3A_2345 : i32 to index
        %get3A_2350 = arith.constant 16 : index
        %get3A_2351 = tpu.vector_load %arg15[%get3A_2349, %get3A_2350] {strides = array<i32>} : memref<1000x32xf32, #tpu.memory_space<vmem>>, vector<16xf32>,
        %slice3A_2352 = vector.extract_strided_slice %select_n3A_2238 {offsets = [7], sizes = [1], strides = [1]} : vector<16xf32> to vector<1xf32>
        %squeeze3A_2353 = vector.extract %slice3A_2352[0] : f32 from vector<1xf32>
        %broadcast_in_dim3A_2354 = vector.broadcast %squeeze3A_2353 : f32 to vector<16xf32>
        %mul3A_2355 = arith.mulf %broadcast_in_dim3A_2354, %get3A_2348 : vector<16xf32>
        %add3A_2356 = arith.addf %add3A_2216, %mul3A_2355 : vector<16xf32>
        %mul3A_2357 = arith.mulf %broadcast_in_dim3A_2354, %get3A_2351 : vector<16xf32>
        %add3A_2358 = arith.addf %add3A_2218, %mul3A_2357 : vector<16xf32>
        %mul3A_2359 = arith.constant 8 : i32
        %mul3A_2360 = arith.muli %scan3A_122, %mul3A_2359 : i32
        %get3A_2361 = arith.constant 16 : i32
        %get3A_2362 = arith.index_cast %get3A_2361 : i32 to index
        %get3A_2363 = arith.index_cast %mul3A_2360 : i32 to index
        %get3A_2364 = tpu.vector_load %arg18[%get3A_2362, %get3A_2363] {strides = array<i32>} : memref<20x72xi32, #tpu.memory_space<vmem>>, vector<16xi32>,
        %mul3A_2365 = arith.constant 8 : i32
        %mul3A_2366 = arith.muli %scan3A_122, %mul3A_2365 : i32
        %get3A_2367 = arith.constant 16 : i32
        %get3A_2368 = arith.index_cast %get3A_2367 : i32 to index
        %get3A_2369 = arith.index_cast %mul3A_2366 : i32 to index
        %get3A_2370 = tpu.vector_load %arg19[%get3A_2368, %get3A_2369] {strides = array<i32>} : memref<20x72xi32, #tpu.memory_space<vmem>>, vector<16xi32>,
        %ne3A_2371 = arith.constant 0 : i32
        %ne3A_2372 = vector.broadcast %ne3A_2371 : i32 to vector<16xi32>
        %ne3A_2373 = arith.cmpi ne, %get3A_2370, %ne3A_2372 : vector<16xi32>
        %get3A_2374 = arith.constant 16 : i32
        %get3A_2375 = arith.index_cast %get3A_2374 : i32 to index
        %get3A_2376 = arith.constant 0 : index
        %get3A_2377 = tpu.vector_load %arg17[%get3A_2375, %get3A_2376] {strides = array<i32>} : memref<20x16xf32, #tpu.memory_space<vmem>>, vector<16xf32>,
        %select_n3A_2378 = arith.select %ne3A_2373, %get3A_2377, %broadcast_in_dim3A_1 : vector<16xi1>, vector<16xf32>
        %slice3A_2379 = vector.extract_strided_slice %get3A_2364 {offsets = [0], sizes = [1], strides = [1]} : vector<16xi32> to vector<1xi32>
        %squeeze3A_2380 = vector.extract %slice3A_2379[0] : i32 from vector<1xi32>
        %get3A_2381 = arith.index_cast %squeeze3A_2380 : i32 to index
        %get3A_2382 = arith.constant 0 : index
        %get3A_2383 = tpu.vector_load %arg15[%get3A_2381, %get3A_2382] {strides = array<i32>} : memref<1000x32xf32, #tpu.memory_space<vmem>>, vector<16xf32>,
        %get3A_2384 = arith.index_cast %squeeze3A_2380 : i32 to index
        %get3A_2385 = arith.constant 16 : index
        %get3A_2386 = tpu.vector_load %arg15[%get3A_2384, %get3A_2385] {strides = array<i32>} : memref<1000x32xf32, #tpu.memory_space<vmem>>, vector<16xf32>,
        %slice3A_2387 = vector.extract_strided_slice %select_n3A_2378 {offsets = [0], sizes = [1], strides = [1]} : vector<16xf32> to vector<1xf32>
        %squeeze3A_2388 = vector.extract %slice3A_2387[0] : f32 from vector<1xf32>
        %broadcast_in_dim3A_2389 = vector.broadcast %squeeze3A_2388 : f32 to vector<16xf32>
        %mul3A_2390 = arith.mulf %broadcast_in_dim3A_2389, %get3A_2383 : vector<16xf32>
        %add3A_2391 = arith.addf %add3A_2251, %mul3A_2390 : vector<16xf32>
        %mul3A_2392 = arith.mulf %broadcast_in_dim3A_2389, %get3A_2386 : vector<16xf32>
        %add3A_2393 = arith.addf %add3A_2253, %mul3A_2392 : vector<16xf32>
        %slice3A_2394 = vector.extract_strided_slice %get3A_2364 {offsets = [1], sizes = [1], strides = [1]} : vector<16xi32> to vector<1xi32>
        %squeeze3A_2395 = vector.extract %slice3A_2394[0] : i32 from vector<1xi32>
        %get3A_2396 = arith.index_cast %squeeze3A_2395 : i32 to index
        %get3A_2397 = arith.constant 0 : index
        %get3A_2398 = tpu.vector_load %arg15[%get3A_2396, %get3A_2397] {strides = array<i32>} : memref<1000x32xf32, #tpu.memory_space<vmem>>, vector<16xf32>,
        %get3A_2399 = arith.index_cast %squeeze3A_2395 : i32 to index
        %get3A_2400 = arith.constant 16 : index
        %get3A_2401 = tpu.vector_load %arg15[%get3A_2399, %get3A_2400] {strides = array<i32>} : memref<1000x32xf32, #tpu.memory_space<vmem>>, vector<16xf32>,
        %slice3A_2402 = vector.extract_strided_slice %select_n3A_2378 {offsets = [1], sizes = [1], strides = [1]} : vector<16xf32> to vector<1xf32>
        %squeeze3A_2403 = vector.extract %slice3A_2402[0] : f32 from vector<1xf32>
        %broadcast_in_dim3A_2404 = vector.broadcast %squeeze3A_2403 : f32 to vector<16xf32>
        %mul3A_2405 = arith.mulf %broadcast_in_dim3A_2404, %get3A_2398 : vector<16xf32>
        %add3A_2406 = arith.addf %add3A_2266, %mul3A_2405 : vector<16xf32>
        %mul3A_2407 = arith.mulf %broadcast_in_dim3A_2404, %get3A_2401 : vector<16xf32>
        %add3A_2408 = arith.addf %add3A_2268, %mul3A_2407 : vector<16xf32>
        %slice3A_2409 = vector.extract_strided_slice %get3A_2364 {offsets = [2], sizes = [1], strides = [1]} : vector<16xi32> to vector<1xi32>
        %squeeze3A_2410 = vector.extract %slice3A_2409[0] : i32 from vector<1xi32>
        %get3A_2411 = arith.index_cast %squeeze3A_2410 : i32 to index
        %get3A_2412 = arith.constant 0 : index
        %get3A_2413 = tpu.vector_load %arg15[%get3A_2411, %get3A_2412] {strides = array<i32>} : memref<1000x32xf32, #tpu.memory_space<vmem>>, vector<16xf32>,
        %get3A_2414 = arith.index_cast %squeeze3A_2410 : i32 to index
        %get3A_2415 = arith.constant 16 : index
        %get3A_2416 = tpu.vector_load %arg15[%get3A_2414, %get3A_2415] {strides = array<i32>} : memref<1000x32xf32, #tpu.memory_space<vmem>>, vector<16xf32>,
        %slice3A_2417 = vector.extract_strided_slice %select_n3A_2378 {offsets = [2], sizes = [1], strides = [1]} : vector<16xf32> to vector<1xf32>
        %squeeze3A_2418 = vector.extract %slice3A_2417[0] : f32 from vector<1xf32>
        %broadcast_in_dim3A_2419 = vector.broadcast %squeeze3A_2418 : f32 to vector<16xf32>
        %mul3A_2420 = arith.mulf %broadcast_in_dim3A_2419, %get3A_2413 : vector<16xf32>
        %add3A_2421 = arith.addf %add3A_2281, %mul3A_2420 : vector<16xf32>
        %mul3A_2422 = arith.mulf %broadcast_in_dim3A_2419, %get3A_2416 : vector<16xf32>
        %add3A_2423 = arith.addf %add3A_2283, %mul3A_2422 : vector<16xf32>
        %slice3A_2424 = vector.extract_strided_slice %get3A_2364 {offsets = [3], sizes = [1], strides = [1]} : vector<16xi32> to vector<1xi32>
        %squeeze3A_2425 = vector.extract %slice3A_2424[0] : i32 from vector<1xi32>
        %get3A_2426 = arith.index_cast %squeeze3A_2425 : i32 to index
        %get3A_2427 = arith.constant 0 : index
        %get3A_2428 = tpu.vector_load %arg15[%get3A_2426, %get3A_2427] {strides = array<i32>} : memref<1000x32xf32, #tpu.memory_space<vmem>>, vector<16xf32>,
        %get3A_2429 = arith.index_cast %squeeze3A_2425 : i32 to index
        %get3A_2430 = arith.constant 16 : index
        %get3A_2431 = tpu.vector_load %arg15[%get3A_2429, %get3A_2430] {strides = array<i32>} : memref<1000x32xf32, #tpu.memory_space<vmem>>, vector<16xf32>,
        %slice3A_2432 = vector.extract_strided_slice %select_n3A_2378 {offsets = [3], sizes = [1], strides = [1]} : vector<16xf32> to vector<1xf32>
        %squeeze3A_2433 = vector.extract %slice3A_2432[0] : f32 from vector<1xf32>
        %broadcast_in_dim3A_2434 = vector.broadcast %squeeze3A_2433 : f32 to vector<16xf32>
        %mul3A_2435 = arith.mulf %broadcast_in_dim3A_2434, %get3A_2428 : vector<16xf32>
        %add3A_2436 = arith.addf %add3A_2296, %mul3A_2435 : vector<16xf32>
        %mul3A_2437 = arith.mulf %broadcast_in_dim3A_2434, %get3A_2431 : vector<16xf32>
        %add3A_2438 = arith.addf %add3A_2298, %mul3A_2437 : vector<16xf32>
        %slice3A_2439 = vector.extract_strided_slice %get3A_2364 {offsets = [4], sizes = [1], strides = [1]} : vector<16xi32> to vector<1xi32>
        %squeeze3A_2440 = vector.extract %slice3A_2439[0] : i32 from vector<1xi32>
        %get3A_2441 = arith.index_cast %squeeze3A_2440 : i32 to index
        %get3A_2442 = arith.constant 0 : index
        %get3A_2443 = tpu.vector_load %arg15[%get3A_2441, %get3A_2442] {strides = array<i32>} : memref<1000x32xf32, #tpu.memory_space<vmem>>, vector<16xf32>,
        %get3A_2444 = arith.index_cast %squeeze3A_2440 : i32 to index
        %get3A_2445 = arith.constant 16 : index
        %get3A_2446 = tpu.vector_load %arg15[%get3A_2444, %get3A_2445] {strides = array<i32>} : memref<1000x32xf32, #tpu.memory_space<vmem>>, vector<16xf32>,
        %slice3A_2447 = vector.extract_strided_slice %select_n3A_2378 {offsets = [4], sizes = [1], strides = [1]} : vector<16xf32> to vector<1xf32>
        %squeeze3A_2448 = vector.extract %slice3A_2447[0] : f32 from vector<1xf32>
        %broadcast_in_dim3A_2449 = vector.broadcast %squeeze3A_2448 : f32 to vector<16xf32>
        %mul3A_2450 = arith.mulf %broadcast_in_dim3A_2449, %get3A_2443 : vector<16xf32>
        %add3A_2451 = arith.addf %add3A_2311, %mul3A_2450 : vector<16xf32>
        %mul3A_2452 = arith.mulf %broadcast_in_dim3A_2449, %get3A_2446 : vector<16xf32>
        %add3A_2453 = arith.addf %add3A_2313, %mul3A_2452 : vector<16xf32>
        %slice3A_2454 = vector.extract_strided_slice %get3A_2364 {offsets = [5], sizes = [1], strides = [1]} : vector<16xi32> to vector<1xi32>
        %squeeze3A_2455 = vector.extract %slice3A_2454[0] : i32 from vector<1xi32>
        %get3A_2456 = arith.index_cast %squeeze3A_2455 : i32 to index
        %get3A_2457 = arith.constant 0 : index
        %get3A_2458 = tpu.vector_load %arg15[%get3A_2456, %get3A_2457] {strides = array<i32>} : memref<1000x32xf32, #tpu.memory_space<vmem>>, vector<16xf32>,
        %get3A_2459 = arith.index_cast %squeeze3A_2455 : i32 to index
        %get3A_2460 = arith.constant 16 : index
        %get3A_2461 = tpu.vector_load %arg15[%get3A_2459, %get3A_2460] {strides = array<i32>} : memref<1000x32xf32, #tpu.memory_space<vmem>>, vector<16xf32>,
        %slice3A_2462 = vector.extract_strided_slice %select_n3A_2378 {offsets = [5], sizes = [1], strides = [1]} : vector<16xf32> to vector<1xf32>
        %squeeze3A_2463 = vector.extract %slice3A_2462[0] : f32 from vector<1xf32>
        %broadcast_in_dim3A_2464 = vector.broadcast %squeeze3A_2463 : f32 to vector<16xf32>
        %mul3A_2465 = arith.mulf %broadcast_in_dim3A_2464, %get3A_2458 : vector<16xf32>
        %add3A_2466 = arith.addf %add3A_2326, %mul3A_2465 : vector<16xf32>
        %mul3A_2467 = arith.mulf %broadcast_in_dim3A_2464, %get3A_2461 : vector<16xf32>
        %add3A_2468 = arith.addf %add3A_2328, %mul3A_2467 : vector<16xf32>
        %slice3A_2469 = vector.extract_strided_slice %get3A_2364 {offsets = [6], sizes = [1], strides = [1]} : vector<16xi32> to vector<1xi32>
        %squeeze3A_2470 = vector.extract %slice3A_2469[0] : i32 from vector<1xi32>
        %get3A_2471 = arith.index_cast %squeeze3A_2470 : i32 to index
        %get3A_2472 = arith.constant 0 : index
        %get3A_2473 = tpu.vector_load %arg15[%get3A_2471, %get3A_2472] {strides = array<i32>} : memref<1000x32xf32, #tpu.memory_space<vmem>>, vector<16xf32>,
        %get3A_2474 = arith.index_cast %squeeze3A_2470 : i32 to index
        %get3A_2475 = arith.constant 16 : index
        %get3A_2476 = tpu.vector_load %arg15[%get3A_2474, %get3A_2475] {strides = array<i32>} : memref<1000x32xf32, #tpu.memory_space<vmem>>, vector<16xf32>,
        %slice3A_2477 = vector.extract_strided_slice %select_n3A_2378 {offsets = [6], sizes = [1], strides = [1]} : vector<16xf32> to vector<1xf32>
        %squeeze3A_2478 = vector.extract %slice3A_2477[0] : f32 from vector<1xf32>
        %broadcast_in_dim3A_2479 = vector.broadcast %squeeze3A_2478 : f32 to vector<16xf32>
        %mul3A_2480 = arith.mulf %broadcast_in_dim3A_2479, %get3A_2473 : vector<16xf32>
        %add3A_2481 = arith.addf %add3A_2341, %mul3A_2480 : vector<16xf32>
        %mul3A_2482 = arith.mulf %broadcast_in_dim3A_2479, %get3A_2476 : vector<16xf32>
        %add3A_2483 = arith.addf %add3A_2343, %mul3A_2482 : vector<16xf32>
        %slice3A_2484 = vector.extract_strided_slice %get3A_2364 {offsets = [7], sizes = [1], strides = [1]} : vector<16xi32> to vector<1xi32>
        %squeeze3A_2485 = vector.extract %slice3A_2484[0] : i32 from vector<1xi32>
        %get3A_2486 = arith.index_cast %squeeze3A_2485 : i32 to index
        %get3A_2487 = arith.constant 0 : index
        %get3A_2488 = tpu.vector_load %arg15[%get3A_2486, %get3A_2487] {strides = array<i32>} : memref<1000x32xf32, #tpu.memory_space<vmem>>, vector<16xf32>,
        %get3A_2489 = arith.index_cast %squeeze3A_2485 : i32 to index
        %get3A_2490 = arith.constant 16 : index
        %get3A_2491 = tpu.vector_load %arg15[%get3A_2489, %get3A_2490] {strides = array<i32>} : memref<1000x32xf32, #tpu.memory_space<vmem>>, vector<16xf32>,
        %slice3A_2492 = vector.extract_strided_slice %select_n3A_2378 {offsets = [7], sizes = [1], strides = [1]} : vector<16xf32> to vector<1xf32>
        %squeeze3A_2493 = vector.extract %slice3A_2492[0] : f32 from vector<1xf32>
        %broadcast_in_dim3A_2494 = vector.broadcast %squeeze3A_2493 : f32 to vector<16xf32>
        %mul3A_2495 = arith.mulf %broadcast_in_dim3A_2494, %get3A_2488 : vector<16xf32>
        %add3A_2496 = arith.addf %add3A_2356, %mul3A_2495 : vector<16xf32>
        %mul3A_2497 = arith.mulf %broadcast_in_dim3A_2494, %get3A_2491 : vector<16xf32>
        %add3A_2498 = arith.addf %add3A_2358, %mul3A_2497 : vector<16xf32>
        %mul3A_2499 = arith.constant 8 : i32
        %mul3A_2500 = arith.muli %scan3A_122, %mul3A_2499 : i32
        %get3A_2501 = arith.constant 17 : i32
        %get3A_2502 = arith.index_cast %get3A_2501 : i32 to index
        %get3A_2503 = arith.index_cast %mul3A_2500 : i32 to index
        %get3A_2504 = tpu.vector_load %arg18[%get3A_2502, %get3A_2503] {strides = array<i32>} : memref<20x72xi32, #tpu.memory_space<vmem>>, vector<16xi32>,
        %mul3A_2505 = arith.constant 8 : i32
        %mul3A_2506 = arith.muli %scan3A_122, %mul3A_2505 : i32
        %get3A_2507 = arith.constant 17 : i32
        %get3A_2508 = arith.index_cast %get3A_2507 : i32 to index
        %get3A_2509 = arith.index_cast %mul3A_2506 : i32 to index
        %get3A_2510 = tpu.vector_load %arg19[%get3A_2508, %get3A_2509] {strides = array<i32>} : memref<20x72xi32, #tpu.memory_space<vmem>>, vector<16xi32>,
        %ne3A_2511 = arith.constant 0 : i32
        %ne3A_2512 = vector.broadcast %ne3A_2511 : i32 to vector<16xi32>
        %ne3A_2513 = arith.cmpi ne, %get3A_2510, %ne3A_2512 : vector<16xi32>
        %get3A_2514 = arith.constant 17 : i32
        %get3A_2515 = arith.index_cast %get3A_2514 : i32 to index
        %get3A_2516 = arith.constant 0 : index
        %get3A_2517 = tpu.vector_load %arg17[%get3A_2515, %get3A_2516] {strides = array<i32>} : memref<20x16xf32, #tpu.memory_space<vmem>>, vector<16xf32>,
        %select_n3A_2518 = arith.select %ne3A_2513, %get3A_2517, %broadcast_in_dim3A_1 : vector<16xi1>, vector<16xf32>
        %slice3A_2519 = vector.extract_strided_slice %get3A_2504 {offsets = [0], sizes = [1], strides = [1]} : vector<16xi32> to vector<1xi32>
        %squeeze3A_2520 = vector.extract %slice3A_2519[0] : i32 from vector<1xi32>
        %get3A_2521 = arith.index_cast %squeeze3A_2520 : i32 to index
        %get3A_2522 = arith.constant 0 : index
        %get3A_2523 = tpu.vector_load %arg15[%get3A_2521, %get3A_2522] {strides = array<i32>} : memref<1000x32xf32, #tpu.memory_space<vmem>>, vector<16xf32>,
        %get3A_2524 = arith.index_cast %squeeze3A_2520 : i32 to index
        %get3A_2525 = arith.constant 16 : index
        %get3A_2526 = tpu.vector_load %arg15[%get3A_2524, %get3A_2525] {strides = array<i32>} : memref<1000x32xf32, #tpu.memory_space<vmem>>, vector<16xf32>,
        %slice3A_2527 = vector.extract_strided_slice %select_n3A_2518 {offsets = [0], sizes = [1], strides = [1]} : vector<16xf32> to vector<1xf32>
        %squeeze3A_2528 = vector.extract %slice3A_2527[0] : f32 from vector<1xf32>
        %broadcast_in_dim3A_2529 = vector.broadcast %squeeze3A_2528 : f32 to vector<16xf32>
        %mul3A_2530 = arith.mulf %broadcast_in_dim3A_2529, %get3A_2523 : vector<16xf32>
        %add3A_2531 = arith.addf %add3A_2391, %mul3A_2530 : vector<16xf32>
        %mul3A_2532 = arith.mulf %broadcast_in_dim3A_2529, %get3A_2526 : vector<16xf32>
        %add3A_2533 = arith.addf %add3A_2393, %mul3A_2532 : vector<16xf32>
        %slice3A_2534 = vector.extract_strided_slice %get3A_2504 {offsets = [1], sizes = [1], strides = [1]} : vector<16xi32> to vector<1xi32>
        %squeeze3A_2535 = vector.extract %slice3A_2534[0] : i32 from vector<1xi32>
        %get3A_2536 = arith.index_cast %squeeze3A_2535 : i32 to index
        %get3A_2537 = arith.constant 0 : index
        %get3A_2538 = tpu.vector_load %arg15[%get3A_2536, %get3A_2537] {strides = array<i32>} : memref<1000x32xf32, #tpu.memory_space<vmem>>, vector<16xf32>,
        %get3A_2539 = arith.index_cast %squeeze3A_2535 : i32 to index
        %get3A_2540 = arith.constant 16 : index
        %get3A_2541 = tpu.vector_load %arg15[%get3A_2539, %get3A_2540] {strides = array<i32>} : memref<1000x32xf32, #tpu.memory_space<vmem>>, vector<16xf32>,
        %slice3A_2542 = vector.extract_strided_slice %select_n3A_2518 {offsets = [1], sizes = [1], strides = [1]} : vector<16xf32> to vector<1xf32>
        %squeeze3A_2543 = vector.extract %slice3A_2542[0] : f32 from vector<1xf32>
        %broadcast_in_dim3A_2544 = vector.broadcast %squeeze3A_2543 : f32 to vector<16xf32>
        %mul3A_2545 = arith.mulf %broadcast_in_dim3A_2544, %get3A_2538 : vector<16xf32>
        %add3A_2546 = arith.addf %add3A_2406, %mul3A_2545 : vector<16xf32>
        %mul3A_2547 = arith.mulf %broadcast_in_dim3A_2544, %get3A_2541 : vector<16xf32>
        %add3A_2548 = arith.addf %add3A_2408, %mul3A_2547 : vector<16xf32>
        %slice3A_2549 = vector.extract_strided_slice %get3A_2504 {offsets = [2], sizes = [1], strides = [1]} : vector<16xi32> to vector<1xi32>
        %squeeze3A_2550 = vector.extract %slice3A_2549[0] : i32 from vector<1xi32>
        %get3A_2551 = arith.index_cast %squeeze3A_2550 : i32 to index
        %get3A_2552 = arith.constant 0 : index
        %get3A_2553 = tpu.vector_load %arg15[%get3A_2551, %get3A_2552] {strides = array<i32>} : memref<1000x32xf32, #tpu.memory_space<vmem>>, vector<16xf32>,
        %get3A_2554 = arith.index_cast %squeeze3A_2550 : i32 to index
        %get3A_2555 = arith.constant 16 : index
        %get3A_2556 = tpu.vector_load %arg15[%get3A_2554, %get3A_2555] {strides = array<i32>} : memref<1000x32xf32, #tpu.memory_space<vmem>>, vector<16xf32>,
        %slice3A_2557 = vector.extract_strided_slice %select_n3A_2518 {offsets = [2], sizes = [1], strides = [1]} : vector<16xf32> to vector<1xf32>
        %squeeze3A_2558 = vector.extract %slice3A_2557[0] : f32 from vector<1xf32>
        %broadcast_in_dim3A_2559 = vector.broadcast %squeeze3A_2558 : f32 to vector<16xf32>
        %mul3A_2560 = arith.mulf %broadcast_in_dim3A_2559, %get3A_2553 : vector<16xf32>
        %add3A_2561 = arith.addf %add3A_2421, %mul3A_2560 : vector<16xf32>
        %mul3A_2562 = arith.mulf %broadcast_in_dim3A_2559, %get3A_2556 : vector<16xf32>
        %add3A_2563 = arith.addf %add3A_2423, %mul3A_2562 : vector<16xf32>
        %slice3A_2564 = vector.extract_strided_slice %get3A_2504 {offsets = [3], sizes = [1], strides = [1]} : vector<16xi32> to vector<1xi32>
        %squeeze3A_2565 = vector.extract %slice3A_2564[0] : i32 from vector<1xi32>
        %get3A_2566 = arith.index_cast %squeeze3A_2565 : i32 to index
        %get3A_2567 = arith.constant 0 : index
        %get3A_2568 = tpu.vector_load %arg15[%get3A_2566, %get3A_2567] {strides = array<i32>} : memref<1000x32xf32, #tpu.memory_space<vmem>>, vector<16xf32>,
        %get3A_2569 = arith.index_cast %squeeze3A_2565 : i32 to index
        %get3A_2570 = arith.constant 16 : index
        %get3A_2571 = tpu.vector_load %arg15[%get3A_2569, %get3A_2570] {strides = array<i32>} : memref<1000x32xf32, #tpu.memory_space<vmem>>, vector<16xf32>,
        %slice3A_2572 = vector.extract_strided_slice %select_n3A_2518 {offsets = [3], sizes = [1], strides = [1]} : vector<16xf32> to vector<1xf32>
        %squeeze3A_2573 = vector.extract %slice3A_2572[0] : f32 from vector<1xf32>
        %broadcast_in_dim3A_2574 = vector.broadcast %squeeze3A_2573 : f32 to vector<16xf32>
        %mul3A_2575 = arith.mulf %broadcast_in_dim3A_2574, %get3A_2568 : vector<16xf32>
        %add3A_2576 = arith.addf %add3A_2436, %mul3A_2575 : vector<16xf32>
        %mul3A_2577 = arith.mulf %broadcast_in_dim3A_2574, %get3A_2571 : vector<16xf32>
        %add3A_2578 = arith.addf %add3A_2438, %mul3A_2577 : vector<16xf32>
        %slice3A_2579 = vector.extract_strided_slice %get3A_2504 {offsets = [4], sizes = [1], strides = [1]} : vector<16xi32> to vector<1xi32>
        %squeeze3A_2580 = vector.extract %slice3A_2579[0] : i32 from vector<1xi32>
        %get3A_2581 = arith.index_cast %squeeze3A_2580 : i32 to index
        %get3A_2582 = arith.constant 0 : index
        %get3A_2583 = tpu.vector_load %arg15[%get3A_2581, %get3A_2582] {strides = array<i32>} : memref<1000x32xf32, #tpu.memory_space<vmem>>, vector<16xf32>,
        %get3A_2584 = arith.index_cast %squeeze3A_2580 : i32 to index
        %get3A_2585 = arith.constant 16 : index
        %get3A_2586 = tpu.vector_load %arg15[%get3A_2584, %get3A_2585] {strides = array<i32>} : memref<1000x32xf32, #tpu.memory_space<vmem>>, vector<16xf32>,
        %slice3A_2587 = vector.extract_strided_slice %select_n3A_2518 {offsets = [4], sizes = [1], strides = [1]} : vector<16xf32> to vector<1xf32>
        %squeeze3A_2588 = vector.extract %slice3A_2587[0] : f32 from vector<1xf32>
        %broadcast_in_dim3A_2589 = vector.broadcast %squeeze3A_2588 : f32 to vector<16xf32>
        %mul3A_2590 = arith.mulf %broadcast_in_dim3A_2589, %get3A_2583 : vector<16xf32>
        %add3A_2591 = arith.addf %add3A_2451, %mul3A_2590 : vector<16xf32>
        %mul3A_2592 = arith.mulf %broadcast_in_dim3A_2589, %get3A_2586 : vector<16xf32>
        %add3A_2593 = arith.addf %add3A_2453, %mul3A_2592 : vector<16xf32>
        %slice3A_2594 = vector.extract_strided_slice %get3A_2504 {offsets = [5], sizes = [1], strides = [1]} : vector<16xi32> to vector<1xi32>
        %squeeze3A_2595 = vector.extract %slice3A_2594[0] : i32 from vector<1xi32>
        %get3A_2596 = arith.index_cast %squeeze3A_2595 : i32 to index
        %get3A_2597 = arith.constant 0 : index
        %get3A_2598 = tpu.vector_load %arg15[%get3A_2596, %get3A_2597] {strides = array<i32>} : memref<1000x32xf32, #tpu.memory_space<vmem>>, vector<16xf32>,
        %get3A_2599 = arith.index_cast %squeeze3A_2595 : i32 to index
        %get3A_2600 = arith.constant 16 : index
        %get3A_2601 = tpu.vector_load %arg15[%get3A_2599, %get3A_2600] {strides = array<i32>} : memref<1000x32xf32, #tpu.memory_space<vmem>>, vector<16xf32>,
        %slice3A_2602 = vector.extract_strided_slice %select_n3A_2518 {offsets = [5], sizes = [1], strides = [1]} : vector<16xf32> to vector<1xf32>
        %squeeze3A_2603 = vector.extract %slice3A_2602[0] : f32 from vector<1xf32>
        %broadcast_in_dim3A_2604 = vector.broadcast %squeeze3A_2603 : f32 to vector<16xf32>
        %mul3A_2605 = arith.mulf %broadcast_in_dim3A_2604, %get3A_2598 : vector<16xf32>
        %add3A_2606 = arith.addf %add3A_2466, %mul3A_2605 : vector<16xf32>
        %mul3A_2607 = arith.mulf %broadcast_in_dim3A_2604, %get3A_2601 : vector<16xf32>
        %add3A_2608 = arith.addf %add3A_2468, %mul3A_2607 : vector<16xf32>
        %slice3A_2609 = vector.extract_strided_slice %get3A_2504 {offsets = [6], sizes = [1], strides = [1]} : vector<16xi32> to vector<1xi32>
        %squeeze3A_2610 = vector.extract %slice3A_2609[0] : i32 from vector<1xi32>
        %get3A_2611 = arith.index_cast %squeeze3A_2610 : i32 to index
        %get3A_2612 = arith.constant 0 : index
        %get3A_2613 = tpu.vector_load %arg15[%get3A_2611, %get3A_2612] {strides = array<i32>} : memref<1000x32xf32, #tpu.memory_space<vmem>>, vector<16xf32>,
        %get3A_2614 = arith.index_cast %squeeze3A_2610 : i32 to index
        %get3A_2615 = arith.constant 16 : index
        %get3A_2616 = tpu.vector_load %arg15[%get3A_2614, %get3A_2615] {strides = array<i32>} : memref<1000x32xf32, #tpu.memory_space<vmem>>, vector<16xf32>,
        %slice3A_2617 = vector.extract_strided_slice %select_n3A_2518 {offsets = [6], sizes = [1], strides = [1]} : vector<16xf32> to vector<1xf32>
        %squeeze3A_2618 = vector.extract %slice3A_2617[0] : f32 from vector<1xf32>
        %broadcast_in_dim3A_2619 = vector.broadcast %squeeze3A_2618 : f32 to vector<16xf32>
        %mul3A_2620 = arith.mulf %broadcast_in_dim3A_2619, %get3A_2613 : vector<16xf32>
        %add3A_2621 = arith.addf %add3A_2481, %mul3A_2620 : vector<16xf32>
        %mul3A_2622 = arith.mulf %broadcast_in_dim3A_2619, %get3A_2616 : vector<16xf32>
        %add3A_2623 = arith.addf %add3A_2483, %mul3A_2622 : vector<16xf32>
        %slice3A_2624 = vector.extract_strided_slice %get3A_2504 {offsets = [7], sizes = [1], strides = [1]} : vector<16xi32> to vector<1xi32>
        %squeeze3A_2625 = vector.extract %slice3A_2624[0] : i32 from vector<1xi32>
        %get3A_2626 = arith.index_cast %squeeze3A_2625 : i32 to index
        %get3A_2627 = arith.constant 0 : index
        %get3A_2628 = tpu.vector_load %arg15[%get3A_2626, %get3A_2627] {strides = array<i32>} : memref<1000x32xf32, #tpu.memory_space<vmem>>, vector<16xf32>,
        %get3A_2629 = arith.index_cast %squeeze3A_2625 : i32 to index
        %get3A_2630 = arith.constant 16 : index
        %get3A_2631 = tpu.vector_load %arg15[%get3A_2629, %get3A_2630] {strides = array<i32>} : memref<1000x32xf32, #tpu.memory_space<vmem>>, vector<16xf32>,
        %slice3A_2632 = vector.extract_strided_slice %select_n3A_2518 {offsets = [7], sizes = [1], strides = [1]} : vector<16xf32> to vector<1xf32>
        %squeeze3A_2633 = vector.extract %slice3A_2632[0] : f32 from vector<1xf32>
        %broadcast_in_dim3A_2634 = vector.broadcast %squeeze3A_2633 : f32 to vector<16xf32>
        %mul3A_2635 = arith.mulf %broadcast_in_dim3A_2634, %get3A_2628 : vector<16xf32>
        %add3A_2636 = arith.addf %add3A_2496, %mul3A_2635 : vector<16xf32>
        %mul3A_2637 = arith.mulf %broadcast_in_dim3A_2634, %get3A_2631 : vector<16xf32>
        %add3A_2638 = arith.addf %add3A_2498, %mul3A_2637 : vector<16xf32>
        %mul3A_2639 = arith.constant 8 : i32
        %mul3A_2640 = arith.muli %scan3A_122, %mul3A_2639 : i32
        %get3A_2641 = arith.constant 18 : i32
        %get3A_2642 = arith.index_cast %get3A_2641 : i32 to index
        %get3A_2643 = arith.index_cast %mul3A_2640 : i32 to index
        %get3A_2644 = tpu.vector_load %arg18[%get3A_2642, %get3A_2643] {strides = array<i32>} : memref<20x72xi32, #tpu.memory_space<vmem>>, vector<16xi32>,
        %mul3A_2645 = arith.constant 8 : i32
        %mul3A_2646 = arith.muli %scan3A_122, %mul3A_2645 : i32
        %get3A_2647 = arith.constant 18 : i32
        %get3A_2648 = arith.index_cast %get3A_2647 : i32 to index
        %get3A_2649 = arith.index_cast %mul3A_2646 : i32 to index
        %get3A_2650 = tpu.vector_load %arg19[%get3A_2648, %get3A_2649] {strides = array<i32>} : memref<20x72xi32, #tpu.memory_space<vmem>>, vector<16xi32>,
        %ne3A_2651 = arith.constant 0 : i32
        %ne3A_2652 = vector.broadcast %ne3A_2651 : i32 to vector<16xi32>
        %ne3A_2653 = arith.cmpi ne, %get3A_2650, %ne3A_2652 : vector<16xi32>
        %get3A_2654 = arith.constant 18 : i32
        %get3A_2655 = arith.index_cast %get3A_2654 : i32 to index
        %get3A_2656 = arith.constant 0 : index
        %get3A_2657 = tpu.vector_load %arg17[%get3A_2655, %get3A_2656] {strides = array<i32>} : memref<20x16xf32, #tpu.memory_space<vmem>>, vector<16xf32>,
        %select_n3A_2658 = arith.select %ne3A_2653, %get3A_2657, %broadcast_in_dim3A_1 : vector<16xi1>, vector<16xf32>
        %slice3A_2659 = vector.extract_strided_slice %get3A_2644 {offsets = [0], sizes = [1], strides = [1]} : vector<16xi32> to vector<1xi32>
        %squeeze3A_2660 = vector.extract %slice3A_2659[0] : i32 from vector<1xi32>
        %get3A_2661 = arith.index_cast %squeeze3A_2660 : i32 to index
        %get3A_2662 = arith.constant 0 : index
        %get3A_2663 = tpu.vector_load %arg15[%get3A_2661, %get3A_2662] {strides = array<i32>} : memref<1000x32xf32, #tpu.memory_space<vmem>>, vector<16xf32>,
        %get3A_2664 = arith.index_cast %squeeze3A_2660 : i32 to index
        %get3A_2665 = arith.constant 16 : index
        %get3A_2666 = tpu.vector_load %arg15[%get3A_2664, %get3A_2665] {strides = array<i32>} : memref<1000x32xf32, #tpu.memory_space<vmem>>, vector<16xf32>,
        %slice3A_2667 = vector.extract_strided_slice %select_n3A_2658 {offsets = [0], sizes = [1], strides = [1]} : vector<16xf32> to vector<1xf32>
        %squeeze3A_2668 = vector.extract %slice3A_2667[0] : f32 from vector<1xf32>
        %broadcast_in_dim3A_2669 = vector.broadcast %squeeze3A_2668 : f32 to vector<16xf32>
        %mul3A_2670 = arith.mulf %broadcast_in_dim3A_2669, %get3A_2663 : vector<16xf32>
        %add3A_2671 = arith.addf %add3A_2531, %mul3A_2670 : vector<16xf32>
        %mul3A_2672 = arith.mulf %broadcast_in_dim3A_2669, %get3A_2666 : vector<16xf32>
        %add3A_2673 = arith.addf %add3A_2533, %mul3A_2672 : vector<16xf32>
        %slice3A_2674 = vector.extract_strided_slice %get3A_2644 {offsets = [1], sizes = [1], strides = [1]} : vector<16xi32> to vector<1xi32>
        %squeeze3A_2675 = vector.extract %slice3A_2674[0] : i32 from vector<1xi32>
        %get3A_2676 = arith.index_cast %squeeze3A_2675 : i32 to index
        %get3A_2677 = arith.constant 0 : index
        %get3A_2678 = tpu.vector_load %arg15[%get3A_2676, %get3A_2677] {strides = array<i32>} : memref<1000x32xf32, #tpu.memory_space<vmem>>, vector<16xf32>,
        %get3A_2679 = arith.index_cast %squeeze3A_2675 : i32 to index
        %get3A_2680 = arith.constant 16 : index
        %get3A_2681 = tpu.vector_load %arg15[%get3A_2679, %get3A_2680] {strides = array<i32>} : memref<1000x32xf32, #tpu.memory_space<vmem>>, vector<16xf32>,
        %slice3A_2682 = vector.extract_strided_slice %select_n3A_2658 {offsets = [1], sizes = [1], strides = [1]} : vector<16xf32> to vector<1xf32>
        %squeeze3A_2683 = vector.extract %slice3A_2682[0] : f32 from vector<1xf32>
        %broadcast_in_dim3A_2684 = vector.broadcast %squeeze3A_2683 : f32 to vector<16xf32>
        %mul3A_2685 = arith.mulf %broadcast_in_dim3A_2684, %get3A_2678 : vector<16xf32>
        %add3A_2686 = arith.addf %add3A_2546, %mul3A_2685 : vector<16xf32>
        %mul3A_2687 = arith.mulf %broadcast_in_dim3A_2684, %get3A_2681 : vector<16xf32>
        %add3A_2688 = arith.addf %add3A_2548, %mul3A_2687 : vector<16xf32>
        %slice3A_2689 = vector.extract_strided_slice %get3A_2644 {offsets = [2], sizes = [1], strides = [1]} : vector<16xi32> to vector<1xi32>
        %squeeze3A_2690 = vector.extract %slice3A_2689[0] : i32 from vector<1xi32>
        %get3A_2691 = arith.index_cast %squeeze3A_2690 : i32 to index
        %get3A_2692 = arith.constant 0 : index
        %get3A_2693 = tpu.vector_load %arg15[%get3A_2691, %get3A_2692] {strides = array<i32>} : memref<1000x32xf32, #tpu.memory_space<vmem>>, vector<16xf32>,
        %get3A_2694 = arith.index_cast %squeeze3A_2690 : i32 to index
        %get3A_2695 = arith.constant 16 : index
        %get3A_2696 = tpu.vector_load %arg15[%get3A_2694, %get3A_2695] {strides = array<i32>} : memref<1000x32xf32, #tpu.memory_space<vmem>>, vector<16xf32>,
        %slice3A_2697 = vector.extract_strided_slice %select_n3A_2658 {offsets = [2], sizes = [1], strides = [1]} : vector<16xf32> to vector<1xf32>
        %squeeze3A_2698 = vector.extract %slice3A_2697[0] : f32 from vector<1xf32>
        %broadcast_in_dim3A_2699 = vector.broadcast %squeeze3A_2698 : f32 to vector<16xf32>
        %mul3A_2700 = arith.mulf %broadcast_in_dim3A_2699, %get3A_2693 : vector<16xf32>
        %add3A_2701 = arith.addf %add3A_2561, %mul3A_2700 : vector<16xf32>
        %mul3A_2702 = arith.mulf %broadcast_in_dim3A_2699, %get3A_2696 : vector<16xf32>
        %add3A_2703 = arith.addf %add3A_2563, %mul3A_2702 : vector<16xf32>
        %slice3A_2704 = vector.extract_strided_slice %get3A_2644 {offsets = [3], sizes = [1], strides = [1]} : vector<16xi32> to vector<1xi32>
        %squeeze3A_2705 = vector.extract %slice3A_2704[0] : i32 from vector<1xi32>
        %get3A_2706 = arith.index_cast %squeeze3A_2705 : i32 to index
        %get3A_2707 = arith.constant 0 : index
        %get3A_2708 = tpu.vector_load %arg15[%get3A_2706, %get3A_2707] {strides = array<i32>} : memref<1000x32xf32, #tpu.memory_space<vmem>>, vector<16xf32>,
        %get3A_2709 = arith.index_cast %squeeze3A_2705 : i32 to index
        %get3A_2710 = arith.constant 16 : index
        %get3A_2711 = tpu.vector_load %arg15[%get3A_2709, %get3A_2710] {strides = array<i32>} : memref<1000x32xf32, #tpu.memory_space<vmem>>, vector<16xf32>,
        %slice3A_2712 = vector.extract_strided_slice %select_n3A_2658 {offsets = [3], sizes = [1], strides = [1]} : vector<16xf32> to vector<1xf32>
        %squeeze3A_2713 = vector.extract %slice3A_2712[0] : f32 from vector<1xf32>
        %broadcast_in_dim3A_2714 = vector.broadcast %squeeze3A_2713 : f32 to vector<16xf32>
        %mul3A_2715 = arith.mulf %broadcast_in_dim3A_2714, %get3A_2708 : vector<16xf32>
        %add3A_2716 = arith.addf %add3A_2576, %mul3A_2715 : vector<16xf32>
        %mul3A_2717 = arith.mulf %broadcast_in_dim3A_2714, %get3A_2711 : vector<16xf32>
        %add3A_2718 = arith.addf %add3A_2578, %mul3A_2717 : vector<16xf32>
        %slice3A_2719 = vector.extract_strided_slice %get3A_2644 {offsets = [4], sizes = [1], strides = [1]} : vector<16xi32> to vector<1xi32>
        %squeeze3A_2720 = vector.extract %slice3A_2719[0] : i32 from vector<1xi32>
        %get3A_2721 = arith.index_cast %squeeze3A_2720 : i32 to index
        %get3A_2722 = arith.constant 0 : index
        %get3A_2723 = tpu.vector_load %arg15[%get3A_2721, %get3A_2722] {strides = array<i32>} : memref<1000x32xf32, #tpu.memory_space<vmem>>, vector<16xf32>,
        %get3A_2724 = arith.index_cast %squeeze3A_2720 : i32 to index
        %get3A_2725 = arith.constant 16 : index
        %get3A_2726 = tpu.vector_load %arg15[%get3A_2724, %get3A_2725] {strides = array<i32>} : memref<1000x32xf32, #tpu.memory_space<vmem>>, vector<16xf32>,
        %slice3A_2727 = vector.extract_strided_slice %select_n3A_2658 {offsets = [4], sizes = [1], strides = [1]} : vector<16xf32> to vector<1xf32>
        %squeeze3A_2728 = vector.extract %slice3A_2727[0] : f32 from vector<1xf32>
        %broadcast_in_dim3A_2729 = vector.broadcast %squeeze3A_2728 : f32 to vector<16xf32>
        %mul3A_2730 = arith.mulf %broadcast_in_dim3A_2729, %get3A_2723 : vector<16xf32>
        %add3A_2731 = arith.addf %add3A_2591, %mul3A_2730 : vector<16xf32>
        %mul3A_2732 = arith.mulf %broadcast_in_dim3A_2729, %get3A_2726 : vector<16xf32>
        %add3A_2733 = arith.addf %add3A_2593, %mul3A_2732 : vector<16xf32>
        %slice3A_2734 = vector.extract_strided_slice %get3A_2644 {offsets = [5], sizes = [1], strides = [1]} : vector<16xi32> to vector<1xi32>
        %squeeze3A_2735 = vector.extract %slice3A_2734[0] : i32 from vector<1xi32>
        %get3A_2736 = arith.index_cast %squeeze3A_2735 : i32 to index
        %get3A_2737 = arith.constant 0 : index
        %get3A_2738 = tpu.vector_load %arg15[%get3A_2736, %get3A_2737] {strides = array<i32>} : memref<1000x32xf32, #tpu.memory_space<vmem>>, vector<16xf32>,
        %get3A_2739 = arith.index_cast %squeeze3A_2735 : i32 to index
        %get3A_2740 = arith.constant 16 : index
        %get3A_2741 = tpu.vector_load %arg15[%get3A_2739, %get3A_2740] {strides = array<i32>} : memref<1000x32xf32, #tpu.memory_space<vmem>>, vector<16xf32>,
        %slice3A_2742 = vector.extract_strided_slice %select_n3A_2658 {offsets = [5], sizes = [1], strides = [1]} : vector<16xf32> to vector<1xf32>
        %squeeze3A_2743 = vector.extract %slice3A_2742[0] : f32 from vector<1xf32>
        %broadcast_in_dim3A_2744 = vector.broadcast %squeeze3A_2743 : f32 to vector<16xf32>
        %mul3A_2745 = arith.mulf %broadcast_in_dim3A_2744, %get3A_2738 : vector<16xf32>
        %add3A_2746 = arith.addf %add3A_2606, %mul3A_2745 : vector<16xf32>
        %mul3A_2747 = arith.mulf %broadcast_in_dim3A_2744, %get3A_2741 : vector<16xf32>
        %add3A_2748 = arith.addf %add3A_2608, %mul3A_2747 : vector<16xf32>
        %slice3A_2749 = vector.extract_strided_slice %get3A_2644 {offsets = [6], sizes = [1], strides = [1]} : vector<16xi32> to vector<1xi32>
        %squeeze3A_2750 = vector.extract %slice3A_2749[0] : i32 from vector<1xi32>
        %get3A_2751 = arith.index_cast %squeeze3A_2750 : i32 to index
        %get3A_2752 = arith.constant 0 : index
        %get3A_2753 = tpu.vector_load %arg15[%get3A_2751, %get3A_2752] {strides = array<i32>} : memref<1000x32xf32, #tpu.memory_space<vmem>>, vector<16xf32>,
        %get3A_2754 = arith.index_cast %squeeze3A_2750 : i32 to index
        %get3A_2755 = arith.constant 16 : index
        %get3A_2756 = tpu.vector_load %arg15[%get3A_2754, %get3A_2755] {strides = array<i32>} : memref<1000x32xf32, #tpu.memory_space<vmem>>, vector<16xf32>,
        %slice3A_2757 = vector.extract_strided_slice %select_n3A_2658 {offsets = [6], sizes = [1], strides = [1]} : vector<16xf32> to vector<1xf32>
        %squeeze3A_2758 = vector.extract %slice3A_2757[0] : f32 from vector<1xf32>
        %broadcast_in_dim3A_2759 = vector.broadcast %squeeze3A_2758 : f32 to vector<16xf32>
        %mul3A_2760 = arith.mulf %broadcast_in_dim3A_2759, %get3A_2753 : vector<16xf32>
        %add3A_2761 = arith.addf %add3A_2621, %mul3A_2760 : vector<16xf32>
        %mul3A_2762 = arith.mulf %broadcast_in_dim3A_2759, %get3A_2756 : vector<16xf32>
        %add3A_2763 = arith.addf %add3A_2623, %mul3A_2762 : vector<16xf32>
        %slice3A_2764 = vector.extract_strided_slice %get3A_2644 {offsets = [7], sizes = [1], strides = [1]} : vector<16xi32> to vector<1xi32>
        %squeeze3A_2765 = vector.extract %slice3A_2764[0] : i32 from vector<1xi32>
        %get3A_2766 = arith.index_cast %squeeze3A_2765 : i32 to index
        %get3A_2767 = arith.constant 0 : index
        %get3A_2768 = tpu.vector_load %arg15[%get3A_2766, %get3A_2767] {strides = array<i32>} : memref<1000x32xf32, #tpu.memory_space<vmem>>, vector<16xf32>,
        %get3A_2769 = arith.index_cast %squeeze3A_2765 : i32 to index
        %get3A_2770 = arith.constant 16 : index
        %get3A_2771 = tpu.vector_load %arg15[%get3A_2769, %get3A_2770] {strides = array<i32>} : memref<1000x32xf32, #tpu.memory_space<vmem>>, vector<16xf32>,
        %slice3A_2772 = vector.extract_strided_slice %select_n3A_2658 {offsets = [7], sizes = [1], strides = [1]} : vector<16xf32> to vector<1xf32>
        %squeeze3A_2773 = vector.extract %slice3A_2772[0] : f32 from vector<1xf32>
        %broadcast_in_dim3A_2774 = vector.broadcast %squeeze3A_2773 : f32 to vector<16xf32>
        %mul3A_2775 = arith.mulf %broadcast_in_dim3A_2774, %get3A_2768 : vector<16xf32>
        %add3A_2776 = arith.addf %add3A_2636, %mul3A_2775 : vector<16xf32>
        %mul3A_2777 = arith.mulf %broadcast_in_dim3A_2774, %get3A_2771 : vector<16xf32>
        %add3A_2778 = arith.addf %add3A_2638, %mul3A_2777 : vector<16xf32>
        %mul3A_2779 = arith.constant 8 : i32
        %mul3A_2780 = arith.muli %scan3A_122, %mul3A_2779 : i32
        %get3A_2781 = arith.constant 19 : i32
        %get3A_2782 = arith.index_cast %get3A_2781 : i32 to index
        %get3A_2783 = arith.index_cast %mul3A_2780 : i32 to index
        %get3A_2784 = tpu.vector_load %arg18[%get3A_2782, %get3A_2783] {strides = array<i32>} : memref<20x72xi32, #tpu.memory_space<vmem>>, vector<16xi32>,
        %mul3A_2785 = arith.constant 8 : i32
        %mul3A_2786 = arith.muli %scan3A_122, %mul3A_2785 : i32
        %get3A_2787 = arith.constant 19 : i32
        %get3A_2788 = arith.index_cast %get3A_2787 : i32 to index
        %get3A_2789 = arith.index_cast %mul3A_2786 : i32 to index
        %get3A_2790 = tpu.vector_load %arg19[%get3A_2788, %get3A_2789] {strides = array<i32>} : memref<20x72xi32, #tpu.memory_space<vmem>>, vector<16xi32>,
        %ne3A_2791 = arith.constant 0 : i32
        %ne3A_2792 = vector.broadcast %ne3A_2791 : i32 to vector<16xi32>
        %ne3A_2793 = arith.cmpi ne, %get3A_2790, %ne3A_2792 : vector<16xi32>
        %get3A_2794 = arith.constant 19 : i32
        %get3A_2795 = arith.index_cast %get3A_2794 : i32 to index
        %get3A_2796 = arith.constant 0 : index
        %get3A_2797 = tpu.vector_load %arg17[%get3A_2795, %get3A_2796] {strides = array<i32>} : memref<20x16xf32, #tpu.memory_space<vmem>>, vector<16xf32>,
        %select_n3A_2798 = arith.select %ne3A_2793, %get3A_2797, %broadcast_in_dim3A_1 : vector<16xi1>, vector<16xf32>
        %slice3A_2799 = vector.extract_strided_slice %get3A_2784 {offsets = [0], sizes = [1], strides = [1]} : vector<16xi32> to vector<1xi32>
        %squeeze3A_2800 = vector.extract %slice3A_2799[0] : i32 from vector<1xi32>
        %get3A_2801 = arith.index_cast %squeeze3A_2800 : i32 to index
        %get3A_2802 = arith.constant 0 : index
        %get3A_2803 = tpu.vector_load %arg15[%get3A_2801, %get3A_2802] {strides = array<i32>} : memref<1000x32xf32, #tpu.memory_space<vmem>>, vector<16xf32>,
        %get3A_2804 = arith.index_cast %squeeze3A_2800 : i32 to index
        %get3A_2805 = arith.constant 16 : index
        %get3A_2806 = tpu.vector_load %arg15[%get3A_2804, %get3A_2805] {strides = array<i32>} : memref<1000x32xf32, #tpu.memory_space<vmem>>, vector<16xf32>,
        %slice3A_2807 = vector.extract_strided_slice %select_n3A_2798 {offsets = [0], sizes = [1], strides = [1]} : vector<16xf32> to vector<1xf32>
        %squeeze3A_2808 = vector.extract %slice3A_2807[0] : f32 from vector<1xf32>
        %broadcast_in_dim3A_2809 = vector.broadcast %squeeze3A_2808 : f32 to vector<16xf32>
        %mul3A_2810 = arith.mulf %broadcast_in_dim3A_2809, %get3A_2803 : vector<16xf32>
        %add3A_2811 = arith.addf %add3A_2671, %mul3A_2810 : vector<16xf32>
        %mul3A_2812 = arith.mulf %broadcast_in_dim3A_2809, %get3A_2806 : vector<16xf32>
        %add3A_2813 = arith.addf %add3A_2673, %mul3A_2812 : vector<16xf32>
        %slice3A_2814 = vector.extract_strided_slice %get3A_2784 {offsets = [1], sizes = [1], strides = [1]} : vector<16xi32> to vector<1xi32>
        %squeeze3A_2815 = vector.extract %slice3A_2814[0] : i32 from vector<1xi32>
        %get3A_2816 = arith.index_cast %squeeze3A_2815 : i32 to index
        %get3A_2817 = arith.constant 0 : index
        %get3A_2818 = tpu.vector_load %arg15[%get3A_2816, %get3A_2817] {strides = array<i32>} : memref<1000x32xf32, #tpu.memory_space<vmem>>, vector<16xf32>,
        %get3A_2819 = arith.index_cast %squeeze3A_2815 : i32 to index
        %get3A_2820 = arith.constant 16 : index
        %get3A_2821 = tpu.vector_load %arg15[%get3A_2819, %get3A_2820] {strides = array<i32>} : memref<1000x32xf32, #tpu.memory_space<vmem>>, vector<16xf32>,
        %slice3A_2822 = vector.extract_strided_slice %select_n3A_2798 {offsets = [1], sizes = [1], strides = [1]} : vector<16xf32> to vector<1xf32>
        %squeeze3A_2823 = vector.extract %slice3A_2822[0] : f32 from vector<1xf32>
        %broadcast_in_dim3A_2824 = vector.broadcast %squeeze3A_2823 : f32 to vector<16xf32>
        %mul3A_2825 = arith.mulf %broadcast_in_dim3A_2824, %get3A_2818 : vector<16xf32>
        %add3A_2826 = arith.addf %add3A_2686, %mul3A_2825 : vector<16xf32>
        %mul3A_2827 = arith.mulf %broadcast_in_dim3A_2824, %get3A_2821 : vector<16xf32>
        %add3A_2828 = arith.addf %add3A_2688, %mul3A_2827 : vector<16xf32>
        %slice3A_2829 = vector.extract_strided_slice %get3A_2784 {offsets = [2], sizes = [1], strides = [1]} : vector<16xi32> to vector<1xi32>
        %squeeze3A_2830 = vector.extract %slice3A_2829[0] : i32 from vector<1xi32>
        %get3A_2831 = arith.index_cast %squeeze3A_2830 : i32 to index
        %get3A_2832 = arith.constant 0 : index
        %get3A_2833 = tpu.vector_load %arg15[%get3A_2831, %get3A_2832] {strides = array<i32>} : memref<1000x32xf32, #tpu.memory_space<vmem>>, vector<16xf32>,
        %get3A_2834 = arith.index_cast %squeeze3A_2830 : i32 to index
        %get3A_2835 = arith.constant 16 : index
        %get3A_2836 = tpu.vector_load %arg15[%get3A_2834, %get3A_2835] {strides = array<i32>} : memref<1000x32xf32, #tpu.memory_space<vmem>>, vector<16xf32>,
        %slice3A_2837 = vector.extract_strided_slice %select_n3A_2798 {offsets = [2], sizes = [1], strides = [1]} : vector<16xf32> to vector<1xf32>
        %squeeze3A_2838 = vector.extract %slice3A_2837[0] : f32 from vector<1xf32>
        %broadcast_in_dim3A_2839 = vector.broadcast %squeeze3A_2838 : f32 to vector<16xf32>
        %mul3A_2840 = arith.mulf %broadcast_in_dim3A_2839, %get3A_2833 : vector<16xf32>
        %add3A_2841 = arith.addf %add3A_2701, %mul3A_2840 : vector<16xf32>
        %mul3A_2842 = arith.mulf %broadcast_in_dim3A_2839, %get3A_2836 : vector<16xf32>
        %add3A_2843 = arith.addf %add3A_2703, %mul3A_2842 : vector<16xf32>
        %slice3A_2844 = vector.extract_strided_slice %get3A_2784 {offsets = [3], sizes = [1], strides = [1]} : vector<16xi32> to vector<1xi32>
        %squeeze3A_2845 = vector.extract %slice3A_2844[0] : i32 from vector<1xi32>
        %get3A_2846 = arith.index_cast %squeeze3A_2845 : i32 to index
        %get3A_2847 = arith.constant 0 : index
        %get3A_2848 = tpu.vector_load %arg15[%get3A_2846, %get3A_2847] {strides = array<i32>} : memref<1000x32xf32, #tpu.memory_space<vmem>>, vector<16xf32>,
        %get3A_2849 = arith.index_cast %squeeze3A_2845 : i32 to index
        %get3A_2850 = arith.constant 16 : index
        %get3A_2851 = tpu.vector_load %arg15[%get3A_2849, %get3A_2850] {strides = array<i32>} : memref<1000x32xf32, #tpu.memory_space<vmem>>, vector<16xf32>,
        %slice3A_2852 = vector.extract_strided_slice %select_n3A_2798 {offsets = [3], sizes = [1], strides = [1]} : vector<16xf32> to vector<1xf32>
        %squeeze3A_2853 = vector.extract %slice3A_2852[0] : f32 from vector<1xf32>
        %broadcast_in_dim3A_2854 = vector.broadcast %squeeze3A_2853 : f32 to vector<16xf32>
        %mul3A_2855 = arith.mulf %broadcast_in_dim3A_2854, %get3A_2848 : vector<16xf32>
        %add3A_2856 = arith.addf %add3A_2716, %mul3A_2855 : vector<16xf32>
        %mul3A_2857 = arith.mulf %broadcast_in_dim3A_2854, %get3A_2851 : vector<16xf32>
        %add3A_2858 = arith.addf %add3A_2718, %mul3A_2857 : vector<16xf32>
        %slice3A_2859 = vector.extract_strided_slice %get3A_2784 {offsets = [4], sizes = [1], strides = [1]} : vector<16xi32> to vector<1xi32>
        %squeeze3A_2860 = vector.extract %slice3A_2859[0] : i32 from vector<1xi32>
        %get3A_2861 = arith.index_cast %squeeze3A_2860 : i32 to index
        %get3A_2862 = arith.constant 0 : index
        %get3A_2863 = tpu.vector_load %arg15[%get3A_2861, %get3A_2862] {strides = array<i32>} : memref<1000x32xf32, #tpu.memory_space<vmem>>, vector<16xf32>,
        %get3A_2864 = arith.index_cast %squeeze3A_2860 : i32 to index
        %get3A_2865 = arith.constant 16 : index
        %get3A_2866 = tpu.vector_load %arg15[%get3A_2864, %get3A_2865] {strides = array<i32>} : memref<1000x32xf32, #tpu.memory_space<vmem>>, vector<16xf32>,
        %slice3A_2867 = vector.extract_strided_slice %select_n3A_2798 {offsets = [4], sizes = [1], strides = [1]} : vector<16xf32> to vector<1xf32>
        %squeeze3A_2868 = vector.extract %slice3A_2867[0] : f32 from vector<1xf32>
        %broadcast_in_dim3A_2869 = vector.broadcast %squeeze3A_2868 : f32 to vector<16xf32>
        %mul3A_2870 = arith.mulf %broadcast_in_dim3A_2869, %get3A_2863 : vector<16xf32>
        %add3A_2871 = arith.addf %add3A_2731, %mul3A_2870 : vector<16xf32>
        %mul3A_2872 = arith.mulf %broadcast_in_dim3A_2869, %get3A_2866 : vector<16xf32>
        %add3A_2873 = arith.addf %add3A_2733, %mul3A_2872 : vector<16xf32>
        %slice3A_2874 = vector.extract_strided_slice %get3A_2784 {offsets = [5], sizes = [1], strides = [1]} : vector<16xi32> to vector<1xi32>
        %squeeze3A_2875 = vector.extract %slice3A_2874[0] : i32 from vector<1xi32>
        %get3A_2876 = arith.index_cast %squeeze3A_2875 : i32 to index
        %get3A_2877 = arith.constant 0 : index
        %get3A_2878 = tpu.vector_load %arg15[%get3A_2876, %get3A_2877] {strides = array<i32>} : memref<1000x32xf32, #tpu.memory_space<vmem>>, vector<16xf32>,
        %get3A_2879 = arith.index_cast %squeeze3A_2875 : i32 to index
        %get3A_2880 = arith.constant 16 : index
        %get3A_2881 = tpu.vector_load %arg15[%get3A_2879, %get3A_2880] {strides = array<i32>} : memref<1000x32xf32, #tpu.memory_space<vmem>>, vector<16xf32>,
        %slice3A_2882 = vector.extract_strided_slice %select_n3A_2798 {offsets = [5], sizes = [1], strides = [1]} : vector<16xf32> to vector<1xf32>
        %squeeze3A_2883 = vector.extract %slice3A_2882[0] : f32 from vector<1xf32>
        %broadcast_in_dim3A_2884 = vector.broadcast %squeeze3A_2883 : f32 to vector<16xf32>
        %mul3A_2885 = arith.mulf %broadcast_in_dim3A_2884, %get3A_2878 : vector<16xf32>
        %add3A_2886 = arith.addf %add3A_2746, %mul3A_2885 : vector<16xf32>
        %mul3A_2887 = arith.mulf %broadcast_in_dim3A_2884, %get3A_2881 : vector<16xf32>
        %add3A_2888 = arith.addf %add3A_2748, %mul3A_2887 : vector<16xf32>
        %slice3A_2889 = vector.extract_strided_slice %get3A_2784 {offsets = [6], sizes = [1], strides = [1]} : vector<16xi32> to vector<1xi32>
        %squeeze3A_2890 = vector.extract %slice3A_2889[0] : i32 from vector<1xi32>
        %get3A_2891 = arith.index_cast %squeeze3A_2890 : i32 to index
        %get3A_2892 = arith.constant 0 : index
        %get3A_2893 = tpu.vector_load %arg15[%get3A_2891, %get3A_2892] {strides = array<i32>} : memref<1000x32xf32, #tpu.memory_space<vmem>>, vector<16xf32>,
        %get3A_2894 = arith.index_cast %squeeze3A_2890 : i32 to index
        %get3A_2895 = arith.constant 16 : index
        %get3A_2896 = tpu.vector_load %arg15[%get3A_2894, %get3A_2895] {strides = array<i32>} : memref<1000x32xf32, #tpu.memory_space<vmem>>, vector<16xf32>,
        %slice3A_2897 = vector.extract_strided_slice %select_n3A_2798 {offsets = [6], sizes = [1], strides = [1]} : vector<16xf32> to vector<1xf32>
        %squeeze3A_2898 = vector.extract %slice3A_2897[0] : f32 from vector<1xf32>
        %broadcast_in_dim3A_2899 = vector.broadcast %squeeze3A_2898 : f32 to vector<16xf32>
        %mul3A_2900 = arith.mulf %broadcast_in_dim3A_2899, %get3A_2893 : vector<16xf32>
        %add3A_2901 = arith.addf %add3A_2761, %mul3A_2900 : vector<16xf32>
        %mul3A_2902 = arith.mulf %broadcast_in_dim3A_2899, %get3A_2896 : vector<16xf32>
        %add3A_2903 = arith.addf %add3A_2763, %mul3A_2902 : vector<16xf32>
        %slice3A_2904 = vector.extract_strided_slice %get3A_2784 {offsets = [7], sizes = [1], strides = [1]} : vector<16xi32> to vector<1xi32>
        %squeeze3A_2905 = vector.extract %slice3A_2904[0] : i32 from vector<1xi32>
        %get3A_2906 = arith.index_cast %squeeze3A_2905 : i32 to index
        %get3A_2907 = arith.constant 0 : index
        %get3A_2908 = tpu.vector_load %arg15[%get3A_2906, %get3A_2907] {strides = array<i32>} : memref<1000x32xf32, #tpu.memory_space<vmem>>, vector<16xf32>,
        %get3A_2909 = arith.index_cast %squeeze3A_2905 : i32 to index
        %get3A_2910 = arith.constant 16 : index
        %get3A_2911 = tpu.vector_load %arg15[%get3A_2909, %get3A_2910] {strides = array<i32>} : memref<1000x32xf32, #tpu.memory_space<vmem>>, vector<16xf32>,
        %slice3A_2912 = vector.extract_strided_slice %select_n3A_2798 {offsets = [7], sizes = [1], strides = [1]} : vector<16xf32> to vector<1xf32>
        %squeeze3A_2913 = vector.extract %slice3A_2912[0] : f32 from vector<1xf32>
        %broadcast_in_dim3A_2914 = vector.broadcast %squeeze3A_2913 : f32 to vector<16xf32>
        %mul3A_2915 = arith.mulf %broadcast_in_dim3A_2914, %get3A_2908 : vector<16xf32>
        %add3A_2916 = arith.addf %add3A_2776, %mul3A_2915 : vector<16xf32>
        %mul3A_2917 = arith.mulf %broadcast_in_dim3A_2914, %get3A_2911 : vector<16xf32>
        %add3A_2918 = arith.addf %add3A_2778, %mul3A_2917 : vector<16xf32>
        %mul3A_2919 = arith.constant 8 : i32
        %mul3A_2920 = arith.muli %scan3A_122, %mul3A_2919 : i32
        %add3A_2921 = arith.constant 0 : i32
        %add3A_2922 = arith.addi %mul3A_2920, %add3A_2921 : i32
        %swap3A_2923 = arith.index_cast %add3A_2922 : i32 to index
        %swap3A_2924 = arith.constant 0 : index
        %swap3A_2925 = tpu.vector_load %arg31[%swap3A_2923, %swap3A_2924] {strides = array<i32>} : memref<64x32xf32, #tpu.memory_space<vmem>>, vector<16xf32>,
        tpu.vector_store %arg31[%swap3A_2923, %swap3A_2924], %add3A_2811 {strides = array<i32>} : memref<64x32xf32, #tpu.memory_space<vmem>>, vector<16xf32>,
        %swap3A_2926 = arith.index_cast %add3A_2922 : i32 to index
        %swap3A_2927 = arith.constant 16 : index
        %swap3A_2928 = tpu.vector_load %arg31[%swap3A_2926, %swap3A_2927] {strides = array<i32>} : memref<64x32xf32, #tpu.memory_space<vmem>>, vector<16xf32>,
        tpu.vector_store %arg31[%swap3A_2926, %swap3A_2927], %add3A_2813 {strides = array<i32>} : memref<64x32xf32, #tpu.memory_space<vmem>>, vector<16xf32>,
        %mul3A_2929 = arith.constant 8 : i32
        %mul3A_2930 = arith.muli %scan3A_122, %mul3A_2929 : i32
        %add3A_2931 = arith.constant 1 : i32
        %add3A_2932 = arith.addi %mul3A_2930, %add3A_2931 : i32
        %swap3A_2933 = arith.index_cast %add3A_2932 : i32 to index
        %swap3A_2934 = arith.constant 0 : index
        %swap3A_2935 = tpu.vector_load %arg31[%swap3A_2933, %swap3A_2934] {strides = array<i32>} : memref<64x32xf32, #tpu.memory_space<vmem>>, vector<16xf32>,
        tpu.vector_store %arg31[%swap3A_2933, %swap3A_2934], %add3A_2826 {strides = array<i32>} : memref<64x32xf32, #tpu.memory_space<vmem>>, vector<16xf32>,
        %swap3A_2936 = arith.index_cast %add3A_2932 : i32 to index
        %swap3A_2937 = arith.constant 16 : index
        %swap3A_2938 = tpu.vector_load %arg31[%swap3A_2936, %swap3A_2937] {strides = array<i32>} : memref<64x32xf32, #tpu.memory_space<vmem>>, vector<16xf32>,
        tpu.vector_store %arg31[%swap3A_2936, %swap3A_2937], %add3A_2828 {strides = array<i32>} : memref<64x32xf32, #tpu.memory_space<vmem>>, vector<16xf32>,
        %mul3A_2939 = arith.constant 8 : i32
        %mul3A_2940 = arith.muli %scan3A_122, %mul3A_2939 : i32
        %add3A_2941 = arith.constant 2 : i32
        %add3A_2942 = arith.addi %mul3A_2940, %add3A_2941 : i32
        %swap3A_2943 = arith.index_cast %add3A_2942 : i32 to index
        %swap3A_2944 = arith.constant 0 : index
        %swap3A_2945 = tpu.vector_load %arg31[%swap3A_2943, %swap3A_2944] {strides = array<i32>} : memref<64x32xf32, #tpu.memory_space<vmem>>, vector<16xf32>,
        tpu.vector_store %arg31[%swap3A_2943, %swap3A_2944], %add3A_2841 {strides = array<i32>} : memref<64x32xf32, #tpu.memory_space<vmem>>, vector<16xf32>,
        %swap3A_2946 = arith.index_cast %add3A_2942 : i32 to index
        %swap3A_2947 = arith.constant 16 : index
        %swap3A_2948 = tpu.vector_load %arg31[%swap3A_2946, %swap3A_2947] {strides = array<i32>} : memref<64x32xf32, #tpu.memory_space<vmem>>, vector<16xf32>,
        tpu.vector_store %arg31[%swap3A_2946, %swap3A_2947], %add3A_2843 {strides = array<i32>} : memref<64x32xf32, #tpu.memory_space<vmem>>, vector<16xf32>,
        %mul3A_2949 = arith.constant 8 : i32
        %mul3A_2950 = arith.muli %scan3A_122, %mul3A_2949 : i32
        %add3A_2951 = arith.constant 3 : i32
        %add3A_2952 = arith.addi %mul3A_2950, %add3A_2951 : i32
        %swap3A_2953 = arith.index_cast %add3A_2952 : i32 to index
        %swap3A_2954 = arith.constant 0 : index
        %swap3A_2955 = tpu.vector_load %arg31[%swap3A_2953, %swap3A_2954] {strides = array<i32>} : memref<64x32xf32, #tpu.memory_space<vmem>>, vector<16xf32>,
        tpu.vector_store %arg31[%swap3A_2953, %swap3A_2954], %add3A_2856 {strides = array<i32>} : memref<64x32xf32, #tpu.memory_space<vmem>>, vector<16xf32>,
        %swap3A_2956 = arith.index_cast %add3A_2952 : i32 to index
        %swap3A_2957 = arith.constant 16 : index
        %swap3A_2958 = tpu.vector_load %arg31[%swap3A_2956, %swap3A_2957] {strides = array<i32>} : memref<64x32xf32, #tpu.memory_space<vmem>>, vector<16xf32>,
        tpu.vector_store %arg31[%swap3A_2956, %swap3A_2957], %add3A_2858 {strides = array<i32>} : memref<64x32xf32, #tpu.memory_space<vmem>>, vector<16xf32>,
        %mul3A_2959 = arith.constant 8 : i32
        %mul3A_2960 = arith.muli %scan3A_122, %mul3A_2959 : i32
        %add3A_2961 = arith.constant 4 : i32
        %add3A_2962 = arith.addi %mul3A_2960, %add3A_2961 : i32
        %swap3A_2963 = arith.index_cast %add3A_2962 : i32 to index
        %swap3A_2964 = arith.constant 0 : index
        %swap3A_2965 = tpu.vector_load %arg31[%swap3A_2963, %swap3A_2964] {strides = array<i32>} : memref<64x32xf32, #tpu.memory_space<vmem>>, vector<16xf32>,
        tpu.vector_store %arg31[%swap3A_2963, %swap3A_2964], %add3A_2871 {strides = array<i32>} : memref<64x32xf32, #tpu.memory_space<vmem>>, vector<16xf32>,
        %swap3A_2966 = arith.index_cast %add3A_2962 : i32 to index
        %swap3A_2967 = arith.constant 16 : index
        %swap3A_2968 = tpu.vector_load %arg31[%swap3A_2966, %swap3A_2967] {strides = array<i32>} : memref<64x32xf32, #tpu.memory_space<vmem>>, vector<16xf32>,
        tpu.vector_store %arg31[%swap3A_2966, %swap3A_2967], %add3A_2873 {strides = array<i32>} : memref<64x32xf32, #tpu.memory_space<vmem>>, vector<16xf32>,
        %mul3A_2969 = arith.constant 8 : i32
        %mul3A_2970 = arith.muli %scan3A_122, %mul3A_2969 : i32
        %add3A_2971 = arith.constant 5 : i32
        %add3A_2972 = arith.addi %mul3A_2970, %add3A_2971 : i32
        %swap3A_2973 = arith.index_cast %add3A_2972 : i32 to index
        %swap3A_2974 = arith.constant 0 : index
        %swap3A_2975 = tpu.vector_load %arg31[%swap3A_2973, %swap3A_2974] {strides = array<i32>} : memref<64x32xf32, #tpu.memory_space<vmem>>, vector<16xf32>,
        tpu.vector_store %arg31[%swap3A_2973, %swap3A_2974], %add3A_2886 {strides = array<i32>} : memref<64x32xf32, #tpu.memory_space<vmem>>, vector<16xf32>,
        %swap3A_2976 = arith.index_cast %add3A_2972 : i32 to index
        %swap3A_2977 = arith.constant 16 : index
        %swap3A_2978 = tpu.vector_load %arg31[%swap3A_2976, %swap3A_2977] {strides = array<i32>} : memref<64x32xf32, #tpu.memory_space<vmem>>, vector<16xf32>,
        tpu.vector_store %arg31[%swap3A_2976, %swap3A_2977], %add3A_2888 {strides = array<i32>} : memref<64x32xf32, #tpu.memory_space<vmem>>, vector<16xf32>,
        %mul3A_2979 = arith.constant 8 : i32
        %mul3A_2980 = arith.muli %scan3A_122, %mul3A_2979 : i32
        %add3A_2981 = arith.constant 6 : i32
        %add3A_2982 = arith.addi %mul3A_2980, %add3A_2981 : i32
        %swap3A_2983 = arith.index_cast %add3A_2982 : i32 to index
        %swap3A_2984 = arith.constant 0 : index
        %swap3A_2985 = tpu.vector_load %arg31[%swap3A_2983, %swap3A_2984] {strides = array<i32>} : memref<64x32xf32, #tpu.memory_space<vmem>>, vector<16xf32>,
        tpu.vector_store %arg31[%swap3A_2983, %swap3A_2984], %add3A_2901 {strides = array<i32>} : memref<64x32xf32, #tpu.memory_space<vmem>>, vector<16xf32>,
        %swap3A_2986 = arith.index_cast %add3A_2982 : i32 to index
        %swap3A_2987 = arith.constant 16 : index
        %swap3A_2988 = tpu.vector_load %arg31[%swap3A_2986, %swap3A_2987] {strides = array<i32>} : memref<64x32xf32, #tpu.memory_space<vmem>>, vector<16xf32>,
        tpu.vector_store %arg31[%swap3A_2986, %swap3A_2987], %add3A_2903 {strides = array<i32>} : memref<64x32xf32, #tpu.memory_space<vmem>>, vector<16xf32>,
        %mul3A_2989 = arith.constant 8 : i32
        %mul3A_2990 = arith.muli %scan3A_122, %mul3A_2989 : i32
        %add3A_2991 = arith.constant 7 : i32
        %add3A_2992 = arith.addi %mul3A_2990, %add3A_2991 : i32
        %swap3A_2993 = arith.index_cast %add3A_2992 : i32 to index
        %swap3A_2994 = arith.constant 0 : index
        %swap3A_2995 = tpu.vector_load %arg31[%swap3A_2993, %swap3A_2994] {strides = array<i32>} : memref<64x32xf32, #tpu.memory_space<vmem>>, vector<16xf32>,
        tpu.vector_store %arg31[%swap3A_2993, %swap3A_2994], %add3A_2916 {strides = array<i32>} : memref<64x32xf32, #tpu.memory_space<vmem>>, vector<16xf32>,
        %swap3A_2996 = arith.index_cast %add3A_2992 : i32 to index
        %swap3A_2997 = arith.constant 16 : index
        %swap3A_2998 = tpu.vector_load %arg31[%swap3A_2996, %swap3A_2997] {strides = array<i32>} : memref<64x32xf32, #tpu.memory_space<vmem>>, vector<16xf32>,
        tpu.vector_store %arg31[%swap3A_2996, %swap3A_2997], %add3A_2918 {strides = array<i32>} : memref<64x32xf32, #tpu.memory_space<vmem>>, vector<16xf32>,
      }
      %scan3A_107 = arith.constant 8 : i32
      %dma_wait3A = arith.constant 0 : i32
      %dma_wait3A_108 = arith.constant 0 : i32
      %dma_wait3A_109 = tpu.memref_slice %arg9[%dma_wait3A, %dma_wait3A_108] : memref<25000x128xf32, #tpu.memory_space<hbm>> -> memref<25000x128xf32, #tpu.memory_space<hbm>>
      tpu.wait_indirect_dma semaphore(%arg33 : memref<!tpu.dma_semaphore, #tpu.memory_space<semaphore_mem>>) src(%dma_wait3A_109 : memref<25000x128xf32, #tpu.memory_space<hbm>>) dst(%arg28 : memref<64x128xf32, #tpu.memory_space<vmem>>)
      %dma_wait3A_110 = arith.constant 0 : i32
      %dma_wait3A_111 = arith.constant 0 : i32
      %dma_wait3A_112 = tpu.memref_slice %arg10[%dma_wait3A_110, %dma_wait3A_111] : memref<250000x128xf32, #tpu.memory_space<hbm>> -> memref<250000x128xf32, #tpu.memory_space<hbm>>
      tpu.wait_indirect_dma semaphore(%arg33 : memref<!tpu.dma_semaphore, #tpu.memory_space<semaphore_mem>>) src(%dma_wait3A_112 : memref<250000x128xf32, #tpu.memory_space<hbm>>) dst(%arg29 : memref<64x128xf32, #tpu.memory_space<vmem>>)
      %dma_wait3A_113 = arith.constant 0 : i32
      %dma_wait3A_114 = arith.constant 0 : i32
      %dma_wait3A_115 = tpu.memref_slice %arg10[%dma_wait3A_113, %dma_wait3A_114] : memref<250000x128xf32, #tpu.memory_space<hbm>> -> memref<250000x128xf32, #tpu.memory_space<hbm>>
      tpu.wait_indirect_dma semaphore(%arg33 : memref<!tpu.dma_semaphore, #tpu.memory_space<semaphore_mem>>) src(%dma_wait3A_115 : memref<250000x128xf32, #tpu.memory_space<hbm>>) dst(%arg30 : memref<64x128xf32, #tpu.memory_space<vmem>>)
      %scan3A_116 = arith.constant 0 : i32
      %scan3A_117 = arith.constant 0 : i32
      %scan3A_118 = arith.constant 4 : i32
      %scan3A_119 = arith.addi %scan3A_117, %scan3A_118 : i32
      %scan3A_120 = arith.constant 1 : i32
      scf.for %scan3A_122 = %scan3A_117 to %scan3A_119 step %scan3A_120  : i32 {
        %mul3A_123 = arith.constant 16 : i32
        %mul3A_124 = arith.muli %scan3A_122, %mul3A_123 : i32
        %add3A_125 = vector.broadcast %mul3A_124 : i32 to vector<16xi32>
        %add3A_126 = arith.addi %iota3A, %add3A_125 : vector<16xi32>
        %mul3A_127 = arith.constant 16 : i32
        %mul3A_128 = arith.muli %scan3A_122, %mul3A_127 : i32
        %get3A_129 = arith.index_cast %mul3A_128 : i32 to index
        %get3A_130 = tpu.vector_load %arg20[%get3A_129] {strides = array<i32>} : memref<64xi32, #tpu.memory_space<vmem>>, vector<16xi32>,
        %get3A_131 = arith.index_cast %mul3A_128 : i32 to index
        %get3A_132 = tpu.vector_load %arg21[%get3A_131] {strides = array<i32>} : memref<64xi32, #tpu.memory_space<vmem>>, vector<16xi32>,
        %get3A_133 = arith.index_cast %mul3A_128 : i32 to index
        %get3A_134 = tpu.vector_load %arg22[%get3A_133] {strides = array<i32>} : memref<64xi32, #tpu.memory_space<vmem>>, vector<16xi32>,
        %and3A = arith.constant 3 : i32
        %and3A_135 = vector.broadcast %and3A : i32 to vector<16xi32>
        %and3A_136 = arith.andi %get3A_134, %and3A_135 : vector<16xi32>
        %shift_left3A = arith.constant 5 : i32
        %shift_left3A_137 = vector.broadcast %shift_left3A : i32 to vector<16xi32>
        %shift_left3A_138 = arith.shli %and3A_136, %shift_left3A_137 : vector<16xi32>
        %get3A_139 = arith.index_cast %mul3A_128 : i32 to index
        %get3A_140 = tpu.vector_load %arg23[%get3A_139] {strides = array<i32>} : memref<64xi32, #tpu.memory_space<vmem>>, vector<16xi32>,
        %and3A_141 = arith.constant 3 : i32
        %and3A_142 = vector.broadcast %and3A_141 : i32 to vector<16xi32>
        %and3A_143 = arith.andi %get3A_140, %and3A_142 : vector<16xi32>
        %shift_left3A_144 = arith.constant 5 : i32
        %shift_left3A_145 = vector.broadcast %shift_left3A_144 : i32 to vector<16xi32>
        %shift_left3A_146 = arith.shli %and3A_143, %shift_left3A_145 : vector<16xi32>
        %get3A_147 = arith.index_cast %mul3A_128 : i32 to index
        %get3A_148 = tpu.vector_load %arg24[%get3A_147] {strides = array<i32>} : memref<64xi32, #tpu.memory_space<vmem>>, vector<16xi32>,
        %and3A_149 = arith.constant 3 : i32
        %and3A_150 = vector.broadcast %and3A_149 : i32 to vector<16xi32>
        %and3A_151 = arith.andi %get3A_148, %and3A_150 : vector<16xi32>
        %shift_left3A_152 = arith.constant 5 : i32
        %shift_left3A_153 = vector.broadcast %shift_left3A_152 : i32 to vector<16xi32>
        %shift_left3A_154 = arith.shli %and3A_151, %shift_left3A_153 : vector<16xi32>
        %add3A_155 = arith.constant 0 : i32
        %add3A_156 = vector.broadcast %add3A_155 : i32 to vector<16xi32>
        %add3A_157 = arith.addi %iota3A, %add3A_156 : vector<16xi32>
        %and3A_158 = arith.constant 31 : i32
        %and3A_159 = vector.broadcast %and3A_158 : i32 to vector<16xi32>
        %and3A_160 = arith.andi %add3A_157, %and3A_159 : vector<16xi32>
        %gather3A = tpu.vector_load_idx %arg31[%add3A_126, %and3A_160] : memref<64x32xf32, #tpu.memory_space<vmem>>[vector<16xi32>, vector<16xi32>], vector<16xf32>,
        %gather3A_161 = tpu.vector_load_idx %arg16[%get3A_130, %and3A_160] : memref<1000x32xf32, #tpu.memory_space<vmem>>[vector<16xi32>, vector<16xi32>], vector<16xf32>,
        %mul3A_162 = arith.mulf %gather3A, %gather3A_161 : vector<16xf32>
        %add3A_163 = arith.addf %broadcast_in_dim3A_1, %mul3A_162 : vector<16xf32>
        %gather3A_164 = tpu.vector_load_idx %arg16[%get3A_132, %and3A_160] : memref<1000x32xf32, #tpu.memory_space<vmem>>[vector<16xi32>, vector<16xi32>], vector<16xf32>,
        %mul3A_165 = arith.mulf %gather3A, %gather3A_164 : vector<16xf32>
        %add3A_166 = arith.addf %broadcast_in_dim3A_1, %mul3A_165 : vector<16xf32>
        %add3A_167 = arith.addi %shift_left3A_138, %and3A_160 : vector<16xi32>
        %gather3A_168 = tpu.vector_load_idx %arg28[%add3A_126, %add3A_167] : memref<64x128xf32, #tpu.memory_space<vmem>>[vector<16xi32>, vector<16xi32>], vector<16xf32>,
        %add3A_169 = arith.addi %shift_left3A_146, %and3A_160 : vector<16xi32>
        %gather3A_170 = tpu.vector_load_idx %arg29[%add3A_126, %add3A_169] : memref<64x128xf32, #tpu.memory_space<vmem>>[vector<16xi32>, vector<16xi32>], vector<16xf32>,
        %mul3A_171 = arith.mulf %gather3A_168, %gather3A_170 : vector<16xf32>
        %add3A_172 = arith.addf %broadcast_in_dim3A_1, %mul3A_171 : vector<16xf32>
        %add3A_173 = arith.addi %shift_left3A_154, %and3A_160 : vector<16xi32>
        %gather3A_174 = tpu.vector_load_idx %arg30[%add3A_126, %add3A_173] : memref<64x128xf32, #tpu.memory_space<vmem>>[vector<16xi32>, vector<16xi32>], vector<16xf32>,
        %mul3A_175 = arith.mulf %gather3A_168, %gather3A_174 : vector<16xf32>
        %add3A_176 = arith.addf %broadcast_in_dim3A_1, %mul3A_175 : vector<16xf32>
        %add3A_177 = arith.constant 1 : i32
        %add3A_178 = vector.broadcast %add3A_177 : i32 to vector<16xi32>
        %add3A_179 = arith.addi %iota3A, %add3A_178 : vector<16xi32>
        %and3A_180 = arith.constant 31 : i32
        %and3A_181 = vector.broadcast %and3A_180 : i32 to vector<16xi32>
        %and3A_182 = arith.andi %add3A_179, %and3A_181 : vector<16xi32>
        %gather3A_183 = tpu.vector_load_idx %arg31[%add3A_126, %and3A_182] : memref<64x32xf32, #tpu.memory_space<vmem>>[vector<16xi32>, vector<16xi32>], vector<16xf32>,
        %gather3A_184 = tpu.vector_load_idx %arg16[%get3A_130, %and3A_182] : memref<1000x32xf32, #tpu.memory_space<vmem>>[vector<16xi32>, vector<16xi32>], vector<16xf32>,
        %mul3A_185 = arith.mulf %gather3A_183, %gather3A_184 : vector<16xf32>
        %add3A_186 = arith.addf %add3A_163, %mul3A_185 : vector<16xf32>
        %gather3A_187 = tpu.vector_load_idx %arg16[%get3A_132, %and3A_182] : memref<1000x32xf32, #tpu.memory_space<vmem>>[vector<16xi32>, vector<16xi32>], vector<16xf32>,
        %mul3A_188 = arith.mulf %gather3A_183, %gather3A_187 : vector<16xf32>
        %add3A_189 = arith.addf %add3A_166, %mul3A_188 : vector<16xf32>
        %add3A_190 = arith.addi %shift_left3A_138, %and3A_182 : vector<16xi32>
        %gather3A_191 = tpu.vector_load_idx %arg28[%add3A_126, %add3A_190] : memref<64x128xf32, #tpu.memory_space<vmem>>[vector<16xi32>, vector<16xi32>], vector<16xf32>,
        %add3A_192 = arith.addi %shift_left3A_146, %and3A_182 : vector<16xi32>
        %gather3A_193 = tpu.vector_load_idx %arg29[%add3A_126, %add3A_192] : memref<64x128xf32, #tpu.memory_space<vmem>>[vector<16xi32>, vector<16xi32>], vector<16xf32>,
        %mul3A_194 = arith.mulf %gather3A_191, %gather3A_193 : vector<16xf32>
        %add3A_195 = arith.addf %add3A_172, %mul3A_194 : vector<16xf32>
        %add3A_196 = arith.addi %shift_left3A_154, %and3A_182 : vector<16xi32>
        %gather3A_197 = tpu.vector_load_idx %arg30[%add3A_126, %add3A_196] : memref<64x128xf32, #tpu.memory_space<vmem>>[vector<16xi32>, vector<16xi32>], vector<16xf32>,
        %mul3A_198 = arith.mulf %gather3A_191, %gather3A_197 : vector<16xf32>
        %add3A_199 = arith.addf %add3A_176, %mul3A_198 : vector<16xf32>
        %add3A_200 = arith.constant 2 : i32
        %add3A_201 = vector.broadcast %add3A_200 : i32 to vector<16xi32>
        %add3A_202 = arith.addi %iota3A, %add3A_201 : vector<16xi32>
        %and3A_203 = arith.constant 31 : i32
        %and3A_204 = vector.broadcast %and3A_203 : i32 to vector<16xi32>
        %and3A_205 = arith.andi %add3A_202, %and3A_204 : vector<16xi32>
        %gather3A_206 = tpu.vector_load_idx %arg31[%add3A_126, %and3A_205] : memref<64x32xf32, #tpu.memory_space<vmem>>[vector<16xi32>, vector<16xi32>], vector<16xf32>,
        %gather3A_207 = tpu.vector_load_idx %arg16[%get3A_130, %and3A_205] : memref<1000x32xf32, #tpu.memory_space<vmem>>[vector<16xi32>, vector<16xi32>], vector<16xf32>,
        %mul3A_208 = arith.mulf %gather3A_206, %gather3A_207 : vector<16xf32>
        %add3A_209 = arith.addf %add3A_186, %mul3A_208 : vector<16xf32>
        %gather3A_210 = tpu.vector_load_idx %arg16[%get3A_132, %and3A_205] : memref<1000x32xf32, #tpu.memory_space<vmem>>[vector<16xi32>, vector<16xi32>], vector<16xf32>,
        %mul3A_211 = arith.mulf %gather3A_206, %gather3A_210 : vector<16xf32>
        %add3A_212 = arith.addf %add3A_189, %mul3A_211 : vector<16xf32>
        %add3A_213 = arith.addi %shift_left3A_138, %and3A_205 : vector<16xi32>
        %gather3A_214 = tpu.vector_load_idx %arg28[%add3A_126, %add3A_213] : memref<64x128xf32, #tpu.memory_space<vmem>>[vector<16xi32>, vector<16xi32>], vector<16xf32>,
        %add3A_215 = arith.addi %shift_left3A_146, %and3A_205 : vector<16xi32>
        %gather3A_216 = tpu.vector_load_idx %arg29[%add3A_126, %add3A_215] : memref<64x128xf32, #tpu.memory_space<vmem>>[vector<16xi32>, vector<16xi32>], vector<16xf32>,
        %mul3A_217 = arith.mulf %gather3A_214, %gather3A_216 : vector<16xf32>
        %add3A_218 = arith.addf %add3A_195, %mul3A_217 : vector<16xf32>
        %add3A_219 = arith.addi %shift_left3A_154, %and3A_205 : vector<16xi32>
        %gather3A_220 = tpu.vector_load_idx %arg30[%add3A_126, %add3A_219] : memref<64x128xf32, #tpu.memory_space<vmem>>[vector<16xi32>, vector<16xi32>], vector<16xf32>,
        %mul3A_221 = arith.mulf %gather3A_214, %gather3A_220 : vector<16xf32>
        %add3A_222 = arith.addf %add3A_199, %mul3A_221 : vector<16xf32>
        %add3A_223 = arith.constant 3 : i32
        %add3A_224 = vector.broadcast %add3A_223 : i32 to vector<16xi32>
        %add3A_225 = arith.addi %iota3A, %add3A_224 : vector<16xi32>
        %and3A_226 = arith.constant 31 : i32
        %and3A_227 = vector.broadcast %and3A_226 : i32 to vector<16xi32>
        %and3A_228 = arith.andi %add3A_225, %and3A_227 : vector<16xi32>
        %gather3A_229 = tpu.vector_load_idx %arg31[%add3A_126, %and3A_228] : memref<64x32xf32, #tpu.memory_space<vmem>>[vector<16xi32>, vector<16xi32>], vector<16xf32>,
        %gather3A_230 = tpu.vector_load_idx %arg16[%get3A_130, %and3A_228] : memref<1000x32xf32, #tpu.memory_space<vmem>>[vector<16xi32>, vector<16xi32>], vector<16xf32>,
        %mul3A_231 = arith.mulf %gather3A_229, %gather3A_230 : vector<16xf32>
        %add3A_232 = arith.addf %add3A_209, %mul3A_231 : vector<16xf32>
        %gather3A_233 = tpu.vector_load_idx %arg16[%get3A_132, %and3A_228] : memref<1000x32xf32, #tpu.memory_space<vmem>>[vector<16xi32>, vector<16xi32>], vector<16xf32>,
        %mul3A_234 = arith.mulf %gather3A_229, %gather3A_233 : vector<16xf32>
        %add3A_235 = arith.addf %add3A_212, %mul3A_234 : vector<16xf32>
        %add3A_236 = arith.addi %shift_left3A_138, %and3A_228 : vector<16xi32>
        %gather3A_237 = tpu.vector_load_idx %arg28[%add3A_126, %add3A_236] : memref<64x128xf32, #tpu.memory_space<vmem>>[vector<16xi32>, vector<16xi32>], vector<16xf32>,
        %add3A_238 = arith.addi %shift_left3A_146, %and3A_228 : vector<16xi32>
        %gather3A_239 = tpu.vector_load_idx %arg29[%add3A_126, %add3A_238] : memref<64x128xf32, #tpu.memory_space<vmem>>[vector<16xi32>, vector<16xi32>], vector<16xf32>,
        %mul3A_240 = arith.mulf %gather3A_237, %gather3A_239 : vector<16xf32>
        %add3A_241 = arith.addf %add3A_218, %mul3A_240 : vector<16xf32>
        %add3A_242 = arith.addi %shift_left3A_154, %and3A_228 : vector<16xi32>
        %gather3A_243 = tpu.vector_load_idx %arg30[%add3A_126, %add3A_242] : memref<64x128xf32, #tpu.memory_space<vmem>>[vector<16xi32>, vector<16xi32>], vector<16xf32>,
        %mul3A_244 = arith.mulf %gather3A_237, %gather3A_243 : vector<16xf32>
        %add3A_245 = arith.addf %add3A_222, %mul3A_244 : vector<16xf32>
        %add3A_246 = arith.constant 4 : i32
        %add3A_247 = vector.broadcast %add3A_246 : i32 to vector<16xi32>
        %add3A_248 = arith.addi %iota3A, %add3A_247 : vector<16xi32>
        %and3A_249 = arith.constant 31 : i32
        %and3A_250 = vector.broadcast %and3A_249 : i32 to vector<16xi32>
        %and3A_251 = arith.andi %add3A_248, %and3A_250 : vector<16xi32>
        %gather3A_252 = tpu.vector_load_idx %arg31[%add3A_126, %and3A_251] : memref<64x32xf32, #tpu.memory_space<vmem>>[vector<16xi32>, vector<16xi32>], vector<16xf32>,
        %gather3A_253 = tpu.vector_load_idx %arg16[%get3A_130, %and3A_251] : memref<1000x32xf32, #tpu.memory_space<vmem>>[vector<16xi32>, vector<16xi32>], vector<16xf32>,
        %mul3A_254 = arith.mulf %gather3A_252, %gather3A_253 : vector<16xf32>
        %add3A_255 = arith.addf %add3A_232, %mul3A_254 : vector<16xf32>
        %gather3A_256 = tpu.vector_load_idx %arg16[%get3A_132, %and3A_251] : memref<1000x32xf32, #tpu.memory_space<vmem>>[vector<16xi32>, vector<16xi32>], vector<16xf32>,
        %mul3A_257 = arith.mulf %gather3A_252, %gather3A_256 : vector<16xf32>
        %add3A_258 = arith.addf %add3A_235, %mul3A_257 : vector<16xf32>
        %add3A_259 = arith.addi %shift_left3A_138, %and3A_251 : vector<16xi32>
        %gather3A_260 = tpu.vector_load_idx %arg28[%add3A_126, %add3A_259] : memref<64x128xf32, #tpu.memory_space<vmem>>[vector<16xi32>, vector<16xi32>], vector<16xf32>,
        %add3A_261 = arith.addi %shift_left3A_146, %and3A_251 : vector<16xi32>
        %gather3A_262 = tpu.vector_load_idx %arg29[%add3A_126, %add3A_261] : memref<64x128xf32, #tpu.memory_space<vmem>>[vector<16xi32>, vector<16xi32>], vector<16xf32>,
        %mul3A_263 = arith.mulf %gather3A_260, %gather3A_262 : vector<16xf32>
        %add3A_264 = arith.addf %add3A_241, %mul3A_263 : vector<16xf32>
        %add3A_265 = arith.addi %shift_left3A_154, %and3A_251 : vector<16xi32>
        %gather3A_266 = tpu.vector_load_idx %arg30[%add3A_126, %add3A_265] : memref<64x128xf32, #tpu.memory_space<vmem>>[vector<16xi32>, vector<16xi32>], vector<16xf32>,
        %mul3A_267 = arith.mulf %gather3A_260, %gather3A_266 : vector<16xf32>
        %add3A_268 = arith.addf %add3A_245, %mul3A_267 : vector<16xf32>
        %add3A_269 = arith.constant 5 : i32
        %add3A_270 = vector.broadcast %add3A_269 : i32 to vector<16xi32>
        %add3A_271 = arith.addi %iota3A, %add3A_270 : vector<16xi32>
        %and3A_272 = arith.constant 31 : i32
        %and3A_273 = vector.broadcast %and3A_272 : i32 to vector<16xi32>
        %and3A_274 = arith.andi %add3A_271, %and3A_273 : vector<16xi32>
        %gather3A_275 = tpu.vector_load_idx %arg31[%add3A_126, %and3A_274] : memref<64x32xf32, #tpu.memory_space<vmem>>[vector<16xi32>, vector<16xi32>], vector<16xf32>,
        %gather3A_276 = tpu.vector_load_idx %arg16[%get3A_130, %and3A_274] : memref<1000x32xf32, #tpu.memory_space<vmem>>[vector<16xi32>, vector<16xi32>], vector<16xf32>,
        %mul3A_277 = arith.mulf %gather3A_275, %gather3A_276 : vector<16xf32>
        %add3A_278 = arith.addf %add3A_255, %mul3A_277 : vector<16xf32>
        %gather3A_279 = tpu.vector_load_idx %arg16[%get3A_132, %and3A_274] : memref<1000x32xf32, #tpu.memory_space<vmem>>[vector<16xi32>, vector<16xi32>], vector<16xf32>,
        %mul3A_280 = arith.mulf %gather3A_275, %gather3A_279 : vector<16xf32>
        %add3A_281 = arith.addf %add3A_258, %mul3A_280 : vector<16xf32>
        %add3A_282 = arith.addi %shift_left3A_138, %and3A_274 : vector<16xi32>
        %gather3A_283 = tpu.vector_load_idx %arg28[%add3A_126, %add3A_282] : memref<64x128xf32, #tpu.memory_space<vmem>>[vector<16xi32>, vector<16xi32>], vector<16xf32>,
        %add3A_284 = arith.addi %shift_left3A_146, %and3A_274 : vector<16xi32>
        %gather3A_285 = tpu.vector_load_idx %arg29[%add3A_126, %add3A_284] : memref<64x128xf32, #tpu.memory_space<vmem>>[vector<16xi32>, vector<16xi32>], vector<16xf32>,
        %mul3A_286 = arith.mulf %gather3A_283, %gather3A_285 : vector<16xf32>
        %add3A_287 = arith.addf %add3A_264, %mul3A_286 : vector<16xf32>
        %add3A_288 = arith.addi %shift_left3A_154, %and3A_274 : vector<16xi32>
        %gather3A_289 = tpu.vector_load_idx %arg30[%add3A_126, %add3A_288] : memref<64x128xf32, #tpu.memory_space<vmem>>[vector<16xi32>, vector<16xi32>], vector<16xf32>,
        %mul3A_290 = arith.mulf %gather3A_283, %gather3A_289 : vector<16xf32>
        %add3A_291 = arith.addf %add3A_268, %mul3A_290 : vector<16xf32>
        %add3A_292 = arith.constant 6 : i32
        %add3A_293 = vector.broadcast %add3A_292 : i32 to vector<16xi32>
        %add3A_294 = arith.addi %iota3A, %add3A_293 : vector<16xi32>
        %and3A_295 = arith.constant 31 : i32
        %and3A_296 = vector.broadcast %and3A_295 : i32 to vector<16xi32>
        %and3A_297 = arith.andi %add3A_294, %and3A_296 : vector<16xi32>
        %gather3A_298 = tpu.vector_load_idx %arg31[%add3A_126, %and3A_297] : memref<64x32xf32, #tpu.memory_space<vmem>>[vector<16xi32>, vector<16xi32>], vector<16xf32>,
        %gather3A_299 = tpu.vector_load_idx %arg16[%get3A_130, %and3A_297] : memref<1000x32xf32, #tpu.memory_space<vmem>>[vector<16xi32>, vector<16xi32>], vector<16xf32>,
        %mul3A_300 = arith.mulf %gather3A_298, %gather3A_299 : vector<16xf32>
        %add3A_301 = arith.addf %add3A_278, %mul3A_300 : vector<16xf32>
        %gather3A_302 = tpu.vector_load_idx %arg16[%get3A_132, %and3A_297] : memref<1000x32xf32, #tpu.memory_space<vmem>>[vector<16xi32>, vector<16xi32>], vector<16xf32>,
        %mul3A_303 = arith.mulf %gather3A_298, %gather3A_302 : vector<16xf32>
        %add3A_304 = arith.addf %add3A_281, %mul3A_303 : vector<16xf32>
        %add3A_305 = arith.addi %shift_left3A_138, %and3A_297 : vector<16xi32>
        %gather3A_306 = tpu.vector_load_idx %arg28[%add3A_126, %add3A_305] : memref<64x128xf32, #tpu.memory_space<vmem>>[vector<16xi32>, vector<16xi32>], vector<16xf32>,
        %add3A_307 = arith.addi %shift_left3A_146, %and3A_297 : vector<16xi32>
        %gather3A_308 = tpu.vector_load_idx %arg29[%add3A_126, %add3A_307] : memref<64x128xf32, #tpu.memory_space<vmem>>[vector<16xi32>, vector<16xi32>], vector<16xf32>,
        %mul3A_309 = arith.mulf %gather3A_306, %gather3A_308 : vector<16xf32>
        %add3A_310 = arith.addf %add3A_287, %mul3A_309 : vector<16xf32>
        %add3A_311 = arith.addi %shift_left3A_154, %and3A_297 : vector<16xi32>
        %gather3A_312 = tpu.vector_load_idx %arg30[%add3A_126, %add3A_311] : memref<64x128xf32, #tpu.memory_space<vmem>>[vector<16xi32>, vector<16xi32>], vector<16xf32>,
        %mul3A_313 = arith.mulf %gather3A_306, %gather3A_312 : vector<16xf32>
        %add3A_314 = arith.addf %add3A_291, %mul3A_313 : vector<16xf32>
        %add3A_315 = arith.constant 7 : i32
        %add3A_316 = vector.broadcast %add3A_315 : i32 to vector<16xi32>
        %add3A_317 = arith.addi %iota3A, %add3A_316 : vector<16xi32>
        %and3A_318 = arith.constant 31 : i32
        %and3A_319 = vector.broadcast %and3A_318 : i32 to vector<16xi32>
        %and3A_320 = arith.andi %add3A_317, %and3A_319 : vector<16xi32>
        %gather3A_321 = tpu.vector_load_idx %arg31[%add3A_126, %and3A_320] : memref<64x32xf32, #tpu.memory_space<vmem>>[vector<16xi32>, vector<16xi32>], vector<16xf32>,
        %gather3A_322 = tpu.vector_load_idx %arg16[%get3A_130, %and3A_320] : memref<1000x32xf32, #tpu.memory_space<vmem>>[vector<16xi32>, vector<16xi32>], vector<16xf32>,
        %mul3A_323 = arith.mulf %gather3A_321, %gather3A_322 : vector<16xf32>
        %add3A_324 = arith.addf %add3A_301, %mul3A_323 : vector<16xf32>
        %gather3A_325 = tpu.vector_load_idx %arg16[%get3A_132, %and3A_320] : memref<1000x32xf32, #tpu.memory_space<vmem>>[vector<16xi32>, vector<16xi32>], vector<16xf32>,
        %mul3A_326 = arith.mulf %gather3A_321, %gather3A_325 : vector<16xf32>
        %add3A_327 = arith.addf %add3A_304, %mul3A_326 : vector<16xf32>
        %add3A_328 = arith.addi %shift_left3A_138, %and3A_320 : vector<16xi32>
        %gather3A_329 = tpu.vector_load_idx %arg28[%add3A_126, %add3A_328] : memref<64x128xf32, #tpu.memory_space<vmem>>[vector<16xi32>, vector<16xi32>], vector<16xf32>,
        %add3A_330 = arith.addi %shift_left3A_146, %and3A_320 : vector<16xi32>
        %gather3A_331 = tpu.vector_load_idx %arg29[%add3A_126, %add3A_330] : memref<64x128xf32, #tpu.memory_space<vmem>>[vector<16xi32>, vector<16xi32>], vector<16xf32>,
        %mul3A_332 = arith.mulf %gather3A_329, %gather3A_331 : vector<16xf32>
        %add3A_333 = arith.addf %add3A_310, %mul3A_332 : vector<16xf32>
        %add3A_334 = arith.addi %shift_left3A_154, %and3A_320 : vector<16xi32>
        %gather3A_335 = tpu.vector_load_idx %arg30[%add3A_126, %add3A_334] : memref<64x128xf32, #tpu.memory_space<vmem>>[vector<16xi32>, vector<16xi32>], vector<16xf32>,
        %mul3A_336 = arith.mulf %gather3A_329, %gather3A_335 : vector<16xf32>
        %add3A_337 = arith.addf %add3A_314, %mul3A_336 : vector<16xf32>
        %add3A_338 = arith.constant 8 : i32
        %add3A_339 = vector.broadcast %add3A_338 : i32 to vector<16xi32>
        %add3A_340 = arith.addi %iota3A, %add3A_339 : vector<16xi32>
        %and3A_341 = arith.constant 31 : i32
        %and3A_342 = vector.broadcast %and3A_341 : i32 to vector<16xi32>
        %and3A_343 = arith.andi %add3A_340, %and3A_342 : vector<16xi32>
        %gather3A_344 = tpu.vector_load_idx %arg31[%add3A_126, %and3A_343] : memref<64x32xf32, #tpu.memory_space<vmem>>[vector<16xi32>, vector<16xi32>], vector<16xf32>,
        %gather3A_345 = tpu.vector_load_idx %arg16[%get3A_130, %and3A_343] : memref<1000x32xf32, #tpu.memory_space<vmem>>[vector<16xi32>, vector<16xi32>], vector<16xf32>,
        %mul3A_346 = arith.mulf %gather3A_344, %gather3A_345 : vector<16xf32>
        %add3A_347 = arith.addf %add3A_324, %mul3A_346 : vector<16xf32>
        %gather3A_348 = tpu.vector_load_idx %arg16[%get3A_132, %and3A_343] : memref<1000x32xf32, #tpu.memory_space<vmem>>[vector<16xi32>, vector<16xi32>], vector<16xf32>,
        %mul3A_349 = arith.mulf %gather3A_344, %gather3A_348 : vector<16xf32>
        %add3A_350 = arith.addf %add3A_327, %mul3A_349 : vector<16xf32>
        %add3A_351 = arith.addi %shift_left3A_138, %and3A_343 : vector<16xi32>
        %gather3A_352 = tpu.vector_load_idx %arg28[%add3A_126, %add3A_351] : memref<64x128xf32, #tpu.memory_space<vmem>>[vector<16xi32>, vector<16xi32>], vector<16xf32>,
        %add3A_353 = arith.addi %shift_left3A_146, %and3A_343 : vector<16xi32>
        %gather3A_354 = tpu.vector_load_idx %arg29[%add3A_126, %add3A_353] : memref<64x128xf32, #tpu.memory_space<vmem>>[vector<16xi32>, vector<16xi32>], vector<16xf32>,
        %mul3A_355 = arith.mulf %gather3A_352, %gather3A_354 : vector<16xf32>
        %add3A_356 = arith.addf %add3A_333, %mul3A_355 : vector<16xf32>
        %add3A_357 = arith.addi %shift_left3A_154, %and3A_343 : vector<16xi32>
        %gather3A_358 = tpu.vector_load_idx %arg30[%add3A_126, %add3A_357] : memref<64x128xf32, #tpu.memory_space<vmem>>[vector<16xi32>, vector<16xi32>], vector<16xf32>,
        %mul3A_359 = arith.mulf %gather3A_352, %gather3A_358 : vector<16xf32>
        %add3A_360 = arith.addf %add3A_337, %mul3A_359 : vector<16xf32>
        %add3A_361 = arith.constant 9 : i32
        %add3A_362 = vector.broadcast %add3A_361 : i32 to vector<16xi32>
        %add3A_363 = arith.addi %iota3A, %add3A_362 : vector<16xi32>
        %and3A_364 = arith.constant 31 : i32
        %and3A_365 = vector.broadcast %and3A_364 : i32 to vector<16xi32>
        %and3A_366 = arith.andi %add3A_363, %and3A_365 : vector<16xi32>
        %gather3A_367 = tpu.vector_load_idx %arg31[%add3A_126, %and3A_366] : memref<64x32xf32, #tpu.memory_space<vmem>>[vector<16xi32>, vector<16xi32>], vector<16xf32>,
        %gather3A_368 = tpu.vector_load_idx %arg16[%get3A_130, %and3A_366] : memref<1000x32xf32, #tpu.memory_space<vmem>>[vector<16xi32>, vector<16xi32>], vector<16xf32>,
        %mul3A_369 = arith.mulf %gather3A_367, %gather3A_368 : vector<16xf32>
        %add3A_370 = arith.addf %add3A_347, %mul3A_369 : vector<16xf32>
        %gather3A_371 = tpu.vector_load_idx %arg16[%get3A_132, %and3A_366] : memref<1000x32xf32, #tpu.memory_space<vmem>>[vector<16xi32>, vector<16xi32>], vector<16xf32>,
        %mul3A_372 = arith.mulf %gather3A_367, %gather3A_371 : vector<16xf32>
        %add3A_373 = arith.addf %add3A_350, %mul3A_372 : vector<16xf32>
        %add3A_374 = arith.addi %shift_left3A_138, %and3A_366 : vector<16xi32>
        %gather3A_375 = tpu.vector_load_idx %arg28[%add3A_126, %add3A_374] : memref<64x128xf32, #tpu.memory_space<vmem>>[vector<16xi32>, vector<16xi32>], vector<16xf32>,
        %add3A_376 = arith.addi %shift_left3A_146, %and3A_366 : vector<16xi32>
        %gather3A_377 = tpu.vector_load_idx %arg29[%add3A_126, %add3A_376] : memref<64x128xf32, #tpu.memory_space<vmem>>[vector<16xi32>, vector<16xi32>], vector<16xf32>,
        %mul3A_378 = arith.mulf %gather3A_375, %gather3A_377 : vector<16xf32>
        %add3A_379 = arith.addf %add3A_356, %mul3A_378 : vector<16xf32>
        %add3A_380 = arith.addi %shift_left3A_154, %and3A_366 : vector<16xi32>
        %gather3A_381 = tpu.vector_load_idx %arg30[%add3A_126, %add3A_380] : memref<64x128xf32, #tpu.memory_space<vmem>>[vector<16xi32>, vector<16xi32>], vector<16xf32>,
        %mul3A_382 = arith.mulf %gather3A_375, %gather3A_381 : vector<16xf32>
        %add3A_383 = arith.addf %add3A_360, %mul3A_382 : vector<16xf32>
        %add3A_384 = arith.constant 10 : i32
        %add3A_385 = vector.broadcast %add3A_384 : i32 to vector<16xi32>
        %add3A_386 = arith.addi %iota3A, %add3A_385 : vector<16xi32>
        %and3A_387 = arith.constant 31 : i32
        %and3A_388 = vector.broadcast %and3A_387 : i32 to vector<16xi32>
        %and3A_389 = arith.andi %add3A_386, %and3A_388 : vector<16xi32>
        %gather3A_390 = tpu.vector_load_idx %arg31[%add3A_126, %and3A_389] : memref<64x32xf32, #tpu.memory_space<vmem>>[vector<16xi32>, vector<16xi32>], vector<16xf32>,
        %gather3A_391 = tpu.vector_load_idx %arg16[%get3A_130, %and3A_389] : memref<1000x32xf32, #tpu.memory_space<vmem>>[vector<16xi32>, vector<16xi32>], vector<16xf32>,
        %mul3A_392 = arith.mulf %gather3A_390, %gather3A_391 : vector<16xf32>
        %add3A_393 = arith.addf %add3A_370, %mul3A_392 : vector<16xf32>
        %gather3A_394 = tpu.vector_load_idx %arg16[%get3A_132, %and3A_389] : memref<1000x32xf32, #tpu.memory_space<vmem>>[vector<16xi32>, vector<16xi32>], vector<16xf32>,
        %mul3A_395 = arith.mulf %gather3A_390, %gather3A_394 : vector<16xf32>
        %add3A_396 = arith.addf %add3A_373, %mul3A_395 : vector<16xf32>
        %add3A_397 = arith.addi %shift_left3A_138, %and3A_389 : vector<16xi32>
        %gather3A_398 = tpu.vector_load_idx %arg28[%add3A_126, %add3A_397] : memref<64x128xf32, #tpu.memory_space<vmem>>[vector<16xi32>, vector<16xi32>], vector<16xf32>,
        %add3A_399 = arith.addi %shift_left3A_146, %and3A_389 : vector<16xi32>
        %gather3A_400 = tpu.vector_load_idx %arg29[%add3A_126, %add3A_399] : memref<64x128xf32, #tpu.memory_space<vmem>>[vector<16xi32>, vector<16xi32>], vector<16xf32>,
        %mul3A_401 = arith.mulf %gather3A_398, %gather3A_400 : vector<16xf32>
        %add3A_402 = arith.addf %add3A_379, %mul3A_401 : vector<16xf32>
        %add3A_403 = arith.addi %shift_left3A_154, %and3A_389 : vector<16xi32>
        %gather3A_404 = tpu.vector_load_idx %arg30[%add3A_126, %add3A_403] : memref<64x128xf32, #tpu.memory_space<vmem>>[vector<16xi32>, vector<16xi32>], vector<16xf32>,
        %mul3A_405 = arith.mulf %gather3A_398, %gather3A_404 : vector<16xf32>
        %add3A_406 = arith.addf %add3A_383, %mul3A_405 : vector<16xf32>
        %add3A_407 = arith.constant 11 : i32
        %add3A_408 = vector.broadcast %add3A_407 : i32 to vector<16xi32>
        %add3A_409 = arith.addi %iota3A, %add3A_408 : vector<16xi32>
        %and3A_410 = arith.constant 31 : i32
        %and3A_411 = vector.broadcast %and3A_410 : i32 to vector<16xi32>
        %and3A_412 = arith.andi %add3A_409, %and3A_411 : vector<16xi32>
        %gather3A_413 = tpu.vector_load_idx %arg31[%add3A_126, %and3A_412] : memref<64x32xf32, #tpu.memory_space<vmem>>[vector<16xi32>, vector<16xi32>], vector<16xf32>,
        %gather3A_414 = tpu.vector_load_idx %arg16[%get3A_130, %and3A_412] : memref<1000x32xf32, #tpu.memory_space<vmem>>[vector<16xi32>, vector<16xi32>], vector<16xf32>,
        %mul3A_415 = arith.mulf %gather3A_413, %gather3A_414 : vector<16xf32>
        %add3A_416 = arith.addf %add3A_393, %mul3A_415 : vector<16xf32>
        %gather3A_417 = tpu.vector_load_idx %arg16[%get3A_132, %and3A_412] : memref<1000x32xf32, #tpu.memory_space<vmem>>[vector<16xi32>, vector<16xi32>], vector<16xf32>,
        %mul3A_418 = arith.mulf %gather3A_413, %gather3A_417 : vector<16xf32>
        %add3A_419 = arith.addf %add3A_396, %mul3A_418 : vector<16xf32>
        %add3A_420 = arith.addi %shift_left3A_138, %and3A_412 : vector<16xi32>
        %gather3A_421 = tpu.vector_load_idx %arg28[%add3A_126, %add3A_420] : memref<64x128xf32, #tpu.memory_space<vmem>>[vector<16xi32>, vector<16xi32>], vector<16xf32>,
        %add3A_422 = arith.addi %shift_left3A_146, %and3A_412 : vector<16xi32>
        %gather3A_423 = tpu.vector_load_idx %arg29[%add3A_126, %add3A_422] : memref<64x128xf32, #tpu.memory_space<vmem>>[vector<16xi32>, vector<16xi32>], vector<16xf32>,
        %mul3A_424 = arith.mulf %gather3A_421, %gather3A_423 : vector<16xf32>
        %add3A_425 = arith.addf %add3A_402, %mul3A_424 : vector<16xf32>
        %add3A_426 = arith.addi %shift_left3A_154, %and3A_412 : vector<16xi32>
        %gather3A_427 = tpu.vector_load_idx %arg30[%add3A_126, %add3A_426] : memref<64x128xf32, #tpu.memory_space<vmem>>[vector<16xi32>, vector<16xi32>], vector<16xf32>,
        %mul3A_428 = arith.mulf %gather3A_421, %gather3A_427 : vector<16xf32>
        %add3A_429 = arith.addf %add3A_406, %mul3A_428 : vector<16xf32>
        %add3A_430 = arith.constant 12 : i32
        %add3A_431 = vector.broadcast %add3A_430 : i32 to vector<16xi32>
        %add3A_432 = arith.addi %iota3A, %add3A_431 : vector<16xi32>
        %and3A_433 = arith.constant 31 : i32
        %and3A_434 = vector.broadcast %and3A_433 : i32 to vector<16xi32>
        %and3A_435 = arith.andi %add3A_432, %and3A_434 : vector<16xi32>
        %gather3A_436 = tpu.vector_load_idx %arg31[%add3A_126, %and3A_435] : memref<64x32xf32, #tpu.memory_space<vmem>>[vector<16xi32>, vector<16xi32>], vector<16xf32>,
        %gather3A_437 = tpu.vector_load_idx %arg16[%get3A_130, %and3A_435] : memref<1000x32xf32, #tpu.memory_space<vmem>>[vector<16xi32>, vector<16xi32>], vector<16xf32>,
        %mul3A_438 = arith.mulf %gather3A_436, %gather3A_437 : vector<16xf32>
        %add3A_439 = arith.addf %add3A_416, %mul3A_438 : vector<16xf32>
        %gather3A_440 = tpu.vector_load_idx %arg16[%get3A_132, %and3A_435] : memref<1000x32xf32, #tpu.memory_space<vmem>>[vector<16xi32>, vector<16xi32>], vector<16xf32>,
        %mul3A_441 = arith.mulf %gather3A_436, %gather3A_440 : vector<16xf32>
        %add3A_442 = arith.addf %add3A_419, %mul3A_441 : vector<16xf32>
        %add3A_443 = arith.addi %shift_left3A_138, %and3A_435 : vector<16xi32>
        %gather3A_444 = tpu.vector_load_idx %arg28[%add3A_126, %add3A_443] : memref<64x128xf32, #tpu.memory_space<vmem>>[vector<16xi32>, vector<16xi32>], vector<16xf32>,
        %add3A_445 = arith.addi %shift_left3A_146, %and3A_435 : vector<16xi32>
        %gather3A_446 = tpu.vector_load_idx %arg29[%add3A_126, %add3A_445] : memref<64x128xf32, #tpu.memory_space<vmem>>[vector<16xi32>, vector<16xi32>], vector<16xf32>,
        %mul3A_447 = arith.mulf %gather3A_444, %gather3A_446 : vector<16xf32>
        %add3A_448 = arith.addf %add3A_425, %mul3A_447 : vector<16xf32>
        %add3A_449 = arith.addi %shift_left3A_154, %and3A_435 : vector<16xi32>
        %gather3A_450 = tpu.vector_load_idx %arg30[%add3A_126, %add3A_449] : memref<64x128xf32, #tpu.memory_space<vmem>>[vector<16xi32>, vector<16xi32>], vector<16xf32>,
        %mul3A_451 = arith.mulf %gather3A_444, %gather3A_450 : vector<16xf32>
        %add3A_452 = arith.addf %add3A_429, %mul3A_451 : vector<16xf32>
        %add3A_453 = arith.constant 13 : i32
        %add3A_454 = vector.broadcast %add3A_453 : i32 to vector<16xi32>
        %add3A_455 = arith.addi %iota3A, %add3A_454 : vector<16xi32>
        %and3A_456 = arith.constant 31 : i32
        %and3A_457 = vector.broadcast %and3A_456 : i32 to vector<16xi32>
        %and3A_458 = arith.andi %add3A_455, %and3A_457 : vector<16xi32>
        %gather3A_459 = tpu.vector_load_idx %arg31[%add3A_126, %and3A_458] : memref<64x32xf32, #tpu.memory_space<vmem>>[vector<16xi32>, vector<16xi32>], vector<16xf32>,
        %gather3A_460 = tpu.vector_load_idx %arg16[%get3A_130, %and3A_458] : memref<1000x32xf32, #tpu.memory_space<vmem>>[vector<16xi32>, vector<16xi32>], vector<16xf32>,
        %mul3A_461 = arith.mulf %gather3A_459, %gather3A_460 : vector<16xf32>
        %add3A_462 = arith.addf %add3A_439, %mul3A_461 : vector<16xf32>
        %gather3A_463 = tpu.vector_load_idx %arg16[%get3A_132, %and3A_458] : memref<1000x32xf32, #tpu.memory_space<vmem>>[vector<16xi32>, vector<16xi32>], vector<16xf32>,
        %mul3A_464 = arith.mulf %gather3A_459, %gather3A_463 : vector<16xf32>
        %add3A_465 = arith.addf %add3A_442, %mul3A_464 : vector<16xf32>
        %add3A_466 = arith.addi %shift_left3A_138, %and3A_458 : vector<16xi32>
        %gather3A_467 = tpu.vector_load_idx %arg28[%add3A_126, %add3A_466] : memref<64x128xf32, #tpu.memory_space<vmem>>[vector<16xi32>, vector<16xi32>], vector<16xf32>,
        %add3A_468 = arith.addi %shift_left3A_146, %and3A_458 : vector<16xi32>
        %gather3A_469 = tpu.vector_load_idx %arg29[%add3A_126, %add3A_468] : memref<64x128xf32, #tpu.memory_space<vmem>>[vector<16xi32>, vector<16xi32>], vector<16xf32>,
        %mul3A_470 = arith.mulf %gather3A_467, %gather3A_469 : vector<16xf32>
        %add3A_471 = arith.addf %add3A_448, %mul3A_470 : vector<16xf32>
        %add3A_472 = arith.addi %shift_left3A_154, %and3A_458 : vector<16xi32>
        %gather3A_473 = tpu.vector_load_idx %arg30[%add3A_126, %add3A_472] : memref<64x128xf32, #tpu.memory_space<vmem>>[vector<16xi32>, vector<16xi32>], vector<16xf32>,
        %mul3A_474 = arith.mulf %gather3A_467, %gather3A_473 : vector<16xf32>
        %add3A_475 = arith.addf %add3A_452, %mul3A_474 : vector<16xf32>
        %add3A_476 = arith.constant 14 : i32
        %add3A_477 = vector.broadcast %add3A_476 : i32 to vector<16xi32>
        %add3A_478 = arith.addi %iota3A, %add3A_477 : vector<16xi32>
        %and3A_479 = arith.constant 31 : i32
        %and3A_480 = vector.broadcast %and3A_479 : i32 to vector<16xi32>
        %and3A_481 = arith.andi %add3A_478, %and3A_480 : vector<16xi32>
        %gather3A_482 = tpu.vector_load_idx %arg31[%add3A_126, %and3A_481] : memref<64x32xf32, #tpu.memory_space<vmem>>[vector<16xi32>, vector<16xi32>], vector<16xf32>,
        %gather3A_483 = tpu.vector_load_idx %arg16[%get3A_130, %and3A_481] : memref<1000x32xf32, #tpu.memory_space<vmem>>[vector<16xi32>, vector<16xi32>], vector<16xf32>,
        %mul3A_484 = arith.mulf %gather3A_482, %gather3A_483 : vector<16xf32>
        %add3A_485 = arith.addf %add3A_462, %mul3A_484 : vector<16xf32>
        %gather3A_486 = tpu.vector_load_idx %arg16[%get3A_132, %and3A_481] : memref<1000x32xf32, #tpu.memory_space<vmem>>[vector<16xi32>, vector<16xi32>], vector<16xf32>,
        %mul3A_487 = arith.mulf %gather3A_482, %gather3A_486 : vector<16xf32>
        %add3A_488 = arith.addf %add3A_465, %mul3A_487 : vector<16xf32>
        %add3A_489 = arith.addi %shift_left3A_138, %and3A_481 : vector<16xi32>
        %gather3A_490 = tpu.vector_load_idx %arg28[%add3A_126, %add3A_489] : memref<64x128xf32, #tpu.memory_space<vmem>>[vector<16xi32>, vector<16xi32>], vector<16xf32>,
        %add3A_491 = arith.addi %shift_left3A_146, %and3A_481 : vector<16xi32>
        %gather3A_492 = tpu.vector_load_idx %arg29[%add3A_126, %add3A_491] : memref<64x128xf32, #tpu.memory_space<vmem>>[vector<16xi32>, vector<16xi32>], vector<16xf32>,
        %mul3A_493 = arith.mulf %gather3A_490, %gather3A_492 : vector<16xf32>
        %add3A_494 = arith.addf %add3A_471, %mul3A_493 : vector<16xf32>
        %add3A_495 = arith.addi %shift_left3A_154, %and3A_481 : vector<16xi32>
        %gather3A_496 = tpu.vector_load_idx %arg30[%add3A_126, %add3A_495] : memref<64x128xf32, #tpu.memory_space<vmem>>[vector<16xi32>, vector<16xi32>], vector<16xf32>,
        %mul3A_497 = arith.mulf %gather3A_490, %gather3A_496 : vector<16xf32>
        %add3A_498 = arith.addf %add3A_475, %mul3A_497 : vector<16xf32>
        %add3A_499 = arith.constant 15 : i32
        %add3A_500 = vector.broadcast %add3A_499 : i32 to vector<16xi32>
        %add3A_501 = arith.addi %iota3A, %add3A_500 : vector<16xi32>
        %and3A_502 = arith.constant 31 : i32
        %and3A_503 = vector.broadcast %and3A_502 : i32 to vector<16xi32>
        %and3A_504 = arith.andi %add3A_501, %and3A_503 : vector<16xi32>
        %gather3A_505 = tpu.vector_load_idx %arg31[%add3A_126, %and3A_504] : memref<64x32xf32, #tpu.memory_space<vmem>>[vector<16xi32>, vector<16xi32>], vector<16xf32>,
        %gather3A_506 = tpu.vector_load_idx %arg16[%get3A_130, %and3A_504] : memref<1000x32xf32, #tpu.memory_space<vmem>>[vector<16xi32>, vector<16xi32>], vector<16xf32>,
        %mul3A_507 = arith.mulf %gather3A_505, %gather3A_506 : vector<16xf32>
        %add3A_508 = arith.addf %add3A_485, %mul3A_507 : vector<16xf32>
        %gather3A_509 = tpu.vector_load_idx %arg16[%get3A_132, %and3A_504] : memref<1000x32xf32, #tpu.memory_space<vmem>>[vector<16xi32>, vector<16xi32>], vector<16xf32>,
        %mul3A_510 = arith.mulf %gather3A_505, %gather3A_509 : vector<16xf32>
        %add3A_511 = arith.addf %add3A_488, %mul3A_510 : vector<16xf32>
        %add3A_512 = arith.addi %shift_left3A_138, %and3A_504 : vector<16xi32>
        %gather3A_513 = tpu.vector_load_idx %arg28[%add3A_126, %add3A_512] : memref<64x128xf32, #tpu.memory_space<vmem>>[vector<16xi32>, vector<16xi32>], vector<16xf32>,
        %add3A_514 = arith.addi %shift_left3A_146, %and3A_504 : vector<16xi32>
        %gather3A_515 = tpu.vector_load_idx %arg29[%add3A_126, %add3A_514] : memref<64x128xf32, #tpu.memory_space<vmem>>[vector<16xi32>, vector<16xi32>], vector<16xf32>,
        %mul3A_516 = arith.mulf %gather3A_513, %gather3A_515 : vector<16xf32>
        %add3A_517 = arith.addf %add3A_494, %mul3A_516 : vector<16xf32>
        %add3A_518 = arith.addi %shift_left3A_154, %and3A_504 : vector<16xi32>
        %gather3A_519 = tpu.vector_load_idx %arg30[%add3A_126, %add3A_518] : memref<64x128xf32, #tpu.memory_space<vmem>>[vector<16xi32>, vector<16xi32>], vector<16xf32>,
        %mul3A_520 = arith.mulf %gather3A_513, %gather3A_519 : vector<16xf32>
        %add3A_521 = arith.addf %add3A_498, %mul3A_520 : vector<16xf32>
        %add3A_522 = arith.constant 16 : i32
        %add3A_523 = vector.broadcast %add3A_522 : i32 to vector<16xi32>
        %add3A_524 = arith.addi %iota3A, %add3A_523 : vector<16xi32>
        %and3A_525 = arith.constant 31 : i32
        %and3A_526 = vector.broadcast %and3A_525 : i32 to vector<16xi32>
        %and3A_527 = arith.andi %add3A_524, %and3A_526 : vector<16xi32>
        %gather3A_528 = tpu.vector_load_idx %arg31[%add3A_126, %and3A_527] : memref<64x32xf32, #tpu.memory_space<vmem>>[vector<16xi32>, vector<16xi32>], vector<16xf32>,
        %gather3A_529 = tpu.vector_load_idx %arg16[%get3A_130, %and3A_527] : memref<1000x32xf32, #tpu.memory_space<vmem>>[vector<16xi32>, vector<16xi32>], vector<16xf32>,
        %mul3A_530 = arith.mulf %gather3A_528, %gather3A_529 : vector<16xf32>
        %add3A_531 = arith.addf %add3A_508, %mul3A_530 : vector<16xf32>
        %gather3A_532 = tpu.vector_load_idx %arg16[%get3A_132, %and3A_527] : memref<1000x32xf32, #tpu.memory_space<vmem>>[vector<16xi32>, vector<16xi32>], vector<16xf32>,
        %mul3A_533 = arith.mulf %gather3A_528, %gather3A_532 : vector<16xf32>
        %add3A_534 = arith.addf %add3A_511, %mul3A_533 : vector<16xf32>
        %add3A_535 = arith.addi %shift_left3A_138, %and3A_527 : vector<16xi32>
        %gather3A_536 = tpu.vector_load_idx %arg28[%add3A_126, %add3A_535] : memref<64x128xf32, #tpu.memory_space<vmem>>[vector<16xi32>, vector<16xi32>], vector<16xf32>,
        %add3A_537 = arith.addi %shift_left3A_146, %and3A_527 : vector<16xi32>
        %gather3A_538 = tpu.vector_load_idx %arg29[%add3A_126, %add3A_537] : memref<64x128xf32, #tpu.memory_space<vmem>>[vector<16xi32>, vector<16xi32>], vector<16xf32>,
        %mul3A_539 = arith.mulf %gather3A_536, %gather3A_538 : vector<16xf32>
        %add3A_540 = arith.addf %add3A_517, %mul3A_539 : vector<16xf32>
        %add3A_541 = arith.addi %shift_left3A_154, %and3A_527 : vector<16xi32>
        %gather3A_542 = tpu.vector_load_idx %arg30[%add3A_126, %add3A_541] : memref<64x128xf32, #tpu.memory_space<vmem>>[vector<16xi32>, vector<16xi32>], vector<16xf32>,
        %mul3A_543 = arith.mulf %gather3A_536, %gather3A_542 : vector<16xf32>
        %add3A_544 = arith.addf %add3A_521, %mul3A_543 : vector<16xf32>
        %add3A_545 = arith.constant 17 : i32
        %add3A_546 = vector.broadcast %add3A_545 : i32 to vector<16xi32>
        %add3A_547 = arith.addi %iota3A, %add3A_546 : vector<16xi32>
        %and3A_548 = arith.constant 31 : i32
        %and3A_549 = vector.broadcast %and3A_548 : i32 to vector<16xi32>
        %and3A_550 = arith.andi %add3A_547, %and3A_549 : vector<16xi32>
        %gather3A_551 = tpu.vector_load_idx %arg31[%add3A_126, %and3A_550] : memref<64x32xf32, #tpu.memory_space<vmem>>[vector<16xi32>, vector<16xi32>], vector<16xf32>,
        %gather3A_552 = tpu.vector_load_idx %arg16[%get3A_130, %and3A_550] : memref<1000x32xf32, #tpu.memory_space<vmem>>[vector<16xi32>, vector<16xi32>], vector<16xf32>,
        %mul3A_553 = arith.mulf %gather3A_551, %gather3A_552 : vector<16xf32>
        %add3A_554 = arith.addf %add3A_531, %mul3A_553 : vector<16xf32>
        %gather3A_555 = tpu.vector_load_idx %arg16[%get3A_132, %and3A_550] : memref<1000x32xf32, #tpu.memory_space<vmem>>[vector<16xi32>, vector<16xi32>], vector<16xf32>,
        %mul3A_556 = arith.mulf %gather3A_551, %gather3A_555 : vector<16xf32>
        %add3A_557 = arith.addf %add3A_534, %mul3A_556 : vector<16xf32>
        %add3A_558 = arith.addi %shift_left3A_138, %and3A_550 : vector<16xi32>
        %gather3A_559 = tpu.vector_load_idx %arg28[%add3A_126, %add3A_558] : memref<64x128xf32, #tpu.memory_space<vmem>>[vector<16xi32>, vector<16xi32>], vector<16xf32>,
        %add3A_560 = arith.addi %shift_left3A_146, %and3A_550 : vector<16xi32>
        %gather3A_561 = tpu.vector_load_idx %arg29[%add3A_126, %add3A_560] : memref<64x128xf32, #tpu.memory_space<vmem>>[vector<16xi32>, vector<16xi32>], vector<16xf32>,
        %mul3A_562 = arith.mulf %gather3A_559, %gather3A_561 : vector<16xf32>
        %add3A_563 = arith.addf %add3A_540, %mul3A_562 : vector<16xf32>
        %add3A_564 = arith.addi %shift_left3A_154, %and3A_550 : vector<16xi32>
        %gather3A_565 = tpu.vector_load_idx %arg30[%add3A_126, %add3A_564] : memref<64x128xf32, #tpu.memory_space<vmem>>[vector<16xi32>, vector<16xi32>], vector<16xf32>,
        %mul3A_566 = arith.mulf %gather3A_559, %gather3A_565 : vector<16xf32>
        %add3A_567 = arith.addf %add3A_544, %mul3A_566 : vector<16xf32>
        %add3A_568 = arith.constant 18 : i32
        %add3A_569 = vector.broadcast %add3A_568 : i32 to vector<16xi32>
        %add3A_570 = arith.addi %iota3A, %add3A_569 : vector<16xi32>
        %and3A_571 = arith.constant 31 : i32
        %and3A_572 = vector.broadcast %and3A_571 : i32 to vector<16xi32>
        %and3A_573 = arith.andi %add3A_570, %and3A_572 : vector<16xi32>
        %gather3A_574 = tpu.vector_load_idx %arg31[%add3A_126, %and3A_573] : memref<64x32xf32, #tpu.memory_space<vmem>>[vector<16xi32>, vector<16xi32>], vector<16xf32>,
        %gather3A_575 = tpu.vector_load_idx %arg16[%get3A_130, %and3A_573] : memref<1000x32xf32, #tpu.memory_space<vmem>>[vector<16xi32>, vector<16xi32>], vector<16xf32>,
        %mul3A_576 = arith.mulf %gather3A_574, %gather3A_575 : vector<16xf32>
        %add3A_577 = arith.addf %add3A_554, %mul3A_576 : vector<16xf32>
        %gather3A_578 = tpu.vector_load_idx %arg16[%get3A_132, %and3A_573] : memref<1000x32xf32, #tpu.memory_space<vmem>>[vector<16xi32>, vector<16xi32>], vector<16xf32>,
        %mul3A_579 = arith.mulf %gather3A_574, %gather3A_578 : vector<16xf32>
        %add3A_580 = arith.addf %add3A_557, %mul3A_579 : vector<16xf32>
        %add3A_581 = arith.addi %shift_left3A_138, %and3A_573 : vector<16xi32>
        %gather3A_582 = tpu.vector_load_idx %arg28[%add3A_126, %add3A_581] : memref<64x128xf32, #tpu.memory_space<vmem>>[vector<16xi32>, vector<16xi32>], vector<16xf32>,
        %add3A_583 = arith.addi %shift_left3A_146, %and3A_573 : vector<16xi32>
        %gather3A_584 = tpu.vector_load_idx %arg29[%add3A_126, %add3A_583] : memref<64x128xf32, #tpu.memory_space<vmem>>[vector<16xi32>, vector<16xi32>], vector<16xf32>,
        %mul3A_585 = arith.mulf %gather3A_582, %gather3A_584 : vector<16xf32>
        %add3A_586 = arith.addf %add3A_563, %mul3A_585 : vector<16xf32>
        %add3A_587 = arith.addi %shift_left3A_154, %and3A_573 : vector<16xi32>
        %gather3A_588 = tpu.vector_load_idx %arg30[%add3A_126, %add3A_587] : memref<64x128xf32, #tpu.memory_space<vmem>>[vector<16xi32>, vector<16xi32>], vector<16xf32>,
        %mul3A_589 = arith.mulf %gather3A_582, %gather3A_588 : vector<16xf32>
        %add3A_590 = arith.addf %add3A_567, %mul3A_589 : vector<16xf32>
        %add3A_591 = arith.constant 19 : i32
        %add3A_592 = vector.broadcast %add3A_591 : i32 to vector<16xi32>
        %add3A_593 = arith.addi %iota3A, %add3A_592 : vector<16xi32>
        %and3A_594 = arith.constant 31 : i32
        %and3A_595 = vector.broadcast %and3A_594 : i32 to vector<16xi32>
        %and3A_596 = arith.andi %add3A_593, %and3A_595 : vector<16xi32>
        %gather3A_597 = tpu.vector_load_idx %arg31[%add3A_126, %and3A_596] : memref<64x32xf32, #tpu.memory_space<vmem>>[vector<16xi32>, vector<16xi32>], vector<16xf32>,
        %gather3A_598 = tpu.vector_load_idx %arg16[%get3A_130, %and3A_596] : memref<1000x32xf32, #tpu.memory_space<vmem>>[vector<16xi32>, vector<16xi32>], vector<16xf32>,
        %mul3A_599 = arith.mulf %gather3A_597, %gather3A_598 : vector<16xf32>
        %add3A_600 = arith.addf %add3A_577, %mul3A_599 : vector<16xf32>
        %gather3A_601 = tpu.vector_load_idx %arg16[%get3A_132, %and3A_596] : memref<1000x32xf32, #tpu.memory_space<vmem>>[vector<16xi32>, vector<16xi32>], vector<16xf32>,
        %mul3A_602 = arith.mulf %gather3A_597, %gather3A_601 : vector<16xf32>
        %add3A_603 = arith.addf %add3A_580, %mul3A_602 : vector<16xf32>
        %add3A_604 = arith.addi %shift_left3A_138, %and3A_596 : vector<16xi32>
        %gather3A_605 = tpu.vector_load_idx %arg28[%add3A_126, %add3A_604] : memref<64x128xf32, #tpu.memory_space<vmem>>[vector<16xi32>, vector<16xi32>], vector<16xf32>,
        %add3A_606 = arith.addi %shift_left3A_146, %and3A_596 : vector<16xi32>
        %gather3A_607 = tpu.vector_load_idx %arg29[%add3A_126, %add3A_606] : memref<64x128xf32, #tpu.memory_space<vmem>>[vector<16xi32>, vector<16xi32>], vector<16xf32>,
        %mul3A_608 = arith.mulf %gather3A_605, %gather3A_607 : vector<16xf32>
        %add3A_609 = arith.addf %add3A_586, %mul3A_608 : vector<16xf32>
        %add3A_610 = arith.addi %shift_left3A_154, %and3A_596 : vector<16xi32>
        %gather3A_611 = tpu.vector_load_idx %arg30[%add3A_126, %add3A_610] : memref<64x128xf32, #tpu.memory_space<vmem>>[vector<16xi32>, vector<16xi32>], vector<16xf32>,
        %mul3A_612 = arith.mulf %gather3A_605, %gather3A_611 : vector<16xf32>
        %add3A_613 = arith.addf %add3A_590, %mul3A_612 : vector<16xf32>
        %add3A_614 = arith.constant 20 : i32
        %add3A_615 = vector.broadcast %add3A_614 : i32 to vector<16xi32>
        %add3A_616 = arith.addi %iota3A, %add3A_615 : vector<16xi32>
        %and3A_617 = arith.constant 31 : i32
        %and3A_618 = vector.broadcast %and3A_617 : i32 to vector<16xi32>
        %and3A_619 = arith.andi %add3A_616, %and3A_618 : vector<16xi32>
        %gather3A_620 = tpu.vector_load_idx %arg31[%add3A_126, %and3A_619] : memref<64x32xf32, #tpu.memory_space<vmem>>[vector<16xi32>, vector<16xi32>], vector<16xf32>,
        %gather3A_621 = tpu.vector_load_idx %arg16[%get3A_130, %and3A_619] : memref<1000x32xf32, #tpu.memory_space<vmem>>[vector<16xi32>, vector<16xi32>], vector<16xf32>,
        %mul3A_622 = arith.mulf %gather3A_620, %gather3A_621 : vector<16xf32>
        %add3A_623 = arith.addf %add3A_600, %mul3A_622 : vector<16xf32>
        %gather3A_624 = tpu.vector_load_idx %arg16[%get3A_132, %and3A_619] : memref<1000x32xf32, #tpu.memory_space<vmem>>[vector<16xi32>, vector<16xi32>], vector<16xf32>,
        %mul3A_625 = arith.mulf %gather3A_620, %gather3A_624 : vector<16xf32>
        %add3A_626 = arith.addf %add3A_603, %mul3A_625 : vector<16xf32>
        %add3A_627 = arith.addi %shift_left3A_138, %and3A_619 : vector<16xi32>
        %gather3A_628 = tpu.vector_load_idx %arg28[%add3A_126, %add3A_627] : memref<64x128xf32, #tpu.memory_space<vmem>>[vector<16xi32>, vector<16xi32>], vector<16xf32>,
        %add3A_629 = arith.addi %shift_left3A_146, %and3A_619 : vector<16xi32>
        %gather3A_630 = tpu.vector_load_idx %arg29[%add3A_126, %add3A_629] : memref<64x128xf32, #tpu.memory_space<vmem>>[vector<16xi32>, vector<16xi32>], vector<16xf32>,
        %mul3A_631 = arith.mulf %gather3A_628, %gather3A_630 : vector<16xf32>
        %add3A_632 = arith.addf %add3A_609, %mul3A_631 : vector<16xf32>
        %add3A_633 = arith.addi %shift_left3A_154, %and3A_619 : vector<16xi32>
        %gather3A_634 = tpu.vector_load_idx %arg30[%add3A_126, %add3A_633] : memref<64x128xf32, #tpu.memory_space<vmem>>[vector<16xi32>, vector<16xi32>], vector<16xf32>,
        %mul3A_635 = arith.mulf %gather3A_628, %gather3A_634 : vector<16xf32>
        %add3A_636 = arith.addf %add3A_613, %mul3A_635 : vector<16xf32>
        %add3A_637 = arith.constant 21 : i32
        %add3A_638 = vector.broadcast %add3A_637 : i32 to vector<16xi32>
        %add3A_639 = arith.addi %iota3A, %add3A_638 : vector<16xi32>
        %and3A_640 = arith.constant 31 : i32
        %and3A_641 = vector.broadcast %and3A_640 : i32 to vector<16xi32>
        %and3A_642 = arith.andi %add3A_639, %and3A_641 : vector<16xi32>
        %gather3A_643 = tpu.vector_load_idx %arg31[%add3A_126, %and3A_642] : memref<64x32xf32, #tpu.memory_space<vmem>>[vector<16xi32>, vector<16xi32>], vector<16xf32>,
        %gather3A_644 = tpu.vector_load_idx %arg16[%get3A_130, %and3A_642] : memref<1000x32xf32, #tpu.memory_space<vmem>>[vector<16xi32>, vector<16xi32>], vector<16xf32>,
        %mul3A_645 = arith.mulf %gather3A_643, %gather3A_644 : vector<16xf32>
        %add3A_646 = arith.addf %add3A_623, %mul3A_645 : vector<16xf32>
        %gather3A_647 = tpu.vector_load_idx %arg16[%get3A_132, %and3A_642] : memref<1000x32xf32, #tpu.memory_space<vmem>>[vector<16xi32>, vector<16xi32>], vector<16xf32>,
        %mul3A_648 = arith.mulf %gather3A_643, %gather3A_647 : vector<16xf32>
        %add3A_649 = arith.addf %add3A_626, %mul3A_648 : vector<16xf32>
        %add3A_650 = arith.addi %shift_left3A_138, %and3A_642 : vector<16xi32>
        %gather3A_651 = tpu.vector_load_idx %arg28[%add3A_126, %add3A_650] : memref<64x128xf32, #tpu.memory_space<vmem>>[vector<16xi32>, vector<16xi32>], vector<16xf32>,
        %add3A_652 = arith.addi %shift_left3A_146, %and3A_642 : vector<16xi32>
        %gather3A_653 = tpu.vector_load_idx %arg29[%add3A_126, %add3A_652] : memref<64x128xf32, #tpu.memory_space<vmem>>[vector<16xi32>, vector<16xi32>], vector<16xf32>,
        %mul3A_654 = arith.mulf %gather3A_651, %gather3A_653 : vector<16xf32>
        %add3A_655 = arith.addf %add3A_632, %mul3A_654 : vector<16xf32>
        %add3A_656 = arith.addi %shift_left3A_154, %and3A_642 : vector<16xi32>
        %gather3A_657 = tpu.vector_load_idx %arg30[%add3A_126, %add3A_656] : memref<64x128xf32, #tpu.memory_space<vmem>>[vector<16xi32>, vector<16xi32>], vector<16xf32>,
        %mul3A_658 = arith.mulf %gather3A_651, %gather3A_657 : vector<16xf32>
        %add3A_659 = arith.addf %add3A_636, %mul3A_658 : vector<16xf32>
        %add3A_660 = arith.constant 22 : i32
        %add3A_661 = vector.broadcast %add3A_660 : i32 to vector<16xi32>
        %add3A_662 = arith.addi %iota3A, %add3A_661 : vector<16xi32>
        %and3A_663 = arith.constant 31 : i32
        %and3A_664 = vector.broadcast %and3A_663 : i32 to vector<16xi32>
        %and3A_665 = arith.andi %add3A_662, %and3A_664 : vector<16xi32>
        %gather3A_666 = tpu.vector_load_idx %arg31[%add3A_126, %and3A_665] : memref<64x32xf32, #tpu.memory_space<vmem>>[vector<16xi32>, vector<16xi32>], vector<16xf32>,
        %gather3A_667 = tpu.vector_load_idx %arg16[%get3A_130, %and3A_665] : memref<1000x32xf32, #tpu.memory_space<vmem>>[vector<16xi32>, vector<16xi32>], vector<16xf32>,
        %mul3A_668 = arith.mulf %gather3A_666, %gather3A_667 : vector<16xf32>
        %add3A_669 = arith.addf %add3A_646, %mul3A_668 : vector<16xf32>
        %gather3A_670 = tpu.vector_load_idx %arg16[%get3A_132, %and3A_665] : memref<1000x32xf32, #tpu.memory_space<vmem>>[vector<16xi32>, vector<16xi32>], vector<16xf32>,
        %mul3A_671 = arith.mulf %gather3A_666, %gather3A_670 : vector<16xf32>
        %add3A_672 = arith.addf %add3A_649, %mul3A_671 : vector<16xf32>
        %add3A_673 = arith.addi %shift_left3A_138, %and3A_665 : vector<16xi32>
        %gather3A_674 = tpu.vector_load_idx %arg28[%add3A_126, %add3A_673] : memref<64x128xf32, #tpu.memory_space<vmem>>[vector<16xi32>, vector<16xi32>], vector<16xf32>,
        %add3A_675 = arith.addi %shift_left3A_146, %and3A_665 : vector<16xi32>
        %gather3A_676 = tpu.vector_load_idx %arg29[%add3A_126, %add3A_675] : memref<64x128xf32, #tpu.memory_space<vmem>>[vector<16xi32>, vector<16xi32>], vector<16xf32>,
        %mul3A_677 = arith.mulf %gather3A_674, %gather3A_676 : vector<16xf32>
        %add3A_678 = arith.addf %add3A_655, %mul3A_677 : vector<16xf32>
        %add3A_679 = arith.addi %shift_left3A_154, %and3A_665 : vector<16xi32>
        %gather3A_680 = tpu.vector_load_idx %arg30[%add3A_126, %add3A_679] : memref<64x128xf32, #tpu.memory_space<vmem>>[vector<16xi32>, vector<16xi32>], vector<16xf32>,
        %mul3A_681 = arith.mulf %gather3A_674, %gather3A_680 : vector<16xf32>
        %add3A_682 = arith.addf %add3A_659, %mul3A_681 : vector<16xf32>
        %add3A_683 = arith.constant 23 : i32
        %add3A_684 = vector.broadcast %add3A_683 : i32 to vector<16xi32>
        %add3A_685 = arith.addi %iota3A, %add3A_684 : vector<16xi32>
        %and3A_686 = arith.constant 31 : i32
        %and3A_687 = vector.broadcast %and3A_686 : i32 to vector<16xi32>
        %and3A_688 = arith.andi %add3A_685, %and3A_687 : vector<16xi32>
        %gather3A_689 = tpu.vector_load_idx %arg31[%add3A_126, %and3A_688] : memref<64x32xf32, #tpu.memory_space<vmem>>[vector<16xi32>, vector<16xi32>], vector<16xf32>,
        %gather3A_690 = tpu.vector_load_idx %arg16[%get3A_130, %and3A_688] : memref<1000x32xf32, #tpu.memory_space<vmem>>[vector<16xi32>, vector<16xi32>], vector<16xf32>,
        %mul3A_691 = arith.mulf %gather3A_689, %gather3A_690 : vector<16xf32>
        %add3A_692 = arith.addf %add3A_669, %mul3A_691 : vector<16xf32>
        %gather3A_693 = tpu.vector_load_idx %arg16[%get3A_132, %and3A_688] : memref<1000x32xf32, #tpu.memory_space<vmem>>[vector<16xi32>, vector<16xi32>], vector<16xf32>,
        %mul3A_694 = arith.mulf %gather3A_689, %gather3A_693 : vector<16xf32>
        %add3A_695 = arith.addf %add3A_672, %mul3A_694 : vector<16xf32>
        %add3A_696 = arith.addi %shift_left3A_138, %and3A_688 : vector<16xi32>
        %gather3A_697 = tpu.vector_load_idx %arg28[%add3A_126, %add3A_696] : memref<64x128xf32, #tpu.memory_space<vmem>>[vector<16xi32>, vector<16xi32>], vector<16xf32>,
        %add3A_698 = arith.addi %shift_left3A_146, %and3A_688 : vector<16xi32>
        %gather3A_699 = tpu.vector_load_idx %arg29[%add3A_126, %add3A_698] : memref<64x128xf32, #tpu.memory_space<vmem>>[vector<16xi32>, vector<16xi32>], vector<16xf32>,
        %mul3A_700 = arith.mulf %gather3A_697, %gather3A_699 : vector<16xf32>
        %add3A_701 = arith.addf %add3A_678, %mul3A_700 : vector<16xf32>
        %add3A_702 = arith.addi %shift_left3A_154, %and3A_688 : vector<16xi32>
        %gather3A_703 = tpu.vector_load_idx %arg30[%add3A_126, %add3A_702] : memref<64x128xf32, #tpu.memory_space<vmem>>[vector<16xi32>, vector<16xi32>], vector<16xf32>,
        %mul3A_704 = arith.mulf %gather3A_697, %gather3A_703 : vector<16xf32>
        %add3A_705 = arith.addf %add3A_682, %mul3A_704 : vector<16xf32>
        %add3A_706 = arith.constant 24 : i32
        %add3A_707 = vector.broadcast %add3A_706 : i32 to vector<16xi32>
        %add3A_708 = arith.addi %iota3A, %add3A_707 : vector<16xi32>
        %and3A_709 = arith.constant 31 : i32
        %and3A_710 = vector.broadcast %and3A_709 : i32 to vector<16xi32>
        %and3A_711 = arith.andi %add3A_708, %and3A_710 : vector<16xi32>
        %gather3A_712 = tpu.vector_load_idx %arg31[%add3A_126, %and3A_711] : memref<64x32xf32, #tpu.memory_space<vmem>>[vector<16xi32>, vector<16xi32>], vector<16xf32>,
        %gather3A_713 = tpu.vector_load_idx %arg16[%get3A_130, %and3A_711] : memref<1000x32xf32, #tpu.memory_space<vmem>>[vector<16xi32>, vector<16xi32>], vector<16xf32>,
        %mul3A_714 = arith.mulf %gather3A_712, %gather3A_713 : vector<16xf32>
        %add3A_715 = arith.addf %add3A_692, %mul3A_714 : vector<16xf32>
        %gather3A_716 = tpu.vector_load_idx %arg16[%get3A_132, %and3A_711] : memref<1000x32xf32, #tpu.memory_space<vmem>>[vector<16xi32>, vector<16xi32>], vector<16xf32>,
        %mul3A_717 = arith.mulf %gather3A_712, %gather3A_716 : vector<16xf32>
        %add3A_718 = arith.addf %add3A_695, %mul3A_717 : vector<16xf32>
        %add3A_719 = arith.addi %shift_left3A_138, %and3A_711 : vector<16xi32>
        %gather3A_720 = tpu.vector_load_idx %arg28[%add3A_126, %add3A_719] : memref<64x128xf32, #tpu.memory_space<vmem>>[vector<16xi32>, vector<16xi32>], vector<16xf32>,
        %add3A_721 = arith.addi %shift_left3A_146, %and3A_711 : vector<16xi32>
        %gather3A_722 = tpu.vector_load_idx %arg29[%add3A_126, %add3A_721] : memref<64x128xf32, #tpu.memory_space<vmem>>[vector<16xi32>, vector<16xi32>], vector<16xf32>,
        %mul3A_723 = arith.mulf %gather3A_720, %gather3A_722 : vector<16xf32>
        %add3A_724 = arith.addf %add3A_701, %mul3A_723 : vector<16xf32>
        %add3A_725 = arith.addi %shift_left3A_154, %and3A_711 : vector<16xi32>
        %gather3A_726 = tpu.vector_load_idx %arg30[%add3A_126, %add3A_725] : memref<64x128xf32, #tpu.memory_space<vmem>>[vector<16xi32>, vector<16xi32>], vector<16xf32>,
        %mul3A_727 = arith.mulf %gather3A_720, %gather3A_726 : vector<16xf32>
        %add3A_728 = arith.addf %add3A_705, %mul3A_727 : vector<16xf32>
        %add3A_729 = arith.constant 25 : i32
        %add3A_730 = vector.broadcast %add3A_729 : i32 to vector<16xi32>
        %add3A_731 = arith.addi %iota3A, %add3A_730 : vector<16xi32>
        %and3A_732 = arith.constant 31 : i32
        %and3A_733 = vector.broadcast %and3A_732 : i32 to vector<16xi32>
        %and3A_734 = arith.andi %add3A_731, %and3A_733 : vector<16xi32>
        %gather3A_735 = tpu.vector_load_idx %arg31[%add3A_126, %and3A_734] : memref<64x32xf32, #tpu.memory_space<vmem>>[vector<16xi32>, vector<16xi32>], vector<16xf32>,
        %gather3A_736 = tpu.vector_load_idx %arg16[%get3A_130, %and3A_734] : memref<1000x32xf32, #tpu.memory_space<vmem>>[vector<16xi32>, vector<16xi32>], vector<16xf32>,
        %mul3A_737 = arith.mulf %gather3A_735, %gather3A_736 : vector<16xf32>
        %add3A_738 = arith.addf %add3A_715, %mul3A_737 : vector<16xf32>
        %gather3A_739 = tpu.vector_load_idx %arg16[%get3A_132, %and3A_734] : memref<1000x32xf32, #tpu.memory_space<vmem>>[vector<16xi32>, vector<16xi32>], vector<16xf32>,
        %mul3A_740 = arith.mulf %gather3A_735, %gather3A_739 : vector<16xf32>
        %add3A_741 = arith.addf %add3A_718, %mul3A_740 : vector<16xf32>
        %add3A_742 = arith.addi %shift_left3A_138, %and3A_734 : vector<16xi32>
        %gather3A_743 = tpu.vector_load_idx %arg28[%add3A_126, %add3A_742] : memref<64x128xf32, #tpu.memory_space<vmem>>[vector<16xi32>, vector<16xi32>], vector<16xf32>,
        %add3A_744 = arith.addi %shift_left3A_146, %and3A_734 : vector<16xi32>
        %gather3A_745 = tpu.vector_load_idx %arg29[%add3A_126, %add3A_744] : memref<64x128xf32, #tpu.memory_space<vmem>>[vector<16xi32>, vector<16xi32>], vector<16xf32>,
        %mul3A_746 = arith.mulf %gather3A_743, %gather3A_745 : vector<16xf32>
        %add3A_747 = arith.addf %add3A_724, %mul3A_746 : vector<16xf32>
        %add3A_748 = arith.addi %shift_left3A_154, %and3A_734 : vector<16xi32>
        %gather3A_749 = tpu.vector_load_idx %arg30[%add3A_126, %add3A_748] : memref<64x128xf32, #tpu.memory_space<vmem>>[vector<16xi32>, vector<16xi32>], vector<16xf32>,
        %mul3A_750 = arith.mulf %gather3A_743, %gather3A_749 : vector<16xf32>
        %add3A_751 = arith.addf %add3A_728, %mul3A_750 : vector<16xf32>
        %add3A_752 = arith.constant 26 : i32
        %add3A_753 = vector.broadcast %add3A_752 : i32 to vector<16xi32>
        %add3A_754 = arith.addi %iota3A, %add3A_753 : vector<16xi32>
        %and3A_755 = arith.constant 31 : i32
        %and3A_756 = vector.broadcast %and3A_755 : i32 to vector<16xi32>
        %and3A_757 = arith.andi %add3A_754, %and3A_756 : vector<16xi32>
        %gather3A_758 = tpu.vector_load_idx %arg31[%add3A_126, %and3A_757] : memref<64x32xf32, #tpu.memory_space<vmem>>[vector<16xi32>, vector<16xi32>], vector<16xf32>,
        %gather3A_759 = tpu.vector_load_idx %arg16[%get3A_130, %and3A_757] : memref<1000x32xf32, #tpu.memory_space<vmem>>[vector<16xi32>, vector<16xi32>], vector<16xf32>,
        %mul3A_760 = arith.mulf %gather3A_758, %gather3A_759 : vector<16xf32>
        %add3A_761 = arith.addf %add3A_738, %mul3A_760 : vector<16xf32>
        %gather3A_762 = tpu.vector_load_idx %arg16[%get3A_132, %and3A_757] : memref<1000x32xf32, #tpu.memory_space<vmem>>[vector<16xi32>, vector<16xi32>], vector<16xf32>,
        %mul3A_763 = arith.mulf %gather3A_758, %gather3A_762 : vector<16xf32>
        %add3A_764 = arith.addf %add3A_741, %mul3A_763 : vector<16xf32>
        %add3A_765 = arith.addi %shift_left3A_138, %and3A_757 : vector<16xi32>
        %gather3A_766 = tpu.vector_load_idx %arg28[%add3A_126, %add3A_765] : memref<64x128xf32, #tpu.memory_space<vmem>>[vector<16xi32>, vector<16xi32>], vector<16xf32>,
        %add3A_767 = arith.addi %shift_left3A_146, %and3A_757 : vector<16xi32>
        %gather3A_768 = tpu.vector_load_idx %arg29[%add3A_126, %add3A_767] : memref<64x128xf32, #tpu.memory_space<vmem>>[vector<16xi32>, vector<16xi32>], vector<16xf32>,
        %mul3A_769 = arith.mulf %gather3A_766, %gather3A_768 : vector<16xf32>
        %add3A_770 = arith.addf %add3A_747, %mul3A_769 : vector<16xf32>
        %add3A_771 = arith.addi %shift_left3A_154, %and3A_757 : vector<16xi32>
        %gather3A_772 = tpu.vector_load_idx %arg30[%add3A_126, %add3A_771] : memref<64x128xf32, #tpu.memory_space<vmem>>[vector<16xi32>, vector<16xi32>], vector<16xf32>,
        %mul3A_773 = arith.mulf %gather3A_766, %gather3A_772 : vector<16xf32>
        %add3A_774 = arith.addf %add3A_751, %mul3A_773 : vector<16xf32>
        %add3A_775 = arith.constant 27 : i32
        %add3A_776 = vector.broadcast %add3A_775 : i32 to vector<16xi32>
        %add3A_777 = arith.addi %iota3A, %add3A_776 : vector<16xi32>
        %and3A_778 = arith.constant 31 : i32
        %and3A_779 = vector.broadcast %and3A_778 : i32 to vector<16xi32>
        %and3A_780 = arith.andi %add3A_777, %and3A_779 : vector<16xi32>
        %gather3A_781 = tpu.vector_load_idx %arg31[%add3A_126, %and3A_780] : memref<64x32xf32, #tpu.memory_space<vmem>>[vector<16xi32>, vector<16xi32>], vector<16xf32>,
        %gather3A_782 = tpu.vector_load_idx %arg16[%get3A_130, %and3A_780] : memref<1000x32xf32, #tpu.memory_space<vmem>>[vector<16xi32>, vector<16xi32>], vector<16xf32>,
        %mul3A_783 = arith.mulf %gather3A_781, %gather3A_782 : vector<16xf32>
        %add3A_784 = arith.addf %add3A_761, %mul3A_783 : vector<16xf32>
        %gather3A_785 = tpu.vector_load_idx %arg16[%get3A_132, %and3A_780] : memref<1000x32xf32, #tpu.memory_space<vmem>>[vector<16xi32>, vector<16xi32>], vector<16xf32>,
        %mul3A_786 = arith.mulf %gather3A_781, %gather3A_785 : vector<16xf32>
        %add3A_787 = arith.addf %add3A_764, %mul3A_786 : vector<16xf32>
        %add3A_788 = arith.addi %shift_left3A_138, %and3A_780 : vector<16xi32>
        %gather3A_789 = tpu.vector_load_idx %arg28[%add3A_126, %add3A_788] : memref<64x128xf32, #tpu.memory_space<vmem>>[vector<16xi32>, vector<16xi32>], vector<16xf32>,
        %add3A_790 = arith.addi %shift_left3A_146, %and3A_780 : vector<16xi32>
        %gather3A_791 = tpu.vector_load_idx %arg29[%add3A_126, %add3A_790] : memref<64x128xf32, #tpu.memory_space<vmem>>[vector<16xi32>, vector<16xi32>], vector<16xf32>,
        %mul3A_792 = arith.mulf %gather3A_789, %gather3A_791 : vector<16xf32>
        %add3A_793 = arith.addf %add3A_770, %mul3A_792 : vector<16xf32>
        %add3A_794 = arith.addi %shift_left3A_154, %and3A_780 : vector<16xi32>
        %gather3A_795 = tpu.vector_load_idx %arg30[%add3A_126, %add3A_794] : memref<64x128xf32, #tpu.memory_space<vmem>>[vector<16xi32>, vector<16xi32>], vector<16xf32>,
        %mul3A_796 = arith.mulf %gather3A_789, %gather3A_795 : vector<16xf32>
        %add3A_797 = arith.addf %add3A_774, %mul3A_796 : vector<16xf32>
        %add3A_798 = arith.constant 28 : i32
        %add3A_799 = vector.broadcast %add3A_798 : i32 to vector<16xi32>
        %add3A_800 = arith.addi %iota3A, %add3A_799 : vector<16xi32>
        %and3A_801 = arith.constant 31 : i32
        %and3A_802 = vector.broadcast %and3A_801 : i32 to vector<16xi32>
        %and3A_803 = arith.andi %add3A_800, %and3A_802 : vector<16xi32>
        %gather3A_804 = tpu.vector_load_idx %arg31[%add3A_126, %and3A_803] : memref<64x32xf32, #tpu.memory_space<vmem>>[vector<16xi32>, vector<16xi32>], vector<16xf32>,
        %gather3A_805 = tpu.vector_load_idx %arg16[%get3A_130, %and3A_803] : memref<1000x32xf32, #tpu.memory_space<vmem>>[vector<16xi32>, vector<16xi32>], vector<16xf32>,
        %mul3A_806 = arith.mulf %gather3A_804, %gather3A_805 : vector<16xf32>
        %add3A_807 = arith.addf %add3A_784, %mul3A_806 : vector<16xf32>
        %gather3A_808 = tpu.vector_load_idx %arg16[%get3A_132, %and3A_803] : memref<1000x32xf32, #tpu.memory_space<vmem>>[vector<16xi32>, vector<16xi32>], vector<16xf32>,
        %mul3A_809 = arith.mulf %gather3A_804, %gather3A_808 : vector<16xf32>
        %add3A_810 = arith.addf %add3A_787, %mul3A_809 : vector<16xf32>
        %add3A_811 = arith.addi %shift_left3A_138, %and3A_803 : vector<16xi32>
        %gather3A_812 = tpu.vector_load_idx %arg28[%add3A_126, %add3A_811] : memref<64x128xf32, #tpu.memory_space<vmem>>[vector<16xi32>, vector<16xi32>], vector<16xf32>,
        %add3A_813 = arith.addi %shift_left3A_146, %and3A_803 : vector<16xi32>
        %gather3A_814 = tpu.vector_load_idx %arg29[%add3A_126, %add3A_813] : memref<64x128xf32, #tpu.memory_space<vmem>>[vector<16xi32>, vector<16xi32>], vector<16xf32>,
        %mul3A_815 = arith.mulf %gather3A_812, %gather3A_814 : vector<16xf32>
        %add3A_816 = arith.addf %add3A_793, %mul3A_815 : vector<16xf32>
        %add3A_817 = arith.addi %shift_left3A_154, %and3A_803 : vector<16xi32>
        %gather3A_818 = tpu.vector_load_idx %arg30[%add3A_126, %add3A_817] : memref<64x128xf32, #tpu.memory_space<vmem>>[vector<16xi32>, vector<16xi32>], vector<16xf32>,
        %mul3A_819 = arith.mulf %gather3A_812, %gather3A_818 : vector<16xf32>
        %add3A_820 = arith.addf %add3A_797, %mul3A_819 : vector<16xf32>
        %add3A_821 = arith.constant 29 : i32
        %add3A_822 = vector.broadcast %add3A_821 : i32 to vector<16xi32>
        %add3A_823 = arith.addi %iota3A, %add3A_822 : vector<16xi32>
        %and3A_824 = arith.constant 31 : i32
        %and3A_825 = vector.broadcast %and3A_824 : i32 to vector<16xi32>
        %and3A_826 = arith.andi %add3A_823, %and3A_825 : vector<16xi32>
        %gather3A_827 = tpu.vector_load_idx %arg31[%add3A_126, %and3A_826] : memref<64x32xf32, #tpu.memory_space<vmem>>[vector<16xi32>, vector<16xi32>], vector<16xf32>,
        %gather3A_828 = tpu.vector_load_idx %arg16[%get3A_130, %and3A_826] : memref<1000x32xf32, #tpu.memory_space<vmem>>[vector<16xi32>, vector<16xi32>], vector<16xf32>,
        %mul3A_829 = arith.mulf %gather3A_827, %gather3A_828 : vector<16xf32>
        %add3A_830 = arith.addf %add3A_807, %mul3A_829 : vector<16xf32>
        %gather3A_831 = tpu.vector_load_idx %arg16[%get3A_132, %and3A_826] : memref<1000x32xf32, #tpu.memory_space<vmem>>[vector<16xi32>, vector<16xi32>], vector<16xf32>,
        %mul3A_832 = arith.mulf %gather3A_827, %gather3A_831 : vector<16xf32>
        %add3A_833 = arith.addf %add3A_810, %mul3A_832 : vector<16xf32>
        %add3A_834 = arith.addi %shift_left3A_138, %and3A_826 : vector<16xi32>
        %gather3A_835 = tpu.vector_load_idx %arg28[%add3A_126, %add3A_834] : memref<64x128xf32, #tpu.memory_space<vmem>>[vector<16xi32>, vector<16xi32>], vector<16xf32>,
        %add3A_836 = arith.addi %shift_left3A_146, %and3A_826 : vector<16xi32>
        %gather3A_837 = tpu.vector_load_idx %arg29[%add3A_126, %add3A_836] : memref<64x128xf32, #tpu.memory_space<vmem>>[vector<16xi32>, vector<16xi32>], vector<16xf32>,
        %mul3A_838 = arith.mulf %gather3A_835, %gather3A_837 : vector<16xf32>
        %add3A_839 = arith.addf %add3A_816, %mul3A_838 : vector<16xf32>
        %add3A_840 = arith.addi %shift_left3A_154, %and3A_826 : vector<16xi32>
        %gather3A_841 = tpu.vector_load_idx %arg30[%add3A_126, %add3A_840] : memref<64x128xf32, #tpu.memory_space<vmem>>[vector<16xi32>, vector<16xi32>], vector<16xf32>,
        %mul3A_842 = arith.mulf %gather3A_835, %gather3A_841 : vector<16xf32>
        %add3A_843 = arith.addf %add3A_820, %mul3A_842 : vector<16xf32>
        %add3A_844 = arith.constant 30 : i32
        %add3A_845 = vector.broadcast %add3A_844 : i32 to vector<16xi32>
        %add3A_846 = arith.addi %iota3A, %add3A_845 : vector<16xi32>
        %and3A_847 = arith.constant 31 : i32
        %and3A_848 = vector.broadcast %and3A_847 : i32 to vector<16xi32>
        %and3A_849 = arith.andi %add3A_846, %and3A_848 : vector<16xi32>
        %gather3A_850 = tpu.vector_load_idx %arg31[%add3A_126, %and3A_849] : memref<64x32xf32, #tpu.memory_space<vmem>>[vector<16xi32>, vector<16xi32>], vector<16xf32>,
        %gather3A_851 = tpu.vector_load_idx %arg16[%get3A_130, %and3A_849] : memref<1000x32xf32, #tpu.memory_space<vmem>>[vector<16xi32>, vector<16xi32>], vector<16xf32>,
        %mul3A_852 = arith.mulf %gather3A_850, %gather3A_851 : vector<16xf32>
        %add3A_853 = arith.addf %add3A_830, %mul3A_852 : vector<16xf32>
        %gather3A_854 = tpu.vector_load_idx %arg16[%get3A_132, %and3A_849] : memref<1000x32xf32, #tpu.memory_space<vmem>>[vector<16xi32>, vector<16xi32>], vector<16xf32>,
        %mul3A_855 = arith.mulf %gather3A_850, %gather3A_854 : vector<16xf32>
        %add3A_856 = arith.addf %add3A_833, %mul3A_855 : vector<16xf32>
        %add3A_857 = arith.addi %shift_left3A_138, %and3A_849 : vector<16xi32>
        %gather3A_858 = tpu.vector_load_idx %arg28[%add3A_126, %add3A_857] : memref<64x128xf32, #tpu.memory_space<vmem>>[vector<16xi32>, vector<16xi32>], vector<16xf32>,
        %add3A_859 = arith.addi %shift_left3A_146, %and3A_849 : vector<16xi32>
        %gather3A_860 = tpu.vector_load_idx %arg29[%add3A_126, %add3A_859] : memref<64x128xf32, #tpu.memory_space<vmem>>[vector<16xi32>, vector<16xi32>], vector<16xf32>,
        %mul3A_861 = arith.mulf %gather3A_858, %gather3A_860 : vector<16xf32>
        %add3A_862 = arith.addf %add3A_839, %mul3A_861 : vector<16xf32>
        %add3A_863 = arith.addi %shift_left3A_154, %and3A_849 : vector<16xi32>
        %gather3A_864 = tpu.vector_load_idx %arg30[%add3A_126, %add3A_863] : memref<64x128xf32, #tpu.memory_space<vmem>>[vector<16xi32>, vector<16xi32>], vector<16xf32>,
        %mul3A_865 = arith.mulf %gather3A_858, %gather3A_864 : vector<16xf32>
        %add3A_866 = arith.addf %add3A_843, %mul3A_865 : vector<16xf32>
        %add3A_867 = arith.constant 31 : i32
        %add3A_868 = vector.broadcast %add3A_867 : i32 to vector<16xi32>
        %add3A_869 = arith.addi %iota3A, %add3A_868 : vector<16xi32>
        %and3A_870 = arith.constant 31 : i32
        %and3A_871 = vector.broadcast %and3A_870 : i32 to vector<16xi32>
        %and3A_872 = arith.andi %add3A_869, %and3A_871 : vector<16xi32>
        %gather3A_873 = tpu.vector_load_idx %arg31[%add3A_126, %and3A_872] : memref<64x32xf32, #tpu.memory_space<vmem>>[vector<16xi32>, vector<16xi32>], vector<16xf32>,
        %gather3A_874 = tpu.vector_load_idx %arg16[%get3A_130, %and3A_872] : memref<1000x32xf32, #tpu.memory_space<vmem>>[vector<16xi32>, vector<16xi32>], vector<16xf32>,
        %mul3A_875 = arith.mulf %gather3A_873, %gather3A_874 : vector<16xf32>
        %add3A_876 = arith.addf %add3A_853, %mul3A_875 : vector<16xf32>
        %gather3A_877 = tpu.vector_load_idx %arg16[%get3A_132, %and3A_872] : memref<1000x32xf32, #tpu.memory_space<vmem>>[vector<16xi32>, vector<16xi32>], vector<16xf32>,
        %mul3A_878 = arith.mulf %gather3A_873, %gather3A_877 : vector<16xf32>
        %add3A_879 = arith.addf %add3A_856, %mul3A_878 : vector<16xf32>
        %add3A_880 = arith.addi %shift_left3A_138, %and3A_872 : vector<16xi32>
        %gather3A_881 = tpu.vector_load_idx %arg28[%add3A_126, %add3A_880] : memref<64x128xf32, #tpu.memory_space<vmem>>[vector<16xi32>, vector<16xi32>], vector<16xf32>,
        %add3A_882 = arith.addi %shift_left3A_146, %and3A_872 : vector<16xi32>
        %gather3A_883 = tpu.vector_load_idx %arg29[%add3A_126, %add3A_882] : memref<64x128xf32, #tpu.memory_space<vmem>>[vector<16xi32>, vector<16xi32>], vector<16xf32>,
        %mul3A_884 = arith.mulf %gather3A_881, %gather3A_883 : vector<16xf32>
        %add3A_885 = arith.addf %add3A_862, %mul3A_884 : vector<16xf32>
        %add3A_886 = arith.addi %shift_left3A_154, %and3A_872 : vector<16xi32>
        %gather3A_887 = tpu.vector_load_idx %arg30[%add3A_126, %add3A_886] : memref<64x128xf32, #tpu.memory_space<vmem>>[vector<16xi32>, vector<16xi32>], vector<16xf32>,
        %mul3A_888 = arith.mulf %gather3A_881, %gather3A_887 : vector<16xf32>
        %add3A_889 = arith.addf %add3A_866, %mul3A_888 : vector<16xf32>
        %mul3A_890 = arith.constant 5.000000e-01 : f32
        %mul3A_891 = vector.broadcast %mul3A_890 : f32 to vector<16xf32>
        %mul3A_892 = arith.mulf %mul3A_891, %add3A_885 : vector<16xf32>
        %mul3A_893 = arith.constant 5.000000e-01 : f32
        %mul3A_894 = vector.broadcast %mul3A_893 : f32 to vector<16xf32>
        %mul3A_895 = arith.mulf %mul3A_894, %add3A_876 : vector<16xf32>
        %add3A_896 = arith.addf %mul3A_892, %mul3A_895 : vector<16xf32>
        %mul3A_897 = arith.constant 5.000000e-01 : f32
        %mul3A_898 = vector.broadcast %mul3A_897 : f32 to vector<16xf32>
        %mul3A_899 = arith.mulf %mul3A_898, %add3A_889 : vector<16xf32>
        %mul3A_900 = arith.constant 5.000000e-01 : f32
        %mul3A_901 = vector.broadcast %mul3A_900 : f32 to vector<16xf32>
        %mul3A_902 = arith.mulf %mul3A_901, %add3A_879 : vector<16xf32>
        %add3A_903 = arith.addf %mul3A_899, %mul3A_902 : vector<16xf32>
        %broadcast_in_dim3A_904 = arith.constant 0 : i32
        %broadcast_in_dim3A_905 = vector.broadcast %broadcast_in_dim3A_904 : i32 to vector<16xi32>
        tpu.vector_store_idx %arg32[%add3A_126, %broadcast_in_dim3A_905], %add3A_896 : memref<64x2xf32, #tpu.memory_space<vmem>>[vector<16xi32>, vector<16xi32>], vector<16xf32>,
        %broadcast_in_dim3A_906 = arith.constant 1 : i32
        %broadcast_in_dim3A_907 = vector.broadcast %broadcast_in_dim3A_906 : i32 to vector<16xi32>
        tpu.vector_store_idx %arg32[%add3A_126, %broadcast_in_dim3A_907], %add3A_903 : memref<64x2xf32, #tpu.memory_space<vmem>>[vector<16xi32>, vector<16xi32>], vector<16xf32>,
      }
      %scan3A_121 = arith.constant 4 : i32
      "tpu.region"() ({
        %run_scoped3A = tpu.sem_alloc : memref<!tpu.dma_semaphore, #tpu.memory_space<semaphore_mem>>
        %dma_start3A_122 = arith.constant 0 : i32
        %dma_start3A_123 = tpu.memref_slice %arg14[%add3A_12, %dma_start3A_122] : memref<16384x2xf32, #tpu.memory_space<hbm>> -> memref<64x2xf32, #tpu.memory_space<hbm>>
        %dma_start3A_124 = arith.constant 0 : i32
        %dma_start3A_125 = tpu.memref_slice %arg14[%add3A_12, %dma_start3A_124] : memref<16384x2xf32, #tpu.memory_space<hbm>> -> memref<64x2xf32, #tpu.memory_space<hbm>>
        tpu.enqueue_dma source(%arg32 : memref<64x2xf32, #tpu.memory_space<vmem>>) target(%dma_start3A_125 : memref<64x2xf32, #tpu.memory_space<hbm>>) target_semaphore(%run_scoped3A : memref<!tpu.dma_semaphore, #tpu.memory_space<semaphore_mem>>)
        %dma_wait3A_126 = arith.constant 0 : i32
        %dma_wait3A_127 = tpu.memref_slice %arg14[%add3A_12, %dma_wait3A_126] : memref<16384x2xf32, #tpu.memory_space<hbm>> -> memref<64x2xf32, #tpu.memory_space<hbm>>
        %dma_wait3A_128 = arith.constant 0 : i32
        %dma_wait3A_129 = tpu.memref_slice %arg14[%add3A_12, %dma_wait3A_128] : memref<16384x2xf32, #tpu.memory_space<hbm>> -> memref<64x2xf32, #tpu.memory_space<hbm>>
        tpu.wait_dma2 semaphore(%run_scoped3A : memref<!tpu.dma_semaphore, #tpu.memory_space<semaphore_mem>>) src(%arg32 : memref<64x2xf32, #tpu.memory_space<vmem>>) dst(%dma_wait3A_129 : memref<64x2xf32, #tpu.memory_space<hbm>>)
        tpu.yield
      }) : () -> ()
    }
    %scan3A_6 = arith.constant 8 : i32
    return
  }
}

</mosaic_0001>

<sc_bundles>
// kernel: _run.3.cloned.1.call-start
scs
__scs_entry_jumppad:
0x0: {  	(pc) =	sbr.rel $0x88, $3  }
0x1: {  	(tag) =	ssettag $0x0;
	lr =	simm.s32 $0x1  }
0x2: {  	[smem:$0x3F95] =	sst lr;
	_ =	strace $0xD0000000  }
0x3: {  	_ = 	snop  }
0x4: {  	_ = 	snop  }
0x5: {  	_ = 	snop  }
0x6: {  	_ = 	snop  }
0x7: {  	_ = 	snop  }
__scs_overlays_trampoline_lowered:
0x8: {  	[smem:$0x3FA4] =	sst s0  }
0x9: {  	[smem:$0x3FA5] =	sst s1  }
0xa: {  	[smem:$0x3FA6] =	sst s2  }
0xb: {  	[smem:$0x3FA7] =	sst s3  }
0xc: {  	[smem:$0x3FA8] =	sst s4  }
0xd: {  	[smem:$0x3FA9] =	sst s5  }
0xe: {  	[smem:$0x3FAA] =	sst s6  }
0xf: {  	[smem:$0x3FAB] =	sst s7  }
0x10: {  	[smem:$0x3FAC] =	sst s8  }
0x11: {  	[smem:$0x3FAD] =	sst s9;
	s0 =	simm.s32 @!p0 $0x0  }
0x12: {  	s1 =	sld [smem:$0x3F93];
	s0 =	simm.s32 @p0 $0x1  }
0x13: {  	[smem:$0x3FAE] =	sst s0;
	s0 =	simm.s32 @!p1 $0x0  }
0x14: {  	s2 =	sld [smem:$0x3F92];
	s0 =	simm.s32 @p1 $0x1  }
0x15: {  	[smem:$0x3FAF] =	sst s0;
	s0 =	simm.s32 @!p2 $0x0  }
0x16: {  	s3 =	sld [smem:$0x3FDB];
	s0 =	simm.s32 @p2 $0x1  }
0x17: {  	s4 =	simm.s32 $0x1BF5;
	[smem:$0x3FB1] =	sst s0  }
0x18: {  	s0 =	sld [smem:$0x3F94];
	_ =	swait.ge [sflag:s4], $0x0  }
0x19: {  	s7 =	sld [smem:$0x3F95]  }
0x1a: {  	s8 =	sadd.s32 $0xFFFFE003, lr  }
0x1b: {  	s9 =	sadd.s32 $0xFFFFFEF7, lr;
	s5 =	simm.s32 $0xFFFFFFFF;
	p2 =	slt.u32 s8, $0xFFFFF086  }
0x1c: {  	p1 =	slt.u32 s9, $0xF7A;
	s5 =	simm.s32 @!p2 $0x0  }
0x1d: {  	s5 =	simm.s32 @p1 $0x1;
	p0 =	seq.s32 s7, s2  }
0x1e: {  	s7 =	smul.u32 @!p0 $0xF7A, s2;
	p2 =	seq.s32 @!p0 s5, $0x0  }
0x1f: {  	s9 =	smul.u32 $0xF7A, s1;
	s8 =	simm.s32 @!p0 $0x1BF5;
	p2 =	por !p2, p0  }
0x20: {  	[sflag:s8] =	ssyncset.s32 @!p0 $0xFFFFF086;
	s6 =	sadd.s32 @!p0 s3, s7;
	s7 =	simm.s32 @!p0 $0x108  }
0x21: {  	s3 =	sadd.s32 s3, s9;
	s6 =	sadd.s32 @!p0 $0x88, s6;
	s7 =	simm.s32 @p2 $0x1082  }
0x22: {  	[simem:s7], [sflag:s8] =	dma.local @!p0 [hbm:s6], $0xF7A  }
0x23: {  	s9 =	sor.u32 $0xD0000000, s2;
	s6 =	simm.s32 $0x108;
	_ =	swait.ge @!p0 [sflag:s8], $0x0  }
0x24: {  	s3 =	sadd.s32 $0x88, s3;
	s6 =	simm.s32 @!p1 $0x1082;
	[sflag:s4] =	ssyncset.s32 $0xFFFFF086  }
0x25: {  	[simem:s6], [sflag:s4] =	dma.local [hbm:s3], $0xF7A  }
0x26: {  	[smem:$0x3F95] =	sst s1;
	(tag) =	ssettag s2;
	_ =	strace s9  }
0x27: {  	s1 =	sld [smem:$0x3FA5]  }
0x28: {  	s2 =	sld [smem:$0x3FA6]  }
0x29: {  	s4 =	sld [smem:$0x3FA8]  }
0x2a: {  	p0 =	seq.s32 s5, $0x0;
	s5 =	sld [smem:$0x3FA9]  }
0x2b: {  	s6 =	sld [smem:$0x3FAA]  }
0x2c: {  	s7 =	sld [smem:$0x3FAB]  }
0x2d: {  	s3 =	simm.s32 $0x108;
	s8 =	sld [smem:$0x3FAC]  }
0x2e: {  	s3 =	simm.s32 @!p0 $0x1082;
	s9 =	sld [smem:$0x3FAD]  }
0x2f: {  	lr =	sadd.s32 s0, s3;
	s0 =	sld [smem:$0x3FA4]  }
0x30: {  	s3 =	sld [smem:$0x3FA7]  }
0x31: {  	[smem:$0x3FB0] =	sst s10  }
0x32: {  	s10 =	sld [smem:$0x3FAE];
	_ =	sdelay $0x3  }
0x33: {  	p0 =	seq.s32 s10, $0x1;
	s10 =	sld [smem:$0x3FB0];
	_ =	sdelay $0x3  }
0x34: {  	[smem:$0x3FB0] =	sst s10  }
0x35: {  	s10 =	sld [smem:$0x3FAF];
	_ =	sdelay $0x3  }
0x36: {  	p1 =	seq.s32 s10, $0x1;
	s10 =	sld [smem:$0x3FB0];
	_ =	sdelay $0x3  }
0x37: {  	[smem:$0x3FB0] =	sst s10  }
0x38: {  	s10 =	sld [smem:$0x3FB1]  }
0x39: {  	_ = 	snop;
	(pc) =	sbr.ind lr, $3  }
0x3a: {  	_ = 	snop  }
0x3b: {  	_ = 	snop  }
0x3c: {  	p2 =	seq.s32 s10, $0x1;
	s10 =	sld [smem:$0x3FB0]  }
0x3d: {  	_ =	shalt  }
0x3e: {  	_ =	shalt  }
0x3f: {  	_ =	shalt  }
0x40: {  	_ =	shalt  }
0x41: {  	_ =	shalt  }
0x42: {  	_ =	shalt  }
0x43: {  	_ =	shalt  }
0x44: {  	_ =	shalt  }
0x45: {  	_ =	shalt  }
0x46: {  	_ =	shalt  }
0x47: {  	_ =	shalt  }
0x48: {  	_ =	shalt  }
0x49: {  	_ =	shalt  }
0x4a: {  	_ =	shalt  }
0x4b: {  	_ =	shalt  }
0x4c: {  	_ =	shalt  }
0x4d: {  	_ =	shalt  }
0x4e: {  	_ =	shalt  }
0x4f: {  	_ =	shalt  }
0x50: {  	_ =	shalt  }
0x51: {  	_ =	shalt  }
0x52: {  	_ =	shalt  }
0x53: {  	_ =	shalt  }
0x54: {  	_ =	shalt  }
0x55: {  	_ =	shalt  }
0x56: {  	_ =	shalt  }
0x57: {  	_ =	shalt  }
0x58: {  	_ =	shalt  }
0x59: {  	_ =	shalt  }
0x5a: {  	_ =	shalt  }
0x5b: {  	_ =	shalt  }
0x5c: {  	_ =	shalt  }
0x5d: {  	_ =	shalt  }
0x5e: {  	_ =	shalt  }
0x5f: {  	_ =	shalt  }
0x60: {  	_ =	shalt  }
0x61: {  	_ =	shalt  }
0x62: {  	_ =	shalt  }
0x63: {  	_ =	shalt  }
0x64: {  	_ =	shalt  }
0x65: {  	_ =	shalt  }
0x66: {  	_ =	shalt  }
0x67: {  	_ =	shalt  }
0x68: {  	_ =	shalt  }
0x69: {  	_ =	shalt  }
0x6a: {  	_ =	shalt  }
0x6b: {  	_ =	shalt  }
0x6c: {  	_ =	shalt  }
0x6d: {  	_ =	shalt  }
0x6e: {  	_ =	shalt  }
0x6f: {  	_ =	shalt  }
0x70: {  	_ =	shalt  }
0x71: {  	_ =	shalt  }
0x72: {  	_ =	shalt  }
0x73: {  	_ =	shalt  }
0x74: {  	_ =	shalt  }
0x75: {  	_ =	shalt  }
0x76: {  	_ =	shalt  }
0x77: {  	_ =	shalt  }
0x78: {  	_ =	shalt  }
0x79: {  	_ =	shalt  }
0x7a: {  	_ =	shalt  }
0x7b: {  	_ =	shalt  }
0x7c: {  	_ =	shalt  }
0x7d: {  	_ =	shalt  }
0x7e: {  	_ =	shalt  }
0x7f: {  	_ =	shalt  }
0x80: {  	_ =	shalt  }
0x81: {  	_ =	shalt  }
0x82: {  	_ =	shalt  }
0x83: {  	_ =	shalt  }
0x84: {  	_ =	shalt  }
0x85: {  	_ =	shalt  }
0x86: {  	_ =	shalt  }
0x87: {  	_ =	shalt  }
.Lfunc_end0:
.L_simem_size_0:
called_computation_lowered:
.L_overlay_start_0:
0x88: {  	s2 =	sld [smem:$0x3FD9]  }
0x89: {  	s3 =	sld [smem:$0x3FFE];
	_ =	sdelay $0x1  }
0x8a: {  	s1 =	srdreg.scid  }
0x8b: {  	s0 =	sand.u32 $0x1, s1  }
0x8c: {  	s17 =	sshll.u32 s0, $0xA;
	s2 =	sadd.s32 s3, s2  }
0x8d: {  	s2 =	sadd.s32 s2, s17  }
0x8e: {  	[smem:$0x3FBC] =	sst s2  }
0x8f: {  	_ = 	snop  }
0x90: {  	s2 =	sld [smem:$0x3FC7]  }
0x91: {  	s18 =	sld [smem:$0x3FC6]  }
0x92: {  	s4 =	sld [smem:$0x3FC5]  }
0x93: {  	s5 =	sld [smem:$0x3FC4]  }
0x94: {  	s6 =	sld [smem:$0x3FC3]  }
0x95: {  	s7 =	sld [smem:$0x3FC2]  }
0x96: {  	s8 =	sld [smem:$0x3FC1]  }
0x97: {  	s9 =	sld [smem:$0x3FD0];
	(tm) =	ssettm $0x1  }
0x98: {  	s10 =	sld [smem:$0x3FFB];
	_ =	sdelay $0x3  }
0x99: {  	_ =	strace s10  }
0x9a: {  	s10 =	sld [smem:$0x3FFC];
	_ =	sdelay $0x3  }
0x9b: {  	_ =	strace s10  }
0x9c: {  	s10 =	sld [smem:$0x3FFD];
	_ =	sdelay $0x3  }
0x9d: {  	_ =	strace s10  }
0x9e: {  	_ =	strace $0x8FFFFFFF  }
0x9f: {  	s19 =	sld [smem:$0x3FDB];
	_ =	sdelay $0x1  }
0xa0: {  	s11 =	simm.s32 $_scs_section_size  }
0xa1: {  	s12 =	simm.s32 $_size__tile_overlayer_lowered;
	s13 =	simm.s32 $_tile_overlayer_lowered  }
0xa2: {  	s22 =	simm.s32 $0x1BFF;
	s21 =	sshll.u32 s13, $0x1;
	s10 =	sadd.s32 s11, s19  }
0xa3: {  	s14 =	simm.s32 $0x0;
	s20 =	sshll.u32 s12, $0x1;
	s12 =	sadd.s32 s21, s10  }
0xa4: {  	[timem:s14], [sflag:s22] =	dma.local [hbm:s12], s20  }
0xa5: {  	_ =	swait.ge [sflag:s22], s20  }
0xa6: {  	s11 =	ssub.s32 $0x0, s20;
	[sflag:s22] =	ssyncset.done $0x0  }
0xa7: {  	[sflag:s22] =	ssyncadd.s32 s11;
	_ =	sdelay $0x1  }
0xa8: {  	s23 =	simm.s32 $0x1B8B  }
0xa9: {  	_ =	swait.ge [sflag:s23], $0x1  }
0xaa: {  	[sflag:s23] =	ssyncset.done $0x0  }
0xab: {  	s25 =	simm.s32 $0x1B8E;
	s24 =	sld [smem:$0x3FFE];
	[sflag:s23] =	ssyncadd.s32 $0xFFFFFFFF  }
0xac: {  	s26 =	simm.s32 $execute0_lowered;
	[smem:$0x3FD2] =	sst s25  }
0xad: {  	s12 =	sshll.u32 s26, $0x1;
	_ =	strace $0x80000046;
	[dreg:$0x1] =	wrdreg $0xFFFFFFFF  }
0xae: {  	s28 =	simm.s32 $_size_execute0_lowered;
	s10 =	sadd.s32 s10, s12;
	[dreg:$0x0] =	wrdreg $0x0  }
0xaf: {  	s12 =	sshll.u32 s28, $0x1;
	[dreg:$0x2] =	wrdreg s10  }
0xb0: {  	[dreg:$0x3] =	wrdreg s12  }
0xb1: {  	[dreg:$0x4] =	wrdreg $0xC0  }
0xb2: {  	_ =	task [dreg:s14], $0x5FFFF  }
0xb3: {  	[dreg:$0x1] =	wrdreg $0xFFFFFFFF  }
0xb4: {  	[dreg:$0x0] =	wrdreg $0x60  }
0xb5: {  	[dreg:$0x2] =	wrdreg s24  }
0xb6: {  	[dreg:$0x3] =	wrdreg s2  }
0xb7: {  	[dreg:$0x4] =	wrdreg s18  }
0xb8: {  	[dreg:$0x5] =	wrdreg s4  }
0xb9: {  	[dreg:$0x6] =	wrdreg s5  }
0xba: {  	[dreg:$0x7] =	wrdreg s6  }
0xbb: {  	[dreg:$0x8] =	wrdreg s7  }
0xbc: {  	[dreg:$0x9] =	wrdreg s8  }
0xbd: {  	[dreg:$0xa] =	wrdreg s9  }
0xbe: {  	[dreg:$0xb] =	wrdreg $0x9  }
0xbf: {  	_ =	task.clear_ibuf [dreg:s14], $0xCFFFF;
	_ =	strace $0x90000046  }
0xc0: {  	s29 =	simm.s32 $0x9;
	_ =	strace $0x80000048  }
0xc1: {  	_ =	swait.ge [sflag:s29], $0x1  }
0xc2: {  	[sflag:s29] =	ssyncadd.s32 $0xFFFFFFFF  }
0xc3: {  	_ =	strace $0x90000048  }
0xc4: {  	_ =	sfence  }
0xc5: {  	s30 =	sld [smem:$0x0];
	_ =	sdelay $0x2  }
0xc6: {  	s31 =	sshll.u32 s1, $0xD;
	s1 =	sshrl.u32 s1, $0x2  }
0xc7: {  	s3 =	sand.u32 $0x4000, s31;
	s1 =	sadd.s32 s1, s30  }
0xc8: {  	s0 =	sor.u32 s3, s0;
	s1 =	sshll.u32 s1, $0x11  }
0xc9: {  	s0 =	sor.u32 s1, s0  }
0xca: {  	s0 =	sadd.s32 $0x8F2B, s0  }
0xcb: {  	[sflag:s0] =	ssyncadd.remote.s32 $0x1  }
0xcc: {  	_ =	sfence.sel $0xFFFF  }
0xcd: {  	[dreg:$0x0] =	wrdreg $0xFFFFFFFF;
	(pc) =	sbr.abs _section_cstart, $3  }
0xce: {  	[dreg:$0x1] =	wrdreg $0xFFFFFFFF  }
0xcf: {  	_ =	task.clear_ibuf [dreg:s14], $0x2FFFF;
	_ =	strace $0x9FFFFFFF  }
0xd0: {  	(tm) =	ssettm $0x7FFFFFFF  }
0xd1: {  	_ =	shalt  }
tec
execute0_lowered:
.L_overlay_start_1:
0x0: {  	(tag) =	ssettag $0x1  }
0x1: {  	v0 =	vimm.s32 $0x7654321;
	v1 =	vimm.s32 $0x10765432  }
0x2: {  	v2 =	vimm.s32 $0x21076543;
	v3 =	vimm.s32 $0x32107654;
	v57 =	vimm.s32 $0x43210765  }
0x3: {  	v58 =	vimm.s32 $0x54321076;
	v61 =	vimm.s32 $0x65432107;
	v62 =	vimm.s32 $0x14131211  }
0x4: {  	v4 =	vimm.s32 $0x18171615;
	v63 =	vimm.s32 $0x1C1B1A19;
	v5 =	vimm.s32 $0x15141312  }
0x5: {  	v7 =	vimm.s32 $0x19181716;
	v8 =	vimm.s32 $0x16151413;
	v9 =	vimm.s32 $0x1A191817  }
0x6: {  	v10 =	vimm.s32 $0x1D1C1B1A;
	v11 =	vimm.s32 $0x1001F1E;
	s0 =	rddreg [dreg:$0x0];
	s9 =	simm.s32 $0x0;
	v24 =	vunpack.c.0.s8.s32 v4  }
0x7: {  	v13 =	vimm.s32 $0x3020100;
	v59 =	vunpack.c.l.s4.s8 v57;
	v57 =	vunpack.c.0.s8.s32 v63;
	[smem:$0x7FF] =	sst s9  }
0x8: {  	vm0 =	vcmask $0x1F10;
	v14 =	vimm.s32 $0x1E1D1C1B;
	s6 =	rddreg [dreg:$0x7];
	v26 =	vunpack.c.0.s8.s32 v7;
	_ =	strace $0x80000047;
	[tilespmem:$0x1FE30] =	vst v24  }
0x9: {  	v15 =	vimm.s32 $0x1F1E1D1C;
	v17 =	vimm.s32 $0x17161514;
	v27 =	vunpack.c.0.s8.s32 v9;
	[tilespmem:$0x1FE80] =	vst v57  }
0xa: {  	v56 =	vunpack.c.l.s4.s8 v3;
	v3 =	vunpack.c.0.s8.s32 v62;
	v62 =	vunpack.c.0.s8.s32 v10;
	[tilespmem:$0x1FEA0] =	vst v26  }
0xb: {  	v18 =	vimm.s32 $0x1B1A1918;
	v29 =	vimm.s32 $0x201001F;
	v53 =	vunpack.c.0.s8.s32 v11;
	[tilespmem:$0x1FEB0] =	vst v27  }
0xc: {  	v31 =	vimm.s32 $0x4030201;
	v32 =	vimm.s32 $0x87654321;
	v49 =	vunpack.c.0.s8.s32 v15;
	[tilespmem:$0x1FED0] =	vst v62  }
0xd: {  	v33 =	vimm.s32 $0x6050403;
	v34 =	vimm.s32 $0x98765432;
	v7 =	vunpack.c.0.s8.s32 v18;
	[tilespmem:$0x1FEE0] =	vst v53  }
0xe: {  	v35 =	vimm.s32 $0x76543210;
	v46 =	vimm.s32 $0xB0A0908;
	v52 =	vunpack.c.0.s8.s32 v14;
	[tilespmem:$0x1FF00] =	vst v49  }
0xf: {  	v36 =	vimm.s32 $0xA9876543;
	v37 =	vimm.s32 $0x43218765;
	v50 =	vunpack.c.0.s8.s32 v46;
	[tilespmem:$0x1FF10] =	vst v7  }
0x10: {  	vm1 =	vcmask $0x2F10;
	v0 =	vunpack.c.l.s4.s8 v0;
	v4 =	vimm.s32 $0x1F1E1D;
	[tilespmem:$0x1FF20] =	vst v52  }
0x11: {  	v6 =	vunpack.c.0.s8.s32 v5;
	v25 =	vunpack.c.0.s8.s32 v4;
	v23 =	vsel vm0, v24, v3;
	[tilespmem:$0x1FFE0] =	vst v50  }
0x12: {  	v40 =	vimm.s32 $0x54329876;
	v41 =	vimm.s32 $0xC0B0A09;
	v1 =	vunpack.c.l.s4.s8 v1;
	[tilespmem:$0x1FE70] =	vst v23  }
0x13: {  	v2 =	vunpack.c.l.s4.s8 v2;
	v12 =	vunpack.c.0.s8.s32 v0;
	v28 =	vsel vm0, v26, v6;
	[tilespmem:$0x1FE90] =	vst v25  }
0x14: {  	v42 =	vimm.s32 $0x6543A987;
	vm2 =	vcmask $0x3F30;
	v16 =	vunpack.c.0.s8.s32 v1;
	[tilespmem:$0x1FEC0] =	vst v28  }
0x15: {  	v43 =	vimm.s32 $0xD0C0B0A;
	v60 =	vunpack.c.l.s4.s8 v58;
	v19 =	vunpack.c.0.s8.s32 v2;
	[tilespmem:$0x1FDF0] =	vst v12  }
0x16: {  	v5 =	vimm.s32 $0x5040302;
	v38 =	vunpack.c.l.s4.s8 v37;
	v30 =	vunpack.c.0.s8.s32 v56;
	[tilespmem:$0x1FE00] =	vst v16  }
0x17: {  	v5 =	vunpack.c.0.s8.s32 v5;
	v4 =	vunpack.c.l.s4.s8 v36;
	v20 =	vunpack.c.0.s8.s32 v59;
	[tilespmem:$0x1FE10] =	vst v19  }
0x18: {  	v2 =	vunpack.c.l.s4.s8 v61;
	v21 =	vunpack.c.0.s8.s32 v60;
	v1 =	vunpack.c.0.s8.s32 v8;
	[tilespmem:$0x1FE20] =	vst v30  }
0x19: {  	v0 =	vunpack.c.0.s8.s32 v13;
	v3 =	vunpack.c.0.s8.s32 v31;
	v8 =	vunpack.c.0.s8.s32 v29;
	[tilespmem:$0x1FE40] =	vst v20  }
0x1a: {  	v56 =	vsel vm0, v5, v53;
	v22 =	vunpack.c.0.s8.s32 v2;
	v2 =	vunpack.c.0.s8.s32 v17;
	[tilespmem:$0x1FE50] =	vst v21  }
0x1b: {  	v39 =	vunpack.c.0.s8.s32 v4;
	v6 =	vsel vm0, v27, v1;
	v0 =	vsel vm0, v0, v49;
	[tilespmem:$0x1FF30] =	vst v8  }
0x1c: {  	v55 =	vsel vm0, v3, v25;
	v1 =	vunpack.c.0.s8.s32 v33;
	[tilespmem:$0x1FF60] =	vst v56;
	v2 =	vsel vm0, v7, v2  }
0x1d: {  	s1 =	srdreg.scid;
	s3 =	stileid.u32;
	s18 =	simm.s32 $0x2;
	v3 =	vunpack.c.l.s4.s8 v35;
	[tilespmem:$0x1FEF0] =	vst v6;
	v54 =	vcombine.low v2, v0;
	v2 =	vunpack.c.l.s4.s8 v34  }
0x1e: {  	s19 =	simm.s32 $0x7D00;
	s21 =	simm.s32 $0x10680;
	s22 =	simm.s32 $0x106C0;
	[tilespmem:$0x1FF50] =	vst v55;
	v58 =	vsel vm0, v1, v8;
	v1 =	vunpack.c.0.s8.s32 v38;
	v0 =	vunpack.c.l.s4.s8 v32  }
0x1f: {  	s28 =	simm.s32 $0x107C0;
	s29 =	simm.s32 $0x10880;
	s30 =	simm.s32 $0x10800;
	v4 =	vunpack.c.l.s4.s8 v42;
	v59 =	vunpack.c.0.s8.s32 v3;
	[tilespmem:$0x1FE60] =	vst v22;
	v2 =	vunpack.c.0.s8.s32 v2  }
0x20: {  	s31 =	simm.s32 $0x12880;
	s7 =	simm.s32 $0x10840;
	s14 =	simm.s32 $0x14880;
	v3 =	vunpack.c.0.s8.s32 v41;
	[tilespmem:$0x1FF70] =	vst v58;
	v1 =	vand.u32 $0xF, v1;
	v0 =	vunpack.c.0.s8.s32 v0  }
0x21: {  	s8 =	simm.s32 $0x1;
	s20 =	simm.s32 $0x16880;
	s12 =	simm.s32 $0x17080;
	[tilespmem:$0x1FF80] =	vst v59;
	v1 =	vsel vm1, v1, v25;
	v61 =	vand.u32 $0xF, v2;
	v2 =	vunpack.c.l.s4.s8 v40  }
0x22: {  	v45 =	vimm.s32 $0xE0D0C0B;
	s10 =	sadd.s32 $0x1A00, s0;
	s11 =	sadd.s32 $0xBA00, s0;
	s1 =	sand.u32 $0x1, s1;
	v44 =	vunpack.c.0.s8.s32 v4;
	[tilespmem:$0x1FF40] =	vst v54;
	v63 =	vsel vm2, v3, v1  }
0x23: {  	s2 =	sadd.s32 $0xA00, s0;
	s23 =	sadd.s32 $0x800, s0;
	s15 =	sadd.s32 $0x15A00, s0;
	v60 =	vand.u32 $0xF, v0;
	[tilespmem:$0x1FFB0] =	vst v63;
	v2 =	vunpack.c.0.s8.s32 v2  }
0x24: {  	s26 =	sshll.u32 s3, $0xA;
	[dreg:$0xa] =	wrdreg s2;
	s24 =	ssub.s32 $0x2, s1;
	v4 =	vunpack.c.0.s8.s32 v45;
	v1 =	vunpack.c.0.s8.s32 v43;
	v3 =	vand.u32 $0xF, v44;
	[tilespmem:$0x1FF90] =	vst v60  }
0x25: {  	[dreg:$0xb] =	wrdreg s23;
	s1 =	sshll.u32 s1, $0x9;
	s25 =	sshrl.u32 s24, $0x1;
	v47 =	vsel vm1, v3, v8;
	v0 =	vand.u32 $0xF, v39;
	[tilespmem:$0x1FFA0] =	vst v61;
	v2 =	vand.u32 $0xF, v2  }
0x26: {  	s23 =	simm.s32 $0x10700;
	s16 =	sor.u32 s1, s26;
	s0 =	ssub.s32 s24, s25;
	v33 =	vsel vm2, v4, v47;
	[tilespmem:$0x1FFD0] =	vst v0;
	v2 =	vsel vm1, v2, v53  }
0x27: {  	s26 =	simm.s32 $0x40;
	s1 =	simm.s32 $0x0;
	s0 =	smax.u32 s0, $0x1;
	[tilespmem:$0x1FFF0] =	vst v33;
	v51 =	vsel vm2, v1, v2  }
0x28: {  	s24 =	simm.s32 $0x10740;
	s25 =	simm.s32 $0x10780;
	[dreg:$0xc] =	wrdreg s0;
	[tilespmem:$0x1FFC0] =	vst v51  }
.LBB2_1:
0x29: {  	[dreg:$0xd] =	wrdreg s1  }
0x2a: {  	s0 =	rddreg [dreg:$0x8]  }
0x2b: {  	[tilespmem:s9], [sflag:$0x2] =	stream.linear.gather [hbm4b:s0+s9], $0x7D00, $0x38;
	[tilespmem:$0x17280] =	vst v63  }
0x2c: {  	_ =	swait.ge [sflag:s18], $0x7D00  }
0x2d: {  	[sflag:s18] =	ssyncset.done $0x0  }
0x2e: {  	s5 =	rddreg [dreg:$0xa];
	[sflag:s18] =	ssyncadd.s32 $0xFFFF8300  }
0x2f: {  	[tilespmem:s19], [sflag:$0x2] =	stream.linear.gather [hbm4b:s5+s9], $0x7D00, $0x38;
	[tilespmem:$0x17280] =	vst v63  }
0x30: {  	_ =	swait.ge [sflag:s18], $0x7D00  }
0x31: {  	[sflag:s18] =	ssyncset.done $0x0  }
0x32: {  	s17 =	simm.s32 $0xFA00;
	s13 =	rddreg [dreg:$0xb];
	[sflag:s18] =	ssyncadd.s32 $0xFFFF8300  }
0x33: {  	[tilespmem:s17], [sflag:$0x2] =	stream.linear.gather [hbm4b:s13+s9], $0x140, $0x38;
	[tilespmem:$0x17280] =	vst v63  }
0x34: {  	_ =	swait.ge [sflag:s18], $0x140  }
0x35: {  	[sflag:s18] =	ssyncset.done $0x0  }
0x36: {  	s17 =	simm.s32 $0x0;
	[sflag:s18] =	ssyncadd.s32 $0xFFFFFEC0  }
.LBB2_2:
0x37: {  	s0 =	sshll.u32 s17, $0x6  }
0x38: {  	s13 =	sadd.s32 s16, s0  }
0x39: {  	s1 =	sshrl.u32 s13, $0x3  }
0x3a: {  	s2 =	simm.s32 $0xFB40;
	s0 =	sadd.s32 s10, s1  }
0x3b: {  	[tilespmem:s2], [sflag:$0x2] =	stream.linear.gather [hbm4b:s0+s9], $0x40, $0x38;
	[tilespmem:$0x17280] =	vst v63  }
0x3c: {  	s2 =	simm.s32 $0x120  }
.LBB2_3:
0x3d: {  	p0 =	sne.s32 s2, $0x1560  }
.Ltmp0:
0x3e: {  	_ = 	snop;
	(pc) =	sbr.rel @p0 .LBB2_3-.Ltmp0, $4  }
0x3f: {  	_ = 	snop  }
0x40: {  	s3 =	sshra.s32 s2, $0x2;
	s2 =	sadd.s32 $0x120, s2  }
0x41: {  	s0 =	sadd.s32 $0x800, s0;
	s3 =	sadd.s32 $0xFB40, s3  }
0x42: {  	[tilespmem:s3], [sflag:$0x2] =	stream.linear.gather [hbm4b:s0+s9], $0x40, $0x38;
	[tilespmem:$0x17280] =	vst v63  }
0x43: {  	_ =	swait.ge [sflag:s18], $0x500  }
0x44: {  	[sflag:s18] =	ssyncset.done $0x0  }
0x45: {  	s0 =	sadd.s32 s11, s1;
	s2 =	simm.s32 $0x100E0;
	[sflag:s18] =	ssyncadd.s32 $0xFFFFFB00  }
0x46: {  	[tilespmem:s2], [sflag:$0x2] =	stream.linear.gather [hbm4b:s0+s9], $0x40, $0x38;
	[tilespmem:$0x17280] =	vst v63  }
0x47: {  	s2 =	simm.s32 $0x120  }
.LBB2_5:
0x48: {  	p0 =	sne.s32 s2, $0x1560  }
.Ltmp1:
0x49: {  	_ = 	snop;
	(pc) =	sbr.rel @p0 .LBB2_5-.Ltmp1, $4  }
0x4a: {  	_ = 	snop  }
0x4b: {  	s3 =	sshra.s32 s2, $0x2;
	s2 =	sadd.s32 $0x120, s2  }
0x4c: {  	s0 =	sadd.s32 $0x800, s0;
	s3 =	sadd.s32 $0x100E0, s3  }
0x4d: {  	[tilespmem:s3], [sflag:$0x2] =	stream.linear.gather [hbm4b:s0+s9], $0x40, $0x38;
	[tilespmem:$0x17280] =	vst v63  }
0x4e: {  	_ =	swait.ge [sflag:s18], $0x500  }
0x4f: {  	[sflag:s18] =	ssyncset.done $0x0  }
0x50: {  	[sflag:s18] =	ssyncadd.s32 $0xFFFFFB00  }
0x51: {  	s0 =	rddreg [dreg:$0x2]  }
0x52: {  	s2 =	sadd.s32 s0, s1;
	s0 =	simm.s32 $0x0  }
0x53: {  	[tilespmem:s21], [sflag:$0x2] =	stream.linear.gather [hbm4b:s2+s0], $0x40, $0x38;
	[tilespmem:$0x17280] =	vst v63  }
0x54: {  	_ =	swait.ge [sflag:s18], $0x40  }
0x55: {  	[sflag:s18] =	ssyncset.done $0x0  }
0x56: {  	[sflag:s18] =	ssyncadd.s32 $0xFFFFFFC0  }
0x57: {  	s3 =	rddreg [dreg:$0x3]  }
0x58: {  	s2 =	sadd.s32 s3, s1  }
0x59: {  	[tilespmem:s22], [sflag:$0x2] =	stream.linear.gather [hbm4b:s2+s0], $0x40, $0x38;
	[tilespmem:$0x17280] =	vst v63  }
0x5a: {  	_ =	swait.ge [sflag:s18], $0x40  }
0x5b: {  	[sflag:s18] =	ssyncset.done $0x0  }
0x5c: {  	[sflag:s18] =	ssyncadd.s32 $0xFFFFFFC0  }
0x5d: {  	s4 =	rddreg [dreg:$0x1]  }
0x5e: {  	s2 =	sadd.s32 s4, s1  }
0x5f: {  	[tilespmem:s23], [sflag:$0x2] =	stream.linear.gather [hbm4b:s2+s0], $0x40, $0x38;
	[tilespmem:$0x17280] =	vst v63  }
0x60: {  	_ =	swait.ge [sflag:s18], $0x40  }
0x61: {  	[sflag:s18] =	ssyncset.done $0x0  }
0x62: {  	[sflag:s18] =	ssyncadd.s32 $0xFFFFFFC0  }
0x63: {  	s5 =	rddreg [dreg:$0x4]  }
0x64: {  	s2 =	sadd.s32 s5, s1  }
0x65: {  	[tilespmem:s24], [sflag:$0x2] =	stream.linear.gather [hbm4b:s2+s0], $0x40, $0x38;
	[tilespmem:$0x17280] =	vst v63  }
0x66: {  	_ =	swait.ge [sflag:s18], $0x40  }
0x67: {  	[sflag:s18] =	ssyncset.done $0x0  }
0x68: {  	[sflag:s18] =	ssyncadd.s32 $0xFFFFFFC0  }
0x69: {  	s3 =	rddreg [dreg:$0x5]  }
0x6a: {  	s4 =	sadd.s32 s3, s1  }
0x6b: {  	[tilespmem:s25], [sflag:$0x2] =	stream.linear.gather [hbm4b:s4+s0], $0x40, $0x38;
	[tilespmem:$0x17280] =	vst v63  }
0x6c: {  	_ =	swait.ge [sflag:s18], $0x40  }
0x6d: {  	[sflag:s18] =	ssyncset.done $0x0  }
0x6e: {  	[sflag:s18] =	ssyncadd.s32 $0xFFFFFFC0  }
0x6f: {  	v0 =	vld [tilespmem:$0x10700]  }
0x70: {  	v1 =	vld [tilespmem:$0x10740]  }
0x71: {  	v2 =	vld [tilespmem:$0x10780]  }
0x72: {  	v3 =	vld [tilespmem:$0x10710]  }
0x73: {  	v4 =	vld [tilespmem:$0x10750]  }
0x74: {  	v5 =	vld [tilespmem:$0x10790];
	v0 =	vshrl.u32 v0, $0x2  }
0x75: {  	v48 =	vld [tilespmem:$0x10720];
	v47 =	vshrl.u32 v1, $0x2;
	[tilespmem:$0x107C0] =	vst v0  }
0x76: {  	v50 =	vld [tilespmem:$0x10760];
	v49 =	vshrl.u32 v2, $0x2;
	[tilespmem:$0x10800] =	vst v47  }
0x77: {  	v52 =	vld [tilespmem:$0x107A0];
	v51 =	vshrl.u32 v3, $0x2;
	[tilespmem:$0x10840] =	vst v49  }
0x78: {  	v54 =	vld [tilespmem:$0x10730];
	v53 =	vshrl.u32 v4, $0x2;
	[tilespmem:$0x107D0] =	vst v51  }
0x79: {  	v56 =	vld [tilespmem:$0x10770];
	v55 =	vshrl.u32 v5, $0x2;
	[tilespmem:$0x10810] =	vst v53  }
0x7a: {  	v58 =	vld [tilespmem:$0x107B0];
	v57 =	vshrl.u32 v48, $0x2;
	[tilespmem:$0x10850] =	vst v55  }
0x7b: {  	v59 =	vshrl.u32 v50, $0x2;
	[tilespmem:$0x107E0] =	vst v57  }
0x7c: {  	v60 =	vshrl.u32 v52, $0x2;
	[tilespmem:$0x10820] =	vst v59  }
0x7d: {  	v61 =	vshrl.u32 v54, $0x2;
	[tilespmem:$0x10860] =	vst v60  }
0x7e: {  	v62 =	vshrl.u32 v56, $0x2;
	[tilespmem:$0x107F0] =	vst v61  }
0x7f: {  	v63 =	vshrl.u32 v58, $0x2;
	[tilespmem:$0x10830] =	vst v62  }
0x80: {  	s5 =	rddreg [dreg:$0x6];
	[tilespmem:$0x10870] =	vst v63  }
0x81: {  	[tilespmem:s29], [sflag:$0x1] =	stream.indirect.gather [hbm4b:s5+s26], $0x80, s28, s26, $0xb8;
	[tilespmem:$0x17280] =	vst v63  }
0x82: {  	_ = 	snop  }
0x83: {  	[tilespmem:s31], [sflag:$0x1] =	stream.indirect.gather [hbm4b:s6+s26], $0x80, s30, s26, $0xb8;
	[tilespmem:$0x17280] =	vst v63  }
0x84: {  	s1 =	simm.s32 $0x16900  }
0x85: {  	[tilespmem:s14], [sflag:$0x1] =	stream.indirect.gather [hbm4b:s6+s26], $0x80, s7, s26, $0xb8;
	[tilespmem:$0x17280] =	vst v63  }
.LBB2_7:
0x86: {  	s2 =	sshra.s32 s0, $0x2  }
0x87: {  	v0 =	vld [tilespmem:s2+$0xFB40];
	_ =	sdelay $0x4  }
0x88: {  	v0 =	vshll.u32 v0, $0x7  }
0x89: {  	v0 =	vshra.s32 v0, $0x2  }
0x8a: {  	(v2sf) =	vpush v0, $0x0;
	_ =	sdelay $0x1  }
0x8b: {  	(v2sf) =	vpush v0, $0x1  }
0x8c: {  	(v2sf) =	vpush v0, $0x2;
	_ =	sdelay $0x1  }
0x8d: {  	(v2sf) =	vpush v0, $0x3;
	_ =	sdelay $0x1  }
0x8e: {  	(v2sf) =	vpush v0, $0x4;
	_ =	sdelay $0x1  }
0x8f: {  	(v2sf) =	vpush v0, $0x5  }
0x90: {  	v46 =	vld [tilespmem:$0xFA00]  }
0x91: {  	v1 =	vld [tilespmem:s2+$0xFB88];
	(v2sf) =	vpush v0, $0x6  }
0x92: {  	v9 =	vld [tilespmem:$0xFA10]  }
0x93: {  	v53 =	vld [tilespmem:s2+$0x100E0]  }
0x94: {  	v3 =	vld [tilespmem:s2+$0xFBD0]  }
0x95: {  	v8 =	vld [tilespmem:s2+$0x10128];
	s3 =	spop (v2sf);
	(v2sf) =	vpush v0, $0x7  }
0x96: {  	v4 =	vld [tilespmem:s2+$0xFC18];
	v62 =	vshll.u32 v1, $0x7  }
0x97: {  	v7 =	vld [tilespmem:s2+$0xFC60];
	v2 =	vshra.s32 v62, $0x2;
	s4 =	spop (v2sf)  }
0x98: {  	v50 =	vld [tilespmem:s3+$0x0];
	s5 =	spop (v2sf);
	(v2sf) =	vpush v2, $0x0  }
0x99: {  	v52 =	vld [tilespmem:s4+$0x0]  }
0x9a: {  	v37 =	vld [tilespmem:s4+$0x10];
	s4 =	spop (v2sf);
	(v2sf) =	vpush v2, $0x1  }
0x9b: {  	v43 =	vld [tilespmem:s5+$0x0]  }
0x9c: {  	v45 =	vld [tilespmem:s5+$0x10];
	s5 =	spop (v2sf);
	(v2sf) =	vpush v2, $0x2  }
0x9d: {  	v44 =	vld [tilespmem:s4+$0x0]  }
0x9e: {  	v42 =	vld [tilespmem:s4+$0x10];
	s4 =	spop (v2sf);
	(v2sf) =	vpush v2, $0x3  }
0x9f: {  	v41 =	vld [tilespmem:s5+$0x0]  }
0xa0: {  	v35 =	vld [tilespmem:s5+$0x10];
	s5 =	spop (v2sf);
	(v2sf) =	vpush v2, $0x4  }
0xa1: {  	v51 =	vld [tilespmem:s3+$0x10]  }
0xa2: {  	v38 =	vld [tilespmem:s4+$0x0];
	(v2sf) =	vpush v2, $0x5  }
0xa3: {  	v36 =	vld [tilespmem:s4+$0x10]  }
0xa4: {  	v34 =	vld [tilespmem:s5+$0x0];
	s4 =	spop (v2sf);
	(v2sf) =	vpush v2, $0x6  }
0xa5: {  	v39 =	vld [tilespmem:s5+$0x10]  }
0xa6: {  	v3 =	vshll.u32 v3, $0x7;
	v19 =	vld [tilespmem:s4+$0x0];
	(v2sf) =	vpush v2, $0x7  }
0xa7: {  	v3 =	vshra.s32 v3, $0x2;
	v27 =	vld [tilespmem:s4+$0x10];
	s5 =	spop (v2sf)  }
0xa8: {  	(v2sf) =	vpush v3, $0x0;
	v11 =	vld [tilespmem:s5+$0x0]  }
0xa9: {  	v33 =	vld [tilespmem:s5+$0x10];
	s4 =	spop (v2sf)  }
0xaa: {  	(v2sf) =	vpush v3, $0x1;
	v47 =	vld [tilespmem:s4+$0x0]  }
0xab: {  	v30 =	vld [tilespmem:s4+$0x10];
	s5 =	spop (v2sf)  }
0xac: {  	(v2sf) =	vpush v3, $0x2;
	v40 =	vld [tilespmem:s5+$0x0]  }
0xad: {  	v61 =	vld [tilespmem:s5+$0x10];
	s4 =	spop (v2sf)  }
0xae: {  	(v2sf) =	vpush v3, $0x3;
	v49 =	vld [tilespmem:s4+$0x0]  }
0xaf: {  	v48 =	vld [tilespmem:s4+$0x10];
	s5 =	spop (v2sf)  }
0xb0: {  	(v2sf) =	vpush v3, $0x4;
	v54 =	vld [tilespmem:s5+$0x0]  }
0xb1: {  	v55 =	vld [tilespmem:s5+$0x10];
	s4 =	spop (v2sf)  }
0xb2: {  	(v2sf) =	vpush v3, $0x5;
	v60 =	vld [tilespmem:s4+$0x0]  }
0xb3: {  	v29 =	vld [tilespmem:s4+$0x10];
	s5 =	spop (v2sf)  }
0xb4: {  	(v2sf) =	vpush v3, $0x6;
	v22 =	vld [tilespmem:s5+$0x0]  }
0xb5: {  	v20 =	vld [tilespmem:s5+$0x10];
	s4 =	spop (v2sf)  }
0xb6: {  	v63 =	vshll.u32 v4, $0x7;
	(v2sf) =	vpush v3, $0x7;
	v18 =	vld [tilespmem:s4+$0x0]  }
0xb7: {  	v3 =	vshra.s32 v63, $0x2;
	v21 =	vld [tilespmem:s4+$0x10];
	s5 =	spop (v2sf)  }
0xb8: {  	(v2sf) =	vpush v3, $0x0;
	v23 =	vld [tilespmem:s5+$0x0]  }
0xb9: {  	v24 =	vld [tilespmem:s5+$0x10];
	s4 =	spop (v2sf)  }
0xba: {  	(v2sf) =	vpush v3, $0x1;
	v25 =	vld [tilespmem:s4+$0x0]  }
0xbb: {  	v26 =	vld [tilespmem:s4+$0x10];
	s5 =	spop (v2sf)  }
0xbc: {  	(v2sf) =	vpush v3, $0x2;
	v28 =	vld [tilespmem:s5+$0x0]  }
0xbd: {  	v32 =	vld [tilespmem:s5+$0x10];
	s4 =	spop (v2sf)  }
0xbe: {  	(v2sf) =	vpush v3, $0x3;
	v31 =	vld [tilespmem:s4+$0x0]  }
0xbf: {  	v56 =	vld [tilespmem:s4+$0x10];
	s5 =	spop (v2sf)  }
0xc0: {  	(v2sf) =	vpush v3, $0x4;
	v59 =	vld [tilespmem:s5+$0x0]  }
0xc1: {  	v62 =	vld [tilespmem:s5+$0x10];
	s4 =	spop (v2sf)  }
0xc2: {  	(v2sf) =	vpush v3, $0x5;
	v57 =	vld [tilespmem:s4+$0x0]  }
0xc3: {  	v58 =	vld [tilespmem:s4+$0x10];
	s5 =	spop (v2sf)  }
0xc4: {  	v5 =	vld [tilespmem:s5+$0x0]  }
0xc5: {  	(v2sf) =	vpush v3, $0x6;
	v6 =	vld [tilespmem:s5+$0x10];
	s4 =	spop (v2sf)  }
0xc6: {  	v12 =	vshll.u32 v7, $0x7;
	v63 =	vld [tilespmem:s4+$0x0]  }
0xc7: {  	v0 =	vshra.s32 v12, $0x2;
	(v2sf) =	vpush v3, $0x7;
	v10 =	vld [tilespmem:s4+$0x10];
	s5 =	spop (v2sf)  }
0xc8: {  	(v2sf) =	vpush v0, $0x0;
	v13 =	vld [tilespmem:s5+$0x0]  }
0xc9: {  	v14 =	vld [tilespmem:s5+$0x10];
	s4 =	spop (v2sf);
	(v2sf) =	vpush v0, $0x1  }
0xca: {  	v15 =	vld [tilespmem:s4+$0x0]  }
0xcb: {  	v16 =	vld [tilespmem:s4+$0x10];
	s5 =	spop (v2sf)  }
0xcc: {  	v17 =	vld [tilespmem:s5+$0x0]  }
0xcd: {  	v4 =	vld [tilespmem:s5+$0x10];
	s4 =	spop (v2sf);
	[tilespmem:$0x1FC70] =	vst v5  }
0xce: {  	(v2sf) =	vpush v0, $0x2;
	[tilespmem:$0x1FC80] =	vst v6;
	v5 =	vld [tilespmem:s4+$0x0]  }
0xcf: {  	(v2sf) =	vpush v0, $0x3;
	v6 =	vld [tilespmem:s4+$0x10];
	s5 =	spop (v2sf);
	[tilespmem:$0x1FC90] =	vst v10  }
0xd0: {  	v7 =	vld [tilespmem:s5+$0x0];
	[tilespmem:$0x1FCA0] =	vst v13  }
0xd1: {  	v10 =	vld [tilespmem:s5+$0x10];
	s4 =	spop (v2sf);
	[tilespmem:$0x1FCB0] =	vst v14  }
0xd2: {  	(v2sf) =	vpush v0, $0x4;
	v12 =	vld [tilespmem:s4+$0x0];
	[tilespmem:$0x1FCC0] =	vst v15  }
0xd3: {  	vm3 =	veq.s32 v53, $0x0;
	v13 =	vld [tilespmem:s4+$0x10];
	[tilespmem:$0x1FCD0] =	vst v16  }
0xd4: {  	v3 =	vsel vm3, $0x0, v46;
	(v2sf) =	vpush v0, $0x5;
	v14 =	vld [tilespmem:s2+$0xFCA8];
	[tilespmem:$0x1FCE0] =	vst v17;
	s5 =	spop (v2sf)  }
0xd5: {  	v15 =	vbroadcast v3, $0x0;
	[tilespmem:$0x1FCF0] =	vst v4;
	v53 =	vld [tilespmem:s5+$0x0]  }
0xd6: {  	[tilespmem:$0x1FD00] =	vst v5;
	s4 =	spop (v2sf);
	v46 =	vld [tilespmem:s5+$0x10]  }
0xd7: {  	v17 =	vbroadcast v3, $0x1;
	[tilespmem:$0x1FD10] =	vst v6;
	v50 =	vmul.f32 v15, v50;
	(v2sf) =	vpush v0, $0x6;
	v16 =	vld [tilespmem:s4+$0x0];
	s5 =	spop (v2sf)  }
0xd8: {  	v5 =	vmul.f32 v51, v15;
	v15 =	vbroadcast v3, $0x4;
	[tilespmem:$0x1FD20] =	vst v7;
	(v2sf) =	vpush v0, $0x7;
	v7 =	vld [tilespmem:s4+$0x10];
	s4 =	spop (v2sf)  }
0xd9: {  	vm3 =	veq.s32 v8, $0x0;
	[tilespmem:$0x1FD30] =	vst v10;
	v4 =	vmul.f32 v52, v17;
	v2 =	vmul.f32 v37, v17;
	v6 =	vld [tilespmem:s4+$0x0]  }
0xda: {  	[tilespmem:$0x1FD50] =	vst v13;
	v10 =	vshll.u32 v14, $0x7;
	v13 =	vbroadcast v3, $0x2;
	v14 =	vbroadcast v3, $0x3  }
0xdb: {  	v9 =	vsel vm3, $0x0, v9;
	v41 =	vmul.f32 v41, v15;
	v35 =	vmul.f32 v35, v15  }
0xdc: {  	[tilespmem:$0x1FD40] =	vst v12;
	v17 =	vadd.f32 $0.0e+00, v50;
	v5 =	vadd.f32 $0.0e+00, v5;
	v52 =	vshra.s32 v10, $0x2;
	v12 =	vld [tilespmem:s5+$0x0]  }
0xdd: {  	v4 =	vadd.f32 $0.0e+00, v4;
	v10 =	vmul.f32 v42, v14;
	v42 =	vbroadcast v9, $0x0;
	v51 =	vld [tilespmem:s5+$0x10];
	s5 =	spop (v2sf)  }
0xde: {  	v2 =	vadd.f32 $0.0e+00, v2;
	v0 =	vbroadcast v3, $0x5;
	[tilespmem:$0x1FD90] =	vst v6;
	v6 =	vmul.f32 v43, v13;
	v43 =	vld [tilespmem:s4+$0x10];
	s4 =	spop (v2sf)  }
0xdf: {  	v8 =	vmul.f32 v44, v14;
	v41 =	vadd.f32 $0.0e+00, v41;
	v11 =	vmul.f32 v42, v11;
	[tilespmem:$0x1FD60] =	vst v16;
	v16 =	vld [tilespmem:s4+$0x10]  }
0xe0: {  	v33 =	vmul.f32 v33, v42;
	(v2sf) =	vpush v52, $0x0;
	v42 =	vmul.f32 v38, v0;
	v37 =	vld [tilespmem:s5+$0x0]  }
0xe1: {  	v35 =	vadd.f32 $0.0e+00, v35;
	v8 =	vadd.f32 $0.0e+00, v8;
	v44 =	vld [tilespmem:s5+$0x10];
	[tilespmem:$0x1FD70] =	vst v7;
	v7 =	vmul.f32 v45, v13;
	s5 =	spop (v2sf)  }
0xe2: {  	v42 =	vadd.f32 $0.0e+00, v42;
	[tilespmem:$0x1FD80] =	vst v12;
	(v2sf) =	vpush v52, $0x1;
	v13 =	vbroadcast v9, $0x1;
	v12 =	vld [tilespmem:s5+$0x0]  }
0xe3: {  	v15 =	vbroadcast v3, $0x6;
	v7 =	vadd.f32 $0.0e+00, v7;
	v45 =	vld [tilespmem:s4+$0x0];
	(v2sf) =	vpush v52, $0x2;
	s4 =	spop (v2sf)  }
0xe4: {  	(v2sf) =	vpush v52, $0x3;
	v47 =	vmul.f32 v47, v13;
	v14 =	vld [tilespmem:s4+$0x0];
	[tilespmem:$0x1FDA0] =	vst v16;
	v16 =	vadd.f32 v11, v17  }
0xe5: {  	v17 =	vadd.f32 v33, v5;
	v11 =	vmul.f32 v30, v13;
	v5 =	vmul.f32 v34, v15  }
0xe6: {  	v50 =	vld [tilespmem:s5+$0x10];
	v6 =	vadd.f32 $0.0e+00, v6;
	s5 =	spop (v2sf);
	v30 =	vbroadcast v9, $0x2;
	v13 =	vmul.f32 v39, v15  }
0xe7: {  	v38 =	vld [tilespmem:s4+$0x10];
	v15 =	vadd.f32 v47, v4;
	v33 =	vadd.f32 $0.0e+00, v10;
	[tilespmem:$0x1FDB0] =	vst v12;
	v12 =	vmul.f32 v36, v0;
	s4 =	spop (v2sf)  }
0xe8: {  	(v2sf) =	vpush v52, $0x4;
	v39 =	vmul.f32 v40, v30;
	v40 =	vbroadcast v9, $0x3;
	v4 =	vld [tilespmem:s4+$0x0]  }
0xe9: {  	[tilespmem:$0x1FDC0] =	vst v14;
	v14 =	vadd.f32 v11, v2;
	v1 =	vmul.f32 v61, v30;
	v30 =	vld [tilespmem:s4+$0x10];
	(v2sf) =	vpush v52, $0x5  }
0xea: {  	v47 =	vld [tilespmem:s2+$0x10170];
	v5 =	vadd.f32 $0.0e+00, v5;
	v13 =	vadd.f32 $0.0e+00, v13;
	v0 =	vmul.f32 v48, v40  }
0xeb: {  	v12 =	vadd.f32 $0.0e+00, v12;
	v49 =	vmul.f32 v49, v40;
	v40 =	vbroadcast v9, $0x4  }
0xec: {  	v36 =	vld [tilespmem:s5+$0x0];
	v11 =	vadd.f32 v39, v6;
	v10 =	vadd.f32 v0, v33  }
0xed: {  	v61 =	vld [tilespmem:$0xFA20];
	v0 =	vbroadcast v3, $0x7;
	v48 =	vmul.f32 v54, v40;
	[tilespmem:$0x1FDD0] =	vst v4;
	v4 =	vadd.f32 v1, v7  }
0xee: {  	v34 =	vld [tilespmem:s5+$0x10];
	[tilespmem:$0x1FDE0] =	vst v30;
	v7 =	vadd.f32 v49, v8;
	v30 =	vbroadcast v9, $0x5;
	v8 =	vmul.f32 v55, v40  }
0xef: {  	v2 =	vld [tilespmem:s2+$0x101B8];
	s5 =	spop (v2sf);
	vm3 =	veq.s32 v47, $0x0;
	v19 =	vmul.f32 v19, v0;
	v27 =	vmul.f32 v27, v0  }
0xf0: {  	v39 =	vld [tilespmem:s5+$0x0];
	v41 =	vadd.f32 v48, v41;
	v48 =	vbroadcast v9, $0x6;
	v9 =	vbroadcast v9, $0x7  }
0xf1: {  	v3 =	vld [tilespmem:s2+$0xFCF0];
	s4 =	spop (v2sf);
	(v2sf) =	vpush v52, $0x6;
	v33 =	vmul.f32 v60, v30;
	v8 =	vadd.f32 v8, v35  }
0xf2: {  	v49 =	vld [tilespmem:s5+$0x10];
	v29 =	vmul.f32 v29, v30;
	v35 =	vsel vm3, $0x0, v61;
	v22 =	vmul.f32 v22, v48  }
0xf3: {  	v61 =	vld [tilespmem:s2+$0x10200];
	(v2sf) =	vpush v52, $0x7;
	v20 =	vmul.f32 v20, v48;
	v18 =	vmul.f32 v18, v9  }
0xf4: {  	v54 =	vld [tilespmem:s4+$0x0];
	v19 =	vadd.f32 $0.0e+00, v19;
	v30 =	vadd.f32 $0.0e+00, v27;
	v27 =	vbroadcast v35, $0x1  }
0xf5: {  	v55 =	vld [tilespmem:s4+$0x10];
	v12 =	vadd.f32 v29, v12;
	v0 =	vadd.f32 v22, v5;
	v22 =	vbroadcast v35, $0x0  }
0xf6: {  	s5 =	spop (v2sf);
	v52 =	vld [tilespmem:$0xFA30];
	v13 =	vadd.f32 v20, v13;
	v29 =	vmul.f32 v26, v27;
	v26 =	vbroadcast v35, $0x3  }
0xf7: {  	v60 =	vld [tilespmem:s5+$0x0];
	v18 =	vadd.f32 v18, v19;
	v20 =	vmul.f32 v25, v27;
	v19 =	vmul.f32 v24, v22  }
0xf8: {  	v1 =	vadd.f32 v33, v42;
	v40 =	vld [tilespmem:s5+$0x10];
	s4 =	spop (v2sf);
	v24 =	vbroadcast v35, $0x2;
	v56 =	vmul.f32 v56, v26  }
0xf9: {  	v42 =	vld [tilespmem:s4+$0x0];
	v17 =	vadd.f32 v19, v17;
	v19 =	vmul.f32 v31, v26;
	v31 =	vbroadcast v35, $0x4  }
0xfa: {  	v6 =	vld [tilespmem:s4+$0x10];
	v20 =	vadd.f32 v20, v15;
	v15 =	vmul.f32 v28, v24;
	v24 =	vmul.f32 v32, v24  }
0xfb: {  	v5 =	vld [tilespmem:$0xFA40];
	v32 =	vbroadcast v35, $0x5;
	v59 =	vmul.f32 v59, v31  }
0xfc: {  	v27 =	vld [tilespmem:$0x1FC80];
	v7 =	vadd.f32 v19, v7  }
0xfd: {  	v19 =	vadd.f32 v56, v10;
	v10 =	vld [tilespmem:$0x1FC70];
	v41 =	vadd.f32 v59, v41;
	v59 =	vmul.f32 v58, v32  }
0xfe: {  	v33 =	vmul.f32 v22, v23;
	v22 =	vld [tilespmem:s2+$0x10248];
	v56 =	vmul.f32 v62, v31  }
0xff: {  	v62 =	vbroadcast v35, $0x6;
	v35 =	vbroadcast v35, $0x7;
	v12 =	vadd.f32 v59, v12;
	v59 =	vld [tilespmem:$0x1FC90]  }
0x100: {  	v14 =	vadd.f32 v29, v14;
	v29 =	vld [tilespmem:$0xFA50]  }
0x101: {  	vm3 =	veq.s32 v2, $0x0;
	v3 =	vshll.u32 v3, $0x7;
	s5 =	spop (v2sf);
	v28 =	vmul.f32 v63, v35;
	v63 =	vld [tilespmem:$0x1FCA0]  }
0x102: {  	v9 =	vmul.f32 v21, v9;
	v3 =	vshra.s32 v3, $0x2;
	v47 =	vld [tilespmem:s5+$0x0];
	v2 =	vmul.f32 v10, v62  }
0x103: {  	v52 =	vsel vm3, $0x0, v52;
	v48 =	vld [tilespmem:s5+$0x10];
	v57 =	vmul.f32 v57, v32;
	v32 =	vmul.f32 v27, v62  }
0x104: {  	v0 =	vadd.f32 v2, v0;
	v2 =	vbroadcast v52, $0x0;
	v62 =	vmul.f32 v59, v35;
	v59 =	vld [tilespmem:$0x1FCC0]  }
0x105: {  	v9 =	vadd.f32 v9, v30;
	(v2sf) =	vpush v3, $0x0;
	v58 =	vld [tilespmem:$0x1FCB0]  }
0x106: {  	v16 =	vadd.f32 v33, v16;
	v13 =	vadd.f32 v32, v13;
	v27 =	vmul.f32 v2, v63;
	v63 =	vld [tilespmem:$0x1FCE0]  }
0x107: {  	s4 =	spop (v2sf);
	v18 =	vadd.f32 v28, v18;
	v28 =	vbroadcast v52, $0x1;
	v32 =	vadd.f32 v62, v9;
	v62 =	vld [tilespmem:$0x1FCD0]  }
0x108: {  	v30 =	vld [tilespmem:s4+$0x0]  }
0x109: {  	v9 =	vbroadcast v52, $0x2;
	v35 =	vadd.f32 v27, v16;
	v16 =	vmul.f32 v59, v28;
	v59 =	vld [tilespmem:$0x1FD00]  }
0x10a: {  	(v2sf) =	vpush v3, $0x1;
	v2 =	vmul.f32 v58, v2;
	v58 =	vld [tilespmem:$0x1FCF0]  }
0x10b: {  	v33 =	vld [tilespmem:s4+$0x10];
	v11 =	vadd.f32 v15, v11;
	v27 =	vmul.f32 v63, v9  }
0x10c: {  	v2 =	vadd.f32 v2, v17;
	v63 =	vld [tilespmem:$0x1FD10];
	v17 =	vmul.f32 v62, v28;
	v28 =	vbroadcast v52, $0x3  }
0x10d: {  	v8 =	vadd.f32 v56, v8;
	v56 =	vadd.f32 v27, v11;
	v27 =	vld [tilespmem:$0x1FD20]  }
0x10e: {  	v11 =	vmul.f32 v59, v28;
	v59 =	vld [tilespmem:$0x1FD30]  }
0x10f: {  	(v2sf) =	vpush v3, $0x2;
	v24 =	vadd.f32 v24, v4;
	v15 =	vld [tilespmem:s2+$0x10290];
	v9 =	vmul.f32 v58, v9  }
0x110: {  	v31 =	vld [tilespmem:$0xFA60];
	(v2sf) =	vpush v3, $0x3;
	s5 =	spop (v2sf)  }
0x111: {  	v25 =	vld [tilespmem:s5+$0x0];
	v62 =	vbroadcast v52, $0x4;
	v24 =	vadd.f32 v9, v24;
	v9 =	vmul.f32 v63, v28  }
0x112: {  	v1 =	vadd.f32 v57, v1;
	v63 =	vld [tilespmem:$0x1FD50];
	v57 =	vadd.f32 v11, v7  }
0x113: {  	v7 =	vmul.f32 v27, v62;
	v58 =	vadd.f32 v9, v19;
	v9 =	vmul.f32 v59, v62;
	v62 =	vld [tilespmem:$0x1FD40]  }
0x114: {  	(v2sf) =	vpush v3, $0x4;
	v23 =	vld [tilespmem:s5+$0x10];
	s4 =	spop (v2sf)  }
0x115: {  	(v2sf) =	vpush v3, $0x5;
	v21 =	vld [tilespmem:s4+$0x0]  }
0x116: {  	(v2sf) =	vpush v3, $0x6;
	v26 =	vld [tilespmem:s4+$0x10];
	s5 =	spop (v2sf);
	v20 =	vadd.f32 v16, v20;
	v16 =	vbroadcast v52, $0x5  }
0x117: {  	(v2sf) =	vpush v3, $0x7;
	v10 =	vld [tilespmem:s5+$0x0];
	v19 =	vbroadcast v52, $0x6  }
0x118: {  	v4 =	vld [tilespmem:s5+$0x10];
	v14 =	vadd.f32 v17, v14;
	v17 =	vmul.f32 v62, v16;
	v16 =	vmul.f32 v63, v16  }
0x119: {  	v28 =	vld [tilespmem:s2+$0xFD38];
	s3 =	spop (v2sf)  }
0x11a: {  	v3 =	vmul.f32 v46, v19;
	v63 =	vadd.f32 v16, v12;
	v12 =	vmul.f32 v53, v19;
	v19 =	vld [tilespmem:$0x1FD80]  }
0x11b: {  	vm3 =	veq.s32 v61, $0x0;
	v27 =	vbroadcast v52, $0x7;
	v52 =	vld [tilespmem:$0x1FD60]  }
0x11c: {  	v5 =	vsel vm3, $0x0, v5;
	v62 =	vadd.f32 v17, v1;
	v17 =	vld [tilespmem:$0x1FD70]  }
0x11d: {  	v61 =	vbroadcast v5, $0x0;
	_ =	sdelay $0x1  }
0x11e: {  	v13 =	vadd.f32 v3, v13;
	v3 =	vmul.f32 v61, v19  }
0x11f: {  	v53 =	vmul.f32 v52, v27  }
0x120: {  	v1 =	vmul.f32 v17, v27;
	v27 =	vmul.f32 v51, v61;
	v51 =	vadd.f32 v3, v35;
	v35 =	vld [tilespmem:$0x1FD90]  }
0x121: {  	v28 =	vshll.u32 v28, $0x7  }
0x122: {  	v46 =	vshra.s32 v28, $0x2;
	v28 =	vbroadcast v5, $0x1  }
0x123: {  	v52 =	vadd.f32 v53, v18;
	v3 =	vbroadcast v5, $0x2  }
0x124: {  	v32 =	vadd.f32 v1, v32;
	v1 =	vmul.f32 v43, v28;
	v43 =	vbroadcast v5, $0x3  }
0x125: {  	s4 =	spop (v2sf);
	v53 =	vadd.f32 v27, v2;
	v27 =	vld [tilespmem:$0x1FDA0];
	v44 =	vmul.f32 v44, v3;
	v61 =	vmul.f32 v35, v28  }
0x126: {  	v59 =	vadd.f32 v9, v8;
	(v2sf) =	vpush v46, $0x0;
	v9 =	vld [tilespmem:s4+$0x10]  }
0x127: {  	s5 =	spop (v2sf);
	v61 =	vadd.f32 v61, v20;
	v20 =	vmul.f32 v45, v43;
	v45 =	vadd.f32 v44, v24;
	v44 =	vld [tilespmem:$0x1FDB0]  }
0x128: {  	v11 =	vld [tilespmem:s5+$0x10];
	v37 =	vmul.f32 v37, v3  }
0x129: {  	(v2sf) =	vpush v46, $0x1;
	v0 =	vadd.f32 v12, v0;
	v12 =	vld [tilespmem:s4+$0x0];
	s4 =	spop (v2sf)  }
0x12a: {  	v16 =	vld [tilespmem:s5+$0x0];
	s5 =	spop (v2sf);
	v56 =	vadd.f32 v37, v56;
	v37 =	vmul.f32 v27, v43;
	v43 =	vbroadcast v5, $0x4  }
0x12b: {  	(v2sf) =	vpush v46, $0x2;
	v18 =	vld [tilespmem:s5+$0x0]  }
0x12c: {  	v41 =	vadd.f32 v7, v41;
	v17 =	vld [tilespmem:s4+$0x0];
	v2 =	vmul.f32 v44, v43  }
0x12d: {  	(v2sf) =	vpush v46, $0x3;
	v19 =	vld [tilespmem:s5+$0x10]  }
0x12e: {  	v14 =	vadd.f32 v1, v14;
	v1 =	vadd.f32 v2, v41;
	v41 =	vld [tilespmem:$0x1FDC0]  }
0x12f: {  	(v2sf) =	vpush v46, $0x4;
	v28 =	vld [tilespmem:s4+$0x10];
	s4 =	spop (v2sf)  }
0x130: {  	v3 =	vld [tilespmem:s4+$0x0];
	v58 =	vadd.f32 v37, v58;
	v37 =	vbroadcast v5, $0x5  }
0x131: {  	(v2sf) =	vpush v46, $0x5;
	v35 =	vmul.f32 v50, v43;
	v50 =	vbroadcast v5, $0x6;
	v43 =	vld [tilespmem:s2+$0xFD80]  }
0x132: {  	vm3 =	veq.s32 v22, $0x0;
	(v2sf) =	vpush v46, $0x6;
	v27 =	vld [tilespmem:s4+$0x10];
	s5 =	spop (v2sf)  }
0x133: {  	v57 =	vadd.f32 v20, v57;
	v20 =	vld [tilespmem:s5+$0x0];
	v44 =	vmul.f32 v41, v37;
	v41 =	vmul.f32 v36, v50  }
0x134: {  	(v2sf) =	vpush v46, $0x7;
	v38 =	vmul.f32 v38, v37;
	v5 =	vbroadcast v5, $0x7;
	v36 =	vld [tilespmem:$0x1FDD0]  }
0x135: {  	s4 =	spop (v2sf);
	v22 =	vmul.f32 v34, v50;
	v2 =	vadd.f32 v35, v59;
	v0 =	vadd.f32 v41, v0;
	v41 =	vld [tilespmem:$0x1FDE0]  }
0x136: {  	v34 =	vld [tilespmem:s4+$0x10];
	v46 =	vadd.f32 v44, v62;
	v62 =	vadd.f32 v38, v63;
	v63 =	vshll.u32 v43, $0x7  }
0x137: {  	v59 =	vld [tilespmem:s2+$0x102D8];
	v50 =	vsel vm3, $0x0, v29;
	vm3 =	veq.s32 v15, $0x0;
	v43 =	vshra.s32 v63, $0x2  }
0x138: {  	v37 =	vld [tilespmem:s5+$0x10];
	s5 =	spop (v2sf);
	v31 =	vsel vm3, $0x0, v31;
	(v2sf) =	vpush v43, $0x0  }
0x139: {  	v35 =	vld [tilespmem:s5+$0x0];
	v29 =	vmul.f32 v36, v5;
	v36 =	vbroadcast v50, $0x0;
	(v2sf) =	vpush v43, $0x1  }
0x13a: {  	v38 =	vld [tilespmem:s4+$0x0];
	s4 =	spop (v2sf);
	v63 =	vadd.f32 v22, v13;
	(v2sf) =	vpush v43, $0x2;
	v5 =	vmul.f32 v41, v5  }
0x13b: {  	v24 =	vld [tilespmem:s5+$0x10];
	v52 =	vadd.f32 v29, v52;
	v13 =	vmul.f32 v36, v39;
	v29 =	vbroadcast v50, $0x1  }
0x13c: {  	v22 =	vld [tilespmem:s4+$0x10];
	s5 =	spop (v2sf);
	(v2sf) =	vpush v43, $0x3;
	v5 =	vadd.f32 v5, v32;
	v32 =	vmul.f32 v49, v36  }
0x13d: {  	v41 =	vld [tilespmem:s4+$0x0];
	v49 =	vadd.f32 v13, v51;
	v13 =	vmul.f32 v54, v29;
	v51 =	vbroadcast v50, $0x2  }
0x13e: {  	vm3 =	veq.s32 v59, $0x0;
	v39 =	vld [tilespmem:s5+$0x0];
	s4 =	spop (v2sf);
	(v2sf) =	vpush v43, $0x4;
	v53 =	vadd.f32 v32, v53  }
0x13f: {  	v36 =	vld [tilespmem:s4+$0x0];
	v32 =	vmul.f32 v55, v29;
	v54 =	vadd.f32 v13, v61;
	v13 =	vmul.f32 v60, v51  }
0x140: {  	v29 =	vld [tilespmem:s5+$0x10];
	v55 =	vbroadcast v50, $0x3;
	v61 =	vmul.f32 v40, v51;
	s5 =	spop (v2sf);
	(v2sf) =	vpush v43, $0x5  }
0x141: {  	v60 =	vadd.f32 v32, v14;
	v32 =	vld [tilespmem:s4+$0x10];
	v51 =	vadd.f32 v13, v56;
	v56 =	vbroadcast v50, $0x4  }
0x142: {  	v13 =	vmul.f32 v42, v55;
	v42 =	vld [tilespmem:s5+$0x0];
	v61 =	vadd.f32 v61, v45;
	s4 =	spop (v2sf);
	(v2sf) =	vpush v43, $0x6  }
0x143: {  	v14 =	vmul.f32 v6, v55;
	v6 =	vld [tilespmem:s5+$0x10];
	s5 =	spop (v2sf);
	(v2sf) =	vpush v43, $0x7;
	v45 =	vmul.f32 v47, v56  }
0x144: {  	v55 =	vadd.f32 v13, v57;
	v57 =	vbroadcast v50, $0x5;
	v48 =	vmul.f32 v48, v56  }
0x145: {  	v7 =	vld [tilespmem:s3+$0x0];
	v58 =	vadd.f32 v14, v58;
	v56 =	vbroadcast v50, $0x6;
	v50 =	vbroadcast v50, $0x7  }
0x146: {  	v44 =	vld [tilespmem:$0xFA70];
	v1 =	vadd.f32 v45, v1;
	v30 =	vmul.f32 v30, v57;
	v33 =	vmul.f32 v33, v57  }
0x147: {  	v8 =	vld [tilespmem:s3+$0x10];
	v2 =	vadd.f32 v48, v2;
	v25 =	vmul.f32 v25, v56;
	v23 =	vmul.f32 v23, v56  }
0x148: {  	v57 =	vld [tilespmem:s2+$0xFDC8];
	v56 =	vmul.f32 v21, v50;
	v21 =	vbroadcast v31, $0x0;
	v30 =	vadd.f32 v30, v46  }
0x149: {  	v15 =	vmul.f32 v26, v50;
	v33 =	vadd.f32 v33, v62;
	v0 =	vadd.f32 v25, v0  }
0x14a: {  	v43 =	vadd.f32 v23, v63;
	v63 =	vmul.f32 v21, v10;
	v62 =	vbroadcast v31, $0x1  }
0x14b: {  	v44 =	vsel vm3, $0x0, v44;
	v40 =	vld [tilespmem:s4+$0x0];
	v52 =	vadd.f32 v56, v52;
	v5 =	vadd.f32 v15, v5  }
0x14c: {  	v46 =	vld [tilespmem:s2+$0x10320];
	v4 =	vmul.f32 v4, v21;
	v48 =	vadd.f32 v63, v49;
	v7 =	vmul.f32 v7, v62  }
0x14d: {  	v13 =	vld [tilespmem:s4+$0x10];
	v63 =	vbroadcast v31, $0x2;
	v8 =	vmul.f32 v8, v62;
	v57 =	vshll.u32 v57, $0x7  }
0x14e: {  	v47 =	vld [tilespmem:s5+$0x0];
	v53 =	vadd.f32 v4, v53;
	v56 =	vshra.s32 v57, $0x2;
	v50 =	vadd.f32 v7, v54  }
0x14f: {  	v45 =	vld [tilespmem:$0xFA80];
	v12 =	vmul.f32 v12, v63;
	v54 =	vbroadcast v31, $0x3;
	v57 =	vadd.f32 v8, v60  }
0x150: {  	v14 =	vld [tilespmem:s5+$0x10];
	s4 =	spop (v2sf);
	v9 =	vmul.f32 v9, v63;
	v63 =	vbroadcast v31, $0x6;
	(v2sf) =	vpush v56, $0x0  }
0x151: {  	v25 =	vld [tilespmem:s4+$0x0];
	s5 =	spop (v2sf);
	vm3 =	veq.s32 v46, $0x0;
	(v2sf) =	vpush v56, $0x1;
	v16 =	vmul.f32 v16, v54  }
0x152: {  	v23 =	vld [tilespmem:s4+$0x10];
	v49 =	vadd.f32 v12, v51;
	v51 =	vbroadcast v31, $0x4;
	v11 =	vmul.f32 v11, v54  }
0x153: {  	v10 =	vld [tilespmem:s5+$0x0];
	v60 =	vadd.f32 v9, v61;
	v3 =	vmul.f32 v3, v63;
	v27 =	vmul.f32 v27, v63  }
0x154: {  	v15 =	vld [tilespmem:s5+$0x10];
	s4 =	spop (v2sf);
	v63 =	vbroadcast v44, $0x1;
	v45 =	vsel vm3, $0x0, v45;
	(v2sf) =	vpush v56, $0x2  }
0x155: {  	v26 =	vld [tilespmem:s4+$0x0];
	s5 =	spop (v2sf);
	(v2sf) =	vpush v56, $0x3;
	v54 =	vadd.f32 v16, v55;
	v61 =	vmul.f32 v17, v51  }
0x156: {  	v4 =	vld [tilespmem:s4+$0x10];
	v55 =	vbroadcast v31, $0x5;
	v58 =	vadd.f32 v11, v58;
	v62 =	vmul.f32 v28, v51  }
0x157: {  	v21 =	vld [tilespmem:s5+$0x0];
	v31 =	vbroadcast v31, $0x7;
	v0 =	vadd.f32 v3, v0;
	v3 =	vbroadcast v44, $0x0  }
0x158: {  	v8 =	vld [tilespmem:s5+$0x10];
	s4 =	spop (v2sf);
	(v2sf) =	vpush v56, $0x4;
	v61 =	vadd.f32 v61, v1;
	v18 =	vmul.f32 v18, v55  }
0x159: {  	v12 =	vld [tilespmem:s4+$0x0];
	s5 =	spop (v2sf);
	v19 =	vmul.f32 v19, v55;
	(v2sf) =	vpush v56, $0x5;
	v51 =	vadd.f32 v62, v2  }
0x15a: {  	v9 =	vld [tilespmem:s4+$0x10];
	s4 =	spop (v2sf);
	v20 =	vmul.f32 v20, v31;
	v62 =	vmul.f32 v3, v38;
	(v2sf) =	vpush v56, $0x6  }
0x15b: {  	v17 =	vld [tilespmem:s5+$0x0];
	v3 =	vmul.f32 v34, v3;
	v55 =	vadd.f32 v18, v30;
	v33 =	vadd.f32 v19, v33  }
0x15c: {  	v16 =	vld [tilespmem:s5+$0x10];
	s5 =	spop (v2sf);
	v18 =	vmul.f32 v37, v31;
	(v2sf) =	vpush v56, $0x7;
	v52 =	vadd.f32 v20, v52  }
0x15d: {  	v1 =	vld [tilespmem:s4+$0x0];
	v20 =	vbroadcast v44, $0x2;
	v48 =	vadd.f32 v62, v48;
	v62 =	vmul.f32 v35, v63  }
0x15e: {  	v19 =	vld [tilespmem:s2+$0xFE10];
	v56 =	vadd.f32 v27, v43;
	v63 =	vmul.f32 v24, v63;
	v59 =	vadd.f32 v18, v5  }
0x15f: {  	v7 =	vld [tilespmem:s4+$0x10];
	v24 =	vmul.f32 v41, v20;
	v41 =	vadd.f32 v62, v50;
	v62 =	vbroadcast v44, $0x3  }
0x160: {  	v37 =	vld [tilespmem:s2+$0x10368];
	v50 =	vadd.f32 v63, v57;
	v63 =	vmul.f32 v22, v20;
	v5 =	vbroadcast v44, $0x5  }
0x161: {  	v11 =	vld [tilespmem:s5+$0x0];
	v53 =	vadd.f32 v3, v53;
	v49 =	vadd.f32 v24, v49;
	v24 =	vmul.f32 v39, v62  }
0x162: {  	v2 =	vld [tilespmem:s5+$0x10];
	v39 =	vbroadcast v44, $0x4;
	v57 =	vadd.f32 v63, v60;
	v60 =	vmul.f32 v42, v5  }
0x163: {  	v43 =	vld [tilespmem:$0xFA90];
	v62 =	vmul.f32 v29, v62;
	v5 =	vmul.f32 v6, v5;
	v19 =	vshll.u32 v19, $0x7  }
0x164: {  	v63 =	vmul.f32 v36, v39;
	v32 =	vmul.f32 v32, v39;
	v39 =	vadd.f32 v60, v55;
	v55 =	vld [tilespmem:s2+$0xFE58]  }
0x165: {  	vm3 =	veq.s32 v37, $0x0;
	v38 =	vshra.s32 v19, $0x2;
	v46 =	vadd.f32 v5, v33;
	v33 =	vld [tilespmem:$0xFAA0]  }
0x166: {  	v36 =	vadd.f32 v62, v58;
	v62 =	vbroadcast v44, $0x6;
	s4 =	spop (v2sf);
	v51 =	vadd.f32 v32, v51;
	v32 =	vld [tilespmem:s2+$0x103B0]  }
0x167: {  	v54 =	vadd.f32 v24, v54;
	v44 =	vbroadcast v44, $0x7;
	v60 =	vbroadcast v45, $0x0;
	v27 =	vld [tilespmem:s4+$0x0]  }
0x168: {  	v37 =	vsel vm3, $0x0, v43;
	v42 =	vadd.f32 v63, v61;
	v63 =	vmul.f32 v40, v62;
	v28 =	vld [tilespmem:s4+$0x10];
	s5 =	spop (v2sf)  }
0x169: {  	(v2sf) =	vpush v38, $0x0;
	v58 =	vmul.f32 v13, v62;
	v47 =	vmul.f32 v47, v44;
	v34 =	vld [tilespmem:s5+$0x0]  }
0x16a: {  	v14 =	vmul.f32 v14, v44;
	v25 =	vmul.f32 v60, v25;
	(v2sf) =	vpush v38, $0x1;
	v35 =	vld [tilespmem:s5+$0x10];
	s4 =	spop (v2sf)  }
0x16b: {  	v61 =	vmul.f32 v23, v60;
	v62 =	vbroadcast v45, $0x1;
	(v2sf) =	vpush v38, $0x2;
	v31 =	vld [tilespmem:s4+$0x0]  }
0x16c: {  	v0 =	vadd.f32 v63, v0;
	v40 =	vadd.f32 v58, v56;
	v63 =	vbroadcast v45, $0x2;
	v30 =	vld [tilespmem:s4+$0x10];
	s5 =	spop (v2sf)  }
0x16d: {  	v44 =	vadd.f32 v61, v53;
	v60 =	vmul.f32 v10, v62;
	v15 =	vmul.f32 v15, v62;
	v18 =	vld [tilespmem:s5+$0x0]  }
0x16e: {  	v62 =	vbroadcast v45, $0x3;
	v56 =	vbroadcast v45, $0x6;
	(v2sf) =	vpush v38, $0x3;
	v19 =	vld [tilespmem:s5+$0x10];
	s4 =	spop (v2sf)  }
0x16f: {  	v61 =	vshll.u32 v55, $0x7;
	(v2sf) =	vpush v38, $0x4;
	v26 =	vmul.f32 v26, v63;
	v20 =	vld [tilespmem:s4+$0x0]  }
0x170: {  	v41 =	vadd.f32 v60, v41;
	v4 =	vmul.f32 v4, v63;
	v24 =	vld [tilespmem:s4+$0x10];
	s5 =	spop (v2sf);
	(v2sf) =	vpush v38, $0x5  }
0x171: {  	v63 =	vmul.f32 v21, v62;
	v60 =	vbroadcast v45, $0x4;
	v29 =	vld [tilespmem:s5+$0x0];
	s4 =	spop (v2sf);
	(v2sf) =	vpush v38, $0x6  }
0x172: {  	v58 =	vmul.f32 v1, v56;
	v3 =	vld [tilespmem:s5+$0x10];
	s5 =	spop (v2sf);
	(v2sf) =	vpush v38, $0x7;
	v38 =	vadd.f32 v47, v52  }
0x173: {  	v22 =	vld [tilespmem:s4+$0x0];
	v47 =	vshra.s32 v61, $0x2;
	v61 =	vmul.f32 v8, v62;
	v62 =	vbroadcast v45, $0x5  }
0x174: {  	v54 =	vadd.f32 v63, v54;
	v12 =	vmul.f32 v12, v60;
	v6 =	vld [tilespmem:s4+$0x10];
	v45 =	vbroadcast v45, $0x7  }
0x175: {  	v63 =	vmul.f32 v9, v60;
	v52 =	vadd.f32 v14, v59;
	v13 =	vld [tilespmem:s5+$0x0];
	v17 =	vmul.f32 v17, v62  }
0x176: {  	v5 =	vld [tilespmem:s5+$0x10];
	v36 =	vadd.f32 v61, v36;
	v59 =	vmul.f32 v2, v45;
	v61 =	vbroadcast v37, $0x1  }
0x177: {  	v53 =	vmul.f32 v16, v62;
	v62 =	vld [tilespmem:s2+$0xFEA0];
	v39 =	vadd.f32 v17, v39;
	v17 =	vmul.f32 v7, v56  }
0x178: {  	v52 =	vadd.f32 v59, v52;
	v56 =	vmul.f32 v34, v61;
	v34 =	vld [tilespmem:s2+$0x103F8];
	v59 =	vbroadcast v37, $0x2  }
0x179: {  	v43 =	vadd.f32 v58, v0;
	v60 =	vbroadcast v37, $0x0;
	v58 =	vmul.f32 v35, v61;
	v35 =	vld [tilespmem:$0xFAB0];
	s4 =	spop (v2sf)  }
0x17a: {  	v57 =	vadd.f32 v4, v57;
	v30 =	vmul.f32 v30, v59;
	v23 =	vld [tilespmem:s4+$0x0]  }
0x17b: {  	v51 =	vadd.f32 v63, v51;
	v63 =	vmul.f32 v60, v27;
	v10 =	vld [tilespmem:s4+$0x10];
	s5 =	spop (v2sf)  }
0x17c: {  	v46 =	vadd.f32 v53, v46;
	v53 =	vadd.f32 v30, v57;
	v57 =	vbroadcast v37, $0x5;
	v14 =	vld [tilespmem:s5+$0x0]  }
0x17d: {  	v48 =	vadd.f32 v25, v48;
	v55 =	vmul.f32 v28, v60;
	v60 =	vmul.f32 v31, v59;
	v25 =	vld [tilespmem:s5+$0x10]  }
0x17e: {  	(v2sf) =	vpush v47, $0x0;
	s4 =	spop (v2sf);
	v59 =	vmul.f32 v29, v57;
	v3 =	vmul.f32 v3, v57;
	v57 =	vld [tilespmem:s2+$0xFEE8]  }
0x17f: {  	v50 =	vadd.f32 v15, v50;
	v49 =	vadd.f32 v26, v49;
	v26 =	vld [tilespmem:s4+$0x0]  }
0x180: {  	v42 =	vadd.f32 v12, v42;
	(v2sf) =	vpush v47, $0x1;
	v21 =	vld [tilespmem:s4+$0x10];
	s5 =	spop (v2sf)  }
0x181: {  	v11 =	vmul.f32 v11, v45;
	v45 =	vadd.f32 v63, v48;
	v63 =	vbroadcast v37, $0x4;
	v15 =	vld [tilespmem:s5+$0x0]  }
0x182: {  	vm3 =	veq.s32 v32, $0x0;
	v44 =	vadd.f32 v55, v44;
	(v2sf) =	vpush v47, $0x2;
	v8 =	vld [tilespmem:s5+$0x10];
	s4 =	spop (v2sf)  }
0x183: {  	v55 =	vmul.f32 v24, v63;
	v61 =	vshll.u32 v62, $0x7;
	v62 =	vbroadcast v37, $0x3;
	v9 =	vld [tilespmem:s4+$0x0]  }
0x184: {  	v49 =	vadd.f32 v60, v49;
	v60 =	vbroadcast v37, $0x6;
	(v2sf) =	vpush v47, $0x3;
	v12 =	vld [tilespmem:s4+$0x10];
	s5 =	spop (v2sf)  }
0x185: {  	v33 =	vsel vm3, $0x0, v33;
	v37 =	vbroadcast v37, $0x7;
	v18 =	vmul.f32 v18, v62;
	v16 =	vld [tilespmem:s5+$0x0]  }
0x186: {  	v19 =	vmul.f32 v19, v62;
	v62 =	vmul.f32 v6, v60;
	(v2sf) =	vpush v47, $0x4;
	v4 =	vld [tilespmem:s5+$0x10];
	s4 =	spop (v2sf)  }
0x187: {  	v13 =	vmul.f32 v13, v37;
	v37 =	vmul.f32 v5, v37;
	(v2sf) =	vpush v47, $0x5;
	v7 =	vld [tilespmem:s4+$0x0]  }
0x188: {  	v39 =	vadd.f32 v59, v39;
	v59 =	vbroadcast v33, $0x2;
	(v2sf) =	vpush v47, $0x6;
	v1 =	vld [tilespmem:s4+$0x10];
	s5 =	spop (v2sf)  }
0x189: {  	(v2sf) =	vpush v47, $0x7;
	v47 =	vadd.f32 v58, v50;
	v58 =	vmul.f32 v20, v63;
	v2 =	vld [tilespmem:s5+$0x0]  }
0x18a: {  	v50 =	vshra.s32 v61, $0x2;
	v61 =	vmul.f32 v22, v60;
	v63 =	vbroadcast v33, $0x0;
	v0 =	vld [tilespmem:s5+$0x10]  }
0x18b: {  	v60 =	vmul.f32 v26, v59;
	v21 =	vmul.f32 v21, v59;
	v26 =	vld [tilespmem:$0xFAC0]  }
0x18c: {  	v48 =	vmul.f32 v63, v23;
	v23 =	vadd.f32 v37, v52;
	v37 =	vld [tilespmem:s2+$0x10440]  }
0x18d: {  	v21 =	vadd.f32 v21, v53;
	v53 =	vld [tilespmem:s2+$0xFF30];
	s4 =	spop (v2sf)  }
0x18e: {  	v28 =	vld [tilespmem:s4+$0x0]  }
0x18f: {  	v38 =	vadd.f32 v11, v38;
	v11 =	vld [tilespmem:s4+$0x10];
	s5 =	spop (v2sf)  }
0x190: {  	v40 =	vadd.f32 v17, v40;
	v17 =	vld [tilespmem:s5+$0x0]  }
0x191: {  	v41 =	vadd.f32 v56, v41;
	(v2sf) =	vpush v50, $0x0;
	v27 =	vld [tilespmem:s5+$0x10];
	s4 =	spop (v2sf)  }
0x192: {  	v56 =	vbroadcast v33, $0x1;
	vm3 =	veq.s32 v34, $0x0;
	v54 =	vadd.f32 v18, v54;
	v31 =	vld [tilespmem:s4+$0x0]  }
0x193: {  	v35 =	vsel vm3, $0x0, v35;
	v36 =	vadd.f32 v19, v36;
	(v2sf) =	vpush v50, $0x1;
	v30 =	vld [tilespmem:s4+$0x10];
	s5 =	spop (v2sf)  }
0x194: {  	v32 =	vadd.f32 v62, v40;
	v62 =	vbroadcast v33, $0x4;
	v14 =	vmul.f32 v14, v56;
	v24 =	vld [tilespmem:s5+$0x0]  }
0x195: {  	v25 =	vmul.f32 v25, v56;
	v59 =	vbroadcast v35, $0x0;
	(v2sf) =	vpush v50, $0x2;
	v20 =	vld [tilespmem:s5+$0x10];
	s4 =	spop (v2sf)  }
0x196: {  	v42 =	vadd.f32 v58, v42;
	v43 =	vadd.f32 v61, v43;
	v58 =	vmul.f32 v10, v63;
	v18 =	vld [tilespmem:s4+$0x0]  }
0x197: {  	v25 =	vadd.f32 v25, v47;
	v61 =	vbroadcast v33, $0x3;
	(v2sf) =	vpush v50, $0x3;
	v19 =	vld [tilespmem:s4+$0x10];
	s5 =	spop (v2sf)  }
0x198: {  	v63 =	vbroadcast v33, $0x5;
	v45 =	vadd.f32 v48, v45;
	v44 =	vadd.f32 v58, v44;
	v29 =	vld [tilespmem:s5+$0x0]  }
0x199: {  	v48 =	vadd.f32 v60, v49;
	v15 =	vmul.f32 v15, v61;
	(v2sf) =	vpush v50, $0x4;
	v22 =	vld [tilespmem:s5+$0x10]  }
0x19a: {  	v47 =	vmul.f32 v8, v61;
	s4 =	spop (v2sf);
	v60 =	vmul.f32 v59, v28;
	v28 =	vshll.u32 v53, $0x7;
	v53 =	vld [tilespmem:s2+$0xFF78]  }
0x19b: {  	v16 =	vmul.f32 v16, v63;
	v58 =	vmul.f32 v4, v63;
	(v2sf) =	vpush v50, $0x5;
	v6 =	vld [tilespmem:s4+$0x0]  }
0x19c: {  	v46 =	vadd.f32 v3, v46;
	v61 =	vbroadcast v35, $0x1;
	v63 =	vbroadcast v35, $0x2;
	v3 =	vld [tilespmem:s4+$0x10];
	s5 =	spop (v2sf)  }
0x19d: {  	v56 =	vmul.f32 v9, v62;
	v49 =	vmul.f32 v12, v62;
	(v2sf) =	vpush v50, $0x6;
	v5 =	vld [tilespmem:s5+$0x0]  }
0x19e: {  	v51 =	vadd.f32 v55, v51;
	v27 =	vmul.f32 v27, v61;
	v10 =	vld [tilespmem:s5+$0x10];
	v31 =	vmul.f32 v31, v63  }
0x19f: {  	v62 =	vmul.f32 v11, v59;
	(v2sf) =	vpush v50, $0x7;
	v11 =	vmul.f32 v30, v63;
	v30 =	vld [tilespmem:s2+$0x10488]  }
0x1a0: {  	v25 =	vadd.f32 v27, v25;
	v27 =	vadd.f32 v31, v48;
	v31 =	vld [tilespmem:$0xFAD0];
	s4 =	spop (v2sf)  }
0x1a1: {  	v55 =	vbroadcast v35, $0x4;
	v40 =	vshll.u32 v57, $0x7;
	v41 =	vadd.f32 v14, v41;
	v14 =	vld [tilespmem:s4+$0x0]  }
0x1a2: {  	v38 =	vadd.f32 v13, v38;
	v57 =	vbroadcast v33, $0x6;
	v40 =	vshra.s32 v40, $0x2;
	v13 =	vld [tilespmem:s4+$0x10];
	s5 =	spop (v2sf)  }
0x1a3: {  	v33 =	vbroadcast v33, $0x7;
	v42 =	vadd.f32 v56, v42;
	(v2sf) =	vpush v40, $0x0;
	v50 =	vld [tilespmem:s5+$0x0]  }
0x1a4: {  	v7 =	vmul.f32 v7, v57;
	v15 =	vadd.f32 v15, v54;
	v36 =	vadd.f32 v47, v36;
	v8 =	vld [tilespmem:s5+$0x10];
	s4 =	spop (v2sf)  }
0x1a5: {  	v1 =	vmul.f32 v1, v57;
	v47 =	vadd.f32 v49, v51;
	(v2sf) =	vpush v40, $0x1;
	v12 =	vld [tilespmem:s4+$0x0]  }
0x1a6: {  	v56 =	vbroadcast v35, $0x5;
	v16 =	vadd.f32 v16, v39;
	v39 =	vadd.f32 v58, v46;
	v9 =	vld [tilespmem:s4+$0x10];
	s5 =	spop (v2sf)  }
0x1a7: {  	v2 =	vmul.f32 v2, v33;
	v0 =	vmul.f32 v0, v33;
	(v2sf) =	vpush v40, $0x2;
	v51 =	vld [tilespmem:s5+$0x0]  }
0x1a8: {  	v54 =	vbroadcast v35, $0x3;
	v58 =	vbroadcast v35, $0x6;
	v43 =	vadd.f32 v7, v43;
	v52 =	vld [tilespmem:s5+$0x10];
	s4 =	spop (v2sf)  }
0x1a9: {  	v35 =	vbroadcast v35, $0x7;
	v32 =	vadd.f32 v1, v32;
	(v2sf) =	vpush v40, $0x3;
	v34 =	vld [tilespmem:s4+$0x0]  }
0x1aa: {  	vm3 =	veq.s32 v37, $0x0;
	v38 =	vadd.f32 v2, v38;
	v24 =	vmul.f32 v24, v54;
	v4 =	vld [tilespmem:s4+$0x10];
	s5 =	spop (v2sf)  }
0x1ab: {  	v23 =	vadd.f32 v0, v23;
	v17 =	vmul.f32 v17, v61;
	(v2sf) =	vpush v40, $0x4;
	v49 =	vld [tilespmem:s5+$0x0]  }
0x1ac: {  	v45 =	vadd.f32 v60, v45;
	v15 =	vadd.f32 v24, v15;
	v24 =	vsel vm3, $0x0, v26;
	v33 =	vld [tilespmem:s5+$0x10];
	s4 =	spop (v2sf)  }
0x1ad: {  	v44 =	vadd.f32 v62, v44;
	v62 =	vbroadcast v24, $0x2;
	(v2sf) =	vpush v40, $0x5;
	v1 =	vld [tilespmem:s4+$0x0]  }
0x1ae: {  	v20 =	vmul.f32 v20, v54;
	v63 =	vbroadcast v24, $0x3;
	(v2sf) =	vpush v40, $0x6;
	v0 =	vld [tilespmem:s4+$0x10];
	s5 =	spop (v2sf)  }
0x1af: {  	v17 =	vadd.f32 v17, v41;
	v18 =	vmul.f32 v18, v55;
	v7 =	vld [tilespmem:s5+$0x0];
	v12 =	vmul.f32 v12, v62  }
0x1b0: {  	v11 =	vadd.f32 v11, v21;
	v19 =	vmul.f32 v19, v55;
	v2 =	vld [tilespmem:s5+$0x10];
	v55 =	vmul.f32 v51, v63  }
0x1b1: {  	v28 =	vshra.s32 v28, $0x2;
	v20 =	vadd.f32 v20, v36;
	v12 =	vadd.f32 v12, v27;
	v27 =	vld [tilespmem:$0xFAE0]  }
0x1b2: {  	v57 =	vmul.f32 v29, v56;
	(v2sf) =	vpush v40, $0x7;
	v15 =	vadd.f32 v55, v15;
	v55 =	vld [tilespmem:s2+$0xFFC0];
	s4 =	spop (v2sf)  }
0x1b3: {  	v22 =	vmul.f32 v22, v56;
	v18 =	vadd.f32 v18, v42;
	v6 =	vmul.f32 v6, v58;
	v40 =	vld [tilespmem:s4+$0x0]  }
0x1b4: {  	v19 =	vadd.f32 v19, v47;
	v3 =	vmul.f32 v3, v58;
	v59 =	vbroadcast v24, $0x0;
	v41 =	vld [tilespmem:s4+$0x10];
	s5 =	spop (v2sf)  }
0x1b5: {  	v60 =	vbroadcast v24, $0x1;
	v54 =	vbroadcast v24, $0x4;
	v58 =	vshll.u32 v53, $0x7;
	v36 =	vld [tilespmem:s5+$0x0]  }
0x1b6: {  	v16 =	vadd.f32 v57, v16;
	v5 =	vmul.f32 v5, v35;
	(v2sf) =	vpush v28, $0x0;
	v29 =	vld [tilespmem:s5+$0x10];
	s4 =	spop (v2sf)  }
0x1b7: {  	v21 =	vadd.f32 v22, v39;
	v10 =	vmul.f32 v10, v35;
	v57 =	vbroadcast v24, $0x5;
	v42 =	vld [tilespmem:s4+$0x0]  }
0x1b8: {  	vm3 =	veq.s32 v30, $0x0;
	v6 =	vadd.f32 v6, v43;
	(v2sf) =	vpush v28, $0x1;
	v46 =	vld [tilespmem:s4+$0x10];
	s5 =	spop (v2sf)  }
0x1b9: {  	v3 =	vadd.f32 v3, v32;
	v5 =	vadd.f32 v5, v38;
	v14 =	vmul.f32 v59, v14;
	v22 =	vld [tilespmem:s5+$0x0]  }
0x1ba: {  	v13 =	vmul.f32 v13, v59;
	v61 =	vmul.f32 v50, v60;
	(v2sf) =	vpush v28, $0x2;
	v37 =	vld [tilespmem:s5+$0x10];
	s4 =	spop (v2sf)  }
0x1bb: {  	v10 =	vadd.f32 v10, v23;
	v8 =	vmul.f32 v8, v60;
	v60 =	vbroadcast v24, $0x6;
	v26 =	vld [tilespmem:s4+$0x0]  }
0x1bc: {  	v24 =	vbroadcast v24, $0x7;
	v4 =	vmul.f32 v4, v54;
	(v2sf) =	vpush v28, $0x3;
	v43 =	vld [tilespmem:s4+$0x10];
	s5 =	spop (v2sf)  }
0x1bd: {  	v14 =	vadd.f32 v14, v45;
	v9 =	vmul.f32 v9, v62;
	v17 =	vadd.f32 v61, v17;
	v35 =	vld [tilespmem:s5+$0x0];
	s4 =	spop (v2sf)  }
0x1be: {  	v59 =	vmul.f32 v49, v57;
	v4 =	vadd.f32 v4, v19;
	(v2sf) =	vpush v28, $0x4;
	v39 =	vld [tilespmem:s4+$0x0]  }
0x1bf: {  	v1 =	vmul.f32 v1, v60;
	v19 =	vsel vm3, $0x0, v31;
	(v2sf) =	vpush v28, $0x5;
	v38 =	vld [tilespmem:s5+$0x10]  }
0x1c0: {  	v61 =	vbroadcast v19, $0x0;
	v53 =	vbroadcast v19, $0x3;
	(v2sf) =	vpush v28, $0x6;
	v47 =	vld [tilespmem:s4+$0x10]  }
0x1c1: {  	v16 =	vadd.f32 v59, v16;
	v59 =	vbroadcast v19, $0x6;
	s5 =	spop (v2sf);
	(v2sf) =	vpush v28, $0x7;
	v28 =	vld [tilespmem:s2+$0x104D0]  }
0x1c2: {  	v13 =	vadd.f32 v13, v44;
	v62 =	vmul.f32 v61, v40;
	v23 =	vld [tilespmem:s5+$0x0];
	v22 =	vmul.f32 v22, v53  }
0x1c3: {  	v1 =	vadd.f32 v1, v6;
	v6 =	vmul.f32 v41, v61;
	v45 =	vld [tilespmem:s5+$0x10];
	v61 =	vmul.f32 v39, v59  }
0x1c4: {  	v8 =	vadd.f32 v8, v25;
	v32 =	vmul.f32 v52, v63;
	v15 =	vadd.f32 v22, v15;
	v22 =	vld [tilespmem:$0xFAF0]  }
0x1c5: {  	v25 =	vshra.s32 v58, $0x2;
	v56 =	vmul.f32 v34, v54;
	v1 =	vadd.f32 v61, v1;
	v61 =	vld [tilespmem:s2+$0x10008];
	s4 =	spop (v2sf)  }
0x1c6: {  	v9 =	vadd.f32 v9, v11;
	v20 =	vadd.f32 v32, v20;
	v32 =	vmul.f32 v33, v57;
	v34 =	vld [tilespmem:s4+$0x0]  }
0x1c7: {  	v11 =	vadd.f32 v56, v18;
	v0 =	vmul.f32 v0, v60;
	v7 =	vmul.f32 v7, v24;
	v18 =	vld [tilespmem:s4+$0x10];
	s5 =	spop (v2sf)  }
0x1c8: {  	v21 =	vadd.f32 v32, v21;
	v2 =	vmul.f32 v2, v24;
	v63 =	vbroadcast v19, $0x1;
	v33 =	vld [tilespmem:s5+$0x0]  }
0x1c9: {  	v49 =	vbroadcast v19, $0x2;
	v54 =	vbroadcast v19, $0x4;
	(v2sf) =	vpush v25, $0x0;
	v48 =	vld [tilespmem:s5+$0x10];
	s4 =	spop (v2sf)  }
0x1ca: {  	v57 =	vbroadcast v19, $0x5;
	v0 =	vadd.f32 v0, v3;
	v3 =	vadd.f32 v7, v5;
	v32 =	vld [tilespmem:s4+$0x0]  }
0x1cb: {  	v19 =	vbroadcast v19, $0x7;
	v2 =	vadd.f32 v2, v10;
	(v2sf) =	vpush v25, $0x1;
	v30 =	vld [tilespmem:s4+$0x10];
	s5 =	spop (v2sf)  }
0x1cc: {  	v60 =	vshll.u32 v55, $0x7;
	v50 =	vmul.f32 v36, v63;
	v7 =	vadd.f32 v62, v14;
	v31 =	vld [tilespmem:s5+$0x0]  }
0x1cd: {  	v51 =	vmul.f32 v29, v63;
	v6 =	vadd.f32 v6, v13;
	(v2sf) =	vpush v25, $0x2;
	v44 =	vld [tilespmem:s5+$0x10];
	s4 =	spop (v2sf)  }
0x1ce: {  	v52 =	vmul.f32 v42, v49;
	v10 =	vmul.f32 v46, v49;
	v14 =	vadd.f32 v50, v17;
	v5 =	vld [tilespmem:s4+$0x0]  }
0x1cf: {  	v8 =	vadd.f32 v51, v8;
	v56 =	vmul.f32 v37, v53;
	(v2sf) =	vpush v25, $0x3;
	v40 =	vld [tilespmem:s4+$0x10];
	s5 =	spop (v2sf)  }
0x1d0: {  	v12 =	vadd.f32 v52, v12;
	v9 =	vadd.f32 v10, v9;
	v26 =	vmul.f32 v26, v54;
	v41 =	vld [tilespmem:s5+$0x0]  }
0x1d1: {  	v24 =	vmul.f32 v43, v54;
	vm3 =	veq.s32 v28, $0x0;
	(v2sf) =	vpush v25, $0x4;
	v36 =	vld [tilespmem:s5+$0x10];
	s4 =	spop (v2sf)  }
0x1d2: {  	v10 =	vadd.f32 v56, v20;
	v27 =	vsel vm3, $0x0, v27;
	(v2sf) =	vpush v25, $0x5;
	v29 =	vld [tilespmem:s4+$0x0]  }
0x1d3: {  	v58 =	vmul.f32 v35, v57;
	v63 =	vbroadcast v27, $0x0;
	(v2sf) =	vpush v25, $0x6;
	v42 =	vld [tilespmem:s4+$0x10]  }
0x1d4: {  	v17 =	vmul.f32 v38, v57;
	v35 =	vshra.s32 v60, $0x2;
	s5 =	spop (v2sf);
	(v2sf) =	vpush v25, $0x7;
	v25 =	vld [tilespmem:s2+$0x10518]  }
0x1d5: {  	v11 =	vadd.f32 v26, v11;
	v4 =	vadd.f32 v24, v4;
	v18 =	vmul.f32 v18, v63;
	v13 =	vld [tilespmem:s5+$0x0]  }
0x1d6: {  	v62 =	vmul.f32 v47, v59;
	v16 =	vadd.f32 v58, v16;
	v60 =	vbroadcast v27, $0x5;
	v37 =	vld [tilespmem:s5+$0x10]  }
0x1d7: {  	v23 =	vmul.f32 v23, v19;
	v19 =	vmul.f32 v45, v19;
	v6 =	vadd.f32 v18, v6;
	v18 =	vld [tilespmem:$0xFB00]  }
0x1d8: {  	v17 =	vadd.f32 v17, v21;
	v50 =	vbroadcast v27, $0x1;
	v24 =	vmul.f32 v36, v60;
	v36 =	vld [tilespmem:s2+$0x10560];
	s4 =	spop (v2sf)  }
0x1d9: {  	v0 =	vadd.f32 v62, v0;
	v52 =	vbroadcast v27, $0x2;
	v54 =	vbroadcast v27, $0x3;
	v26 =	vld [tilespmem:s4+$0x0]  }
0x1da: {  	v58 =	vbroadcast v27, $0x4;
	v3 =	vadd.f32 v23, v3;
	v49 =	vmul.f32 v63, v34;
	v20 =	vld [tilespmem:s4+$0x10];
	s5 =	spop (v2sf)  }
0x1db: {  	v2 =	vadd.f32 v19, v2;
	v63 =	vbroadcast v27, $0x6;
	v51 =	vmul.f32 v33, v50;
	v28 =	vld [tilespmem:s5+$0x0]  }
0x1dc: {  	v53 =	vmul.f32 v48, v50;
	v7 =	vadd.f32 v49, v7;
	(v2sf) =	vpush v35, $0x0;
	v39 =	vld [tilespmem:s5+$0x10];
	s4 =	spop (v2sf)  }
0x1dd: {  	v55 =	vmul.f32 v32, v52;
	v56 =	vmul.f32 v30, v52;
	v14 =	vadd.f32 v51, v14;
	v43 =	vld [tilespmem:s4+$0x0]  }
0x1de: {  	v8 =	vadd.f32 v53, v8;
	v59 =	vmul.f32 v44, v54;
	(v2sf) =	vpush v35, $0x1;
	v38 =	vld [tilespmem:s4+$0x10];
	s5 =	spop (v2sf)  }
0x1df: {  	v57 =	vmul.f32 v31, v54;
	v9 =	vadd.f32 v56, v9;
	v5 =	vmul.f32 v5, v58;
	v34 =	vld [tilespmem:s5+$0x0]  }
0x1e0: {  	v62 =	vmul.f32 v40, v58;
	v10 =	vadd.f32 v59, v10;
	(v2sf) =	vpush v35, $0x2;
	v45 =	vld [tilespmem:s5+$0x10];
	s4 =	spop (v2sf)  }
0x1e1: {  	v41 =	vmul.f32 v41, v60;
	v5 =	vadd.f32 v5, v11;
	vm3 =	veq.s32 v25, $0x0;
	v19 =	vld [tilespmem:s4+$0x0]  }
0x1e2: {  	v21 =	vmul.f32 v42, v63;
	v22 =	vsel vm3, $0x0, v22;
	(v2sf) =	vpush v35, $0x3;
	v33 =	vld [tilespmem:s4+$0x10];
	s5 =	spop (v2sf)  }
0x1e3: {  	v16 =	vadd.f32 v41, v16;
	v41 =	vbroadcast v27, $0x7;
	v48 =	vbroadcast v22, $0x0;
	v46 =	vld [tilespmem:s5+$0x0]  }
0x1e4: {  	v49 =	vbroadcast v22, $0x1;
	v56 =	vbroadcast v22, $0x3;
	(v2sf) =	vpush v35, $0x4;
	v32 =	vld [tilespmem:s5+$0x10];
	s4 =	spop (v2sf)  }
0x1e5: {  	v59 =	vbroadcast v22, $0x5;
	v11 =	vmul.f32 v37, v41;
	(v2sf) =	vpush v35, $0x5;
	v30 =	vld [tilespmem:s4+$0x0]  }
0x1e6: {  	(v2sf) =	vpush v35, $0x6;
	v50 =	vmul.f32 v48, v26;
	v20 =	vmul.f32 v20, v48;
	v48 =	vld [tilespmem:s2+$0x10050]  }
0x1e7: {  	v31 =	vld [tilespmem:s4+$0x10];
	s5 =	spop (v2sf);
	(v2sf) =	vpush v35, $0x7;
	v35 =	vmul.f32 v29, v63;
	v51 =	vmul.f32 v28, v49  }
0x1e8: {  	v15 =	vadd.f32 v57, v15;
	v53 =	vmul.f32 v39, v49;
	v63 =	vbroadcast v22, $0x6;
	v23 =	vld [tilespmem:s5+$0x0]  }
0x1e9: {  	v17 =	vadd.f32 v24, v17;
	v40 =	vld [tilespmem:s5+$0x10];
	v57 =	vmul.f32 v34, v56;
	v49 =	vmul.f32 v32, v59  }
0x1ea: {  	v2 =	vadd.f32 v11, v2;
	v7 =	vadd.f32 v50, v7;
	v50 =	vmul.f32 v30, v63;
	v30 =	vld [tilespmem:s2+$0x105A8]  }
0x1eb: {  	v11 =	vadd.f32 v57, v15;
	v15 =	vadd.f32 v49, v17;
	v17 =	vld [tilespmem:$0xFB10];
	s4 =	spop (v2sf)  }
0x1ec: {  	v47 =	vshll.u32 v61, $0x7;
	v24 =	vld [tilespmem:s4+$0x0]  }
0x1ed: {  	v12 =	vadd.f32 v55, v12;
	v4 =	vadd.f32 v62, v4;
	v52 =	vbroadcast v22, $0x2;
	v27 =	vld [tilespmem:s4+$0x10];
	s5 =	spop (v2sf)  }
0x1ee: {  	v0 =	vadd.f32 v21, v0;
	v58 =	vbroadcast v22, $0x4;
	v13 =	vmul.f32 v13, v41;
	v25 =	vld [tilespmem:s5+$0x0]  }
0x1ef: {  	vm3 =	veq.s32 v36, $0x0;
	v29 =	vshra.s32 v47, $0x2;
	v1 =	vadd.f32 v35, v1;
	v35 =	vld [tilespmem:s5+$0x10];
	s4 =	spop (v2sf)  }
0x1f0: {  	v3 =	vadd.f32 v13, v3;
	v18 =	vsel vm3, $0x0, v18;
	(v2sf) =	vpush v29, $0x0;
	v37 =	vld [tilespmem:s4+$0x0]  }
0x1f1: {  	v47 =	vbroadcast v18, $0x5;
	v6 =	vadd.f32 v20, v6;
	v54 =	vmul.f32 v43, v52;
	v41 =	vld [tilespmem:s4+$0x10];
	s5 =	spop (v2sf)  }
0x1f2: {  	v55 =	vmul.f32 v38, v52;
	v14 =	vadd.f32 v51, v14;
	(v2sf) =	vpush v29, $0x1;
	v21 =	vld [tilespmem:s5+$0x0]  }
0x1f3: {  	v8 =	vadd.f32 v53, v8;
	v28 =	vmul.f32 v45, v56;
	v51 =	vbroadcast v22, $0x7;
	v42 =	vld [tilespmem:s5+$0x10];
	s4 =	spop (v2sf)  }
0x1f4: {  	v56 =	vbroadcast v18, $0x1;
	v45 =	vbroadcast v18, $0x4;
	(v2sf) =	vpush v29, $0x2;
	v13 =	vld [tilespmem:s4+$0x0]  }
0x1f5: {  	v12 =	vadd.f32 v54, v12;
	v9 =	vadd.f32 v55, v9;
	v60 =	vmul.f32 v19, v58;
	v26 =	vld [tilespmem:s4+$0x10];
	s5 =	spop (v2sf)  }
0x1f6: {  	v61 =	vmul.f32 v33, v58;
	v62 =	vmul.f32 v46, v59;
	(v2sf) =	vpush v29, $0x3;
	v38 =	vld [tilespmem:s5+$0x0];
	s4 =	spop (v2sf)  }
0x1f7: {  	v54 =	vbroadcast v18, $0x0;
	v10 =	vadd.f32 v28, v10;
	v59 =	vbroadcast v18, $0x2;
	v20 =	vld [tilespmem:s5+$0x10];
	s5 =	spop (v2sf)  }
0x1f8: {  	v16 =	vadd.f32 v62, v16;
	v19 =	vmul.f32 v40, v51;
	(v2sf) =	vpush v29, $0x4;
	v33 =	vld [tilespmem:s5+$0x0]  }
0x1f9: {  	v23 =	vmul.f32 v23, v51;
	v62 =	vbroadcast v18, $0x3;
	v51 =	vld [tilespmem:s2+$0x10098];
	v1 =	vadd.f32 v50, v1  }
0x1fa: {  	v50 =	vbroadcast v18, $0x6;
	v2 =	vadd.f32 v19, v2;
	v19 =	vld [tilespmem:s2+$0x105F0];
	(v2sf) =	vpush v29, $0x5  }
0x1fb: {  	v5 =	vadd.f32 v60, v5;
	v18 =	vbroadcast v18, $0x7;
	v55 =	vmul.f32 v54, v24;
	v39 =	vld [tilespmem:s4+$0x0]  }
0x1fc: {  	(v2sf) =	vpush v29, $0x6;
	v44 =	vld [tilespmem:s4+$0x10];
	v13 =	vmul.f32 v13, v45;
	v49 =	vmul.f32 v38, v47  }
0x1fd: {  	v3 =	vadd.f32 v23, v3;
	v28 =	vld [tilespmem:s5+$0x10];
	v7 =	vadd.f32 v55, v7;
	v55 =	vmul.f32 v33, v18  }
0x1fe: {  	v5 =	vadd.f32 v13, v5;
	v13 =	vadd.f32 v49, v16;
	v16 =	vld [tilespmem:$0xFB20]  }
0x1ff: {  	v53 =	vshll.u32 v48, $0x7;
	(v2sf) =	vpush v29, $0x7;
	s4 =	spop (v2sf);
	v3 =	vadd.f32 v55, v3;
	v55 =	vld [tilespmem:s2+$0x10638]  }
0x200: {  	v32 =	vshra.s32 v53, $0x2;
	v22 =	vld [tilespmem:s4+$0x0]  }
0x201: {  	v52 =	vmul.f32 v31, v63;
	v31 =	vld [tilespmem:s4+$0x10];
	s5 =	spop (v2sf);
	(v2sf) =	vpush v32, $0x0  }
0x202: {  	v36 =	vld [tilespmem:s5+$0x0]  }
0x203: {  	v29 =	vld [tilespmem:s5+$0x10];
	s4 =	spop (v2sf);
	(v2sf) =	vpush v32, $0x1  }
0x204: {  	v4 =	vadd.f32 v61, v4;
	v40 =	vld [tilespmem:s4+$0x0]  }
0x205: {  	vm3 =	veq.s32 v30, $0x0;
	v57 =	vmul.f32 v27, v54;
	v27 =	vld [tilespmem:s4+$0x10];
	s5 =	spop (v2sf);
	(v2sf) =	vpush v32, $0x2  }
0x206: {  	v0 =	vadd.f32 v52, v0;
	v17 =	vsel vm3, $0x0, v17;
	vm3 =	veq.s32 v19, $0x0;
	v34 =	vld [tilespmem:s5+$0x0]  }
0x207: {  	v58 =	vmul.f32 v25, v56;
	v60 =	vmul.f32 v35, v56;
	v24 =	vld [tilespmem:s5+$0x10];
	s4 =	spop (v2sf);
	(v2sf) =	vpush v32, $0x3  }
0x208: {  	v56 =	vshll.u32 v51, $0x7;
	v6 =	vadd.f32 v57, v6;
	v61 =	vmul.f32 v37, v59;
	v37 =	vld [tilespmem:s4+$0x0]  }
0x209: {  	v63 =	vmul.f32 v41, v59;
	v57 =	vbroadcast v17, $0x0;
	v25 =	vld [tilespmem:s4+$0x10];
	s5 =	spop (v2sf);
	(v2sf) =	vpush v32, $0x4  }
0x20a: {  	v14 =	vadd.f32 v58, v14;
	v8 =	vadd.f32 v60, v8;
	v21 =	vmul.f32 v21, v62;
	v41 =	vld [tilespmem:s5+$0x0]  }
0x20b: {  	v46 =	vmul.f32 v42, v62;
	v58 =	vbroadcast v17, $0x1;
	v35 =	vld [tilespmem:s5+$0x10];
	s4 =	spop (v2sf);
	(v2sf) =	vpush v32, $0x5  }
0x20c: {  	v59 =	vmul.f32 v57, v22;
	v60 =	vmul.f32 v31, v57;
	v57 =	vld [tilespmem:$0xFB30];
	(v2sf) =	vpush v32, $0x6  }
0x20d: {  	v62 =	vbroadcast v17, $0x2;
	v12 =	vadd.f32 v61, v12;
	v9 =	vadd.f32 v63, v9;
	v42 =	vld [tilespmem:s4+$0x0]  }
0x20e: {  	v48 =	vmul.f32 v26, v45;
	v11 =	vadd.f32 v21, v11;
	v10 =	vadd.f32 v46, v10;
	v23 =	vld [tilespmem:s4+$0x10];
	s5 =	spop (v2sf)  }
0x20f: {  	v52 =	vmul.f32 v20, v47;
	v46 =	vbroadcast v17, $0x3;
	v20 =	vld [tilespmem:s5+$0x0];
	(v2sf) =	vpush v32, $0x7  }
0x210: {  	v4 =	vadd.f32 v48, v4;
	v53 =	vmul.f32 v39, v50;
	v26 =	vld [tilespmem:s5+$0x10];
	v32 =	vshra.s32 v56, $0x2;
	s4 =	spop (v2sf)  }
0x211: {  	v54 =	vmul.f32 v44, v50;
	v48 =	vbroadcast v17, $0x4;
	(v2sf) =	vpush v32, $0x0;
	v30 =	vld [tilespmem:s4+$0x0]  }
0x212: {  	v15 =	vadd.f32 v52, v15;
	v18 =	vmul.f32 v28, v18;
	v49 =	vbroadcast v17, $0x5;
	v33 =	vld [tilespmem:s4+$0x10];
	s5 =	spop (v2sf)  }
0x213: {  	v52 =	vbroadcast v17, $0x6;
	v1 =	vadd.f32 v53, v1;
	(v2sf) =	vpush v32, $0x1;
	v38 =	vld [tilespmem:s5+$0x0]  }
0x214: {  	v17 =	vbroadcast v17, $0x7;
	v0 =	vadd.f32 v54, v0;
	v2 =	vadd.f32 v18, v2;
	v28 =	vld [tilespmem:s5+$0x10];
	s4 =	spop (v2sf)  }
0x215: {  	v16 =	vsel vm3, $0x0, v16;
	vm3 =	veq.s32 v55, $0x0;
	(v2sf) =	vpush v32, $0x2;
	v39 =	vld [tilespmem:s4+$0x0]  }
0x216: {  	v61 =	vmul.f32 v36, v58;
	v63 =	vmul.f32 v29, v58;
	v7 =	vadd.f32 v59, v7;
	v21 =	vld [tilespmem:s4+$0x10];
	s5 =	spop (v2sf)  }
0x217: {  	v43 =	vmul.f32 v40, v62;
	v45 =	vmul.f32 v27, v62;
	(v2sf) =	vpush v32, $0x3;
	v44 =	vld [tilespmem:s5+$0x0]  }
0x218: {  	v6 =	vadd.f32 v60, v6;
	v56 =	vbroadcast v16, $0x0;
	v59 =	vbroadcast v16, $0x1;
	v31 =	vld [tilespmem:s5+$0x10];
	s4 =	spop (v2sf)  }
0x219: {  	v14 =	vadd.f32 v61, v14;
	v47 =	vmul.f32 v34, v46;
	(v2sf) =	vpush v32, $0x4;
	v22 =	vld [tilespmem:s4+$0x0]  }
0x21a: {  	v8 =	vadd.f32 v63, v8;
	v24 =	vmul.f32 v24, v46;
	v61 =	vbroadcast v16, $0x2;
	v36 =	vld [tilespmem:s4+$0x10];
	s5 =	spop (v2sf)  }
0x21b: {  	v63 =	vbroadcast v16, $0x3;
	v46 =	vbroadcast v16, $0x4;
	v40 =	vld [tilespmem:s5+$0x0];
	s4 =	spop (v2sf);
	(v2sf) =	vpush v32, $0x5  }
0x21c: {  	v12 =	vadd.f32 v43, v12;
	v9 =	vadd.f32 v45, v9;
	v25 =	vmul.f32 v25, v48;
	v34 =	vld [tilespmem:s5+$0x10]  }
0x21d: {  	v50 =	vmul.f32 v37, v48;
	v11 =	vadd.f32 v47, v11;
	v37 =	vld [tilespmem:s4+$0x0];
	(v2sf) =	vpush v32, $0x6  }
0x21e: {  	v10 =	vadd.f32 v24, v10;
	v51 =	vmul.f32 v41, v49;
	v4 =	vadd.f32 v25, v4;
	v25 =	vld [tilespmem:s4+$0x10];
	s5 =	spop (v2sf)  }
0x21f: {  	v53 =	vmul.f32 v35, v49;
	v18 =	vmul.f32 v23, v52;
	v27 =	vld [tilespmem:s5+$0x0];
	(v2sf) =	vpush v32, $0x7  }
0x220: {  	v5 =	vadd.f32 v50, v5;
	v54 =	vmul.f32 v42, v52;
	v50 =	vbroadcast v16, $0x5;
	v19 =	vld [tilespmem:s5+$0x10];
	s4 =	spop (v2sf)  }
0x221: {  	v13 =	vadd.f32 v51, v13;
	v20 =	vmul.f32 v20, v17;
	v0 =	vadd.f32 v18, v0;
	v18 =	vld [tilespmem:s4+$0x0]  }
0x222: {  	v15 =	vadd.f32 v53, v15;
	v17 =	vmul.f32 v26, v17;
	v58 =	vmul.f32 v56, v30;
	s5 =	spop (v2sf);
	v30 =	vld [tilespmem:s4+$0x10]  }
0x223: {  	v1 =	vadd.f32 v54, v1;
	v3 =	vadd.f32 v20, v3;
	v60 =	vmul.f32 v33, v56;
	v33 =	vld [tilespmem:s5+$0x0]  }
0x224: {  	v2 =	vadd.f32 v17, v2;
	v20 =	vsel vm3, $0x0, v57;
	v62 =	vmul.f32 v38, v59;
	s4 =	spop (v2sf);
	v38 =	vld [tilespmem:s5+$0x10]  }
0x225: {  	v56 =	vbroadcast v16, $0x6;
	v41 =	vmul.f32 v28, v59;
	v7 =	vadd.f32 v58, v7;
	v28 =	vld [tilespmem:s4+$0x0]  }
0x226: {  	v6 =	vadd.f32 v60, v6;
	v42 =	vmul.f32 v39, v61;
	v43 =	vmul.f32 v21, v61;
	s5 =	spop (v2sf);
	v45 =	vld [tilespmem:s4+$0x10]  }
0x227: {  	v32 =	vbroadcast v20, $0x0;
	v58 =	vbroadcast v20, $0x1;
	v14 =	vadd.f32 v62, v14;
	v47 =	vld [tilespmem:s5+$0x0]  }
0x228: {  	v44 =	vmul.f32 v44, v63;
	v8 =	vadd.f32 v41, v8;
	v48 =	vmul.f32 v31, v63;
	s4 =	spop (v2sf);
	v49 =	vld [tilespmem:s5+$0x10]  }
0x229: {  	v63 =	vbroadcast v20, $0x2;
	v12 =	vadd.f32 v42, v12;
	v22 =	vmul.f32 v22, v46;
	v51 =	vld [tilespmem:s4+$0x0]  }
0x22a: {  	v9 =	vadd.f32 v43, v9;
	v17 =	vmul.f32 v36, v46;
	v53 =	vmul.f32 v40, v50;
	v52 =	vld [tilespmem:s4+$0x10];
	s5 =	spop (v2sf)  }
0x22b: {  	v11 =	vadd.f32 v44, v11;
	v55 =	vmul.f32 v34, v50;
	v44 =	vbroadcast v20, $0x3;
	v54 =	vld [tilespmem:s5+$0x0]  }
0x22c: {  	v10 =	vadd.f32 v48, v10;
	v48 =	vbroadcast v20, $0x4;
	v18 =	vmul.f32 v32, v18;
	s4 =	spop (v2sf);
	v57 =	vld [tilespmem:s5+$0x10]  }
0x22d: {  	v5 =	vadd.f32 v22, v5;
	v4 =	vadd.f32 v17, v4;
	v30 =	vmul.f32 v30, v32;
	v59 =	vld [tilespmem:s4+$0x0]  }
0x22e: {  	v60 =	vmul.f32 v37, v56;
	v62 =	vmul.f32 v33, v58;
	v61 =	vld [tilespmem:s4+$0x10];
	s5 =	spop (v2sf);
	v7 =	vadd.f32 v18, v7  }
0x22f: {  	v25 =	vmul.f32 v25, v56;
	v41 =	vmul.f32 v38, v58;
	v6 =	vadd.f32 v30, v6;
	v40 =	vld [tilespmem:s5+$0x0]  }
0x230: {  	v13 =	vadd.f32 v53, v13;
	v43 =	vmul.f32 v28, v63;
	v42 =	vld [tilespmem:s5+$0x10];
	v14 =	vadd.f32 v62, v14;
	[tilespmem:s1+$0xFFFFFF80] =	vst v7  }
0x231: {  	v15 =	vadd.f32 v55, v15;
	v45 =	vmul.f32 v45, v63;
	v8 =	vadd.f32 v41, v8;
	[tilespmem:s1+$0xFFFFFF90] =	vst v6  }
0x232: {  	v53 =	vbroadcast v16, $0x7;
	v47 =	vmul.f32 v47, v44;
	v46 =	vadd.f32 v43, v12;
	[tilespmem:s1+$0xFFFFFFA0] =	vst v14  }
0x233: {  	v55 =	vbroadcast v20, $0x6;
	v9 =	vadd.f32 v45, v9;
	v7 =	vmul.f32 v49, v44;
	[tilespmem:s1+$0xFFFFFFB0] =	vst v8  }
0x234: {  	v50 =	vmul.f32 v51, v48;
	v51 =	vbroadcast v20, $0x5;
	v49 =	vadd.f32 v47, v11;
	[tilespmem:s1+$0xFFFFFFC0] =	vst v46  }
0x235: {  	v1 =	vadd.f32 v60, v1;
	v52 =	vmul.f32 v52, v48;
	v7 =	vadd.f32 v7, v10;
	[tilespmem:s1+$0xFFFFFFD0] =	vst v9  }
0x236: {  	v0 =	vadd.f32 v25, v0;
	v5 =	vadd.f32 v50, v5;
	v54 =	vmul.f32 v54, v51;
	[tilespmem:s1+$0xFFFFFFE0] =	vst v49  }
0x237: {  	v56 =	vmul.f32 v27, v53;
	v4 =	vadd.f32 v52, v4;
	v6 =	vmul.f32 v57, v51;
	[tilespmem:s1+$0xFFFFFFF0] =	vst v7  }
0x238: {  	v58 =	vmul.f32 v59, v55;
	v59 =	vbroadcast v20, $0x7;
	v57 =	vadd.f32 v54, v13;
	[tilespmem:s1+$0x0] =	vst v5  }
0x239: {  	v60 =	vmul.f32 v19, v53;
	v8 =	vmul.f32 v61, v55;
	v6 =	vadd.f32 v6, v15;
	[tilespmem:s1+$0x10] =	vst v4  }
0x23a: {  	p0 =	sne.s32 s0, $0xE0;
	v3 =	vadd.f32 v56, v3;
	v1 =	vadd.f32 v58, v1;
	v61 =	vmul.f32 v40, v59;
	[tilespmem:s1+$0x20] =	vst v57  }
.Ltmp2:
0x23b: {  	v2 =	vadd.f32 v60, v2;
	v0 =	vadd.f32 v8, v0;
	v62 =	vmul.f32 v42, v59;
	[tilespmem:s1+$0x30] =	vst v6;
	(pc) =	sbr.rel @p0 .LBB2_7-.Ltmp2, $4  }
0x23c: {  	v3 =	vadd.f32 v61, v3;
	[tilespmem:s1+$0x40] =	vst v1  }
0x23d: {  	v63 =	vadd.f32 v62, v2;
	[tilespmem:s1+$0x50] =	vst v0  }
0x23e: {  	[tilespmem:s1+$0x60] =	vst v3  }
0x23f: {  	s0 =	sadd.s32 $0x20, s0;
	[tilespmem:s1+$0x70] =	vst v63;
	s1 =	sadd.s32 $0x100, s1  }
0x240: {  	_ =	swait.ge [sflag:s8], $0x2000  }
0x241: {  	[sflag:s8] =	ssyncset.done $0x0  }
0x242: {  	[sflag:s8] =	ssyncadd.s32 $0xFFFFE000  }
0x243: {  	_ =	swait.ge [sflag:s8], $0x2000  }
0x244: {  	[sflag:s8] =	ssyncset.done $0x0  }
0x245: {  	[sflag:s8] =	ssyncadd.s32 $0xFFFFE000  }
0x246: {  	_ =	swait.ge [sflag:s8], $0x2000  }
0x247: {  	v12 =	vld [tilespmem:$0x1FDF0]  }
0x248: {  	v16 =	vld [tilespmem:$0x1FE00]  }
0x249: {  	v19 =	vld [tilespmem:$0x1FE10]  }
0x24a: {  	v30 =	vld [tilespmem:$0x1FE20]  }
0x24b: {  	v24 =	vld [tilespmem:$0x1FE30]  }
0x24c: {  	v20 =	vld [tilespmem:$0x1FE40]  }
0x24d: {  	v21 =	vld [tilespmem:$0x1FE50]  }
0x24e: {  	v22 =	vld [tilespmem:$0x1FE60]  }
0x24f: {  	v23 =	vld [tilespmem:$0x1FE70]  }
0x250: {  	v57 =	vld [tilespmem:$0x1FE80]  }
0x251: {  	v25 =	vld [tilespmem:$0x1FE90]  }
0x252: {  	v26 =	vld [tilespmem:$0x1FEA0]  }
0x253: {  	v27 =	vld [tilespmem:$0x1FEB0]  }
0x254: {  	v28 =	vld [tilespmem:$0x1FEC0]  }
0x255: {  	v62 =	vld [tilespmem:$0x1FED0]  }
0x256: {  	v53 =	vld [tilespmem:$0x1FEE0]  }
0x257: {  	v49 =	vld [tilespmem:$0x1FF00]  }
0x258: {  	v52 =	vld [tilespmem:$0x1FF20]  }
0x259: {  	v54 =	vld [tilespmem:$0x1FF40]  }
0x25a: {  	s0 =	simm.s32 $0x0;
	s1 =	simm.s32 $0x10680;
	v63 =	vld [tilespmem:$0x1FFB0]  }
0x25b: {  	s2 =	simm.s32 $0x106C0;
	s3 =	simm.s32 $0x10700;
	[sflag:s8] =	ssyncset.done $0x0;
	v51 =	vld [tilespmem:$0x1FFC0]  }
0x25c: {  	s4 =	simm.s32 $0x10740;
	s5 =	simm.s32 $0x10780;
	v32 =	vlaneseq.u32;
	v33 =	vld [tilespmem:$0x1FFF0];
	[sflag:s8] =	ssyncadd.s32 $0xFFFFE000  }
.LBB2_9:
0x25d: {  	v0 =	vld [tilespmem:s1+$0x0]  }
0x25e: {  	v1 =	vld [tilespmem:s3+$0x0]  }
0x25f: {  	v2 =	vld [tilespmem:s4+$0x0]  }
0x260: {  	v3 =	vld [tilespmem:s5+$0x0]  }
0x261: {  	v4 =	vld [tilespmem:s2+$0x0]  }
0x262: {  	v34 =	vor.u32 s0, v32  }
0x263: {  	v7 =	vadd.s32 $0x1, v32;
	v40 =	vshll.u32 v34, $0x5  }
0x264: {  	v5 =	vand.u32 $0x7, v32;
	v9 =	vor.u32 v32, v40;
	v8 =	vor.u32 v7, v40  }
0x265: {  	v37 =	vshll.u32 v1, $0x5;
	v36 =	vshll.u32 v2, $0x5;
	v35 =	vshll.u32 v3, $0x5  }
0x266: {  	v39 =	vshll.u32 v0, $0x5;
	v38 =	vshll.u32 v4, $0x5;
	v1 =	vshll.u32 v34, $0x7  }
0x267: {  	v10 =	vor.u32 v32, v39;
	v11 =	vor.u32 v32, v38;
	v44 =	vor.u32 v32, v37  }
0x268: {  	v43 =	vor.u32 v5, v1;
	v45 =	vor.u32 v32, v36;
	v6 =	vor.u32 v32, v35  }
0x269: {  	v41 =	vor.u32 v12, v1;
	v4 =	vand.u32 $0x68, v44;
	v0 =	vld.idx.msk [tilespmem:v9+s20+$0x0], $0xffff;
	v9 =	vor.u32 v7, v39  }
0x26a: {  	v55 =	vmovc v12;
	v12 =	vor.u32 v7, v36;
	v5 =	vand.u32 $0x68, v45;
	v4 =	vor.u32 v4, v43  }
0x26b: {  	v6 =	vand.u32 $0x68, v6;
	v12 =	vand.u32 $0x78, v12;
	v8 =	vld.idx.msk [tilespmem:v8+s20+$0x0], $0xffff;
	v5 =	vor.u32 v5, v43  }
0x26c: {  	v6 =	vor.u32 v6, v43;
	v46 =	vor.u32 v12, v41;
	v12 =	vadd.s32 $0x2, v32;
	v2 =	vld.idx.msk [tilespmem:v10+s19+$0x0], $0xffff  }
0x26d: {  	v13 =	vor.u32 v12, v39;
	v3 =	vld.idx.msk [tilespmem:v11+s19+$0x0], $0xffff  }
0x26e: {  	v14 =	vor.u32 v12, v38;
	v9 =	vld.idx.msk [tilespmem:v9+s19+$0x0], $0xffff  }
0x26f: {  	v42 =	vor.u32 v16, v1;
	v15 =	vor.u32 v12, v37;
	v10 =	vor.u32 v7, v38;
	v4 =	vld.idx.msk [tilespmem:v4+s29+$0x0], $0xffff  }
0x270: {  	v58 =	vmovc v16;
	v48 =	vor.u32 v12, v40;
	v16 =	vor.u32 v12, v36;
	v15 =	vand.u32 $0x78, v15;
	v5 =	vld.idx.msk [tilespmem:v5+s31+$0x0], $0xffff  }
0x271: {  	v12 =	vor.u32 v12, v35;
	v16 =	vand.u32 $0x78, v16;
	v15 =	vor.u32 v15, v42;
	v6 =	vld.idx.msk [tilespmem:v6+s14+$0x0], $0xffff  }
0x272: {  	v12 =	vand.u32 $0x78, v12;
	v11 =	vor.u32 v7, v37;
	v16 =	vor.u32 v16, v42;
	v56 =	vld.idx.msk [tilespmem:v13+s19+$0x0], $0xffff  }
0x273: {  	v7 =	vor.u32 v7, v35;
	v50 =	vor.u32 v12, v42;
	v11 =	vand.u32 $0x78, v11;
	v59 =	vld.idx.msk [tilespmem:v14+s19+$0x0], $0xffff  }
0x274: {  	v7 =	vand.u32 $0x78, v7;
	v11 =	vor.u32 v11, v41;
	v47 =	vld.idx.msk [tilespmem:v10+s19+$0x0], $0xffff  }
0x275: {  	v7 =	vor.u32 v7, v41;
	v2 =	vmul.f32 v2, v0;
	v0 =	vmul.f32 v3, v0;
	v3 =	vld.idx.msk [tilespmem:v46+s31+$0x0], $0xffff  }
0x276: {  	v60 =	vmovc v19;
	v44 =	vor.u32 v19, v1;
	v45 =	vor.u32 v30, v1;
	v12 =	vadd.s32 $0x3, v32;
	v14 =	vld.idx.msk [tilespmem:v15+s29+$0x0], $0xffff  }
0x277: {  	v17 =	vor.u32 v12, v38;
	v18 =	vor.u32 v12, v37;
	v19 =	vor.u32 v12, v36;
	v16 =	vld.idx.msk [tilespmem:v16+s31+$0x0], $0xffff  }
0x278: {  	v13 =	vor.u32 v12, v40;
	v15 =	vor.u32 v12, v39;
	v10 =	vld.idx.msk [tilespmem:v50+s14+$0x0], $0xffff;
	v12 =	vor.u32 v12, v35  }
0x279: {  	v18 =	vand.u32 $0x78, v18;
	v19 =	vand.u32 $0x78, v19;
	v12 =	vand.u32 $0x78, v12;
	v11 =	vld.idx.msk [tilespmem:v11+s29+$0x0], $0xffff  }
0x27a: {  	v9 =	vmul.f32 v9, v8;
	v5 =	vmul.f32 v5, v4;
	v7 =	vld.idx.msk [tilespmem:v7+s14+$0x0], $0xffff;
	v12 =	vor.u32 v12, v44  }
0x27b: {  	v2 =	vadd.f32 $0.0e+00, v2;
	v4 =	vmul.f32 v6, v4;
	v6 =	vmul.f32 v47, v8;
	v8 =	vld.idx.msk [tilespmem:v48+s20+$0x0], $0xffff  }
0x27c: {  	v18 =	vor.u32 v18, v44;
	v0 =	vadd.f32 $0.0e+00, v0;
	v5 =	vadd.f32 $0.0e+00, v5  }
0x27d: {  	v46 =	vor.u32 v20, v1;
	v4 =	vadd.f32 $0.0e+00, v4;
	v2 =	vadd.f32 v9, v2  }
0x27e: {  	v48 =	vor.u32 v19, v44;
	v50 =	vld.idx.msk [tilespmem:v15+s19+$0x0], $0xffff;
	v61 =	vmul.f32 v16, v14;
	v10 =	vmul.f32 v10, v14  }
0x27f: {  	v0 =	vadd.f32 v6, v0;
	v3 =	vmul.f32 v3, v11;
	v7 =	vmul.f32 v7, v11;
	v12 =	vld.idx.msk [tilespmem:v12+s14+$0x0], $0xffff  }
0x280: {  	v9 =	vmul.f32 v56, v8;
	v6 =	vmul.f32 v59, v8;
	v8 =	vld.idx.msk [tilespmem:v13+s20+$0x0], $0xffff;
	v59 =	vadd.s32 $0x4, v32  }
0x281: {  	v3 =	vadd.f32 v3, v5;
	v4 =	vadd.f32 v7, v4;
	v56 =	vld.idx.msk [tilespmem:v17+s19+$0x0], $0xffff;
	v14 =	vor.u32 v59, v40  }
0x282: {  	v13 =	vld.idx.msk [tilespmem:v18+s29+$0x0], $0xffff;
	v15 =	vor.u32 v59, v39;
	v16 =	vor.u32 v59, v38;
	v17 =	vor.u32 v59, v37  }
0x283: {  	v11 =	vld.idx.msk [tilespmem:v48+s31+$0x0], $0xffff;
	v18 =	vor.u32 v59, v36;
	v3 =	vadd.f32 v61, v3;
	v7 =	vor.u32 v59, v35  }
0x284: {  	v4 =	vadd.f32 v10, v4;
	v61 =	vadd.s32 $0x6, v32;
	v2 =	vadd.f32 v9, v2  }
0x285: {  	v0 =	vadd.f32 v6, v0;
	v17 =	vand.u32 $0x78, v17;
	v18 =	vand.u32 $0x78, v18  }
0x286: {  	v7 =	vand.u32 $0x78, v7;
	v17 =	vor.u32 v17, v45;
	v47 =	vor.u32 v18, v45  }
0x287: {  	v7 =	vor.u32 v7, v45;
	v5 =	vmul.f32 v50, v8;
	v6 =	vmul.f32 v56, v8  }
0x288: {  	v56 =	vadd.s32 $0x5, v32;
	v11 =	vmul.f32 v11, v13;
	v12 =	vmul.f32 v12, v13;
	v48 =	vld.idx.msk [tilespmem:v14+s20+$0x0], $0xffff  }
0x289: {  	v13 =	vld.idx.msk [tilespmem:v16+s19+$0x0], $0xffff;
	v14 =	vor.u32 v56, v40;
	v16 =	vor.u32 v56, v39;
	v18 =	vor.u32 v56, v37  }
0x28a: {  	v50 =	vld.idx.msk [tilespmem:v15+s19+$0x0], $0xffff;
	v19 =	vor.u32 v56, v36;
	v10 =	vor.u32 v56, v35;
	v2 =	vadd.f32 v5, v2  }
0x28b: {  	v18 =	vand.u32 $0x78, v18;
	v19 =	vand.u32 $0x78, v19;
	v15 =	vld.idx.msk [tilespmem:v17+s29+$0x0], $0xffff;
	v17 =	vor.u32 v56, v38  }
0x28c: {  	v10 =	vand.u32 $0x78, v10;
	v0 =	vadd.f32 v6, v0;
	v9 =	vld.idx.msk [tilespmem:v47+s31+$0x0], $0xffff;
	v18 =	vor.u32 v18, v46  }
0x28d: {  	v3 =	vadd.f32 v11, v3;
	v4 =	vadd.f32 v12, v4;
	v7 =	vld.idx.msk [tilespmem:v7+s14+$0x0], $0xffff;
	v19 =	vor.u32 v19, v46  }
0x28e: {  	v11 =	vor.u32 v61, v35;
	v10 =	vor.u32 v10, v46;
	v47 =	vor.u32 v21, v1;
	v6 =	vld.idx.msk [tilespmem:v14+s20+$0x0], $0xffff  }
0x28f: {  	v8 =	vmul.f32 v50, v48;
	v59 =	vld.idx.msk [tilespmem:v16+s19+$0x0], $0xffff;
	v5 =	vmul.f32 v13, v48;
	v13 =	vor.u32 v61, v40  }
0x290: {  	v11 =	vand.u32 $0x78, v11;
	v16 =	vor.u32 v61, v39;
	v50 =	vmovc v20;
	v20 =	vor.u32 v61, v36;
	v12 =	vld.idx.msk [tilespmem:v17+s19+$0x0], $0xffff  }
0x291: {  	v11 =	vor.u32 v11, v47;
	v20 =	vand.u32 $0x78, v20;
	v2 =	vadd.f32 v8, v2;
	v14 =	vld.idx.msk [tilespmem:v18+s29+$0x0], $0xffff  }
0x292: {  	v9 =	vmul.f32 v9, v15;
	v17 =	vor.u32 v61, v38;
	v18 =	vor.u32 v61, v37;
	v19 =	vld.idx.msk [tilespmem:v19+s31+$0x0], $0xffff  }
0x293: {  	v10 =	vld.idx.msk [tilespmem:v10+s14+$0x0], $0xffff;
	v56 =	vor.u32 v20, v47;
	v7 =	vmul.f32 v7, v15;
	v18 =	vand.u32 $0x78, v18  }
0x294: {  	v0 =	vadd.f32 v5, v0;
	v18 =	vor.u32 v18, v47;
	v3 =	vadd.f32 v9, v3;
	v9 =	vld.idx.msk [tilespmem:v13+s20+$0x0], $0xffff  }
0x295: {  	v4 =	vadd.f32 v7, v4;
	v13 =	vadd.s32 $0x7, v32;
	v8 =	vmul.f32 v59, v6;
	v15 =	vld.idx.msk [tilespmem:v16+s19+$0x0], $0xffff  }
0x296: {  	v16 =	vor.u32 v13, v40;
	v61 =	vor.u32 v13, v38;
	v48 =	vor.u32 v13, v37  }
0x297: {  	v6 =	vmul.f32 v12, v6;
	v12 =	vmul.f32 v19, v14;
	v17 =	vld.idx.msk [tilespmem:v17+s19+$0x0], $0xffff;
	v19 =	vor.u32 v13, v39  }
0x298: {  	v2 =	vadd.f32 v8, v2;
	v59 =	vmul.f32 v10, v14;
	v5 =	vld.idx.msk [tilespmem:v56+s31+$0x0], $0xffff;
	v56 =	vor.u32 v13, v36  }
0x299: {  	v10 =	vand.u32 $0x78, v48;
	v48 =	vor.u32 v22, v1;
	v1 =	vand.u32 $0x78, v56;
	v8 =	vld.idx.msk [tilespmem:v18+s29+$0x0], $0xffff  }
0x29a: {  	v0 =	vadd.f32 v6, v0;
	v3 =	vadd.f32 v12, v3;
	v6 =	vld.idx.msk [tilespmem:v11+s14+$0x0], $0xffff;
	v12 =	vmul.f32 v15, v9  }
0x29b: {  	v13 =	vor.u32 v13, v35;
	v10 =	vor.u32 v10, v48;
	v1 =	vor.u32 v1, v48;
	v11 =	vld.idx.msk [tilespmem:v16+s20+$0x0], $0xffff  }
0x29c: {  	v14 =	vld.idx.msk [tilespmem:v19+s19+$0x0], $0xffff;
	v9 =	vmul.f32 v17, v9;
	v2 =	vadd.f32 v12, v2;
	v12 =	vand.u32 $0x78, v13  }
0x29d: {  	v4 =	vadd.f32 v59, v4;
	v59 =	vor.u32 v12, v48  }
0x29e: {  	v7 =	vld.idx.msk [tilespmem:v61+s19+$0x0], $0xffff;
	v12 =	vadd.s32 $0x8, v32;
	v5 =	vmul.f32 v5, v8;
	v0 =	vadd.f32 v9, v0  }
0x29f: {  	v61 =	vor.u32 v12, v40;
	v13 =	vor.u32 v12, v39;
	v16 =	vor.u32 v12, v36  }
0x2a0: {  	v10 =	vld.idx.msk [tilespmem:v10+s29+$0x0], $0xffff;
	v15 =	vor.u32 v12, v38;
	v16 =	vand.u32 $0x78, v16;
	v3 =	vadd.f32 v5, v3  }
0x2a1: {  	v1 =	vld.idx.msk [tilespmem:v1+s31+$0x0], $0xffff;
	v5 =	vmul.f32 v6, v8;
	v56 =	vmul.f32 v14, v11;
	v14 =	vor.u32 v12, v37  }
0x2a2: {  	v12 =	vor.u32 v12, v35;
	v14 =	vand.u32 $0x78, v14;
	v9 =	vld.idx.msk [tilespmem:v59+s14+$0x0], $0xffff;
	v59 =	vor.u32 v16, v43  }
0x2a3: {  	v7 =	vmul.f32 v7, v11;
	v12 =	vand.u32 $0x78, v12;
	v14 =	vor.u32 v14, v43  }
0x2a4: {  	v4 =	vadd.f32 v5, v4;
	v5 =	vld.idx.msk [tilespmem:v61+s20+$0x0], $0xffff;
	v61 =	vor.u32 v12, v43;
	v12 =	vadd.s32 $0x9, v32  }
0x2a5: {  	v0 =	vadd.f32 v7, v0;
	v2 =	vadd.f32 v56, v2;
	v7 =	vld.idx.msk [tilespmem:v13+s19+$0x0], $0xffff;
	v56 =	vor.u32 v12, v40  }
0x2a6: {  	v1 =	vmul.f32 v1, v10;
	v13 =	vld.idx.msk [tilespmem:v15+s19+$0x0], $0xffff;
	v15 =	vor.u32 v12, v39;
	v16 =	vor.u32 v12, v37  }
0x2a7: {  	v17 =	vor.u32 v12, v38;
	v18 =	vor.u32 v12, v36;
	v16 =	vand.u32 $0x78, v16;
	v11 =	vld.idx.msk [tilespmem:v59+s31+$0x0], $0xffff  }
0x2a8: {  	v12 =	vor.u32 v12, v35;
	v18 =	vand.u32 $0x78, v18;
	v16 =	vor.u32 v16, v41;
	v14 =	vld.idx.msk [tilespmem:v14+s29+$0x0], $0xffff  }
0x2a9: {  	v12 =	vand.u32 $0x78, v12;
	v59 =	vor.u32 v18, v41;
	v6 =	vld.idx.msk [tilespmem:v61+s14+$0x0], $0xffff  }
0x2aa: {  	v1 =	vadd.f32 v1, v3;
	v61 =	vor.u32 v12, v41;
	v12 =	vadd.s32 $0xA, v32;
	v3 =	vld.idx.msk [tilespmem:v56+s20+$0x0], $0xffff  }
0x2ab: {  	v9 =	vmul.f32 v9, v10;
	v7 =	vmul.f32 v7, v5;
	v56 =	vld.idx.msk [tilespmem:v15+s19+$0x0], $0xffff;
	v15 =	vor.u32 v12, v40  }
0x2ac: {  	v5 =	vmul.f32 v13, v5;
	v13 =	vld.idx.msk [tilespmem:v17+s19+$0x0], $0xffff;
	v17 =	vor.u32 v12, v39;
	v18 =	vor.u32 v12, v37  }
0x2ad: {  	v19 =	vor.u32 v12, v38;
	v20 =	vor.u32 v12, v36;
	v12 =	vor.u32 v12, v35;
	v16 =	vld.idx.msk [tilespmem:v16+s29+$0x0], $0xffff  }
0x2ae: {  	v4 =	vadd.f32 v9, v4;
	v12 =	vand.u32 $0x78, v12;
	v10 =	vld.idx.msk [tilespmem:v59+s31+$0x0], $0xffff  }
0x2af: {  	v18 =	vand.u32 $0x78, v18;
	v20 =	vand.u32 $0x78, v20;
	v12 =	vor.u32 v12, v42;
	v59 =	vld.idx.msk [tilespmem:v61+s14+$0x0], $0xffff  }
0x2b0: {  	v0 =	vadd.f32 v5, v0;
	v18 =	vor.u32 v18, v42;
	v61 =	vor.u32 v20, v42;
	v5 =	vld.idx.msk [tilespmem:v15+s20+$0x0], $0xffff  }
0x2b1: {  	v11 =	vmul.f32 v11, v14;
	v6 =	vmul.f32 v6, v14;
	v15 =	vadd.s32 $0xB, v32;
	v14 =	vld.idx.msk [tilespmem:v17+s19+$0x0], $0xffff  }
0x2b2: {  	v9 =	vmul.f32 v56, v3;
	v3 =	vmul.f32 v13, v3;
	v13 =	vld.idx.msk [tilespmem:v19+s19+$0x0], $0xffff;
	v17 =	vor.u32 v15, v40  }
0x2b3: {  	v2 =	vadd.f32 v7, v2;
	v19 =	vor.u32 v15, v39  }
0x2b4: {  	v1 =	vadd.f32 v11, v1;
	v4 =	vadd.f32 v6, v4;
	v6 =	vld.idx.msk [tilespmem:v12+s14+$0x0], $0xffff;
	v56 =	vmul.f32 v10, v16  }
0x2b5: {  	v2 =	vadd.f32 v9, v2;
	v0 =	vadd.f32 v3, v0;
	v10 =	vld.idx.msk [tilespmem:v18+s29+$0x0], $0xffff;
	v59 =	vmul.f32 v59, v16  }
0x2b6: {  	v7 =	vld.idx.msk [tilespmem:v61+s31+$0x0], $0xffff;
	v61 =	vor.u32 v15, v38;
	v1 =	vadd.f32 v56, v1;
	v56 =	vor.u32 v15, v37  }
0x2b7: {  	v12 =	vmul.f32 v14, v5;
	v5 =	vmul.f32 v13, v5;
	v3 =	vadd.f32 v59, v4;
	v4 =	vld.idx.msk [tilespmem:v17+s20+$0x0], $0xffff  }
0x2b8: {  	v13 =	vor.u32 v15, v35;
	v9 =	vand.u32 $0x78, v56;
	v59 =	vor.u32 v15, v36;
	v14 =	vld.idx.msk [tilespmem:v19+s19+$0x0], $0xffff  }
0x2b9: {  	v9 =	vor.u32 v9, v44;
	v11 =	vand.u32 $0x78, v59;
	v2 =	vadd.f32 v12, v2  }
0x2ba: {  	v12 =	vand.u32 $0x78, v13;
	v0 =	vadd.f32 v5, v0;
	v11 =	vor.u32 v11, v44  }
0x2bb: {  	v6 =	vmul.f32 v6, v10;
	v5 =	vld.idx.msk [tilespmem:v61+s19+$0x0], $0xffff;
	v61 =	vor.u32 v12, v44;
	v12 =	vadd.s32 $0xC, v32  }
0x2bc: {  	v7 =	vmul.f32 v7, v10;
	v56 =	vor.u32 v12, v40;
	v13 =	vor.u32 v12, v39  }
0x2bd: {  	v15 =	vor.u32 v12, v38;
	v59 =	vmul.f32 v14, v4;
	v14 =	vor.u32 v12, v37  }
0x2be: {  	v16 =	vor.u32 v12, v36;
	v3 =	vadd.f32 v6, v3;
	v9 =	vld.idx.msk [tilespmem:v9+s29+$0x0], $0xffff;
	v14 =	vand.u32 $0x78, v14  }
0x2bf: {  	v16 =	vand.u32 $0x78, v16;
	v12 =	vor.u32 v12, v35;
	v11 =	vld.idx.msk [tilespmem:v11+s31+$0x0], $0xffff;
	v14 =	vor.u32 v14, v45  }
0x2c0: {  	v12 =	vand.u32 $0x78, v12;
	v4 =	vmul.f32 v5, v4;
	v5 =	vld.idx.msk [tilespmem:v61+s14+$0x0], $0xffff;
	v61 =	vor.u32 v16, v45  }
0x2c1: {  	v1 =	vadd.f32 v7, v1;
	v6 =	vld.idx.msk [tilespmem:v56+s20+$0x0], $0xffff;
	v56 =	vor.u32 v12, v45;
	v12 =	vadd.s32 $0xD, v32  }
0x2c2: {  	v2 =	vadd.f32 v59, v2;
	v0 =	vadd.f32 v4, v0;
	v4 =	vld.idx.msk [tilespmem:v13+s19+$0x0], $0xffff;
	v59 =	vor.u32 v12, v40  }
0x2c3: {  	v13 =	vld.idx.msk [tilespmem:v15+s19+$0x0], $0xffff;
	v15 =	vor.u32 v12, v39;
	v16 =	vor.u32 v12, v37;
	v17 =	vor.u32 v12, v38  }
0x2c4: {  	v18 =	vor.u32 v12, v36;
	v12 =	vor.u32 v12, v35;
	v16 =	vand.u32 $0x78, v16;
	v14 =	vld.idx.msk [tilespmem:v14+s29+$0x0], $0xffff  }
0x2c5: {  	v18 =	vand.u32 $0x78, v18;
	v12 =	vand.u32 $0x78, v12;
	v16 =	vor.u32 v16, v46;
	v8 =	vld.idx.msk [tilespmem:v61+s31+$0x0], $0xffff  }
0x2c6: {  	v11 =	vmul.f32 v11, v9;
	v5 =	vmul.f32 v5, v9;
	v61 =	vor.u32 v18, v46;
	v7 =	vld.idx.msk [tilespmem:v56+s14+$0x0], $0xffff  }
0x2c7: {  	v56 =	vor.u32 v12, v46;
	v12 =	vadd.s32 $0xE, v32;
	v10 =	vld.idx.msk [tilespmem:v59+s20+$0x0], $0xffff  }
0x2c8: {  	v1 =	vadd.f32 v11, v1;
	v3 =	vadd.f32 v5, v3;
	v59 =	vld.idx.msk [tilespmem:v15+s19+$0x0], $0xffff;
	v15 =	vor.u32 v12, v40  }
0x2c9: {  	v4 =	vmul.f32 v4, v6;
	v6 =	vmul.f32 v13, v6;
	v13 =	vld.idx.msk [tilespmem:v17+s19+$0x0], $0xffff;
	v17 =	vor.u32 v12, v39  }
0x2ca: {  	v18 =	vor.u32 v12, v37;
	v19 =	vor.u32 v12, v38;
	v20 =	vor.u32 v12, v36;
	v16 =	vld.idx.msk [tilespmem:v16+s29+$0x0], $0xffff  }
0x2cb: {  	v12 =	vor.u32 v12, v35;
	v18 =	vand.u32 $0x78, v18;
	v20 =	vand.u32 $0x78, v20;
	v9 =	vld.idx.msk [tilespmem:v61+s31+$0x0], $0xffff  }
0x2cc: {  	v12 =	vand.u32 $0x78, v12;
	v18 =	vor.u32 v18, v47;
	v2 =	vadd.f32 v4, v2;
	v4 =	vld.idx.msk [tilespmem:v56+s14+$0x0], $0xffff  }
0x2cd: {  	v0 =	vadd.f32 v6, v0;
	v12 =	vor.u32 v12, v47;
	v61 =	vor.u32 v20, v47;
	v6 =	vld.idx.msk [tilespmem:v15+s20+$0x0], $0xffff  }
0x2ce: {  	v8 =	vmul.f32 v8, v14;
	v7 =	vmul.f32 v7, v14;
	v15 =	vadd.s32 $0xF, v32;
	v14 =	vld.idx.msk [tilespmem:v17+s19+$0x0], $0xffff  }
0x2cf: {  	v5 =	vmul.f32 v59, v10;
	v10 =	vmul.f32 v13, v10;
	v17 =	vor.u32 v15, v40  }
0x2d0: {  	v13 =	vld.idx.msk [tilespmem:v19+s19+$0x0], $0xffff;
	v1 =	vadd.f32 v8, v1;
	v19 =	vor.u32 v15, v39;
	v3 =	vadd.f32 v7, v3  }
0x2d1: {  	v8 =	vld.idx.msk [tilespmem:v18+s29+$0x0], $0xffff;
	v2 =	vadd.f32 v5, v2;
	v56 =	vmul.f32 v9, v16;
	v9 =	vor.u32 v15, v38  }
0x2d2: {  	v0 =	vadd.f32 v10, v0;
	v59 =	vld.idx.msk [tilespmem:v61+s31+$0x0], $0xffff;
	v61 =	vor.u32 v15, v37;
	v4 =	vmul.f32 v4, v16  }
0x2d3: {  	v7 =	vld.idx.msk [tilespmem:v12+s14+$0x0], $0xffff;
	v10 =	vand.u32 $0x78, v61;
	v1 =	vadd.f32 v56, v1;
	v56 =	vmul.f32 v14, v6  }
0x2d4: {  	v14 =	vor.u32 v15, v36;
	v10 =	vor.u32 v10, v48;
	v15 =	vor.u32 v15, v35;
	v12 =	vld.idx.msk [tilespmem:v17+s20+$0x0], $0xffff  }
0x2d5: {  	v6 =	vmul.f32 v13, v6;
	v16 =	vld.idx.msk [tilespmem:v19+s19+$0x0], $0xffff;
	v14 =	vand.u32 $0x78, v14;
	v3 =	vadd.f32 v4, v3  }
0x2d6: {  	v13 =	vor.u32 v14, v48;
	v14 =	vand.u32 $0x78, v15;
	v11 =	vadd.f32 v56, v2;
	v5 =	vld.idx.msk [tilespmem:v9+s19+$0x0], $0xffff  }
0x2d7: {  	v2 =	vor.u32 $0x10, v32;
	v59 =	vmul.f32 v59, v8;
	v9 =	vor.u32 v14, v48  }
0x2d8: {  	v0 =	vadd.f32 v6, v0;
	v61 =	vor.u32 v2, v40;
	v14 =	vor.u32 v2, v37  }
0x2d9: {  	v15 =	vor.u32 v2, v38;
	v14 =	vand.u32 $0x78, v14;
	v4 =	vadd.f32 v59, v1  }
0x2da: {  	v1 =	vmul.f32 v7, v8;
	v8 =	vld.idx.msk [tilespmem:v10+s29+$0x0], $0xffff;
	v59 =	vor.u32 v2, v39;
	v56 =	vmul.f32 v16, v12  }
0x2db: {  	v16 =	vor.u32 v2, v36;
	v13 =	vld.idx.msk [tilespmem:v13+s31+$0x0], $0xffff;
	v5 =	vmul.f32 v5, v12;
	v12 =	vor.u32 v14, v43  }
0x2dc: {  	v9 =	vld.idx.msk [tilespmem:v9+s14+$0x0], $0xffff;
	v14 =	vand.u32 $0x78, v16;
	v16 =	vor.u32 v2, v35;
	v2 =	vsel vm0, v25, v57  }
0x2dd: {  	v3 =	vadd.f32 v1, v3;
	v6 =	vld.idx.msk [tilespmem:v61+s20+$0x0], $0xffff;
	v61 =	vand.u32 $0x78, v16;
	v16 =	vcombine.low v23, v2  }
0x2de: {  	v7 =	vadd.f32 v56, v11;
	v14 =	vor.u32 v14, v43;
	v0 =	vadd.f32 v5, v0  }
0x2df: {  	v5 =	vld.idx.msk [tilespmem:v59+s19+$0x0], $0xffff;
	v10 =	vor.u32 v61, v43;
	v59 =	vor.u32 v16, v37;
	v17 =	vor.u32 v16, v38  }
0x2e0: {  	v61 =	vor.u32 v16, v36;
	v56 =	vmul.f32 v13, v8;
	v13 =	vld.idx.msk [tilespmem:v15+s19+$0x0], $0xffff;
	v15 =	vor.u32 v16, v40  }
0x2e1: {  	v1 =	vand.u32 $0x78, v59;
	v19 =	vand.u32 $0x78, v61;
	v8 =	vmul.f32 v9, v8  }
0x2e2: {  	v9 =	vld.idx.msk [tilespmem:v12+s29+$0x0], $0xffff;
	v12 =	vor.u32 v16, v39;
	v18 =	vor.u32 v1, v41;
	v16 =	vor.u32 v16, v35  }
0x2e3: {  	v1 =	vsel vm0, v53, v62;
	v19 =	vor.u32 v19, v41;
	v14 =	vld.idx.msk [tilespmem:v14+s31+$0x0], $0xffff;
	v16 =	vand.u32 $0x78, v16  }
0x2e4: {  	v20 =	vcombine.low v28, v1;
	v10 =	vld.idx.msk [tilespmem:v10+s14+$0x0], $0xffff;
	v8 =	vadd.f32 v8, v3;
	v3 =	vor.u32 v16, v41  }
0x2e5: {  	v11 =	vld.idx.msk [tilespmem:v15+s20+$0x0], $0xffff  }
0x2e6: {  	v5 =	vmul.f32 v5, v6;
	v6 =	vmul.f32 v13, v6;
	v13 =	vor.u32 v20, v40;
	v15 =	vld.idx.msk [tilespmem:v17+s19+$0x0], $0xffff  }
0x2e7: {  	v18 =	vld.idx.msk [tilespmem:v18+s29+$0x0], $0xffff  }
0x2e8: {  	v4 =	vadd.f32 v56, v4;
	v19 =	vld.idx.msk [tilespmem:v19+s31+$0x0], $0xffff  }
0x2e9: {  	v61 =	vmovc v23;
	v16 =	vor.u32 v20, v39;
	v56 =	vmov v21;
	v21 =	vor.u32 v20, v38;
	v23 =	vld.idx.msk [tilespmem:v3+s14+$0x0], $0xffff  }
0x2ea: {  	v59 =	vmovc v22;
	v22 =	vor.u32 v20, v36;
	v17 =	vor.u32 v20, v37;
	v20 =	vor.u32 v20, v35;
	v3 =	vld [tilespmem:$0x1FF30]  }
0x2eb: {  	v5 =	vadd.f32 v5, v7;
	v20 =	vand.u32 $0x78, v20;
	v7 =	vld.idx.msk [tilespmem:v13+s20+$0x0], $0xffff  }
0x2ec: {  	v13 =	vor.u32 v20, v42;
	v20 =	vld [tilespmem:$0x1FEF0]  }
0x2ed: {  	v12 =	vld.idx.msk [tilespmem:v12+s19+$0x0], $0xffff;
	v17 =	vand.u32 $0x78, v17  }
0x2ee: {  	v22 =	vand.u32 $0x78, v22;
	v14 =	vmul.f32 v14, v9;
	v17 =	vor.u32 v17, v42  }
0x2ef: {  	v22 =	vor.u32 v22, v42;
	v0 =	vadd.f32 v6, v0;
	v6 =	vmul.f32 v10, v9  }
0x2f0: {  	v4 =	vadd.f32 v14, v4;
	v9 =	vld.idx.msk [tilespmem:v16+s19+$0x0], $0xffff;
	v3 =	vsel vm0, v3, v52  }
0x2f1: {  	v6 =	vadd.f32 v6, v8;
	v8 =	vmul.f32 v19, v18;
	v20 =	vcombine.low v20, v3  }
0x2f2: {  	v10 =	vmul.f32 v12, v11;
	v11 =	vmul.f32 v15, v11;
	v12 =	vld.idx.msk [tilespmem:v21+s19+$0x0], $0xffff  }
0x2f3: {  	v15 =	vld.idx.msk [tilespmem:v17+s29+$0x0], $0xffff;
	v4 =	vadd.f32 v8, v4;
	v8 =	vmul.f32 v23, v18;
	v14 =	vor.u32 v20, v40  }
0x2f4: {  	v5 =	vadd.f32 v10, v5;
	v0 =	vadd.f32 v11, v0;
	v10 =	vld.idx.msk [tilespmem:v22+s31+$0x0], $0xffff;
	v16 =	vor.u32 v20, v39  }
0x2f5: {  	v11 =	vld.idx.msk [tilespmem:v13+s14+$0x0], $0xffff;
	v9 =	vmul.f32 v9, v7;
	v6 =	vadd.f32 v8, v6;
	v13 =	vor.u32 v20, v37  }
0x2f6: {  	v17 =	vor.u32 v20, v38;
	v18 =	vor.u32 v20, v36;
	v13 =	vand.u32 $0x78, v13  }
0x2f7: {  	v19 =	vor.u32 v20, v35;
	v20 =	vld [tilespmem:$0x1FF50];
	v18 =	vand.u32 $0x78, v18;
	v13 =	vor.u32 v13, v44  }
0x2f8: {  	v7 =	vmul.f32 v12, v7;
	v19 =	vand.u32 $0x78, v19;
	v18 =	vor.u32 v18, v44;
	v14 =	vld.idx.msk [tilespmem:v14+s20+$0x0], $0xffff  }
0x2f9: {  	v5 =	vadd.f32 v9, v5;
	v10 =	vmul.f32 v10, v15;
	v12 =	vor.u32 v19, v44;
	v16 =	vld.idx.msk [tilespmem:v16+s19+$0x0], $0xffff  }
0x2fa: {  	v23 =	vld [tilespmem:$0x1FF60];
	v9 =	vor.u32 v54, v40;
	v0 =	vadd.f32 v7, v0;
	v8 =	vmul.f32 v11, v15  }
0x2fb: {  	v4 =	vadd.f32 v10, v4;
	v10 =	vor.u32 v54, v37;
	v15 =	vor.u32 v54, v39;
	v7 =	vld.idx.msk [tilespmem:v17+s19+$0x0], $0xffff  }
0x2fc: {  	v19 =	vsel vm0, v57, v24;
	v10 =	vand.u32 $0x78, v10;
	v6 =	vadd.f32 v8, v6;
	v8 =	vld.idx.msk [tilespmem:v13+s29+$0x0], $0xffff  }
0x2fd: {  	v10 =	vor.u32 v10, v45;
	v17 =	vor.u32 v54, v36;
	v19 =	vcombine.low v19, v20;
	v13 =	vld.idx.msk [tilespmem:v18+s31+$0x0], $0xffff  }
0x2fe: {  	v17 =	vand.u32 $0x78, v17;
	v12 =	vld.idx.msk [tilespmem:v12+s14+$0x0], $0xffff;
	v11 =	vmul.f32 v16, v14;
	v16 =	vor.u32 v54, v38  }
0x2ff: {  	v22 =	vsel vm0, v62, v26;
	v9 =	vld.idx.msk [tilespmem:v9+s20+$0x0], $0xffff;
	v18 =	vor.u32 v54, v35;
	v17 =	vor.u32 v17, v45  }
0x300: {  	v20 =	vor.u32 v19, v38;
	v21 =	vor.u32 v19, v36;
	v7 =	vmul.f32 v7, v14;
	v14 =	vld.idx.msk [tilespmem:v15+s19+$0x0], $0xffff  }
0x301: {  	v18 =	vand.u32 $0x78, v18;
	v15 =	vor.u32 v19, v40;
	v5 =	vadd.f32 v11, v5  }
0x302: {  	v10 =	vld.idx.msk [tilespmem:v10+s29+$0x0], $0xffff;
	v11 =	vor.u32 v18, v45;
	v13 =	vmul.f32 v13, v8;
	v18 =	vor.u32 v19, v37  }
0x303: {  	v8 =	vmul.f32 v12, v8;
	v18 =	vand.u32 $0x78, v18;
	v12 =	vld.idx.msk [tilespmem:v16+s19+$0x0], $0xffff;
	v16 =	vor.u32 v19, v39  }
0x304: {  	v22 =	vcombine.low v22, v23;
	v21 =	vand.u32 $0x78, v21;
	v17 =	vld.idx.msk [tilespmem:v17+s31+$0x0], $0xffff;
	v18 =	vor.u32 v18, v46  }
0x305: {  	v31 =	vld [tilespmem:$0x1FF70];
	v21 =	vor.u32 v21, v46;
	v0 =	vadd.f32 v7, v0;
	v7 =	vmul.f32 v14, v9  }
0x306: {  	v4 =	vadd.f32 v13, v4;
	v19 =	vor.u32 v19, v35;
	v14 =	vld.idx.msk [tilespmem:v15+s20+$0x0], $0xffff  }
0x307: {  	v13 =	vor.u32 v22, v40;
	v19 =	vand.u32 $0x78, v19;
	v5 =	vadd.f32 v7, v5;
	v7 =	vld.idx.msk [tilespmem:v20+s19+$0x0], $0xffff  }
0x308: {  	v6 =	vadd.f32 v8, v6;
	v15 =	vor.u32 v19, v46;
	v19 =	vor.u32 v22, v37;
	v8 =	vld.idx.msk [tilespmem:v16+s19+$0x0], $0xffff  }
0x309: {  	v16 =	vor.u32 v22, v39;
	v9 =	vmul.f32 v12, v9;
	v12 =	vmul.f32 v17, v10;
	v17 =	vld.idx.msk [tilespmem:v18+s29+$0x0], $0xffff  }
0x30a: {  	v20 =	vor.u32 v22, v38;
	v18 =	vand.u32 $0x78, v19;
	v19 =	vld.idx.msk [tilespmem:v21+s31+$0x0], $0xffff  }
0x30b: {  	v23 =	vsel vm0, v52, v27;
	v11 =	vld.idx.msk [tilespmem:v11+s14+$0x0], $0xffff  }
0x30c: {  	v23 =	vcombine.low v23, v31;
	v13 =	vld.idx.msk [tilespmem:v13+s20+$0x0], $0xffff;
	v21 =	vor.u32 v22, v36  }
0x30d: {  	v22 =	vor.u32 v22, v35;
	v18 =	vor.u32 v18, v47;
	v21 =	vand.u32 $0x78, v21;
	v15 =	vld.idx.msk [tilespmem:v15+s14+$0x0], $0xffff  }
0x30e: {  	v21 =	vor.u32 v21, v47;
	v0 =	vadd.f32 v9, v0;
	v7 =	vmul.f32 v7, v14;
	v9 =	vld.idx.msk [tilespmem:v16+s19+$0x0], $0xffff  }
0x30f: {  	v8 =	vmul.f32 v8, v14;
	v14 =	vmul.f32 v19, v17;
	v16 =	vld.idx.msk [tilespmem:v20+s19+$0x0], $0xffff;
	v19 =	vor.u32 v23, v39  }
0x310: {  	v22 =	vand.u32 $0x78, v22  }
0x311: {  	v4 =	vadd.f32 v12, v4;
	v12 =	vor.u32 v22, v47;
	v10 =	vmul.f32 v11, v10;
	v22 =	vld [tilespmem:$0x1FFA0]  }
0x312: {  	v5 =	vadd.f32 v8, v5;
	v8 =	vld.idx.msk [tilespmem:v18+s29+$0x0], $0xffff  }
0x313: {  	v6 =	vadd.f32 v10, v6;
	v0 =	vadd.f32 v7, v0;
	v7 =	vld.idx.msk [tilespmem:v21+s31+$0x0], $0xffff;
	v10 =	vmul.f32 v15, v17  }
0x314: {  	v11 =	vor.u32 v23, v40;
	v9 =	vmul.f32 v9, v13;
	v13 =	vmul.f32 v16, v13;
	v16 =	vld.idx.msk [tilespmem:v19+s19+$0x0], $0xffff  }
0x315: {  	v18 =	vor.u32 v23, v35;
	v19 =	vld [tilespmem:$0x1FF10]  }
0x316: {  	v1 =	vcombine.low v1, v22;
	v6 =	vadd.f32 v10, v6;
	v10 =	vand.u32 $0x78, v18;
	v18 =	vld [tilespmem:$0x1FF80]  }
0x317: {  	v4 =	vadd.f32 v14, v4;
	v14 =	vor.u32 v23, v37;
	v15 =	vor.u32 v23, v38;
	v21 =	vld [tilespmem:$0x1FF90]  }
0x318: {  	v12 =	vld.idx.msk [tilespmem:v12+s14+$0x0], $0xffff;
	v17 =	vor.u32 v23, v36;
	v14 =	vand.u32 $0x78, v14;
	v22 =	vor.u32 v1, v36  }
0x319: {  	v11 =	vld.idx.msk [tilespmem:v11+s20+$0x0], $0xffff;
	v17 =	vand.u32 $0x78, v17;
	v14 =	vor.u32 v14, v48;
	v22 =	vand.u32 $0x78, v22  }
0x31a: {  	v17 =	vor.u32 v17, v48;
	v22 =	vor.u32 v22, v42;
	v19 =	vsel vm0, v49, v19  }
0x31b: {  	v5 =	vadd.f32 v9, v5;
	v7 =	vmul.f32 v7, v8;
	v18 =	vcombine.low v19, v18  }
0x31c: {  	v23 =	vld [tilespmem:$0x1FFD0];
	v0 =	vadd.f32 v13, v0;
	v9 =	vor.u32 v10, v48;
	v2 =	vcombine.low v2, v21  }
0x31d: {  	v8 =	vmul.f32 v12, v8;
	v10 =	vld.idx.msk [tilespmem:v15+s19+$0x0], $0xffff;
	v4 =	vadd.f32 v7, v4;
	v12 =	vor.u32 v18, v40  }
0x31e: {  	v14 =	vld.idx.msk [tilespmem:v14+s29+$0x0], $0xffff;
	v21 =	vor.u32 v2, v36;
	v13 =	vmul.f32 v16, v11;
	v15 =	vor.u32 v18, v39  }
0x31f: {  	v17 =	vld.idx.msk [tilespmem:v17+s31+$0x0], $0xffff;
	v21 =	vand.u32 $0x78, v21;
	v16 =	vor.u32 v18, v37;
	v19 =	vor.u32 v18, v38  }
0x320: {  	v21 =	vor.u32 v21, v41;
	v22 =	vld.idx.msk [tilespmem:v22+s31+$0x0], $0xffff;
	v20 =	vor.u32 v18, v36;
	v16 =	vand.u32 $0x78, v16  }
0x321: {  	v9 =	vld.idx.msk [tilespmem:v9+s14+$0x0], $0xffff;
	v18 =	vor.u32 v18, v35;
	v20 =	vand.u32 $0x78, v20;
	v16 =	vor.u32 v16, v43  }
0x322: {  	v6 =	vadd.f32 v8, v6;
	v18 =	vand.u32 $0x78, v18;
	v20 =	vor.u32 v20, v43;
	v7 =	vld.idx.msk [tilespmem:v12+s20+$0x0], $0xffff  }
0x323: {  	v5 =	vadd.f32 v13, v5;
	v8 =	vor.u32 v18, v43;
	v43 =	vld.idx.msk [tilespmem:v15+s19+$0x0], $0xffff;
	v12 =	vor.u32 v2, v40  }
0x324: {  	v10 =	vmul.f32 v10, v11;
	v13 =	vmul.f32 v17, v14;
	v17 =	vor.u32 v2, v39;
	v15 =	vld.idx.msk [tilespmem:v19+s19+$0x0], $0xffff  }
0x325: {  	v21 =	vld.idx.msk [tilespmem:v21+s31+$0x0], $0xffff;
	v19 =	vor.u32 v2, v38  }
0x326: {  	v3 =	vcombine.low v3, v23;
	v0 =	vadd.f32 v10, v0;
	v18 =	vor.u32 v2, v37;
	v16 =	vld.idx.msk [tilespmem:v16+s29+$0x0], $0xffff  }
0x327: {  	v18 =	vand.u32 $0x78, v18;
	v4 =	vadd.f32 v13, v4;
	v13 =	vor.u32 v1, v40;
	v20 =	vld.idx.msk [tilespmem:v20+s31+$0x0], $0xffff  }
0x328: {  	v18 =	vor.u32 v18, v41;
	v9 =	vmul.f32 v9, v14;
	v2 =	vor.u32 v2, v35;
	v10 =	vld.idx.msk [tilespmem:v12+s20+$0x0], $0xffff  }
0x329: {  	v11 =	vmul.f32 v43, v7;
	v12 =	vld.idx.msk [tilespmem:v17+s19+$0x0], $0xffff;
	v7 =	vmul.f32 v15, v7;
	v15 =	vor.u32 v1, v39  }
0x32a: {  	v2 =	vand.u32 $0x78, v2;
	v14 =	vld.idx.msk [tilespmem:v19+s19+$0x0], $0xffff;
	v17 =	vor.u32 v1, v37;
	v19 =	vor.u32 v1, v38  }
0x32b: {  	v6 =	vadd.f32 v9, v6;
	v8 =	vld.idx.msk [tilespmem:v8+s14+$0x0], $0xffff;
	v2 =	vor.u32 v2, v41;
	v41 =	vmovc v24;
	v17 =	vand.u32 $0x78, v17  }
0x32c: {  	v24 =	vor.u32 v3, v36;
	v9 =	vld.idx.msk [tilespmem:v13+s20+$0x0], $0xffff;
	v13 =	vor.u32 v3, v37;
	v17 =	vor.u32 v17, v42  }
0x32d: {  	v24 =	vand.u32 $0x78, v24;
	v18 =	vld.idx.msk [tilespmem:v18+s29+$0x0], $0xffff;
	v13 =	vand.u32 $0x78, v13  }
0x32e: {  	v24 =	vor.u32 v24, v44;
	v0 =	vadd.f32 v7, v0;
	v7 =	vld.idx.msk [tilespmem:v15+s19+$0x0], $0xffff;
	v15 =	vmul.f32 v20, v16  }
0x32f: {  	v23 =	vor.u32 v3, v38;
	v1 =	vor.u32 v1, v35;
	v13 =	vor.u32 v13, v44;
	v19 =	vld.idx.msk [tilespmem:v19+s19+$0x0], $0xffff  }
0x330: {  	v1 =	vand.u32 $0x78, v1;
	v5 =	vadd.f32 v11, v5;
	v4 =	vadd.f32 v15, v4;
	v15 =	vld [tilespmem:$0x1FFE0]  }
0x331: {  	v1 =	vor.u32 v1, v42;
	v11 =	vor.u32 v3, v40;
	v20 =	vor.u32 v3, v39;
	v17 =	vld.idx.msk [tilespmem:v17+s29+$0x0], $0xffff  }
0x332: {  	v2 =	vld.idx.msk [tilespmem:v2+s14+$0x0], $0xffff;
	v42 =	vmovc v25;
	v25 =	vand.u32 $0xF, v30;
	v8 =	vmul.f32 v8, v16;
	v3 =	vor.u32 v3, v35  }
0x333: {  	v43 =	vmovc v26;
	v25 =	vsel vm1, v25, v49;
	v24 =	vld.idx.msk [tilespmem:v24+s31+$0x0], $0xffff;
	v12 =	vmul.f32 v12, v10;
	v3 =	vand.u32 $0x78, v3  }
0x334: {  	v6 =	vadd.f32 v8, v6;
	v10 =	vmul.f32 v14, v10;
	v14 =	vld.idx.msk [tilespmem:v23+s19+$0x0], $0xffff;
	v3 =	vor.u32 v3, v44  }
0x335: {  	v13 =	vld.idx.msk [tilespmem:v13+s29+$0x0], $0xffff;
	v5 =	vadd.f32 v12, v5;
	v7 =	vmul.f32 v7, v9;
	v15 =	vsel vm2, v15, v25  }
0x336: {  	v16 =	vld.idx.msk [tilespmem:v20+s19+$0x0], $0xffff;
	v9 =	vmul.f32 v19, v9;
	v19 =	vmul.f32 v22, v17;
	v20 =	vor.u32 v15, v40  }
0x337: {  	v1 =	vld.idx.msk [tilespmem:v1+s14+$0x0], $0xffff;
	v22 =	vor.u32 v51, v40;
	v23 =	vor.u32 v15, v39;
	v25 =	vor.u32 v15, v37  }
0x338: {  	v44 =	vmovc v27;
	v26 =	vor.u32 v15, v38;
	v27 =	vor.u32 v15, v36;
	v15 =	vor.u32 v15, v35  }
0x339: {  	v11 =	vld.idx.msk [tilespmem:v11+s20+$0x0], $0xffff;
	v25 =	vand.u32 $0x78, v25;
	v27 =	vand.u32 $0x78, v27;
	v15 =	vand.u32 $0x78, v15  }
0x33a: {  	v3 =	vld.idx.msk [tilespmem:v3+s14+$0x0], $0xffff;
	v25 =	vor.u32 v25, v45;
	v12 =	vor.u32 v15, v45;
	v15 =	vmul.f32 v21, v18  }
0x33b: {  	v0 =	vadd.f32 v10, v0;
	v2 =	vmul.f32 v2, v18;
	v8 =	vor.u32 v27, v45;
	v10 =	vld.idx.msk [tilespmem:v20+s20+$0x0], $0xffff  }
0x33c: {  	v45 =	vmov v28;
	v28 =	vor.u32 v63, v36;
	v4 =	vadd.f32 v15, v4;
	v18 =	vld.idx.msk [tilespmem:v23+s19+$0x0], $0xffff  }
0x33d: {  	v2 =	vadd.f32 v2, v6;
	v27 =	vor.u32 v63, v38;
	v28 =	vand.u32 $0x78, v28;
	v21 =	vld.idx.msk [tilespmem:v26+s19+$0x0], $0xffff  }
0x33e: {  	v1 =	vmul.f32 v1, v17;
	v15 =	vor.u32 v28, v46;
	v4 =	vadd.f32 v19, v4;
	v19 =	vld.idx.msk [tilespmem:v22+s20+$0x0], $0xffff  }
0x33f: {  	v5 =	vadd.f32 v7, v5;
	v16 =	vmul.f32 v16, v11;
	v20 =	vor.u32 v63, v40;
	v25 =	vld.idx.msk [tilespmem:v25+s29+$0x0], $0xffff  }
0x340: {  	v29 =	vor.u32 v63, v35;
	v1 =	vadd.f32 v1, v2;
	v23 =	vor.u32 v63, v39;
	v8 =	vld.idx.msk [tilespmem:v8+s31+$0x0], $0xffff  }
0x341: {  	v28 =	vand.u32 $0x78, v29;
	v2 =	vadd.f32 v16, v5;
	v16 =	vor.u32 v33, v40;
	v12 =	vld.idx.msk [tilespmem:v12+s14+$0x0], $0xffff  }
0x342: {  	v29 =	vor.u32 v51, v36;
	v7 =	vor.u32 v28, v46;
	v17 =	vld.idx.msk [tilespmem:v27+s19+$0x0], $0xffff  }
0x343: {  	v28 =	vor.u32 v51, v38;
	v29 =	vand.u32 $0x78, v29;
	v15 =	vld.idx.msk [tilespmem:v15+s31+$0x0], $0xffff  }
0x344: {  	v31 =	vor.u32 v33, v35;
	v24 =	vmul.f32 v24, v13;
	v29 =	vor.u32 v29, v47;
	v6 =	vld.idx.msk [tilespmem:v20+s20+$0x0], $0xffff  }
0x345: {  	v3 =	vmul.f32 v3, v13;
	v26 =	vor.u32 v63, v37;
	v20 =	vld.idx.msk [tilespmem:v23+s19+$0x0], $0xffff;
	v23 =	vor.u32 v51, v39  }
0x346: {  	v26 =	vand.u32 $0x78, v26;
	v22 =	vor.u32 v33, v39;
	v27 =	vor.u32 v51, v37;
	v13 =	vld.idx.msk [tilespmem:v16+s20+$0x0], $0xffff  }
0x347: {  	v26 =	vor.u32 v26, v46;
	v46 =	vmovc v30;
	v30 =	vor.u32 v51, v35;
	v27 =	vand.u32 $0x78, v27;
	v7 =	vld.idx.msk [tilespmem:v7+s14+$0x0], $0xffff  }
0x348: {  	v11 =	vmul.f32 v14, v11;
	v30 =	vand.u32 $0x78, v30;
	v27 =	vor.u32 v27, v47;
	v14 =	vld.idx.msk [tilespmem:v28+s19+$0x0], $0xffff  }
0x349: {  	v0 =	vadd.f32 v9, v0;
	v9 =	vor.u32 v30, v47;
	v30 =	vor.u32 v33, v36;
	v29 =	vld.idx.msk [tilespmem:v29+s31+$0x0], $0xffff  }
0x34a: {  	v28 =	vor.u32 v33, v38;
	v30 =	vand.u32 $0x78, v30;
	v47 =	vld.idx.msk [tilespmem:v23+s19+$0x0], $0xffff;
	v23 =	vor.u32 v33, v37  }
0x34b: {  	v16 =	vmul.f32 v18, v10;
	v30 =	vor.u32 v30, v48;
	v18 =	vld.idx.msk [tilespmem:v22+s19+$0x0], $0xffff;
	v23 =	vand.u32 $0x78, v23  }
0x34c: {  	v31 =	vand.u32 $0x78, v31;
	v0 =	vadd.f32 v11, v0;
	v26 =	vld.idx.msk [tilespmem:v26+s29+$0x0], $0xffff;
	v23 =	vor.u32 v23, v48  }
0x34d: {  	v1 =	vadd.f32 v3, v1;
	v36 =	vor.u32 v31, v48;
	v10 =	vmul.f32 v21, v10;
	v27 =	vld.idx.msk [tilespmem:v27+s29+$0x0], $0xffff  }
0x34e: {  	v4 =	vadd.f32 v24, v4;
	v24 =	vmov v41;
	v38 =	vmul.f32 v12, v25;
	v9 =	vld.idx.msk [tilespmem:v9+s14+$0x0], $0xffff  }
0x34f: {  	v2 =	vadd.f32 v16, v2;
	v0 =	vadd.f32 v10, v0;
	v37 =	vmul.f32 v8, v25;
	v12 =	vld.idx.msk [tilespmem:v28+s19+$0x0], $0xffff  }
0x350: {  	v1 =	vadd.f32 v38, v1;
	v39 =	vmul.f32 v20, v6;
	v40 =	vmul.f32 v17, v6;
	v41 =	vld.idx.msk [tilespmem:v30+s31+$0x0], $0xffff  }
0x351: {  	v30 =	vmov v46;
	v46 =	vmul.f32 v14, v19;
	v3 =	vadd.f32 v37, v4;
	v16 =	vld.idx.msk [tilespmem:v23+s29+$0x0], $0xffff  }
0x352: {  	v25 =	vmovc v42;
	v42 =	vmul.f32 v15, v26;
	v7 =	vmul.f32 v7, v26;
	v26 =	vmov v43;
	v43 =	vld.idx.msk [tilespmem:v36+s14+$0x0], $0xffff  }
0x353: {  	v20 =	vmovc v50;
	v50 =	vmul.f32 v18, v13;
	v2 =	vadd.f32 v39, v2;
	v0 =	vadd.f32 v40, v0  }
0x354: {  	v28 =	vmovc v45;
	v3 =	vadd.f32 v42, v3;
	v45 =	vmul.f32 v47, v19;
	v47 =	vmul.f32 v29, v27  }
0x355: {  	v1 =	vadd.f32 v7, v1;
	v0 =	vadd.f32 v46, v0;
	v48 =	vmul.f32 v9, v27  }
0x356: {  	v21 =	vmovc v56;
	v2 =	vadd.f32 v45, v2;
	v3 =	vadd.f32 v47, v3;
	v6 =	vmul.f32 v41, v16  }
0x357: {  	v22 =	vmovc v59;
	v56 =	vmul.f32 v12, v13;
	v1 =	vadd.f32 v48, v1;
	v59 =	vmul.f32 v43, v16  }
0x358: {  	v2 =	vadd.f32 v50, v2;
	v3 =	vadd.f32 v6, v3  }
0x359: {  	v19 =	vmovc v60;
	v60 =	vshll.u32 v34, $0x3;
	v0 =	vadd.f32 v56, v0;
	v1 =	vadd.f32 v59, v1  }
0x35a: {  	p0 =	sne.s32 s0, $0x30;
	v23 =	vmovc v61;
	v61 =	vor.u32 $0x1, v60;
	v2 =	vmul.f32 $5.000000000e-01, v2;
	v3 =	vmul.f32 $5.000000000e-01, v3  }
.Ltmp3:
0x35b: {  	v0 =	vmul.f32 $5.000000000e-01, v0;
	v1 =	vmul.f32 $5.000000000e-01, v1;
	(pc) =	sbr.rel @p0 .LBB2_9-.Ltmp3, $4  }
0x35c: {  	v2 =	vadd.f32 v3, v2  }
0x35d: {  	v0 =	vadd.f32 v1, v0  }
0x35e: {  	s1 =	sadd.s32 $0x10, s1;
	s2 =	sadd.s32 $0x10, s2;
	s3 =	sadd.s32 $0x10, s3;
	[tilespmem:v60+s12+$0x0] =	vst.idx.msk $0xffff, v2  }
0x35f: {  	s4 =	sadd.s32 $0x10, s4;
	s5 =	sadd.s32 $0x10, s5;
	s0 =	sadd.s32 $0x10, s0;
	v27 =	vmov v44;
	v12 =	vmov v55;
	v16 =	vmov v58;
	[tilespmem:v61+s12+$0x0] =	vst.idx.msk $0xffff, v0  }
0x360: {  	s17 =	sadd.s32 $0x1, s17  }
0x361: {  	p0 =	sne.s32 s17, $0x8  }
.Ltmp4:
0x362: {  	s0 =	sadd.s32 s15, s13;
	(pc) =	sbr.rel @p0 .LBB2_2-.Ltmp4, $4  }
0x363: {  	[hbm4b:s0+s9] =	stream.linear.scatter [tilespmem:s12], [sflag:$0x2], $0x200, $0x38;
	[tilespmem:$0x17280] =	vst v63  }
0x364: {  	_ =	swait.ge [sflag:s18], $0x200  }
0x365: {  	[sflag:s18] =	ssyncset.done $0x0  }
0x366: {  	[sflag:s18] =	ssyncadd.s32 $0xFFFFFE00  }
0x367: {  	s1 =	rddreg [dreg:$0xd]  }
0x368: {  	s0 =	rddreg [dreg:$0xc];
	s1 =	sadd.s32 $0x1, s1  }
0x369: {  	p0 =	sne.s32 s1, s0  }
.Ltmp5:
0x36a: {  	_ = 	snop;
	(pc) =	sbr.rel @p0 .LBB2_1-.Ltmp5, $1  }
0x36b: {  	_ =	sdelay $0x3  }
0x36c: {  	_ =	sfence.sel $0x180000  }
0x36d: {  	[bflag:$0x0] =	sbarrier.arrive $0xFFFF  }
0x36e: {  	_ =	strace $0x90000047  }
0x36f: {  	s0 =	stileid.u32;
	[bflag:$0x2] =	sbarrier.arrive $0xFFFF  }
0x370: {  	p0 =	sne.s32 s0, $0x0;
	s0 =	rddreg [dreg:$0x9]  }
0x371: {  	s0 =	sadd.s32 @!p0 $0x100000, s0  }
0x372: {  	[sflag:s0] =	ssyncadd.tile.s32 @!p0 $0x1;
	_ =	shalt  }
.Lfunc_end2:
_tile_overlayer_lowered:
.L_overlay_start_2:
0x373: {  	(tag) =	ssettag $0x2  }
0x374: {  	s0 =	rddreg [dreg:$0x0];
	s2 =	stileid.u32  }
0x375: {  	s1 =	rddreg [dreg:$0x1];
	p0 =	sne.s32 s2, $0x0  }
0x376: {  	s3 =	rddreg [dreg:$0x2];
	[bflag:$0x3] =	sbarrier.arrive $0xFFFF;
	s2 =	simm.s32 @!p0 $0x1C02  }
0x377: {  	[timem:s3], [sflag:s2] =	dma.local @!p0 [hbm:s0], s1  }
0x378: {  	s0 =	simm.s32 @!p0 $0x2  }
0x379: {  	_ =	swait.ge @!p0 [sflag:s0], s1  }
0x37a: {  	s1 =	ssub.s32 @!p0 $0x0, s1;
	[sflag:s0] =	ssyncset.done @!p0 $0x0  }
0x37b: {  	[sflag:s0] =	ssyncadd.s32 @!p0 s1  }
0x37c: {  	[bflag:$0x3] =	sbarrier.arrive $0xFFFF  }
0x37d: {  	_ =	shalt  }

</sc_bundles>
